<compile_context>
chip_gen: v7x
topology: tpu7x:2x2x1
jax: 0.10.2.dev20260603
libtpu: 0.0.44.dev20260713+nightly
codegen_flags: <defaults>
</compile_context>

<pallas_src>
import functools

import jax
import jax.numpy as jnp
from jax import lax
from jax.experimental import pallas as pl
from jax.experimental.pallas import tpu as pltpu
from jax.experimental.pallas import tpu_sc as plsc

N = 10000
E = 160000
D = 256
DH = 128
NG = 128
BLK = 128
EBLK_TOTAL = 1280
E_PAD = EBLK_TOTAL * BLK
N_PAD = 10112
ROWS_PER_SUB = N_PAD // 16
DEG_BLOCKS = EBLK_TOTAL // 32
AGG_BLOCKS = EBLK_TOTAL // 16
CHUNK = 8
EW = E_PAD // 32
BUK_SHIFT = 3
NBUK_PAD = 1264

@functools.cache
def _sc_kernels():
    mesh = plsc.VectorSubcoreMesh(core_axis_name="c", subcore_axis_name="s",
                                  num_cores=2)

    @functools.partial(
        pl.kernel,
        mesh=mesh,
        out_type=jax.ShapeDtypeStruct((2, N_PAD, DH), jnp.float32),
        scratch_types=[
            pltpu.VMEM((DEG_BLOCKS, BLK), jnp.int32),
            pltpu.VMEM((BLK, DH), jnp.float32),
            pltpu.VMEM_SHARED((N_PAD, DH), jnp.float32),
        ],
    )
    def _deg_kernel(edges_hbm, ones_hbm, zeros_hbm, out_hbm, dst_idx, ones_v, deg_sh):
        c = lax.axis_index("c")
        s = lax.axis_index("s")
        wid = s * 2 + c
        pltpu.sync_copy(ones_hbm, ones_v)
        pltpu.sync_copy(zeros_hbm.at[pl.ds(s * ROWS_PER_SUB, ROWS_PER_SUB)],
                        deg_sh.at[pl.ds(s * ROWS_PER_SUB, ROWS_PER_SUB)])
        pltpu.sync_copy(edges_hbm.at[1, pl.ds(wid * DEG_BLOCKS, DEG_BLOCKS)], dst_idx)
        plsc.subcore_barrier()

        def body(j, carry):
            pltpu.sync_copy(ones_v, deg_sh.at[dst_idx.at[j]], add=True)
            return carry

        lax.fori_loop(0, DEG_BLOCKS, body, 0)
        plsc.subcore_barrier()
        pltpu.sync_copy(deg_sh.at[pl.ds(s * ROWS_PER_SUB, ROWS_PER_SUB)],
                        out_hbm.at[c, pl.ds(s * ROWS_PER_SUB, ROWS_PER_SUB)])

    @functools.partial(
        pl.kernel,
        mesh=mesh,
        compiler_params=pltpu.CompilerParams(needs_layout_passes=False),
        out_type=jax.ShapeDtypeStruct((2, E_PAD), jnp.int32),
        scratch_types=[
            pltpu.VMEM((EW,), jnp.int32),
            pltpu.VMEM((EW,), jnp.int32),
            pltpu.VMEM((EW,), jnp.int32),
            pltpu.VMEM((EW,), jnp.int32),
            pltpu.VMEM((16 * NBUK_PAD,), jnp.int32),
            pltpu.VMEM((NBUK_PAD,), jnp.int32),
        ],
    )
    def _sort_kernel(edges_hbm, out_hbm, src_in, dst_in, src_out, dst_out,
                     hist, tot):
        c = lax.axis_index("c")
        s = lax.axis_index("s")
        base = (s * 2 + c) * EW
        pltpu.sync_copy(edges_hbm.at[0, pl.ds(base, EW)], src_in)
        pltpu.sync_copy(edges_hbm.at[1, pl.ds(base, EW)], dst_in)
        zero16 = jnp.zeros((16,), jnp.int32)
        lane = lax.broadcasted_iota(jnp.int32, (16,), 0)

        def zbody(j, carry):
            hist[pl.ds(j * 16, 16)] = zero16
            return carry

        lax.fori_loop(0, NBUK_PAD, zbody, 0)

        def abody(i, carry):
            sv = src_in[pl.ds(i * 16, 16)]
            addr = lane * NBUK_PAD + lax.shift_right_logical(sv, BUK_SHIFT)
            h = plsc.load_gather(hist, [addr])
            plsc.store_scatter(hist, [addr], h + 1)
            return carry

        lax.fori_loop(0, EW // 16, abody, 0)

        def pbody(j, carry):
            run = zero16
            for l in range(16):
                off = l * NBUK_PAD + j * 16
                h = hist[pl.ds(off, 16)]
                hist[pl.ds(off, 16)] = run
                run = run + h
            tot[pl.ds(j * 16, 16)] = run
            return carry

        lax.fori_loop(0, NBUK_PAD // 16, pbody, 0)

        def cbody(j, carry):
            t = tot[pl.ds(j * 16, 16)]
            inc = plsc.cumsum(t)
            tot[pl.ds(j * 16, 16)] = inc - t + carry
            return carry + jnp.sum(t)

        lax.fori_loop(0, NBUK_PAD // 16, cbody, jnp.int32(0))

        def fbody(j, carry):
            bv = tot[pl.ds(j * 16, 16)]
            for l in range(16):
                off = l * NBUK_PAD + j * 16
                hist[pl.ds(off, 16)] = hist[pl.ds(off, 16)] + bv
            return carry

        lax.fori_loop(0, NBUK_PAD // 16, fbody, 0)

        def bbody(i, carry):
            sv = src_in[pl.ds(i * 16, 16)]
            dv = dst_in[pl.ds(i * 16, 16)]
            addr = lane * NBUK_PAD + lax.shift_right_logical(sv, BUK_SHIFT)
            p = plsc.load_gather(hist, [addr])
            plsc.store_scatter(src_out, [p], sv)
            plsc.store_scatter(dst_out, [p], dv)
            plsc.store_scatter(hist, [addr], p + 1)
            return carry

        lax.fori_loop(0, EW // 16, bbody, 0)
        pltpu.sync_copy(src_out, out_hbm.at[0, pl.ds(base, EW)])
        pltpu.sync_copy(dst_out, out_hbm.at[1, pl.ds(base, EW)])

    @functools.partial(
        pl.kernel,
        mesh=mesh,
        out_type=jax.ShapeDtypeStruct((2, N_PAD, DH), jnp.float32),
        scratch_types=[
            pltpu.VMEM((2, CHUNK, BLK), jnp.int32),
            pltpu.VMEM((BLK, DH), jnp.float32),
            pltpu.VMEM((BLK, DH), jnp.float32),
            pltpu.SemaphoreType.DMA,
            pltpu.SemaphoreType.DMA,
            pltpu.SemaphoreType.DMA,
            pltpu.VMEM_SHARED((N_PAD, DH), jnp.float32),
        ],
    )
    def _agg_kernel(edges_hbm, hlo_hbm, hhi_hbm, zeros_hbm, out_hbm,
                    idx, r0, r1, si, sg0, sg1, agg_sh):
        c = lax.axis_index("c")
        s = lax.axis_index("s")
        blk0 = s * AGG_BLOCKS
        nchunks = AGG_BLOCKS // CHUNK

        pltpu.async_copy(edges_hbm.at[:, pl.ds(blk0, CHUNK)], idx, si)
        pltpu.sync_copy(zeros_hbm.at[pl.ds(s * ROWS_PER_SUB, ROWS_PER_SUB)],
                        agg_sh.at[pl.ds(s * ROWS_PER_SUB, ROWS_PER_SUB)])
        plsc.subcore_barrier()

        rows = (r0, r1)
        sems = (sg0, sg1)

        def run(table_hbm):
            def start(b):
                pltpu.async_copy(table_hbm.at[idx.at[0, b]], rows[b % 2],
                                 sems[b % 2])

            def wait(b):
                pltpu.make_async_copy(table_hbm.at[idx.at[0, 0]], rows[b % 2],
                                      sems[b % 2]).wait()

            def body(g, carry):
                pltpu.make_async_copy(edges_hbm.at[:, pl.ds(blk0, CHUNK)],
                                      idx, si).wait()
                start(0)
                start(1)
                for b in range(CHUNK):
                    wait(b)
                    pltpu.sync_copy(rows[b % 2], agg_sh.at[idx.at[1, b]],
                                    add=True)
                    if b + 2 < CHUNK:
                        start(b + 2)
                nxt = jnp.minimum(g + 1, nchunks - 1)
                pltpu.async_copy(
                    edges_hbm.at[:, pl.ds(blk0 + nxt * CHUNK, CHUNK)], idx, si)
                return carry

            lax.fori_loop(0, nchunks, body, 0)
            pltpu.make_async_copy(edges_hbm.at[:, pl.ds(blk0, CHUNK)],
                                  idx, si).wait()

        @pl.when(c == 0)
        def _():
            run(hlo_hbm)

        @pl.when(c == 1)
        def _():
            run(hhi_hbm)

        plsc.subcore_barrier()
        pltpu.sync_copy(agg_sh.at[pl.ds(s * ROWS_PER_SUB, ROWS_PER_SUB)],
                        out_hbm.at[c, pl.ds(s * ROWS_PER_SUB, ROWS_PER_SUB)])

    return _deg_kernel, _agg_kernel, _sort_kernel


_RB = 2000


def _tc_first_body(deg16_ref, x_ref, w_ref, dinv_ref, hlo_ref, hhi_ref):
    deg = deg16_ref[0, :, 0:1] + deg16_ref[1, :, 0:1] + 1.0
    dinv = lax.rsqrt(deg)
    dinv_ref[...] = dinv
    ht = dinv * jnp.dot(x_ref[...], w_ref[...], preferred_element_type=jnp.float32)
    hlo_ref[...] = ht[:, :DH]
    hhi_ref[...] = ht[:, DH:]


def _tc_first(deg16, x, w):
    return pl.pallas_call(
        _tc_first_body,
        grid=(N // _RB,),
        in_specs=[
            pl.BlockSpec((2, _RB, DH), lambda i: (0, i, 0)),
            pl.BlockSpec((_RB, D), lambda i: (i, 0)),
            pl.BlockSpec((D, D), lambda i: (0, 0)),
        ],
        out_specs=[
            pl.BlockSpec((_RB, 1), lambda i: (i, 0)),
            pl.BlockSpec((_RB, DH), lambda i: (i, 0)),
            pl.BlockSpec((_RB, DH), lambda i: (i, 0)),
        ],
        out_shape=[
            jax.ShapeDtypeStruct((N, 1), jnp.float32),
            jax.ShapeDtypeStruct((N, DH), jnp.float32),
            jax.ShapeDtypeStruct((N, DH), jnp.float32),
        ],
    )(deg16, x, w)


def _tc_mid_body(agg_ref, hlo_ref, hhi_ref, dinv_ref, b_ref, w_ref,
                 hlo2_ref, hhi2_ref):
    dinv = dinv_ref[...]
    h = jnp.concatenate([agg_ref[0] + hlo_ref[...], agg_ref[1] + hhi_ref[...]],
                        axis=1)
    h = jnp.maximum(dinv * h + b_ref[...], 0.0)
    ht = dinv * jnp.dot(h, w_ref[...], preferred_element_type=jnp.float32)
    hlo2_ref[...] = ht[:, :DH]
    hhi2_ref[...] = ht[:, DH:]


def _tc_mid(agg, hlo, hhi, dinv, b, w):
    return pl.pallas_call(
        _tc_mid_body,
        grid=(N // _RB,),
        in_specs=[
            pl.BlockSpec((2, _RB, DH), lambda i: (0, i, 0)),
            pl.BlockSpec((_RB, DH), lambda i: (i, 0)),
            pl.BlockSpec((_RB, DH), lambda i: (i, 0)),
            pl.BlockSpec((_RB, 1), lambda i: (i, 0)),
            pl.BlockSpec((1, D), lambda i: (0, 0)),
            pl.BlockSpec((D, D), lambda i: (0, 0)),
        ],
        out_specs=[
            pl.BlockSpec((_RB, DH), lambda i: (i, 0)),
            pl.BlockSpec((_RB, DH), lambda i: (i, 0)),
        ],
        out_shape=[
            jax.ShapeDtypeStruct((N, DH), jnp.float32),
            jax.ShapeDtypeStruct((N, DH), jnp.float32),
        ],
    )(agg, hlo, hhi, dinv, b, w)


def _tc_final_body(agg_ref, hlo_ref, hhi_ref, dinv_ref, b_ref, batch_ref,
                   wh_ref, bh_ref, out_ref, ys_acc, cnt_acc):
    i = pl.program_id(0)
    dinv = dinv_ref[...]
    h = jnp.concatenate([agg_ref[0] + hlo_ref[...], agg_ref[1] + hhi_ref[...]],
                        axis=1)
    h = jnp.maximum(dinv * h + b_ref[...], 0.0)
    y = jnp.dot(h, wh_ref[...], preferred_element_type=jnp.float32)
    g = lax.broadcasted_iota(jnp.int32, (NG, _RB), 0)
    m = (batch_ref[0] == g).astype(jnp.float32)
    ys = jnp.dot(m, y, preferred_element_type=jnp.float32)
    cnt = jnp.sum(m, axis=1, keepdims=True)

    @pl.when(i == 0)
    def _():
        ys_acc[...] = jnp.zeros_like(ys_acc)
        cnt_acc[...] = jnp.zeros_like(cnt_acc)

    ys_acc[...] += ys
    cnt_acc[...] += cnt

    @pl.when(i == (N // _RB) - 1)
    def _():
        out_ref[...] = ys_acc[...] / jnp.maximum(cnt_acc[...], 1.0) + bh_ref[...]


def _tc_final(agg, hlo, hhi, dinv, b, batch_r, wh, bh):
    return pl.pallas_call(
        _tc_final_body,
        grid=(N // _RB,),
        in_specs=[
            pl.BlockSpec((2, _RB, DH), lambda i: (0, i, 0)),
            pl.BlockSpec((_RB, DH), lambda i: (i, 0)),
            pl.BlockSpec((_RB, DH), lambda i: (i, 0)),
            pl.BlockSpec((_RB, 1), lambda i: (i, 0)),
            pl.BlockSpec((1, D), lambda i: (0, 0)),
            pl.BlockSpec((1, 1, _RB), lambda i: (i, 0, 0)),
            pl.BlockSpec((D, 1), lambda i: (0, 0)),
            pl.BlockSpec((1, 1), lambda i: (0, 0)),
        ],
        out_specs=pl.BlockSpec((NG, 1), lambda i: (0, 0)),
        out_shape=jax.ShapeDtypeStruct((NG, 1), jnp.float32),
        scratch_shapes=[
            pltpu.VMEM((NG, 1), jnp.float32),
            pltpu.VMEM((NG, 1), jnp.float32),
        ],
    )(agg, hlo, hhi, dinv, b, batch_r, wh, bh)


def kernel(x, edge_index, batch, W1, b1, W2, b2, W3, b3, Wh, bh):
    e = edge_index.astype(jnp.int32)
    pad = jnp.concatenate(
        [jnp.zeros((1, E_PAD - E), jnp.int32),
         jnp.full((1, E_PAD - E), N, jnp.int32)], axis=0)
    e_flat = jnp.concatenate([e, pad], axis=1)
    batch_r = batch.astype(jnp.int32).reshape(N // _RB, 1, _RB)
    zeros_h = jnp.zeros((N_PAD, DH), jnp.float32)
    ones_w = jnp.ones((BLK, DH), jnp.float32)

    deg_kernel, agg_kernel, sort_kernel = _sc_kernels()
    e = sort_kernel(e_flat).reshape(2, EBLK_TOTAL, BLK)
    deg16 = deg_kernel(e, ones_w, zeros_h)
    dinv, hlo, hhi = _tc_first(deg16, x, W1)
    agg = agg_kernel(e, hlo, hhi, zeros_h)
    hlo, hhi = _tc_mid(agg, hlo, hhi, dinv, b1.reshape(1, D), W2)
    agg = agg_kernel(e, hlo, hhi, zeros_h)
    hlo, hhi = _tc_mid(agg, hlo, hhi, dinv, b2.reshape(1, D), W3)
    agg = agg_kernel(e, hlo, hhi, zeros_h)
    return _tc_final(agg, hlo, hhi, dinv, b3.reshape(1, D), batch_r,
                     Wh.reshape(D, 1), bh.reshape(1, 1))

# --- scband reference (transcript-rebuilt; emitter-appended) ---
"""Pipeline reference for scband-gcn-21191368639147 (READ-ONLY COPY).

The authoritative reference and input builder live on the scoring server;
editing this copy changes nothing except your own understanding.
"""

import jax, jax.numpy as jnp
import numpy as np

N_NODES = 10000
N_EDGES = 160000
D_IN = 256
D_HID = 256
D_OUT = 1
NUM_GRAPHS = 128


def setup_inputs(seed: int = 0) -> dict:
    key = jax.random.key(seed)
    ks = jax.random.split(key, 12)
    x = jax.random.normal(ks[0], (N_NODES, D_IN), dtype=jnp.float32)
    edge_index = jax.random.randint(ks[1], (2, N_EDGES), 0, N_NODES, dtype=jnp.int64)
    batch = jnp.sort(jax.random.randint(ks[2], (N_NODES,), 0, NUM_GRAPHS, dtype=jnp.int64))
    s1 = 1.0 / np.sqrt(D_IN)
    s2 = 1.0 / np.sqrt(D_HID)
    W1 = jax.random.normal(ks[3], (D_IN, D_HID), dtype=jnp.float32) * s1
    b1 = jnp.zeros((D_HID,), dtype=jnp.float32)
    W2 = jax.random.normal(ks[4], (D_HID, D_HID), dtype=jnp.float32) * s2
    b2 = jnp.zeros((D_HID,), dtype=jnp.float32)
    W3 = jax.random.normal(ks[5], (D_HID, D_HID), dtype=jnp.float32) * s2
    b3 = jnp.zeros((D_HID,), dtype=jnp.float32)
    Wh = jax.random.normal(ks[6], (D_HID, D_OUT), dtype=jnp.float32) * s2
    bh = jnp.zeros((D_OUT,), dtype=jnp.float32)
    return {"x": x, "edge_index": edge_index, "batch": batch,
            "W1": W1, "b1": b1, "W2": W2, "b2": b2, "W3": W3, "b3": b3,
            "Wh": Wh, "bh": bh}


def _gcn_conv(x, src, dst, W, b, n_nodes):
    # PyG GCNConv: add self-loops, symmetric normalization, then scatter-add.
    x = x @ W
    deg = jnp.zeros((n_nodes,), dtype=x.dtype).at[dst].add(1.0)
    deg_inv_sqrt = jnp.where(deg > 0, 1.0 / jnp.sqrt(deg), 0.0)
    norm = deg_inv_sqrt[src] * deg_inv_sqrt[dst]
    msg = x[src] * norm[:, None]
    out = jnp.zeros((n_nodes, x.shape[1]), dtype=x.dtype).at[dst].add(msg)
    return out + b


def _global_mean_pool(x, batch, num_graphs):
    sums = jax.ops.segment_sum(x, batch, num_segments=num_graphs)
    counts = jax.ops.segment_sum(jnp.ones((x.shape[0],), dtype=x.dtype), batch,
                                 num_segments=num_graphs)
    counts = jnp.maximum(counts, 1.0)
    return sums / counts[:, None]


def reference(x, edge_index, batch, W1, b1, W2, b2, W3, b3, Wh, bh):
    n_nodes = x.shape[0]
    loop = jnp.arange(n_nodes, dtype=edge_index.dtype)
    src = jnp.concatenate([edge_index[0], loop])
    dst = jnp.concatenate([edge_index[1], loop])
    h = x
    for (W, b) in ((W1, b1), (W2, b2), (W3, b3)):
        h = _gcn_conv(h, src, dst, W, b, n_nodes)
        h = jax.nn.relu(h)
        # dropout is identity in eval mode
    pooled = _global_mean_pool(h, batch, NUM_GRAPHS)
    return pooled @ Wh + bh

if __name__ == "__main__":
    import jax
    _d = setup_inputs()
    print(jax.jit(kernel)(*tuple(_d.values())))

</pallas_src>

<mosaic_0001>
#map = affine_map<(d0, d1) -> (0, 0)>
module attributes {stable_mosaic.version = 14 : i64} {
  func.func @_sort_kernel(%arg0: i32, %arg1: i32, %arg2: memref<2x163840xi32, #tpu.memory_space<hbm>>, %arg3: memref<2x163840xi32, #tpu.memory_space<hbm>>, %arg4: memref<5120xi32, #tpu.memory_space<vmem>>, %arg5: memref<5120xi32, #tpu.memory_space<vmem>>, %arg6: memref<5120xi32, #tpu.memory_space<vmem>>, %arg7: memref<5120xi32, #tpu.memory_space<vmem>>, %arg8: memref<20224xi32, #tpu.memory_space<vmem>>, %arg9: memref<1264xi32, #tpu.memory_space<vmem>>) attributes {dimension_semantics = [#tpu.dimension_semantics<core_parallel>, #tpu.dimension_semantics<subcore_parallel>], iteration_bounds = array<i64: 2, 16>, scalar_prefetch = 0 : i64, scratch_operands = 6 : i64, tpu.core_type = #tpu.core_type<sc_vector_subcore>, window_params = [{transform_indices = #map}, {transform_indices = #map}]} {
    %mul3A = arith.constant 2 : i32
    %mul3A_0 = arith.muli %arg1, %mul3A : i32
    %add3A = arith.addi %mul3A_0, %arg0 : i32
    %mul3A_1 = arith.constant 5120 : i32
    %mul3A_2 = arith.muli %add3A, %mul3A_1 : i32
    %run_scoped3A = arith.constant 0 : i32
    "tpu.region"() ({
      %run_scoped3A_43 = tpu.sem_alloc : memref<!tpu.dma_semaphore, #tpu.memory_space<semaphore_mem>>
      %dma_start3A = tpu.memref_slice %arg2[%run_scoped3A, %mul3A_2] : memref<2x163840xi32, #tpu.memory_space<hbm>> -> memref<1x5120xi32, #tpu.memory_space<hbm>>
      %dma_start3A_44 = tpu.memref_squeeze %dma_start3A : memref<1x5120xi32, #tpu.memory_space<hbm>> -> memref<5120xi32, #tpu.memory_space<hbm>>
      %dma_start3A_45 = tpu.memref_slice %arg2[%run_scoped3A, %mul3A_2] : memref<2x163840xi32, #tpu.memory_space<hbm>> -> memref<1x5120xi32, #tpu.memory_space<hbm>>
      %dma_start3A_46 = tpu.memref_squeeze %dma_start3A_45 : memref<1x5120xi32, #tpu.memory_space<hbm>> -> memref<5120xi32, #tpu.memory_space<hbm>>
      tpu.enqueue_dma source(%dma_start3A_46 : memref<5120xi32, #tpu.memory_space<hbm>>) target(%arg4 : memref<5120xi32, #tpu.memory_space<vmem>>) target_semaphore(%run_scoped3A_43 : memref<!tpu.dma_semaphore, #tpu.memory_space<semaphore_mem>>)
      %dma_wait3A = tpu.memref_slice %arg2[%run_scoped3A, %mul3A_2] : memref<2x163840xi32, #tpu.memory_space<hbm>> -> memref<1x5120xi32, #tpu.memory_space<hbm>>
      %dma_wait3A_47 = tpu.memref_squeeze %dma_wait3A : memref<1x5120xi32, #tpu.memory_space<hbm>> -> memref<5120xi32, #tpu.memory_space<hbm>>
      %dma_wait3A_48 = tpu.memref_slice %arg2[%run_scoped3A, %mul3A_2] : memref<2x163840xi32, #tpu.memory_space<hbm>> -> memref<1x5120xi32, #tpu.memory_space<hbm>>
      %dma_wait3A_49 = tpu.memref_squeeze %dma_wait3A_48 : memref<1x5120xi32, #tpu.memory_space<hbm>> -> memref<5120xi32, #tpu.memory_space<hbm>>
      tpu.wait_dma2 semaphore(%run_scoped3A_43 : memref<!tpu.dma_semaphore, #tpu.memory_space<semaphore_mem>>) src(%dma_wait3A_49 : memref<5120xi32, #tpu.memory_space<hbm>>) dst(%arg4 : memref<5120xi32, #tpu.memory_space<vmem>>)
      tpu.yield
    }) : () -> ()
    %run_scoped3A_3 = arith.constant 1 : i32
    "tpu.region"() ({
      %run_scoped3A_43 = tpu.sem_alloc : memref<!tpu.dma_semaphore, #tpu.memory_space<semaphore_mem>>
      %dma_start3A = tpu.memref_slice %arg2[%run_scoped3A_3, %mul3A_2] : memref<2x163840xi32, #tpu.memory_space<hbm>> -> memref<1x5120xi32, #tpu.memory_space<hbm>>
      %dma_start3A_44 = tpu.memref_squeeze %dma_start3A : memref<1x5120xi32, #tpu.memory_space<hbm>> -> memref<5120xi32, #tpu.memory_space<hbm>>
      %dma_start3A_45 = tpu.memref_slice %arg2[%run_scoped3A_3, %mul3A_2] : memref<2x163840xi32, #tpu.memory_space<hbm>> -> memref<1x5120xi32, #tpu.memory_space<hbm>>
      %dma_start3A_46 = tpu.memref_squeeze %dma_start3A_45 : memref<1x5120xi32, #tpu.memory_space<hbm>> -> memref<5120xi32, #tpu.memory_space<hbm>>
      tpu.enqueue_dma source(%dma_start3A_46 : memref<5120xi32, #tpu.memory_space<hbm>>) target(%arg5 : memref<5120xi32, #tpu.memory_space<vmem>>) target_semaphore(%run_scoped3A_43 : memref<!tpu.dma_semaphore, #tpu.memory_space<semaphore_mem>>)
      %dma_wait3A = tpu.memref_slice %arg2[%run_scoped3A_3, %mul3A_2] : memref<2x163840xi32, #tpu.memory_space<hbm>> -> memref<1x5120xi32, #tpu.memory_space<hbm>>
      %dma_wait3A_47 = tpu.memref_squeeze %dma_wait3A : memref<1x5120xi32, #tpu.memory_space<hbm>> -> memref<5120xi32, #tpu.memory_space<hbm>>
      %dma_wait3A_48 = tpu.memref_slice %arg2[%run_scoped3A_3, %mul3A_2] : memref<2x163840xi32, #tpu.memory_space<hbm>> -> memref<1x5120xi32, #tpu.memory_space<hbm>>
      %dma_wait3A_49 = tpu.memref_squeeze %dma_wait3A_48 : memref<1x5120xi32, #tpu.memory_space<hbm>> -> memref<5120xi32, #tpu.memory_space<hbm>>
      tpu.wait_dma2 semaphore(%run_scoped3A_43 : memref<!tpu.dma_semaphore, #tpu.memory_space<semaphore_mem>>) src(%dma_wait3A_49 : memref<5120xi32, #tpu.memory_space<hbm>>) dst(%arg5 : memref<5120xi32, #tpu.memory_space<vmem>>)
      tpu.yield
    }) : () -> ()
    %broadcast_in_dim3A = arith.constant 0 : i32
    %broadcast_in_dim3A_4 = vector.broadcast %broadcast_in_dim3A : i32 to vector<16xi32>
    %iota3A = tpu.iota {dimensions = array<i32: 0>} : vector<16xi32>
    %scan3A = arith.constant 0 : i32
    %scan3A_5 = arith.constant 0 : i32
    %scan3A_6 = arith.constant 1264 : i32
    %scan3A_7 = arith.addi %scan3A_5, %scan3A_6 : i32
    %scan3A_8 = arith.constant 1 : i32
    scf.for %scan3A_43 = %scan3A_5 to %scan3A_7 step %scan3A_8  : i32 {
      %mul3A_44 = arith.constant 16 : i32
      %mul3A_45 = arith.muli %scan3A_43, %mul3A_44 : i32
      %swap3A = arith.index_cast %mul3A_45 : i32 to index
      %swap3A_46 = tpu.vector_load %arg8[%swap3A] {strides = array<i32>} : memref<20224xi32, #tpu.memory_space<vmem>>, vector<16xi32>,
      tpu.vector_store %arg8[%swap3A], %broadcast_in_dim3A_4 {strides = array<i32>} : memref<20224xi32, #tpu.memory_space<vmem>>, vector<16xi32>,
    }
    %scan3A_9 = arith.constant 1264 : i32
    %scan3A_10 = arith.constant 0 : i32
    %scan3A_11 = arith.constant 0 : i32
    %scan3A_12 = arith.constant 320 : i32
    %scan3A_13 = arith.addi %scan3A_11, %scan3A_12 : i32
    %scan3A_14 = arith.constant 1 : i32
    scf.for %scan3A_43 = %scan3A_11 to %scan3A_13 step %scan3A_14  : i32 {
      %mul3A_44 = arith.constant 16 : i32
      %mul3A_45 = arith.muli %scan3A_43, %mul3A_44 : i32
      %get3A = arith.index_cast %mul3A_45 : i32 to index
      %get3A_46 = tpu.vector_load %arg4[%get3A] {strides = array<i32>} : memref<5120xi32, #tpu.memory_space<vmem>>, vector<16xi32>,
      %mul3A_47 = arith.constant 1264 : i32
      %mul3A_48 = vector.broadcast %mul3A_47 : i32 to vector<16xi32>
      %mul3A_49 = arith.muli %iota3A, %mul3A_48 : vector<16xi32>
      %shift_right_logical3A = arith.constant 3 : i32
      %shift_right_logical3A_50 = vector.broadcast %shift_right_logical3A : i32 to vector<16xi32>
      %shift_right_logical3A_51 = arith.shrui %get3A_46, %shift_right_logical3A_50 : vector<16xi32>
      %add3A_52 = arith.addi %mul3A_49, %shift_right_logical3A_51 : vector<16xi32>
      %gather3A = tpu.vector_load_idx %arg8[%add3A_52] : memref<20224xi32, #tpu.memory_space<vmem>>[vector<16xi32>], vector<16xi32>,
      %add3A_53 = arith.constant 1 : i32
      %add3A_54 = vector.broadcast %add3A_53 : i32 to vector<16xi32>
      %add3A_55 = arith.addi %gather3A, %add3A_54 : vector<16xi32>
      tpu.vector_store_idx %arg8[%add3A_52], %add3A_55 : memref<20224xi32, #tpu.memory_space<vmem>>[vector<16xi32>], vector<16xi32>,
    }
    %scan3A_15 = arith.constant 320 : i32
    %scan3A_16 = arith.constant 0 : i32
    %scan3A_17 = arith.constant 0 : i32
    %scan3A_18 = arith.constant 79 : i32
    %scan3A_19 = arith.addi %scan3A_17, %scan3A_18 : i32
    %scan3A_20 = arith.constant 1 : i32
    scf.for %scan3A_43 = %scan3A_17 to %scan3A_19 step %scan3A_20  : i32 {
      %mul3A_44 = arith.constant 16 : i32
      %mul3A_45 = arith.muli %scan3A_43, %mul3A_44 : i32
      %add3A_46 = arith.constant 0 : i32
      %add3A_47 = arith.addi %add3A_46, %mul3A_45 : i32
      %get3A = arith.index_cast %add3A_47 : i32 to index
      %get3A_48 = tpu.vector_load %arg8[%get3A] {strides = array<i32>} : memref<20224xi32, #tpu.memory_space<vmem>>, vector<16xi32>,
      %swap3A = arith.index_cast %add3A_47 : i32 to index
      %swap3A_49 = tpu.vector_load %arg8[%swap3A] {strides = array<i32>} : memref<20224xi32, #tpu.memory_space<vmem>>, vector<16xi32>,
      tpu.vector_store %arg8[%swap3A], %broadcast_in_dim3A_4 {strides = array<i32>} : memref<20224xi32, #tpu.memory_space<vmem>>, vector<16xi32>,
      %add3A_50 = arith.addi %broadcast_in_dim3A_4, %get3A_48 : vector<16xi32>
      %mul3A_51 = arith.constant 16 : i32
      %mul3A_52 = arith.muli %scan3A_43, %mul3A_51 : i32
      %add3A_53 = arith.constant 1264 : i32
      %add3A_54 = arith.addi %add3A_53, %mul3A_52 : i32
      %get3A_55 = arith.index_cast %add3A_54 : i32 to index
      %get3A_56 = tpu.vector_load %arg8[%get3A_55] {strides = array<i32>} : memref<20224xi32, #tpu.memory_space<vmem>>, vector<16xi32>,
      %swap3A_57 = arith.index_cast %add3A_54 : i32 to index
      %swap3A_58 = tpu.vector_load %arg8[%swap3A_57] {strides = array<i32>} : memref<20224xi32, #tpu.memory_space<vmem>>, vector<16xi32>,
      tpu.vector_store %arg8[%swap3A_57], %add3A_50 {strides = array<i32>} : memref<20224xi32, #tpu.memory_space<vmem>>, vector<16xi32>,
      %add3A_59 = arith.addi %add3A_50, %get3A_56 : vector<16xi32>
      %mul3A_60 = arith.constant 16 : i32
      %mul3A_61 = arith.muli %scan3A_43, %mul3A_60 : i32
      %add3A_62 = arith.constant 2528 : i32
      %add3A_63 = arith.addi %add3A_62, %mul3A_61 : i32
      %get3A_64 = arith.index_cast %add3A_63 : i32 to index
      %get3A_65 = tpu.vector_load %arg8[%get3A_64] {strides = array<i32>} : memref<20224xi32, #tpu.memory_space<vmem>>, vector<16xi32>,
      %swap3A_66 = arith.index_cast %add3A_63 : i32 to index
      %swap3A_67 = tpu.vector_load %arg8[%swap3A_66] {strides = array<i32>} : memref<20224xi32, #tpu.memory_space<vmem>>, vector<16xi32>,
      tpu.vector_store %arg8[%swap3A_66], %add3A_59 {strides = array<i32>} : memref<20224xi32, #tpu.memory_space<vmem>>, vector<16xi32>,
      %add3A_68 = arith.addi %add3A_59, %get3A_65 : vector<16xi32>
      %mul3A_69 = arith.constant 16 : i32
      %mul3A_70 = arith.muli %scan3A_43, %mul3A_69 : i32
      %add3A_71 = arith.constant 3792 : i32
      %add3A_72 = arith.addi %add3A_71, %mul3A_70 : i32
      %get3A_73 = arith.index_cast %add3A_72 : i32 to index
      %get3A_74 = tpu.vector_load %arg8[%get3A_73] {strides = array<i32>} : memref<20224xi32, #tpu.memory_space<vmem>>, vector<16xi32>,
      %swap3A_75 = arith.index_cast %add3A_72 : i32 to index
      %swap3A_76 = tpu.vector_load %arg8[%swap3A_75] {strides = array<i32>} : memref<20224xi32, #tpu.memory_space<vmem>>, vector<16xi32>,
      tpu.vector_store %arg8[%swap3A_75], %add3A_68 {strides = array<i32>} : memref<20224xi32, #tpu.memory_space<vmem>>, vector<16xi32>,
      %add3A_77 = arith.addi %add3A_68, %get3A_74 : vector<16xi32>
      %mul3A_78 = arith.constant 16 : i32
      %mul3A_79 = arith.muli %scan3A_43, %mul3A_78 : i32
      %add3A_80 = arith.constant 5056 : i32
      %add3A_81 = arith.addi %add3A_80, %mul3A_79 : i32
      %get3A_82 = arith.index_cast %add3A_81 : i32 to index
      %get3A_83 = tpu.vector_load %arg8[%get3A_82] {strides = array<i32>} : memref<20224xi32, #tpu.memory_space<vmem>>, vector<16xi32>,
      %swap3A_84 = arith.index_cast %add3A_81 : i32 to index
      %swap3A_85 = tpu.vector_load %arg8[%swap3A_84] {strides = array<i32>} : memref<20224xi32, #tpu.memory_space<vmem>>, vector<16xi32>,
      tpu.vector_store %arg8[%swap3A_84], %add3A_77 {strides = array<i32>} : memref<20224xi32, #tpu.memory_space<vmem>>, vector<16xi32>,
      %add3A_86 = arith.addi %add3A_77, %get3A_83 : vector<16xi32>
      %mul3A_87 = arith.constant 16 : i32
      %mul3A_88 = arith.muli %scan3A_43, %mul3A_87 : i32
      %add3A_89 = arith.constant 6320 : i32
      %add3A_90 = arith.addi %add3A_89, %mul3A_88 : i32
      %get3A_91 = arith.index_cast %add3A_90 : i32 to index
      %get3A_92 = tpu.vector_load %arg8[%get3A_91] {strides = array<i32>} : memref<20224xi32, #tpu.memory_space<vmem>>, vector<16xi32>,
      %swap3A_93 = arith.index_cast %add3A_90 : i32 to index
      %swap3A_94 = tpu.vector_load %arg8[%swap3A_93] {strides = array<i32>} : memref<20224xi32, #tpu.memory_space<vmem>>, vector<16xi32>,
      tpu.vector_store %arg8[%swap3A_93], %add3A_86 {strides = array<i32>} : memref<20224xi32, #tpu.memory_space<vmem>>, vector<16xi32>,
      %add3A_95 = arith.addi %add3A_86, %get3A_92 : vector<16xi32>
      %mul3A_96 = arith.constant 16 : i32
      %mul3A_97 = arith.muli %scan3A_43, %mul3A_96 : i32
      %add3A_98 = arith.constant 7584 : i32
      %add3A_99 = arith.addi %add3A_98, %mul3A_97 : i32
      %get3A_100 = arith.index_cast %add3A_99 : i32 to index
      %get3A_101 = tpu.vector_load %arg8[%get3A_100] {strides = array<i32>} : memref<20224xi32, #tpu.memory_space<vmem>>, vector<16xi32>,
      %swap3A_102 = arith.index_cast %add3A_99 : i32 to index
      %swap3A_103 = tpu.vector_load %arg8[%swap3A_102] {strides = array<i32>} : memref<20224xi32, #tpu.memory_space<vmem>>, vector<16xi32>,
      tpu.vector_store %arg8[%swap3A_102], %add3A_95 {strides = array<i32>} : memref<20224xi32, #tpu.memory_space<vmem>>, vector<16xi32>,
      %add3A_104 = arith.addi %add3A_95, %get3A_101 : vector<16xi32>
      %mul3A_105 = arith.constant 16 : i32
      %mul3A_106 = arith.muli %scan3A_43, %mul3A_105 : i32
      %add3A_107 = arith.constant 8848 : i32
      %add3A_108 = arith.addi %add3A_107, %mul3A_106 : i32
      %get3A_109 = arith.index_cast %add3A_108 : i32 to index
      %get3A_110 = tpu.vector_load %arg8[%get3A_109] {strides = array<i32>} : memref<20224xi32, #tpu.memory_space<vmem>>, vector<16xi32>,
      %swap3A_111 = arith.index_cast %add3A_108 : i32 to index
      %swap3A_112 = tpu.vector_load %arg8[%swap3A_111] {strides = array<i32>} : memref<20224xi32, #tpu.memory_space<vmem>>, vector<16xi32>,
      tpu.vector_store %arg8[%swap3A_111], %add3A_104 {strides = array<i32>} : memref<20224xi32, #tpu.memory_space<vmem>>, vector<16xi32>,
      %add3A_113 = arith.addi %add3A_104, %get3A_110 : vector<16xi32>
      %mul3A_114 = arith.constant 16 : i32
      %mul3A_115 = arith.muli %scan3A_43, %mul3A_114 : i32
      %add3A_116 = arith.constant 10112 : i32
      %add3A_117 = arith.addi %add3A_116, %mul3A_115 : i32
      %get3A_118 = arith.index_cast %add3A_117 : i32 to index
      %get3A_119 = tpu.vector_load %arg8[%get3A_118] {strides = array<i32>} : memref<20224xi32, #tpu.memory_space<vmem>>, vector<16xi32>,
      %swap3A_120 = arith.index_cast %add3A_117 : i32 to index
      %swap3A_121 = tpu.vector_load %arg8[%swap3A_120] {strides = array<i32>} : memref<20224xi32, #tpu.memory_space<vmem>>, vector<16xi32>,
      tpu.vector_store %arg8[%swap3A_120], %add3A_113 {strides = array<i32>} : memref<20224xi32, #tpu.memory_space<vmem>>, vector<16xi32>,
      %add3A_122 = arith.addi %add3A_113, %get3A_119 : vector<16xi32>
      %mul3A_123 = arith.constant 16 : i32
      %mul3A_124 = arith.muli %scan3A_43, %mul3A_123 : i32
      %add3A_125 = arith.constant 11376 : i32
      %add3A_126 = arith.addi %add3A_125, %mul3A_124 : i32
      %get3A_127 = arith.index_cast %add3A_126 : i32 to index
      %get3A_128 = tpu.vector_load %arg8[%get3A_127] {strides = array<i32>} : memref<20224xi32, #tpu.memory_space<vmem>>, vector<16xi32>,
      %swap3A_129 = arith.index_cast %add3A_126 : i32 to index
      %swap3A_130 = tpu.vector_load %arg8[%swap3A_129] {strides = array<i32>} : memref<20224xi32, #tpu.memory_space<vmem>>, vector<16xi32>,
      tpu.vector_store %arg8[%swap3A_129], %add3A_122 {strides = array<i32>} : memref<20224xi32, #tpu.memory_space<vmem>>, vector<16xi32>,
      %add3A_131 = arith.addi %add3A_122, %get3A_128 : vector<16xi32>
      %mul3A_132 = arith.constant 16 : i32
      %mul3A_133 = arith.muli %scan3A_43, %mul3A_132 : i32
      %add3A_134 = arith.constant 12640 : i32
      %add3A_135 = arith.addi %add3A_134, %mul3A_133 : i32
      %get3A_136 = arith.index_cast %add3A_135 : i32 to index
      %get3A_137 = tpu.vector_load %arg8[%get3A_136] {strides = array<i32>} : memref<20224xi32, #tpu.memory_space<vmem>>, vector<16xi32>,
      %swap3A_138 = arith.index_cast %add3A_135 : i32 to index
      %swap3A_139 = tpu.vector_load %arg8[%swap3A_138] {strides = array<i32>} : memref<20224xi32, #tpu.memory_space<vmem>>, vector<16xi32>,
      tpu.vector_store %arg8[%swap3A_138], %add3A_131 {strides = array<i32>} : memref<20224xi32, #tpu.memory_space<vmem>>, vector<16xi32>,
      %add3A_140 = arith.addi %add3A_131, %get3A_137 : vector<16xi32>
      %mul3A_141 = arith.constant 16 : i32
      %mul3A_142 = arith.muli %scan3A_43, %mul3A_141 : i32
      %add3A_143 = arith.constant 13904 : i32
      %add3A_144 = arith.addi %add3A_143, %mul3A_142 : i32
      %get3A_145 = arith.index_cast %add3A_144 : i32 to index
      %get3A_146 = tpu.vector_load %arg8[%get3A_145] {strides = array<i32>} : memref<20224xi32, #tpu.memory_space<vmem>>, vector<16xi32>,
      %swap3A_147 = arith.index_cast %add3A_144 : i32 to index
      %swap3A_148 = tpu.vector_load %arg8[%swap3A_147] {strides = array<i32>} : memref<20224xi32, #tpu.memory_space<vmem>>, vector<16xi32>,
      tpu.vector_store %arg8[%swap3A_147], %add3A_140 {strides = array<i32>} : memref<20224xi32, #tpu.memory_space<vmem>>, vector<16xi32>,
      %add3A_149 = arith.addi %add3A_140, %get3A_146 : vector<16xi32>
      %mul3A_150 = arith.constant 16 : i32
      %mul3A_151 = arith.muli %scan3A_43, %mul3A_150 : i32
      %add3A_152 = arith.constant 15168 : i32
      %add3A_153 = arith.addi %add3A_152, %mul3A_151 : i32
      %get3A_154 = arith.index_cast %add3A_153 : i32 to index
      %get3A_155 = tpu.vector_load %arg8[%get3A_154] {strides = array<i32>} : memref<20224xi32, #tpu.memory_space<vmem>>, vector<16xi32>,
      %swap3A_156 = arith.index_cast %add3A_153 : i32 to index
      %swap3A_157 = tpu.vector_load %arg8[%swap3A_156] {strides = array<i32>} : memref<20224xi32, #tpu.memory_space<vmem>>, vector<16xi32>,
      tpu.vector_store %arg8[%swap3A_156], %add3A_149 {strides = array<i32>} : memref<20224xi32, #tpu.memory_space<vmem>>, vector<16xi32>,
      %add3A_158 = arith.addi %add3A_149, %get3A_155 : vector<16xi32>
      %mul3A_159 = arith.constant 16 : i32
      %mul3A_160 = arith.muli %scan3A_43, %mul3A_159 : i32
      %add3A_161 = arith.constant 16432 : i32
      %add3A_162 = arith.addi %add3A_161, %mul3A_160 : i32
      %get3A_163 = arith.index_cast %add3A_162 : i32 to index
      %get3A_164 = tpu.vector_load %arg8[%get3A_163] {strides = array<i32>} : memref<20224xi32, #tpu.memory_space<vmem>>, vector<16xi32>,
      %swap3A_165 = arith.index_cast %add3A_162 : i32 to index
      %swap3A_166 = tpu.vector_load %arg8[%swap3A_165] {strides = array<i32>} : memref<20224xi32, #tpu.memory_space<vmem>>, vector<16xi32>,
      tpu.vector_store %arg8[%swap3A_165], %add3A_158 {strides = array<i32>} : memref<20224xi32, #tpu.memory_space<vmem>>, vector<16xi32>,
      %add3A_167 = arith.addi %add3A_158, %get3A_164 : vector<16xi32>
      %mul3A_168 = arith.constant 16 : i32
      %mul3A_169 = arith.muli %scan3A_43, %mul3A_168 : i32
      %add3A_170 = arith.constant 17696 : i32
      %add3A_171 = arith.addi %add3A_170, %mul3A_169 : i32
      %get3A_172 = arith.index_cast %add3A_171 : i32 to index
      %get3A_173 = tpu.vector_load %arg8[%get3A_172] {strides = array<i32>} : memref<20224xi32, #tpu.memory_space<vmem>>, vector<16xi32>,
      %swap3A_174 = arith.index_cast %add3A_171 : i32 to index
      %swap3A_175 = tpu.vector_load %arg8[%swap3A_174] {strides = array<i32>} : memref<20224xi32, #tpu.memory_space<vmem>>, vector<16xi32>,
      tpu.vector_store %arg8[%swap3A_174], %add3A_167 {strides = array<i32>} : memref<20224xi32, #tpu.memory_space<vmem>>, vector<16xi32>,
      %add3A_176 = arith.addi %add3A_167, %get3A_173 : vector<16xi32>
      %mul3A_177 = arith.constant 16 : i32
      %mul3A_178 = arith.muli %scan3A_43, %mul3A_177 : i32
      %add3A_179 = arith.constant 18960 : i32
      %add3A_180 = arith.addi %add3A_179, %mul3A_178 : i32
      %get3A_181 = arith.index_cast %add3A_180 : i32 to index
      %get3A_182 = tpu.vector_load %arg8[%get3A_181] {strides = array<i32>} : memref<20224xi32, #tpu.memory_space<vmem>>, vector<16xi32>,
      %swap3A_183 = arith.index_cast %add3A_180 : i32 to index
      %swap3A_184 = tpu.vector_load %arg8[%swap3A_183] {strides = array<i32>} : memref<20224xi32, #tpu.memory_space<vmem>>, vector<16xi32>,
      tpu.vector_store %arg8[%swap3A_183], %add3A_176 {strides = array<i32>} : memref<20224xi32, #tpu.memory_space<vmem>>, vector<16xi32>,
      %add3A_185 = arith.addi %add3A_176, %get3A_182 : vector<16xi32>
      %mul3A_186 = arith.constant 16 : i32
      %mul3A_187 = arith.muli %scan3A_43, %mul3A_186 : i32
      %swap3A_188 = arith.index_cast %mul3A_187 : i32 to index
      %swap3A_189 = tpu.vector_load %arg9[%swap3A_188] {strides = array<i32>} : memref<1264xi32, #tpu.memory_space<vmem>>, vector<16xi32>,
      tpu.vector_store %arg9[%swap3A_188], %add3A_185 {strides = array<i32>} : memref<1264xi32, #tpu.memory_space<vmem>>, vector<16xi32>,
    }
    %scan3A_21 = arith.constant 79 : i32
    %scan3A_22 = arith.constant 0 : i32
    %scan3A_23 = arith.constant 0 : i32
    %scan3A_24 = arith.constant 79 : i32
    %scan3A_25 = arith.addi %scan3A_23, %scan3A_24 : i32
    %scan3A_26 = arith.constant 1 : i32
    %scan3A_27 = scf.for %scan3A_43 = %scan3A_23 to %scan3A_25 step %scan3A_26 iter_args(%scan3A_44 = %scan3A_22) -> (i32)  : i32 {
      %mul3A_45 = arith.constant 16 : i32
      %mul3A_46 = arith.muli %scan3A_43, %mul3A_45 : i32
      %get3A = arith.index_cast %mul3A_46 : i32 to index
      %get3A_47 = tpu.vector_load %arg9[%get3A] {strides = array<i32>} : memref<1264xi32, #tpu.memory_space<vmem>>, vector<16xi32>,
      %broadcast_in_dim3A_48 = arith.constant true
      %broadcast_in_dim3A_49 = vector.broadcast %broadcast_in_dim3A_48 : i1 to vector<16xi1>
      %masked_cumsum3A = tpu.scan <sum>, %get3A_47 masked %broadcast_in_dim3A_49 : vector<16xi32>, vector<16xi1> -> vector<16xi32>
      %sub3A = arith.subi %masked_cumsum3A, %get3A_47 : vector<16xi32>
      %add3A_50 = vector.broadcast %scan3A_44 : i32 to vector<16xi32>
      %add3A_51 = arith.addi %sub3A, %add3A_50 : vector<16xi32>
      %mul3A_52 = arith.constant 16 : i32
      %mul3A_53 = arith.muli %scan3A_43, %mul3A_52 : i32
      %swap3A = arith.index_cast %mul3A_53 : i32 to index
      %swap3A_54 = tpu.vector_load %arg9[%swap3A] {strides = array<i32>} : memref<1264xi32, #tpu.memory_space<vmem>>, vector<16xi32>,
      tpu.vector_store %arg9[%swap3A], %add3A_51 {strides = array<i32>} : memref<1264xi32, #tpu.memory_space<vmem>>, vector<16xi32>,
      %reduce_sum3A = arith.constant true
      %reduce_sum3A_55 = vector.broadcast %reduce_sum3A : i1 to vector<16xi1>
      %reduce_sum3A_56 = tpu.scan <sum>, %get3A_47 masked %reduce_sum3A_55 : vector<16xi32>, vector<16xi1> -> vector<16xi32>
      %reduce_sum3A_57 = vector.extract %reduce_sum3A_56[15] : i32 from vector<16xi32>
      %add3A_58 = arith.addi %scan3A_44, %reduce_sum3A_57 : i32
      scf.yield %add3A_58 : i32
    }
    %scan3A_28 = arith.constant 79 : i32
    %scan3A_29 = arith.constant 0 : i32
    %scan3A_30 = arith.constant 0 : i32
    %scan3A_31 = arith.constant 79 : i32
    %scan3A_32 = arith.addi %scan3A_30, %scan3A_31 : i32
    %scan3A_33 = arith.constant 1 : i32
    scf.for %scan3A_43 = %scan3A_30 to %scan3A_32 step %scan3A_33  : i32 {
      %mul3A_44 = arith.constant 16 : i32
      %mul3A_45 = arith.muli %scan3A_43, %mul3A_44 : i32
      %get3A = arith.index_cast %mul3A_45 : i32 to index
      %get3A_46 = tpu.vector_load %arg9[%get3A] {strides = array<i32>} : memref<1264xi32, #tpu.memory_space<vmem>>, vector<16xi32>,
      %mul3A_47 = arith.constant 16 : i32
      %mul3A_48 = arith.muli %scan3A_43, %mul3A_47 : i32
      %add3A_49 = arith.constant 0 : i32
      %add3A_50 = arith.addi %add3A_49, %mul3A_48 : i32
      %get3A_51 = arith.index_cast %add3A_50 : i32 to index
      %get3A_52 = tpu.vector_load %arg8[%get3A_51] {strides = array<i32>} : memref<20224xi32, #tpu.memory_space<vmem>>, vector<16xi32>,
      %add3A_53 = arith.addi %get3A_52, %get3A_46 : vector<16xi32>
      %swap3A = arith.index_cast %add3A_50 : i32 to index
      %swap3A_54 = tpu.vector_load %arg8[%swap3A] {strides = array<i32>} : memref<20224xi32, #tpu.memory_space<vmem>>, vector<16xi32>,
      tpu.vector_store %arg8[%swap3A], %add3A_53 {strides = array<i32>} : memref<20224xi32, #tpu.memory_space<vmem>>, vector<16xi32>,
      %mul3A_55 = arith.constant 16 : i32
      %mul3A_56 = arith.muli %scan3A_43, %mul3A_55 : i32
      %add3A_57 = arith.constant 1264 : i32
      %add3A_58 = arith.addi %add3A_57, %mul3A_56 : i32
      %get3A_59 = arith.index_cast %add3A_58 : i32 to index
      %get3A_60 = tpu.vector_load %arg8[%get3A_59] {strides = array<i32>} : memref<20224xi32, #tpu.memory_space<vmem>>, vector<16xi32>,
      %add3A_61 = arith.addi %get3A_60, %get3A_46 : vector<16xi32>
      %swap3A_62 = arith.index_cast %add3A_58 : i32 to index
      %swap3A_63 = tpu.vector_load %arg8[%swap3A_62] {strides = array<i32>} : memref<20224xi32, #tpu.memory_space<vmem>>, vector<16xi32>,
      tpu.vector_store %arg8[%swap3A_62], %add3A_61 {strides = array<i32>} : memref<20224xi32, #tpu.memory_space<vmem>>, vector<16xi32>,
      %mul3A_64 = arith.constant 16 : i32
      %mul3A_65 = arith.muli %scan3A_43, %mul3A_64 : i32
      %add3A_66 = arith.constant 2528 : i32
      %add3A_67 = arith.addi %add3A_66, %mul3A_65 : i32
      %get3A_68 = arith.index_cast %add3A_67 : i32 to index
      %get3A_69 = tpu.vector_load %arg8[%get3A_68] {strides = array<i32>} : memref<20224xi32, #tpu.memory_space<vmem>>, vector<16xi32>,
      %add3A_70 = arith.addi %get3A_69, %get3A_46 : vector<16xi32>
      %swap3A_71 = arith.index_cast %add3A_67 : i32 to index
      %swap3A_72 = tpu.vector_load %arg8[%swap3A_71] {strides = array<i32>} : memref<20224xi32, #tpu.memory_space<vmem>>, vector<16xi32>,
      tpu.vector_store %arg8[%swap3A_71], %add3A_70 {strides = array<i32>} : memref<20224xi32, #tpu.memory_space<vmem>>, vector<16xi32>,
      %mul3A_73 = arith.constant 16 : i32
      %mul3A_74 = arith.muli %scan3A_43, %mul3A_73 : i32
      %add3A_75 = arith.constant 3792 : i32
      %add3A_76 = arith.addi %add3A_75, %mul3A_74 : i32
      %get3A_77 = arith.index_cast %add3A_76 : i32 to index
      %get3A_78 = tpu.vector_load %arg8[%get3A_77] {strides = array<i32>} : memref<20224xi32, #tpu.memory_space<vmem>>, vector<16xi32>,
      %add3A_79 = arith.addi %get3A_78, %get3A_46 : vector<16xi32>
      %swap3A_80 = arith.index_cast %add3A_76 : i32 to index
      %swap3A_81 = tpu.vector_load %arg8[%swap3A_80] {strides = array<i32>} : memref<20224xi32, #tpu.memory_space<vmem>>, vector<16xi32>,
      tpu.vector_store %arg8[%swap3A_80], %add3A_79 {strides = array<i32>} : memref<20224xi32, #tpu.memory_space<vmem>>, vector<16xi32>,
      %mul3A_82 = arith.constant 16 : i32
      %mul3A_83 = arith.muli %scan3A_43, %mul3A_82 : i32
      %add3A_84 = arith.constant 5056 : i32
      %add3A_85 = arith.addi %add3A_84, %mul3A_83 : i32
      %get3A_86 = arith.index_cast %add3A_85 : i32 to index
      %get3A_87 = tpu.vector_load %arg8[%get3A_86] {strides = array<i32>} : memref<20224xi32, #tpu.memory_space<vmem>>, vector<16xi32>,
      %add3A_88 = arith.addi %get3A_87, %get3A_46 : vector<16xi32>
      %swap3A_89 = arith.index_cast %add3A_85 : i32 to index
      %swap3A_90 = tpu.vector_load %arg8[%swap3A_89] {strides = array<i32>} : memref<20224xi32, #tpu.memory_space<vmem>>, vector<16xi32>,
      tpu.vector_store %arg8[%swap3A_89], %add3A_88 {strides = array<i32>} : memref<20224xi32, #tpu.memory_space<vmem>>, vector<16xi32>,
      %mul3A_91 = arith.constant 16 : i32
      %mul3A_92 = arith.muli %scan3A_43, %mul3A_91 : i32
      %add3A_93 = arith.constant 6320 : i32
      %add3A_94 = arith.addi %add3A_93, %mul3A_92 : i32
      %get3A_95 = arith.index_cast %add3A_94 : i32 to index
      %get3A_96 = tpu.vector_load %arg8[%get3A_95] {strides = array<i32>} : memref<20224xi32, #tpu.memory_space<vmem>>, vector<16xi32>,
      %add3A_97 = arith.addi %get3A_96, %get3A_46 : vector<16xi32>
      %swap3A_98 = arith.index_cast %add3A_94 : i32 to index
      %swap3A_99 = tpu.vector_load %arg8[%swap3A_98] {strides = array<i32>} : memref<20224xi32, #tpu.memory_space<vmem>>, vector<16xi32>,
      tpu.vector_store %arg8[%swap3A_98], %add3A_97 {strides = array<i32>} : memref<20224xi32, #tpu.memory_space<vmem>>, vector<16xi32>,
      %mul3A_100 = arith.constant 16 : i32
      %mul3A_101 = arith.muli %scan3A_43, %mul3A_100 : i32
      %add3A_102 = arith.constant 7584 : i32
      %add3A_103 = arith.addi %add3A_102, %mul3A_101 : i32
      %get3A_104 = arith.index_cast %add3A_103 : i32 to index
      %get3A_105 = tpu.vector_load %arg8[%get3A_104] {strides = array<i32>} : memref<20224xi32, #tpu.memory_space<vmem>>, vector<16xi32>,
      %add3A_106 = arith.addi %get3A_105, %get3A_46 : vector<16xi32>
      %swap3A_107 = arith.index_cast %add3A_103 : i32 to index
      %swap3A_108 = tpu.vector_load %arg8[%swap3A_107] {strides = array<i32>} : memref<20224xi32, #tpu.memory_space<vmem>>, vector<16xi32>,
      tpu.vector_store %arg8[%swap3A_107], %add3A_106 {strides = array<i32>} : memref<20224xi32, #tpu.memory_space<vmem>>, vector<16xi32>,
      %mul3A_109 = arith.constant 16 : i32
      %mul3A_110 = arith.muli %scan3A_43, %mul3A_109 : i32
      %add3A_111 = arith.constant 8848 : i32
      %add3A_112 = arith.addi %add3A_111, %mul3A_110 : i32
      %get3A_113 = arith.index_cast %add3A_112 : i32 to index
      %get3A_114 = tpu.vector_load %arg8[%get3A_113] {strides = array<i32>} : memref<20224xi32, #tpu.memory_space<vmem>>, vector<16xi32>,
      %add3A_115 = arith.addi %get3A_114, %get3A_46 : vector<16xi32>
      %swap3A_116 = arith.index_cast %add3A_112 : i32 to index
      %swap3A_117 = tpu.vector_load %arg8[%swap3A_116] {strides = array<i32>} : memref<20224xi32, #tpu.memory_space<vmem>>, vector<16xi32>,
      tpu.vector_store %arg8[%swap3A_116], %add3A_115 {strides = array<i32>} : memref<20224xi32, #tpu.memory_space<vmem>>, vector<16xi32>,
      %mul3A_118 = arith.constant 16 : i32
      %mul3A_119 = arith.muli %scan3A_43, %mul3A_118 : i32
      %add3A_120 = arith.constant 10112 : i32
      %add3A_121 = arith.addi %add3A_120, %mul3A_119 : i32
      %get3A_122 = arith.index_cast %add3A_121 : i32 to index
      %get3A_123 = tpu.vector_load %arg8[%get3A_122] {strides = array<i32>} : memref<20224xi32, #tpu.memory_space<vmem>>, vector<16xi32>,
      %add3A_124 = arith.addi %get3A_123, %get3A_46 : vector<16xi32>
      %swap3A_125 = arith.index_cast %add3A_121 : i32 to index
      %swap3A_126 = tpu.vector_load %arg8[%swap3A_125] {strides = array<i32>} : memref<20224xi32, #tpu.memory_space<vmem>>, vector<16xi32>,
      tpu.vector_store %arg8[%swap3A_125], %add3A_124 {strides = array<i32>} : memref<20224xi32, #tpu.memory_space<vmem>>, vector<16xi32>,
      %mul3A_127 = arith.constant 16 : i32
      %mul3A_128 = arith.muli %scan3A_43, %mul3A_127 : i32
      %add3A_129 = arith.constant 11376 : i32
      %add3A_130 = arith.addi %add3A_129, %mul3A_128 : i32
      %get3A_131 = arith.index_cast %add3A_130 : i32 to index
      %get3A_132 = tpu.vector_load %arg8[%get3A_131] {strides = array<i32>} : memref<20224xi32, #tpu.memory_space<vmem>>, vector<16xi32>,
      %add3A_133 = arith.addi %get3A_132, %get3A_46 : vector<16xi32>
      %swap3A_134 = arith.index_cast %add3A_130 : i32 to index
      %swap3A_135 = tpu.vector_load %arg8[%swap3A_134] {strides = array<i32>} : memref<20224xi32, #tpu.memory_space<vmem>>, vector<16xi32>,
      tpu.vector_store %arg8[%swap3A_134], %add3A_133 {strides = array<i32>} : memref<20224xi32, #tpu.memory_space<vmem>>, vector<16xi32>,
      %mul3A_136 = arith.constant 16 : i32
      %mul3A_137 = arith.muli %scan3A_43, %mul3A_136 : i32
      %add3A_138 = arith.constant 12640 : i32
      %add3A_139 = arith.addi %add3A_138, %mul3A_137 : i32
      %get3A_140 = arith.index_cast %add3A_139 : i32 to index
      %get3A_141 = tpu.vector_load %arg8[%get3A_140] {strides = array<i32>} : memref<20224xi32, #tpu.memory_space<vmem>>, vector<16xi32>,
      %add3A_142 = arith.addi %get3A_141, %get3A_46 : vector<16xi32>
      %swap3A_143 = arith.index_cast %add3A_139 : i32 to index
      %swap3A_144 = tpu.vector_load %arg8[%swap3A_143] {strides = array<i32>} : memref<20224xi32, #tpu.memory_space<vmem>>, vector<16xi32>,
      tpu.vector_store %arg8[%swap3A_143], %add3A_142 {strides = array<i32>} : memref<20224xi32, #tpu.memory_space<vmem>>, vector<16xi32>,
      %mul3A_145 = arith.constant 16 : i32
      %mul3A_146 = arith.muli %scan3A_43, %mul3A_145 : i32
      %add3A_147 = arith.constant 13904 : i32
      %add3A_148 = arith.addi %add3A_147, %mul3A_146 : i32
      %get3A_149 = arith.index_cast %add3A_148 : i32 to index
      %get3A_150 = tpu.vector_load %arg8[%get3A_149] {strides = array<i32>} : memref<20224xi32, #tpu.memory_space<vmem>>, vector<16xi32>,
      %add3A_151 = arith.addi %get3A_150, %get3A_46 : vector<16xi32>
      %swap3A_152 = arith.index_cast %add3A_148 : i32 to index
      %swap3A_153 = tpu.vector_load %arg8[%swap3A_152] {strides = array<i32>} : memref<20224xi32, #tpu.memory_space<vmem>>, vector<16xi32>,
      tpu.vector_store %arg8[%swap3A_152], %add3A_151 {strides = array<i32>} : memref<20224xi32, #tpu.memory_space<vmem>>, vector<16xi32>,
      %mul3A_154 = arith.constant 16 : i32
      %mul3A_155 = arith.muli %scan3A_43, %mul3A_154 : i32
      %add3A_156 = arith.constant 15168 : i32
      %add3A_157 = arith.addi %add3A_156, %mul3A_155 : i32
      %get3A_158 = arith.index_cast %add3A_157 : i32 to index
      %get3A_159 = tpu.vector_load %arg8[%get3A_158] {strides = array<i32>} : memref<20224xi32, #tpu.memory_space<vmem>>, vector<16xi32>,
      %add3A_160 = arith.addi %get3A_159, %get3A_46 : vector<16xi32>
      %swap3A_161 = arith.index_cast %add3A_157 : i32 to index
      %swap3A_162 = tpu.vector_load %arg8[%swap3A_161] {strides = array<i32>} : memref<20224xi32, #tpu.memory_space<vmem>>, vector<16xi32>,
      tpu.vector_store %arg8[%swap3A_161], %add3A_160 {strides = array<i32>} : memref<20224xi32, #tpu.memory_space<vmem>>, vector<16xi32>,
      %mul3A_163 = arith.constant 16 : i32
      %mul3A_164 = arith.muli %scan3A_43, %mul3A_163 : i32
      %add3A_165 = arith.constant 16432 : i32
      %add3A_166 = arith.addi %add3A_165, %mul3A_164 : i32
      %get3A_167 = arith.index_cast %add3A_166 : i32 to index
      %get3A_168 = tpu.vector_load %arg8[%get3A_167] {strides = array<i32>} : memref<20224xi32, #tpu.memory_space<vmem>>, vector<16xi32>,
      %add3A_169 = arith.addi %get3A_168, %get3A_46 : vector<16xi32>
      %swap3A_170 = arith.index_cast %add3A_166 : i32 to index
      %swap3A_171 = tpu.vector_load %arg8[%swap3A_170] {strides = array<i32>} : memref<20224xi32, #tpu.memory_space<vmem>>, vector<16xi32>,
      tpu.vector_store %arg8[%swap3A_170], %add3A_169 {strides = array<i32>} : memref<20224xi32, #tpu.memory_space<vmem>>, vector<16xi32>,
      %mul3A_172 = arith.constant 16 : i32
      %mul3A_173 = arith.muli %scan3A_43, %mul3A_172 : i32
      %add3A_174 = arith.constant 17696 : i32
      %add3A_175 = arith.addi %add3A_174, %mul3A_173 : i32
      %get3A_176 = arith.index_cast %add3A_175 : i32 to index
      %get3A_177 = tpu.vector_load %arg8[%get3A_176] {strides = array<i32>} : memref<20224xi32, #tpu.memory_space<vmem>>, vector<16xi32>,
      %add3A_178 = arith.addi %get3A_177, %get3A_46 : vector<16xi32>
      %swap3A_179 = arith.index_cast %add3A_175 : i32 to index
      %swap3A_180 = tpu.vector_load %arg8[%swap3A_179] {strides = array<i32>} : memref<20224xi32, #tpu.memory_space<vmem>>, vector<16xi32>,
      tpu.vector_store %arg8[%swap3A_179], %add3A_178 {strides = array<i32>} : memref<20224xi32, #tpu.memory_space<vmem>>, vector<16xi32>,
      %mul3A_181 = arith.constant 16 : i32
      %mul3A_182 = arith.muli %scan3A_43, %mul3A_181 : i32
      %add3A_183 = arith.constant 18960 : i32
      %add3A_184 = arith.addi %add3A_183, %mul3A_182 : i32
      %get3A_185 = arith.index_cast %add3A_184 : i32 to index
      %get3A_186 = tpu.vector_load %arg8[%get3A_185] {strides = array<i32>} : memref<20224xi32, #tpu.memory_space<vmem>>, vector<16xi32>,
      %add3A_187 = arith.addi %get3A_186, %get3A_46 : vector<16xi32>
      %swap3A_188 = arith.index_cast %add3A_184 : i32 to index
      %swap3A_189 = tpu.vector_load %arg8[%swap3A_188] {strides = array<i32>} : memref<20224xi32, #tpu.memory_space<vmem>>, vector<16xi32>,
      tpu.vector_store %arg8[%swap3A_188], %add3A_187 {strides = array<i32>} : memref<20224xi32, #tpu.memory_space<vmem>>, vector<16xi32>,
    }
    %scan3A_34 = arith.constant 79 : i32
    %scan3A_35 = arith.constant 0 : i32
    %scan3A_36 = arith.constant 0 : i32
    %scan3A_37 = arith.constant 320 : i32
    %scan3A_38 = arith.addi %scan3A_36, %scan3A_37 : i32
    %scan3A_39 = arith.constant 1 : i32
    scf.for %scan3A_43 = %scan3A_36 to %scan3A_38 step %scan3A_39  : i32 {
      %mul3A_44 = arith.constant 16 : i32
      %mul3A_45 = arith.muli %scan3A_43, %mul3A_44 : i32
      %get3A = arith.index_cast %mul3A_45 : i32 to index
      %get3A_46 = tpu.vector_load %arg4[%get3A] {strides = array<i32>} : memref<5120xi32, #tpu.memory_space<vmem>>, vector<16xi32>,
      %mul3A_47 = arith.constant 16 : i32
      %mul3A_48 = arith.muli %scan3A_43, %mul3A_47 : i32
      %get3A_49 = arith.index_cast %mul3A_48 : i32 to index
      %get3A_50 = tpu.vector_load %arg5[%get3A_49] {strides = array<i32>} : memref<5120xi32, #tpu.memory_space<vmem>>, vector<16xi32>,
      %mul3A_51 = arith.constant 1264 : i32
      %mul3A_52 = vector.broadcast %mul3A_51 : i32 to vector<16xi32>
      %mul3A_53 = arith.muli %iota3A, %mul3A_52 : vector<16xi32>
      %shift_right_logical3A = arith.constant 3 : i32
      %shift_right_logical3A_54 = vector.broadcast %shift_right_logical3A : i32 to vector<16xi32>
      %shift_right_logical3A_55 = arith.shrui %get3A_46, %shift_right_logical3A_54 : vector<16xi32>
      %add3A_56 = arith.addi %mul3A_53, %shift_right_logical3A_55 : vector<16xi32>
      %gather3A = tpu.vector_load_idx %arg8[%add3A_56] : memref<20224xi32, #tpu.memory_space<vmem>>[vector<16xi32>], vector<16xi32>,
      tpu.vector_store_idx %arg6[%gather3A], %get3A_46 : memref<5120xi32, #tpu.memory_space<vmem>>[vector<16xi32>], vector<16xi32>,
      tpu.vector_store_idx %arg7[%gather3A], %get3A_50 : memref<5120xi32, #tpu.memory_space<vmem>>[vector<16xi32>], vector<16xi32>,
      %add3A_57 = arith.constant 1 : i32
      %add3A_58 = vector.broadcast %add3A_57 : i32 to vector<16xi32>
      %add3A_59 = arith.addi %gather3A, %add3A_58 : vector<16xi32>
      tpu.vector_store_idx %arg8[%add3A_56], %add3A_59 : memref<20224xi32, #tpu.memory_space<vmem>>[vector<16xi32>], vector<16xi32>,
    }
    %scan3A_40 = arith.constant 320 : i32
    %run_scoped3A_41 = arith.constant 0 : i32
    "tpu.region"() ({
      %run_scoped3A_43 = tpu.sem_alloc : memref<!tpu.dma_semaphore, #tpu.memory_space<semaphore_mem>>
      %dma_start3A = tpu.memref_slice %arg3[%run_scoped3A_41, %mul3A_2] : memref<2x163840xi32, #tpu.memory_space<hbm>> -> memref<1x5120xi32, #tpu.memory_space<hbm>>
      %dma_start3A_44 = tpu.memref_squeeze %dma_start3A : memref<1x5120xi32, #tpu.memory_space<hbm>> -> memref<5120xi32, #tpu.memory_space<hbm>>
      %dma_start3A_45 = tpu.memref_slice %arg3[%run_scoped3A_41, %mul3A_2] : memref<2x163840xi32, #tpu.memory_space<hbm>> -> memref<1x5120xi32, #tpu.memory_space<hbm>>
      %dma_start3A_46 = tpu.memref_squeeze %dma_start3A_45 : memref<1x5120xi32, #tpu.memory_space<hbm>> -> memref<5120xi32, #tpu.memory_space<hbm>>
      tpu.enqueue_dma source(%arg6 : memref<5120xi32, #tpu.memory_space<vmem>>) target(%dma_start3A_46 : memref<5120xi32, #tpu.memory_space<hbm>>) target_semaphore(%run_scoped3A_43 : memref<!tpu.dma_semaphore, #tpu.memory_space<semaphore_mem>>)
      %dma_wait3A = tpu.memref_slice %arg3[%run_scoped3A_41, %mul3A_2] : memref<2x163840xi32, #tpu.memory_space<hbm>> -> memref<1x5120xi32, #tpu.memory_space<hbm>>
      %dma_wait3A_47 = tpu.memref_squeeze %dma_wait3A : memref<1x5120xi32, #tpu.memory_space<hbm>> -> memref<5120xi32, #tpu.memory_space<hbm>>
      %dma_wait3A_48 = tpu.memref_slice %arg3[%run_scoped3A_41, %mul3A_2] : memref<2x163840xi32, #tpu.memory_space<hbm>> -> memref<1x5120xi32, #tpu.memory_space<hbm>>
      %dma_wait3A_49 = tpu.memref_squeeze %dma_wait3A_48 : memref<1x5120xi32, #tpu.memory_space<hbm>> -> memref<5120xi32, #tpu.memory_space<hbm>>
      tpu.wait_dma2 semaphore(%run_scoped3A_43 : memref<!tpu.dma_semaphore, #tpu.memory_space<semaphore_mem>>) src(%arg6 : memref<5120xi32, #tpu.memory_space<vmem>>) dst(%dma_wait3A_49 : memref<5120xi32, #tpu.memory_space<hbm>>)
      tpu.yield
    }) : () -> ()
    %run_scoped3A_42 = arith.constant 1 : i32
    "tpu.region"() ({
      %run_scoped3A_43 = tpu.sem_alloc : memref<!tpu.dma_semaphore, #tpu.memory_space<semaphore_mem>>
      %dma_start3A = tpu.memref_slice %arg3[%run_scoped3A_42, %mul3A_2] : memref<2x163840xi32, #tpu.memory_space<hbm>> -> memref<1x5120xi32, #tpu.memory_space<hbm>>
      %dma_start3A_44 = tpu.memref_squeeze %dma_start3A : memref<1x5120xi32, #tpu.memory_space<hbm>> -> memref<5120xi32, #tpu.memory_space<hbm>>
      %dma_start3A_45 = tpu.memref_slice %arg3[%run_scoped3A_42, %mul3A_2] : memref<2x163840xi32, #tpu.memory_space<hbm>> -> memref<1x5120xi32, #tpu.memory_space<hbm>>
      %dma_start3A_46 = tpu.memref_squeeze %dma_start3A_45 : memref<1x5120xi32, #tpu.memory_space<hbm>> -> memref<5120xi32, #tpu.memory_space<hbm>>
      tpu.enqueue_dma source(%arg7 : memref<5120xi32, #tpu.memory_space<vmem>>) target(%dma_start3A_46 : memref<5120xi32, #tpu.memory_space<hbm>>) target_semaphore(%run_scoped3A_43 : memref<!tpu.dma_semaphore, #tpu.memory_space<semaphore_mem>>)
      %dma_wait3A = tpu.memref_slice %arg3[%run_scoped3A_42, %mul3A_2] : memref<2x163840xi32, #tpu.memory_space<hbm>> -> memref<1x5120xi32, #tpu.memory_space<hbm>>
      %dma_wait3A_47 = tpu.memref_squeeze %dma_wait3A : memref<1x5120xi32, #tpu.memory_space<hbm>> -> memref<5120xi32, #tpu.memory_space<hbm>>
      %dma_wait3A_48 = tpu.memref_slice %arg3[%run_scoped3A_42, %mul3A_2] : memref<2x163840xi32, #tpu.memory_space<hbm>> -> memref<1x5120xi32, #tpu.memory_space<hbm>>
      %dma_wait3A_49 = tpu.memref_squeeze %dma_wait3A_48 : memref<1x5120xi32, #tpu.memory_space<hbm>> -> memref<5120xi32, #tpu.memory_space<hbm>>
      tpu.wait_dma2 semaphore(%run_scoped3A_43 : memref<!tpu.dma_semaphore, #tpu.memory_space<semaphore_mem>>) src(%arg7 : memref<5120xi32, #tpu.memory_space<vmem>>) dst(%dma_wait3A_49 : memref<5120xi32, #tpu.memory_space<hbm>>)
      tpu.yield
    }) : () -> ()
    return
  }
}

#map = affine_map<(d0, d1) -> (0, 0, 0)>
#map1 = affine_map<(d0, d1) -> (0, 0)>
module attributes {stable_mosaic.version = 14 : i64} {
  func.func @_agg_kernel(%arg0: i32, %arg1: i32, %arg2: memref<2x1280x128xi32, #tpu.memory_space<hbm>>, %arg3: memref<10000x128xf32, #tpu.memory_space<hbm>>, %arg4: memref<10000x128xf32, #tpu.memory_space<hbm>>, %arg5: memref<10112x128xf32, #tpu.memory_space<hbm>>, %arg6: memref<2x10112x128xf32, #tpu.memory_space<hbm>>, %arg7: memref<2x8x128xi32, #tpu.memory_space<vmem>>, %arg8: memref<128x128xf32, #tpu.memory_space<vmem>>, %arg9: memref<128x128xf32, #tpu.memory_space<vmem>>, %arg10: memref<!tpu.dma_semaphore, #tpu.memory_space<semaphore_mem>>, %arg11: memref<!tpu.dma_semaphore, #tpu.memory_space<semaphore_mem>>, %arg12: memref<!tpu.dma_semaphore, #tpu.memory_space<semaphore_mem>>, %arg13: memref<10112x128xf32, #tpu.memory_space<vmem_shared>>) attributes {dimension_semantics = [#tpu.dimension_semantics<core_parallel>, #tpu.dimension_semantics<subcore_parallel>], iteration_bounds = array<i64: 2, 16>, scalar_prefetch = 0 : i64, scratch_operands = 7 : i64, tpu.core_type = #tpu.core_type<sc_vector_subcore>, window_params = [{transform_indices = #map}, {transform_indices = #map1}, {transform_indices = #map1}, {transform_indices = #map1}, {transform_indices = #map}]} {
    %mul3A = arith.constant 80 : i32
    %mul3A_0 = arith.muli %arg1, %mul3A : i32
    %dma_start3A = arith.constant 0 : i32
    %dma_start3A_1 = arith.constant 0 : i32
    %dma_start3A_2 = tpu.memref_slice %arg2[%dma_start3A, %mul3A_0, %dma_start3A_1] : memref<2x1280x128xi32, #tpu.memory_space<hbm>> -> memref<2x8x128xi32, #tpu.memory_space<hbm>>
    %dma_start3A_3 = arith.constant 0 : i32
    %dma_start3A_4 = arith.constant 0 : i32
    %dma_start3A_5 = tpu.memref_slice %arg2[%dma_start3A_3, %mul3A_0, %dma_start3A_4] : memref<2x1280x128xi32, #tpu.memory_space<hbm>> -> memref<2x8x128xi32, #tpu.memory_space<hbm>>
    tpu.enqueue_dma source(%dma_start3A_5 : memref<2x8x128xi32, #tpu.memory_space<hbm>>) target(%arg7 : memref<2x8x128xi32, #tpu.memory_space<vmem>>) target_semaphore(%arg10 : memref<!tpu.dma_semaphore, #tpu.memory_space<semaphore_mem>>)
    %mul3A_6 = arith.constant 632 : i32
    %mul3A_7 = arith.muli %arg1, %mul3A_6 : i32
    %mul3A_8 = arith.constant 632 : i32
    %mul3A_9 = arith.muli %arg1, %mul3A_8 : i32
    "tpu.region"() ({
      %run_scoped3A = tpu.sem_alloc : memref<!tpu.dma_semaphore, #tpu.memory_space<semaphore_mem>>
      %dma_start3A_22 = arith.constant 0 : i32
      %dma_start3A_23 = tpu.memref_slice %arg13[%mul3A_9, %dma_start3A_22] : memref<10112x128xf32, #tpu.memory_space<vmem_shared>> -> memref<632x128xf32, #tpu.memory_space<vmem_shared>>
      %dma_start3A_24 = arith.constant 0 : i32
      %dma_start3A_25 = tpu.memref_slice %arg5[%mul3A_7, %dma_start3A_24] : memref<10112x128xf32, #tpu.memory_space<hbm>> -> memref<632x128xf32, #tpu.memory_space<hbm>>
      tpu.enqueue_dma source(%dma_start3A_25 : memref<632x128xf32, #tpu.memory_space<hbm>>) target(%dma_start3A_23 : memref<632x128xf32, #tpu.memory_space<vmem_shared>>) target_semaphore(%run_scoped3A : memref<!tpu.dma_semaphore, #tpu.memory_space<semaphore_mem>>)
      %dma_wait3A = arith.constant 0 : i32
      %dma_wait3A_26 = tpu.memref_slice %arg13[%mul3A_9, %dma_wait3A] : memref<10112x128xf32, #tpu.memory_space<vmem_shared>> -> memref<632x128xf32, #tpu.memory_space<vmem_shared>>
      %dma_wait3A_27 = arith.constant 0 : i32
      %dma_wait3A_28 = tpu.memref_slice %arg5[%mul3A_7, %dma_wait3A_27] : memref<10112x128xf32, #tpu.memory_space<hbm>> -> memref<632x128xf32, #tpu.memory_space<hbm>>
      tpu.wait_dma2 semaphore(%run_scoped3A : memref<!tpu.dma_semaphore, #tpu.memory_space<semaphore_mem>>) src(%dma_wait3A_28 : memref<632x128xf32, #tpu.memory_space<hbm>>) dst(%dma_wait3A_26 : memref<632x128xf32, #tpu.memory_space<vmem_shared>>)
      tpu.yield
    }) : () -> ()
    %barrier3A = arith.constant 0 : index
    tpu.barrier barrier_id(%barrier3A)
    %eq3A = arith.constant 0 : i32
    %eq3A_10 = arith.cmpi eq, %arg0, %eq3A : i32
    %convert_element_type3A = arith.extui %eq3A_10 : i1 to i32
    %cond3A = arith.constant 0 : i32
    %cond3A_11 = arith.cmpi ne, %convert_element_type3A, %cond3A : i32
    scf.if %cond3A_11 {
      %scan3A = arith.constant 0 : i32
      %scan3A_22 = arith.constant 0 : i32
      %scan3A_23 = arith.constant 10 : i32
      %scan3A_24 = arith.addi %scan3A_22, %scan3A_23 : i32
      %scan3A_25 = arith.constant 1 : i32
      scf.for %scan3A_32 = %scan3A_22 to %scan3A_24 step %scan3A_25  : i32 {
        %dma_wait3A_33 = arith.constant 0 : i32
        %dma_wait3A_34 = arith.constant 0 : i32
        %dma_wait3A_35 = tpu.memref_slice %arg2[%dma_wait3A_33, %mul3A_0, %dma_wait3A_34] : memref<2x1280x128xi32, #tpu.memory_space<hbm>> -> memref<2x8x128xi32, #tpu.memory_space<hbm>>
        %dma_wait3A_36 = arith.constant 0 : i32
        %dma_wait3A_37 = arith.constant 0 : i32
        %dma_wait3A_38 = tpu.memref_slice %arg2[%dma_wait3A_36, %mul3A_0, %dma_wait3A_37] : memref<2x1280x128xi32, #tpu.memory_space<hbm>> -> memref<2x8x128xi32, #tpu.memory_space<hbm>>
        tpu.wait_dma2 semaphore(%arg10 : memref<!tpu.dma_semaphore, #tpu.memory_space<semaphore_mem>>) src(%dma_wait3A_38 : memref<2x8x128xi32, #tpu.memory_space<hbm>>) dst(%arg7 : memref<2x8x128xi32, #tpu.memory_space<vmem>>)
        %dma_start3A_39 = arith.constant 0 : i32
        %dma_start3A_40 = arith.constant 0 : i32
        %dma_start3A_41 = arith.constant 0 : i32
        %dma_start3A_42 = tpu.memref_slice %arg7[%dma_start3A_39, %dma_start3A_40, %dma_start3A_41] : memref<2x8x128xi32, #tpu.memory_space<vmem>> -> memref<1x1x128xi32, #tpu.memory_space<vmem>>
        %dma_start3A_43 = tpu.memref_squeeze %dma_start3A_42 : memref<1x1x128xi32, #tpu.memory_space<vmem>> -> memref<128xi32, #tpu.memory_space<vmem>>
        %dma_start3A_44 = arith.constant 0 : i32
        %dma_start3A_45 = arith.constant 0 : i32
        %dma_start3A_46 = tpu.memref_slice %arg3[%dma_start3A_44, %dma_start3A_45] : memref<10000x128xf32, #tpu.memory_space<hbm>> -> memref<10000x128xf32, #tpu.memory_space<hbm>>
        tpu.enqueue_indirect_dma source(%dma_start3A_46 : memref<10000x128xf32, #tpu.memory_space<hbm>>) target(%arg8 : memref<128x128xf32, #tpu.memory_space<vmem>>) offsets(%dma_start3A_43 : memref<128xi32, #tpu.memory_space<vmem>>) semaphore(%arg11 : memref<!tpu.dma_semaphore, #tpu.memory_space<semaphore_mem>>)
        %dma_start3A_47 = arith.constant 0 : i32
        %dma_start3A_48 = arith.constant 1 : i32
        %dma_start3A_49 = arith.constant 0 : i32
        %dma_start3A_50 = tpu.memref_slice %arg7[%dma_start3A_47, %dma_start3A_48, %dma_start3A_49] : memref<2x8x128xi32, #tpu.memory_space<vmem>> -> memref<1x1x128xi32, #tpu.memory_space<vmem>>
        %dma_start3A_51 = tpu.memref_squeeze %dma_start3A_50 : memref<1x1x128xi32, #tpu.memory_space<vmem>> -> memref<128xi32, #tpu.memory_space<vmem>>
        %dma_start3A_52 = arith.constant 0 : i32
        %dma_start3A_53 = arith.constant 0 : i32
        %dma_start3A_54 = tpu.memref_slice %arg3[%dma_start3A_52, %dma_start3A_53] : memref<10000x128xf32, #tpu.memory_space<hbm>> -> memref<10000x128xf32, #tpu.memory_space<hbm>>
        tpu.enqueue_indirect_dma source(%dma_start3A_54 : memref<10000x128xf32, #tpu.memory_space<hbm>>) target(%arg9 : memref<128x128xf32, #tpu.memory_space<vmem>>) offsets(%dma_start3A_51 : memref<128xi32, #tpu.memory_space<vmem>>) semaphore(%arg12 : memref<!tpu.dma_semaphore, #tpu.memory_space<semaphore_mem>>)
        %dma_wait3A_55 = arith.constant 0 : i32
        %dma_wait3A_56 = arith.constant 0 : i32
        %dma_wait3A_57 = arith.constant 0 : i32
        %dma_wait3A_58 = tpu.memref_slice %arg7[%dma_wait3A_55, %dma_wait3A_56, %dma_wait3A_57] : memref<2x8x128xi32, #tpu.memory_space<vmem>> -> memref<1x1x128xi32, #tpu.memory_space<vmem>>
        %dma_wait3A_59 = tpu.memref_squeeze %dma_wait3A_58 : memref<1x1x128xi32, #tpu.memory_space<vmem>> -> memref<128xi32, #tpu.memory_space<vmem>>
        %dma_wait3A_60 = arith.constant 0 : i32
        %dma_wait3A_61 = arith.constant 0 : i32
        %dma_wait3A_62 = tpu.memref_slice %arg3[%dma_wait3A_60, %dma_wait3A_61] : memref<10000x128xf32, #tpu.memory_space<hbm>> -> memref<10000x128xf32, #tpu.memory_space<hbm>>
        tpu.wait_indirect_dma semaphore(%arg11 : memref<!tpu.dma_semaphore, #tpu.memory_space<semaphore_mem>>) src(%dma_wait3A_62 : memref<10000x128xf32, #tpu.memory_space<hbm>>) dst(%arg8 : memref<128x128xf32, #tpu.memory_space<vmem>>)
        %run_scoped3A = arith.constant 1 : i32
        %run_scoped3A_63 = arith.constant 0 : i32
        "tpu.region"() ({
          %run_scoped3A_193 = tpu.sem_alloc : memref<!tpu.dma_semaphore, #tpu.memory_space<semaphore_mem>>
          %dma_start3A_194 = arith.constant 0 : i32
          %dma_start3A_195 = tpu.memref_slice %arg7[%run_scoped3A, %run_scoped3A_63, %dma_start3A_194] : memref<2x8x128xi32, #tpu.memory_space<vmem>> -> memref<1x1x128xi32, #tpu.memory_space<vmem>>
          %dma_start3A_196 = tpu.memref_squeeze %dma_start3A_195 : memref<1x1x128xi32, #tpu.memory_space<vmem>> -> memref<128xi32, #tpu.memory_space<vmem>>
          %dma_start3A_197 = arith.constant 0 : i32
          %dma_start3A_198 = arith.constant 0 : i32
          %dma_start3A_199 = tpu.memref_slice %arg13[%dma_start3A_197, %dma_start3A_198] : memref<10112x128xf32, #tpu.memory_space<vmem_shared>> -> memref<10112x128xf32, #tpu.memory_space<vmem_shared>>
          tpu.enqueue_indirect_dma source(%arg8 : memref<128x128xf32, #tpu.memory_space<vmem>>) target(%dma_start3A_199 : memref<10112x128xf32, #tpu.memory_space<vmem_shared>>) offsets(%dma_start3A_196 : memref<128xi32, #tpu.memory_space<vmem>>) semaphore(%run_scoped3A_193 : memref<!tpu.dma_semaphore, #tpu.memory_space<semaphore_mem>>) {add = true}
          %dma_wait3A_200 = arith.constant 0 : i32
          %dma_wait3A_201 = tpu.memref_slice %arg7[%run_scoped3A, %run_scoped3A_63, %dma_wait3A_200] : memref<2x8x128xi32, #tpu.memory_space<vmem>> -> memref<1x1x128xi32, #tpu.memory_space<vmem>>
          %dma_wait3A_202 = tpu.memref_squeeze %dma_wait3A_201 : memref<1x1x128xi32, #tpu.memory_space<vmem>> -> memref<128xi32, #tpu.memory_space<vmem>>
          %dma_wait3A_203 = arith.constant 0 : i32
          %dma_wait3A_204 = arith.constant 0 : i32
          %dma_wait3A_205 = tpu.memref_slice %arg13[%dma_wait3A_203, %dma_wait3A_204] : memref<10112x128xf32, #tpu.memory_space<vmem_shared>> -> memref<10112x128xf32, #tpu.memory_space<vmem_shared>>
          tpu.wait_indirect_dma semaphore(%run_scoped3A_193 : memref<!tpu.dma_semaphore, #tpu.memory_space<semaphore_mem>>) src(%arg8 : memref<128x128xf32, #tpu.memory_space<vmem>>) dst(%dma_wait3A_205 : memref<10112x128xf32, #tpu.memory_space<vmem_shared>>)
          tpu.yield
        }) : () -> ()
        %dma_start3A_64 = arith.constant 0 : i32
        %dma_start3A_65 = arith.constant 2 : i32
        %dma_start3A_66 = arith.constant 0 : i32
        %dma_start3A_67 = tpu.memref_slice %arg7[%dma_start3A_64, %dma_start3A_65, %dma_start3A_66] : memref<2x8x128xi32, #tpu.memory_space<vmem>> -> memref<1x1x128xi32, #tpu.memory_space<vmem>>
        %dma_start3A_68 = tpu.memref_squeeze %dma_start3A_67 : memref<1x1x128xi32, #tpu.memory_space<vmem>> -> memref<128xi32, #tpu.memory_space<vmem>>
        %dma_start3A_69 = arith.constant 0 : i32
        %dma_start3A_70 = arith.constant 0 : i32
        %dma_start3A_71 = tpu.memref_slice %arg3[%dma_start3A_69, %dma_start3A_70] : memref<10000x128xf32, #tpu.memory_space<hbm>> -> memref<10000x128xf32, #tpu.memory_space<hbm>>
        tpu.enqueue_indirect_dma source(%dma_start3A_71 : memref<10000x128xf32, #tpu.memory_space<hbm>>) target(%arg8 : memref<128x128xf32, #tpu.memory_space<vmem>>) offsets(%dma_start3A_68 : memref<128xi32, #tpu.memory_space<vmem>>) semaphore(%arg11 : memref<!tpu.dma_semaphore, #tpu.memory_space<semaphore_mem>>)
        %dma_wait3A_72 = arith.constant 0 : i32
        %dma_wait3A_73 = arith.constant 0 : i32
        %dma_wait3A_74 = arith.constant 0 : i32
        %dma_wait3A_75 = tpu.memref_slice %arg7[%dma_wait3A_72, %dma_wait3A_73, %dma_wait3A_74] : memref<2x8x128xi32, #tpu.memory_space<vmem>> -> memref<1x1x128xi32, #tpu.memory_space<vmem>>
        %dma_wait3A_76 = tpu.memref_squeeze %dma_wait3A_75 : memref<1x1x128xi32, #tpu.memory_space<vmem>> -> memref<128xi32, #tpu.memory_space<vmem>>
        %dma_wait3A_77 = arith.constant 0 : i32
        %dma_wait3A_78 = arith.constant 0 : i32
        %dma_wait3A_79 = tpu.memref_slice %arg3[%dma_wait3A_77, %dma_wait3A_78] : memref<10000x128xf32, #tpu.memory_space<hbm>> -> memref<10000x128xf32, #tpu.memory_space<hbm>>
        tpu.wait_indirect_dma semaphore(%arg12 : memref<!tpu.dma_semaphore, #tpu.memory_space<semaphore_mem>>) src(%dma_wait3A_79 : memref<10000x128xf32, #tpu.memory_space<hbm>>) dst(%arg9 : memref<128x128xf32, #tpu.memory_space<vmem>>)
        %run_scoped3A_80 = arith.constant 1 : i32
        %run_scoped3A_81 = arith.constant 1 : i32
        "tpu.region"() ({
          %run_scoped3A_193 = tpu.sem_alloc : memref<!tpu.dma_semaphore, #tpu.memory_space<semaphore_mem>>
          %dma_start3A_194 = arith.constant 0 : i32
          %dma_start3A_195 = tpu.memref_slice %arg7[%run_scoped3A_80, %run_scoped3A_81, %dma_start3A_194] : memref<2x8x128xi32, #tpu.memory_space<vmem>> -> memref<1x1x128xi32, #tpu.memory_space<vmem>>
          %dma_start3A_196 = tpu.memref_squeeze %dma_start3A_195 : memref<1x1x128xi32, #tpu.memory_space<vmem>> -> memref<128xi32, #tpu.memory_space<vmem>>
          %dma_start3A_197 = arith.constant 0 : i32
          %dma_start3A_198 = arith.constant 0 : i32
          %dma_start3A_199 = tpu.memref_slice %arg13[%dma_start3A_197, %dma_start3A_198] : memref<10112x128xf32, #tpu.memory_space<vmem_shared>> -> memref<10112x128xf32, #tpu.memory_space<vmem_shared>>
          tpu.enqueue_indirect_dma source(%arg9 : memref<128x128xf32, #tpu.memory_space<vmem>>) target(%dma_start3A_199 : memref<10112x128xf32, #tpu.memory_space<vmem_shared>>) offsets(%dma_start3A_196 : memref<128xi32, #tpu.memory_space<vmem>>) semaphore(%run_scoped3A_193 : memref<!tpu.dma_semaphore, #tpu.memory_space<semaphore_mem>>) {add = true}
          %dma_wait3A_200 = arith.constant 0 : i32
          %dma_wait3A_201 = tpu.memref_slice %arg7[%run_scoped3A_80, %run_scoped3A_81, %dma_wait3A_200] : memref<2x8x128xi32, #tpu.memory_space<vmem>> -> memref<1x1x128xi32, #tpu.memory_space<vmem>>
          %dma_wait3A_202 = tpu.memref_squeeze %dma_wait3A_201 : memref<1x1x128xi32, #tpu.memory_space<vmem>> -> memref<128xi32, #tpu.memory_space<vmem>>
          %dma_wait3A_203 = arith.constant 0 : i32
          %dma_wait3A_204 = arith.constant 0 : i32
          %dma_wait3A_205 = tpu.memref_slice %arg13[%dma_wait3A_203, %dma_wait3A_204] : memref<10112x128xf32, #tpu.memory_space<vmem_shared>> -> memref<10112x128xf32, #tpu.memory_space<vmem_shared>>
          tpu.wait_indirect_dma semaphore(%run_scoped3A_193 : memref<!tpu.dma_semaphore, #tpu.memory_space<semaphore_mem>>) src(%arg9 : memref<128x128xf32, #tpu.memory_space<vmem>>) dst(%dma_wait3A_205 : memref<10112x128xf32, #tpu.memory_space<vmem_shared>>)
          tpu.yield
        }) : () -> ()
        %dma_start3A_82 = arith.constant 0 : i32
        %dma_start3A_83 = arith.constant 3 : i32
        %dma_start3A_84 = arith.constant 0 : i32
        %dma_start3A_85 = tpu.memref_slice %arg7[%dma_start3A_82, %dma_start3A_83, %dma_start3A_84] : memref<2x8x128xi32, #tpu.memory_space<vmem>> -> memref<1x1x128xi32, #tpu.memory_space<vmem>>
        %dma_start3A_86 = tpu.memref_squeeze %dma_start3A_85 : memref<1x1x128xi32, #tpu.memory_space<vmem>> -> memref<128xi32, #tpu.memory_space<vmem>>
        %dma_start3A_87 = arith.constant 0 : i32
        %dma_start3A_88 = arith.constant 0 : i32
        %dma_start3A_89 = tpu.memref_slice %arg3[%dma_start3A_87, %dma_start3A_88] : memref<10000x128xf32, #tpu.memory_space<hbm>> -> memref<10000x128xf32, #tpu.memory_space<hbm>>
        tpu.enqueue_indirect_dma source(%dma_start3A_89 : memref<10000x128xf32, #tpu.memory_space<hbm>>) target(%arg9 : memref<128x128xf32, #tpu.memory_space<vmem>>) offsets(%dma_start3A_86 : memref<128xi32, #tpu.memory_space<vmem>>) semaphore(%arg12 : memref<!tpu.dma_semaphore, #tpu.memory_space<semaphore_mem>>)
        %dma_wait3A_90 = arith.constant 0 : i32
        %dma_wait3A_91 = arith.constant 0 : i32
        %dma_wait3A_92 = arith.constant 0 : i32
        %dma_wait3A_93 = tpu.memref_slice %arg7[%dma_wait3A_90, %dma_wait3A_91, %dma_wait3A_92] : memref<2x8x128xi32, #tpu.memory_space<vmem>> -> memref<1x1x128xi32, #tpu.memory_space<vmem>>
        %dma_wait3A_94 = tpu.memref_squeeze %dma_wait3A_93 : memref<1x1x128xi32, #tpu.memory_space<vmem>> -> memref<128xi32, #tpu.memory_space<vmem>>
        %dma_wait3A_95 = arith.constant 0 : i32
        %dma_wait3A_96 = arith.constant 0 : i32
        %dma_wait3A_97 = tpu.memref_slice %arg3[%dma_wait3A_95, %dma_wait3A_96] : memref<10000x128xf32, #tpu.memory_space<hbm>> -> memref<10000x128xf32, #tpu.memory_space<hbm>>
        tpu.wait_indirect_dma semaphore(%arg11 : memref<!tpu.dma_semaphore, #tpu.memory_space<semaphore_mem>>) src(%dma_wait3A_97 : memref<10000x128xf32, #tpu.memory_space<hbm>>) dst(%arg8 : memref<128x128xf32, #tpu.memory_space<vmem>>)
        %run_scoped3A_98 = arith.constant 1 : i32
        %run_scoped3A_99 = arith.constant 2 : i32
        "tpu.region"() ({
          %run_scoped3A_193 = tpu.sem_alloc : memref<!tpu.dma_semaphore, #tpu.memory_space<semaphore_mem>>
          %dma_start3A_194 = arith.constant 0 : i32
          %dma_start3A_195 = tpu.memref_slice %arg7[%run_scoped3A_98, %run_scoped3A_99, %dma_start3A_194] : memref<2x8x128xi32, #tpu.memory_space<vmem>> -> memref<1x1x128xi32, #tpu.memory_space<vmem>>
          %dma_start3A_196 = tpu.memref_squeeze %dma_start3A_195 : memref<1x1x128xi32, #tpu.memory_space<vmem>> -> memref<128xi32, #tpu.memory_space<vmem>>
          %dma_start3A_197 = arith.constant 0 : i32
          %dma_start3A_198 = arith.constant 0 : i32
          %dma_start3A_199 = tpu.memref_slice %arg13[%dma_start3A_197, %dma_start3A_198] : memref<10112x128xf32, #tpu.memory_space<vmem_shared>> -> memref<10112x128xf32, #tpu.memory_space<vmem_shared>>
          tpu.enqueue_indirect_dma source(%arg8 : memref<128x128xf32, #tpu.memory_space<vmem>>) target(%dma_start3A_199 : memref<10112x128xf32, #tpu.memory_space<vmem_shared>>) offsets(%dma_start3A_196 : memref<128xi32, #tpu.memory_space<vmem>>) semaphore(%run_scoped3A_193 : memref<!tpu.dma_semaphore, #tpu.memory_space<semaphore_mem>>) {add = true}
          %dma_wait3A_200 = arith.constant 0 : i32
          %dma_wait3A_201 = tpu.memref_slice %arg7[%run_scoped3A_98, %run_scoped3A_99, %dma_wait3A_200] : memref<2x8x128xi32, #tpu.memory_space<vmem>> -> memref<1x1x128xi32, #tpu.memory_space<vmem>>
          %dma_wait3A_202 = tpu.memref_squeeze %dma_wait3A_201 : memref<1x1x128xi32, #tpu.memory_space<vmem>> -> memref<128xi32, #tpu.memory_space<vmem>>
          %dma_wait3A_203 = arith.constant 0 : i32
          %dma_wait3A_204 = arith.constant 0 : i32
          %dma_wait3A_205 = tpu.memref_slice %arg13[%dma_wait3A_203, %dma_wait3A_204] : memref<10112x128xf32, #tpu.memory_space<vmem_shared>> -> memref<10112x128xf32, #tpu.memory_space<vmem_shared>>
          tpu.wait_indirect_dma semaphore(%run_scoped3A_193 : memref<!tpu.dma_semaphore, #tpu.memory_space<semaphore_mem>>) src(%arg8 : memref<128x128xf32, #tpu.memory_space<vmem>>) dst(%dma_wait3A_205 : memref<10112x128xf32, #tpu.memory_space<vmem_shared>>)
          tpu.yield
        }) : () -> ()
        %dma_start3A_100 = arith.constant 0 : i32
        %dma_start3A_101 = arith.constant 4 : i32
        %dma_start3A_102 = arith.constant 0 : i32
        %dma_start3A_103 = tpu.memref_slice %arg7[%dma_start3A_100, %dma_start3A_101, %dma_start3A_102] : memref<2x8x128xi32, #tpu.memory_space<vmem>> -> memref<1x1x128xi32, #tpu.memory_space<vmem>>
        %dma_start3A_104 = tpu.memref_squeeze %dma_start3A_103 : memref<1x1x128xi32, #tpu.memory_space<vmem>> -> memref<128xi32, #tpu.memory_space<vmem>>
        %dma_start3A_105 = arith.constant 0 : i32
        %dma_start3A_106 = arith.constant 0 : i32
        %dma_start3A_107 = tpu.memref_slice %arg3[%dma_start3A_105, %dma_start3A_106] : memref<10000x128xf32, #tpu.memory_space<hbm>> -> memref<10000x128xf32, #tpu.memory_space<hbm>>
        tpu.enqueue_indirect_dma source(%dma_start3A_107 : memref<10000x128xf32, #tpu.memory_space<hbm>>) target(%arg8 : memref<128x128xf32, #tpu.memory_space<vmem>>) offsets(%dma_start3A_104 : memref<128xi32, #tpu.memory_space<vmem>>) semaphore(%arg11 : memref<!tpu.dma_semaphore, #tpu.memory_space<semaphore_mem>>)
        %dma_wait3A_108 = arith.constant 0 : i32
        %dma_wait3A_109 = arith.constant 0 : i32
        %dma_wait3A_110 = arith.constant 0 : i32
        %dma_wait3A_111 = tpu.memref_slice %arg7[%dma_wait3A_108, %dma_wait3A_109, %dma_wait3A_110] : memref<2x8x128xi32, #tpu.memory_space<vmem>> -> memref<1x1x128xi32, #tpu.memory_space<vmem>>
        %dma_wait3A_112 = tpu.memref_squeeze %dma_wait3A_111 : memref<1x1x128xi32, #tpu.memory_space<vmem>> -> memref<128xi32, #tpu.memory_space<vmem>>
        %dma_wait3A_113 = arith.constant 0 : i32
        %dma_wait3A_114 = arith.constant 0 : i32
        %dma_wait3A_115 = tpu.memref_slice %arg3[%dma_wait3A_113, %dma_wait3A_114] : memref<10000x128xf32, #tpu.memory_space<hbm>> -> memref<10000x128xf32, #tpu.memory_space<hbm>>
        tpu.wait_indirect_dma semaphore(%arg12 : memref<!tpu.dma_semaphore, #tpu.memory_space<semaphore_mem>>) src(%dma_wait3A_115 : memref<10000x128xf32, #tpu.memory_space<hbm>>) dst(%arg9 : memref<128x128xf32, #tpu.memory_space<vmem>>)
        %run_scoped3A_116 = arith.constant 1 : i32
        %run_scoped3A_117 = arith.constant 3 : i32
        "tpu.region"() ({
          %run_scoped3A_193 = tpu.sem_alloc : memref<!tpu.dma_semaphore, #tpu.memory_space<semaphore_mem>>
          %dma_start3A_194 = arith.constant 0 : i32
          %dma_start3A_195 = tpu.memref_slice %arg7[%run_scoped3A_116, %run_scoped3A_117, %dma_start3A_194] : memref<2x8x128xi32, #tpu.memory_space<vmem>> -> memref<1x1x128xi32, #tpu.memory_space<vmem>>
          %dma_start3A_196 = tpu.memref_squeeze %dma_start3A_195 : memref<1x1x128xi32, #tpu.memory_space<vmem>> -> memref<128xi32, #tpu.memory_space<vmem>>
          %dma_start3A_197 = arith.constant 0 : i32
          %dma_start3A_198 = arith.constant 0 : i32
          %dma_start3A_199 = tpu.memref_slice %arg13[%dma_start3A_197, %dma_start3A_198] : memref<10112x128xf32, #tpu.memory_space<vmem_shared>> -> memref<10112x128xf32, #tpu.memory_space<vmem_shared>>
          tpu.enqueue_indirect_dma source(%arg9 : memref<128x128xf32, #tpu.memory_space<vmem>>) target(%dma_start3A_199 : memref<10112x128xf32, #tpu.memory_space<vmem_shared>>) offsets(%dma_start3A_196 : memref<128xi32, #tpu.memory_space<vmem>>) semaphore(%run_scoped3A_193 : memref<!tpu.dma_semaphore, #tpu.memory_space<semaphore_mem>>) {add = true}
          %dma_wait3A_200 = arith.constant 0 : i32
          %dma_wait3A_201 = tpu.memref_slice %arg7[%run_scoped3A_116, %run_scoped3A_117, %dma_wait3A_200] : memref<2x8x128xi32, #tpu.memory_space<vmem>> -> memref<1x1x128xi32, #tpu.memory_space<vmem>>
          %dma_wait3A_202 = tpu.memref_squeeze %dma_wait3A_201 : memref<1x1x128xi32, #tpu.memory_space<vmem>> -> memref<128xi32, #tpu.memory_space<vmem>>
          %dma_wait3A_203 = arith.constant 0 : i32
          %dma_wait3A_204 = arith.constant 0 : i32
          %dma_wait3A_205 = tpu.memref_slice %arg13[%dma_wait3A_203, %dma_wait3A_204] : memref<10112x128xf32, #tpu.memory_space<vmem_shared>> -> memref<10112x128xf32, #tpu.memory_space<vmem_shared>>
          tpu.wait_indirect_dma semaphore(%run_scoped3A_193 : memref<!tpu.dma_semaphore, #tpu.memory_space<semaphore_mem>>) src(%arg9 : memref<128x128xf32, #tpu.memory_space<vmem>>) dst(%dma_wait3A_205 : memref<10112x128xf32, #tpu.memory_space<vmem_shared>>)
          tpu.yield
        }) : () -> ()
        %dma_start3A_118 = arith.constant 0 : i32
        %dma_start3A_119 = arith.constant 5 : i32
        %dma_start3A_120 = arith.constant 0 : i32
        %dma_start3A_121 = tpu.memref_slice %arg7[%dma_start3A_118, %dma_start3A_119, %dma_start3A_120] : memref<2x8x128xi32, #tpu.memory_space<vmem>> -> memref<1x1x128xi32, #tpu.memory_space<vmem>>
        %dma_start3A_122 = tpu.memref_squeeze %dma_start3A_121 : memref<1x1x128xi32, #tpu.memory_space<vmem>> -> memref<128xi32, #tpu.memory_space<vmem>>
        %dma_start3A_123 = arith.constant 0 : i32
        %dma_start3A_124 = arith.constant 0 : i32
        %dma_start3A_125 = tpu.memref_slice %arg3[%dma_start3A_123, %dma_start3A_124] : memref<10000x128xf32, #tpu.memory_space<hbm>> -> memref<10000x128xf32, #tpu.memory_space<hbm>>
        tpu.enqueue_indirect_dma source(%dma_start3A_125 : memref<10000x128xf32, #tpu.memory_space<hbm>>) target(%arg9 : memref<128x128xf32, #tpu.memory_space<vmem>>) offsets(%dma_start3A_122 : memref<128xi32, #tpu.memory_space<vmem>>) semaphore(%arg12 : memref<!tpu.dma_semaphore, #tpu.memory_space<semaphore_mem>>)
        %dma_wait3A_126 = arith.constant 0 : i32
        %dma_wait3A_127 = arith.constant 0 : i32
        %dma_wait3A_128 = arith.constant 0 : i32
        %dma_wait3A_129 = tpu.memref_slice %arg7[%dma_wait3A_126, %dma_wait3A_127, %dma_wait3A_128] : memref<2x8x128xi32, #tpu.memory_space<vmem>> -> memref<1x1x128xi32, #tpu.memory_space<vmem>>
        %dma_wait3A_130 = tpu.memref_squeeze %dma_wait3A_129 : memref<1x1x128xi32, #tpu.memory_space<vmem>> -> memref<128xi32, #tpu.memory_space<vmem>>
        %dma_wait3A_131 = arith.constant 0 : i32
        %dma_wait3A_132 = arith.constant 0 : i32
        %dma_wait3A_133 = tpu.memref_slice %arg3[%dma_wait3A_131, %dma_wait3A_132] : memref<10000x128xf32, #tpu.memory_space<hbm>> -> memref<10000x128xf32, #tpu.memory_space<hbm>>
        tpu.wait_indirect_dma semaphore(%arg11 : memref<!tpu.dma_semaphore, #tpu.memory_space<semaphore_mem>>) src(%dma_wait3A_133 : memref<10000x128xf32, #tpu.memory_space<hbm>>) dst(%arg8 : memref<128x128xf32, #tpu.memory_space<vmem>>)
        %run_scoped3A_134 = arith.constant 1 : i32
        %run_scoped3A_135 = arith.constant 4 : i32
        "tpu.region"() ({
          %run_scoped3A_193 = tpu.sem_alloc : memref<!tpu.dma_semaphore, #tpu.memory_space<semaphore_mem>>
          %dma_start3A_194 = arith.constant 0 : i32
          %dma_start3A_195 = tpu.memref_slice %arg7[%run_scoped3A_134, %run_scoped3A_135, %dma_start3A_194] : memref<2x8x128xi32, #tpu.memory_space<vmem>> -> memref<1x1x128xi32, #tpu.memory_space<vmem>>
          %dma_start3A_196 = tpu.memref_squeeze %dma_start3A_195 : memref<1x1x128xi32, #tpu.memory_space<vmem>> -> memref<128xi32, #tpu.memory_space<vmem>>
          %dma_start3A_197 = arith.constant 0 : i32
          %dma_start3A_198 = arith.constant 0 : i32
          %dma_start3A_199 = tpu.memref_slice %arg13[%dma_start3A_197, %dma_start3A_198] : memref<10112x128xf32, #tpu.memory_space<vmem_shared>> -> memref<10112x128xf32, #tpu.memory_space<vmem_shared>>
          tpu.enqueue_indirect_dma source(%arg8 : memref<128x128xf32, #tpu.memory_space<vmem>>) target(%dma_start3A_199 : memref<10112x128xf32, #tpu.memory_space<vmem_shared>>) offsets(%dma_start3A_196 : memref<128xi32, #tpu.memory_space<vmem>>) semaphore(%run_scoped3A_193 : memref<!tpu.dma_semaphore, #tpu.memory_space<semaphore_mem>>) {add = true}
          %dma_wait3A_200 = arith.constant 0 : i32
          %dma_wait3A_201 = tpu.memref_slice %arg7[%run_scoped3A_134, %run_scoped3A_135, %dma_wait3A_200] : memref<2x8x128xi32, #tpu.memory_space<vmem>> -> memref<1x1x128xi32, #tpu.memory_space<vmem>>
          %dma_wait3A_202 = tpu.memref_squeeze %dma_wait3A_201 : memref<1x1x128xi32, #tpu.memory_space<vmem>> -> memref<128xi32, #tpu.memory_space<vmem>>
          %dma_wait3A_203 = arith.constant 0 : i32
          %dma_wait3A_204 = arith.constant 0 : i32
          %dma_wait3A_205 = tpu.memref_slice %arg13[%dma_wait3A_203, %dma_wait3A_204] : memref<10112x128xf32, #tpu.memory_space<vmem_shared>> -> memref<10112x128xf32, #tpu.memory_space<vmem_shared>>
          tpu.wait_indirect_dma semaphore(%run_scoped3A_193 : memref<!tpu.dma_semaphore, #tpu.memory_space<semaphore_mem>>) src(%arg8 : memref<128x128xf32, #tpu.memory_space<vmem>>) dst(%dma_wait3A_205 : memref<10112x128xf32, #tpu.memory_space<vmem_shared>>)
          tpu.yield
        }) : () -> ()
        %dma_start3A_136 = arith.constant 0 : i32
        %dma_start3A_137 = arith.constant 6 : i32
        %dma_start3A_138 = arith.constant 0 : i32
        %dma_start3A_139 = tpu.memref_slice %arg7[%dma_start3A_136, %dma_start3A_137, %dma_start3A_138] : memref<2x8x128xi32, #tpu.memory_space<vmem>> -> memref<1x1x128xi32, #tpu.memory_space<vmem>>
        %dma_start3A_140 = tpu.memref_squeeze %dma_start3A_139 : memref<1x1x128xi32, #tpu.memory_space<vmem>> -> memref<128xi32, #tpu.memory_space<vmem>>
        %dma_start3A_141 = arith.constant 0 : i32
        %dma_start3A_142 = arith.constant 0 : i32
        %dma_start3A_143 = tpu.memref_slice %arg3[%dma_start3A_141, %dma_start3A_142] : memref<10000x128xf32, #tpu.memory_space<hbm>> -> memref<10000x128xf32, #tpu.memory_space<hbm>>
        tpu.enqueue_indirect_dma source(%dma_start3A_143 : memref<10000x128xf32, #tpu.memory_space<hbm>>) target(%arg8 : memref<128x128xf32, #tpu.memory_space<vmem>>) offsets(%dma_start3A_140 : memref<128xi32, #tpu.memory_space<vmem>>) semaphore(%arg11 : memref<!tpu.dma_semaphore, #tpu.memory_space<semaphore_mem>>)
        %dma_wait3A_144 = arith.constant 0 : i32
        %dma_wait3A_145 = arith.constant 0 : i32
        %dma_wait3A_146 = arith.constant 0 : i32
        %dma_wait3A_147 = tpu.memref_slice %arg7[%dma_wait3A_144, %dma_wait3A_145, %dma_wait3A_146] : memref<2x8x128xi32, #tpu.memory_space<vmem>> -> memref<1x1x128xi32, #tpu.memory_space<vmem>>
        %dma_wait3A_148 = tpu.memref_squeeze %dma_wait3A_147 : memref<1x1x128xi32, #tpu.memory_space<vmem>> -> memref<128xi32, #tpu.memory_space<vmem>>
        %dma_wait3A_149 = arith.constant 0 : i32
        %dma_wait3A_150 = arith.constant 0 : i32
        %dma_wait3A_151 = tpu.memref_slice %arg3[%dma_wait3A_149, %dma_wait3A_150] : memref<10000x128xf32, #tpu.memory_space<hbm>> -> memref<10000x128xf32, #tpu.memory_space<hbm>>
        tpu.wait_indirect_dma semaphore(%arg12 : memref<!tpu.dma_semaphore, #tpu.memory_space<semaphore_mem>>) src(%dma_wait3A_151 : memref<10000x128xf32, #tpu.memory_space<hbm>>) dst(%arg9 : memref<128x128xf32, #tpu.memory_space<vmem>>)
        %run_scoped3A_152 = arith.constant 1 : i32
        %run_scoped3A_153 = arith.constant 5 : i32
        "tpu.region"() ({
          %run_scoped3A_193 = tpu.sem_alloc : memref<!tpu.dma_semaphore, #tpu.memory_space<semaphore_mem>>
          %dma_start3A_194 = arith.constant 0 : i32
          %dma_start3A_195 = tpu.memref_slice %arg7[%run_scoped3A_152, %run_scoped3A_153, %dma_start3A_194] : memref<2x8x128xi32, #tpu.memory_space<vmem>> -> memref<1x1x128xi32, #tpu.memory_space<vmem>>
          %dma_start3A_196 = tpu.memref_squeeze %dma_start3A_195 : memref<1x1x128xi32, #tpu.memory_space<vmem>> -> memref<128xi32, #tpu.memory_space<vmem>>
          %dma_start3A_197 = arith.constant 0 : i32
          %dma_start3A_198 = arith.constant 0 : i32
          %dma_start3A_199 = tpu.memref_slice %arg13[%dma_start3A_197, %dma_start3A_198] : memref<10112x128xf32, #tpu.memory_space<vmem_shared>> -> memref<10112x128xf32, #tpu.memory_space<vmem_shared>>
          tpu.enqueue_indirect_dma source(%arg9 : memref<128x128xf32, #tpu.memory_space<vmem>>) target(%dma_start3A_199 : memref<10112x128xf32, #tpu.memory_space<vmem_shared>>) offsets(%dma_start3A_196 : memref<128xi32, #tpu.memory_space<vmem>>) semaphore(%run_scoped3A_193 : memref<!tpu.dma_semaphore, #tpu.memory_space<semaphore_mem>>) {add = true}
          %dma_wait3A_200 = arith.constant 0 : i32
          %dma_wait3A_201 = tpu.memref_slice %arg7[%run_scoped3A_152, %run_scoped3A_153, %dma_wait3A_200] : memref<2x8x128xi32, #tpu.memory_space<vmem>> -> memref<1x1x128xi32, #tpu.memory_space<vmem>>
          %dma_wait3A_202 = tpu.memref_squeeze %dma_wait3A_201 : memref<1x1x128xi32, #tpu.memory_space<vmem>> -> memref<128xi32, #tpu.memory_space<vmem>>
          %dma_wait3A_203 = arith.constant 0 : i32
          %dma_wait3A_204 = arith.constant 0 : i32
          %dma_wait3A_205 = tpu.memref_slice %arg13[%dma_wait3A_203, %dma_wait3A_204] : memref<10112x128xf32, #tpu.memory_space<vmem_shared>> -> memref<10112x128xf32, #tpu.memory_space<vmem_shared>>
          tpu.wait_indirect_dma semaphore(%run_scoped3A_193 : memref<!tpu.dma_semaphore, #tpu.memory_space<semaphore_mem>>) src(%arg9 : memref<128x128xf32, #tpu.memory_space<vmem>>) dst(%dma_wait3A_205 : memref<10112x128xf32, #tpu.memory_space<vmem_shared>>)
          tpu.yield
        }) : () -> ()
        %dma_start3A_154 = arith.constant 0 : i32
        %dma_start3A_155 = arith.constant 7 : i32
        %dma_start3A_156 = arith.constant 0 : i32
        %dma_start3A_157 = tpu.memref_slice %arg7[%dma_start3A_154, %dma_start3A_155, %dma_start3A_156] : memref<2x8x128xi32, #tpu.memory_space<vmem>> -> memref<1x1x128xi32, #tpu.memory_space<vmem>>
        %dma_start3A_158 = tpu.memref_squeeze %dma_start3A_157 : memref<1x1x128xi32, #tpu.memory_space<vmem>> -> memref<128xi32, #tpu.memory_space<vmem>>
        %dma_start3A_159 = arith.constant 0 : i32
        %dma_start3A_160 = arith.constant 0 : i32
        %dma_start3A_161 = tpu.memref_slice %arg3[%dma_start3A_159, %dma_start3A_160] : memref<10000x128xf32, #tpu.memory_space<hbm>> -> memref<10000x128xf32, #tpu.memory_space<hbm>>
        tpu.enqueue_indirect_dma source(%dma_start3A_161 : memref<10000x128xf32, #tpu.memory_space<hbm>>) target(%arg9 : memref<128x128xf32, #tpu.memory_space<vmem>>) offsets(%dma_start3A_158 : memref<128xi32, #tpu.memory_space<vmem>>) semaphore(%arg12 : memref<!tpu.dma_semaphore, #tpu.memory_space<semaphore_mem>>)
        %dma_wait3A_162 = arith.constant 0 : i32
        %dma_wait3A_163 = arith.constant 0 : i32
        %dma_wait3A_164 = arith.constant 0 : i32
        %dma_wait3A_165 = tpu.memref_slice %arg7[%dma_wait3A_162, %dma_wait3A_163, %dma_wait3A_164] : memref<2x8x128xi32, #tpu.memory_space<vmem>> -> memref<1x1x128xi32, #tpu.memory_space<vmem>>
        %dma_wait3A_166 = tpu.memref_squeeze %dma_wait3A_165 : memref<1x1x128xi32, #tpu.memory_space<vmem>> -> memref<128xi32, #tpu.memory_space<vmem>>
        %dma_wait3A_167 = arith.constant 0 : i32
        %dma_wait3A_168 = arith.constant 0 : i32
        %dma_wait3A_169 = tpu.memref_slice %arg3[%dma_wait3A_167, %dma_wait3A_168] : memref<10000x128xf32, #tpu.memory_space<hbm>> -> memref<10000x128xf32, #tpu.memory_space<hbm>>
        tpu.wait_indirect_dma semaphore(%arg11 : memref<!tpu.dma_semaphore, #tpu.memory_space<semaphore_mem>>) src(%dma_wait3A_169 : memref<10000x128xf32, #tpu.memory_space<hbm>>) dst(%arg8 : memref<128x128xf32, #tpu.memory_space<vmem>>)
        %run_scoped3A_170 = arith.constant 1 : i32
        %run_scoped3A_171 = arith.constant 6 : i32
        "tpu.region"() ({
          %run_scoped3A_193 = tpu.sem_alloc : memref<!tpu.dma_semaphore, #tpu.memory_space<semaphore_mem>>
          %dma_start3A_194 = arith.constant 0 : i32
          %dma_start3A_195 = tpu.memref_slice %arg7[%run_scoped3A_170, %run_scoped3A_171, %dma_start3A_194] : memref<2x8x128xi32, #tpu.memory_space<vmem>> -> memref<1x1x128xi32, #tpu.memory_space<vmem>>
          %dma_start3A_196 = tpu.memref_squeeze %dma_start3A_195 : memref<1x1x128xi32, #tpu.memory_space<vmem>> -> memref<128xi32, #tpu.memory_space<vmem>>
          %dma_start3A_197 = arith.constant 0 : i32
          %dma_start3A_198 = arith.constant 0 : i32
          %dma_start3A_199 = tpu.memref_slice %arg13[%dma_start3A_197, %dma_start3A_198] : memref<10112x128xf32, #tpu.memory_space<vmem_shared>> -> memref<10112x128xf32, #tpu.memory_space<vmem_shared>>
          tpu.enqueue_indirect_dma source(%arg8 : memref<128x128xf32, #tpu.memory_space<vmem>>) target(%dma_start3A_199 : memref<10112x128xf32, #tpu.memory_space<vmem_shared>>) offsets(%dma_start3A_196 : memref<128xi32, #tpu.memory_space<vmem>>) semaphore(%run_scoped3A_193 : memref<!tpu.dma_semaphore, #tpu.memory_space<semaphore_mem>>) {add = true}
          %dma_wait3A_200 = arith.constant 0 : i32
          %dma_wait3A_201 = tpu.memref_slice %arg7[%run_scoped3A_170, %run_scoped3A_171, %dma_wait3A_200] : memref<2x8x128xi32, #tpu.memory_space<vmem>> -> memref<1x1x128xi32, #tpu.memory_space<vmem>>
          %dma_wait3A_202 = tpu.memref_squeeze %dma_wait3A_201 : memref<1x1x128xi32, #tpu.memory_space<vmem>> -> memref<128xi32, #tpu.memory_space<vmem>>
          %dma_wait3A_203 = arith.constant 0 : i32
          %dma_wait3A_204 = arith.constant 0 : i32
          %dma_wait3A_205 = tpu.memref_slice %arg13[%dma_wait3A_203, %dma_wait3A_204] : memref<10112x128xf32, #tpu.memory_space<vmem_shared>> -> memref<10112x128xf32, #tpu.memory_space<vmem_shared>>
          tpu.wait_indirect_dma semaphore(%run_scoped3A_193 : memref<!tpu.dma_semaphore, #tpu.memory_space<semaphore_mem>>) src(%arg8 : memref<128x128xf32, #tpu.memory_space<vmem>>) dst(%dma_wait3A_205 : memref<10112x128xf32, #tpu.memory_space<vmem_shared>>)
          tpu.yield
        }) : () -> ()
        %dma_wait3A_172 = arith.constant 0 : i32
        %dma_wait3A_173 = arith.constant 0 : i32
        %dma_wait3A_174 = arith.constant 0 : i32
        %dma_wait3A_175 = tpu.memref_slice %arg7[%dma_wait3A_172, %dma_wait3A_173, %dma_wait3A_174] : memref<2x8x128xi32, #tpu.memory_space<vmem>> -> memref<1x1x128xi32, #tpu.memory_space<vmem>>
        %dma_wait3A_176 = tpu.memref_squeeze %dma_wait3A_175 : memref<1x1x128xi32, #tpu.memory_space<vmem>> -> memref<128xi32, #tpu.memory_space<vmem>>
        %dma_wait3A_177 = arith.constant 0 : i32
        %dma_wait3A_178 = arith.constant 0 : i32
        %dma_wait3A_179 = tpu.memref_slice %arg3[%dma_wait3A_177, %dma_wait3A_178] : memref<10000x128xf32, #tpu.memory_space<hbm>> -> memref<10000x128xf32, #tpu.memory_space<hbm>>
        tpu.wait_indirect_dma semaphore(%arg12 : memref<!tpu.dma_semaphore, #tpu.memory_space<semaphore_mem>>) src(%dma_wait3A_179 : memref<10000x128xf32, #tpu.memory_space<hbm>>) dst(%arg9 : memref<128x128xf32, #tpu.memory_space<vmem>>)
        %run_scoped3A_180 = arith.constant 1 : i32
        %run_scoped3A_181 = arith.constant 7 : i32
        "tpu.region"() ({
          %run_scoped3A_193 = tpu.sem_alloc : memref<!tpu.dma_semaphore, #tpu.memory_space<semaphore_mem>>
          %dma_start3A_194 = arith.constant 0 : i32
          %dma_start3A_195 = tpu.memref_slice %arg7[%run_scoped3A_180, %run_scoped3A_181, %dma_start3A_194] : memref<2x8x128xi32, #tpu.memory_space<vmem>> -> memref<1x1x128xi32, #tpu.memory_space<vmem>>
          %dma_start3A_196 = tpu.memref_squeeze %dma_start3A_195 : memref<1x1x128xi32, #tpu.memory_space<vmem>> -> memref<128xi32, #tpu.memory_space<vmem>>
          %dma_start3A_197 = arith.constant 0 : i32
          %dma_start3A_198 = arith.constant 0 : i32
          %dma_start3A_199 = tpu.memref_slice %arg13[%dma_start3A_197, %dma_start3A_198] : memref<10112x128xf32, #tpu.memory_space<vmem_shared>> -> memref<10112x128xf32, #tpu.memory_space<vmem_shared>>
          tpu.enqueue_indirect_dma source(%arg9 : memref<128x128xf32, #tpu.memory_space<vmem>>) target(%dma_start3A_199 : memref<10112x128xf32, #tpu.memory_space<vmem_shared>>) offsets(%dma_start3A_196 : memref<128xi32, #tpu.memory_space<vmem>>) semaphore(%run_scoped3A_193 : memref<!tpu.dma_semaphore, #tpu.memory_space<semaphore_mem>>) {add = true}
          %dma_wait3A_200 = arith.constant 0 : i32
          %dma_wait3A_201 = tpu.memref_slice %arg7[%run_scoped3A_180, %run_scoped3A_181, %dma_wait3A_200] : memref<2x8x128xi32, #tpu.memory_space<vmem>> -> memref<1x1x128xi32, #tpu.memory_space<vmem>>
          %dma_wait3A_202 = tpu.memref_squeeze %dma_wait3A_201 : memref<1x1x128xi32, #tpu.memory_space<vmem>> -> memref<128xi32, #tpu.memory_space<vmem>>
          %dma_wait3A_203 = arith.constant 0 : i32
          %dma_wait3A_204 = arith.constant 0 : i32
          %dma_wait3A_205 = tpu.memref_slice %arg13[%dma_wait3A_203, %dma_wait3A_204] : memref<10112x128xf32, #tpu.memory_space<vmem_shared>> -> memref<10112x128xf32, #tpu.memory_space<vmem_shared>>
          tpu.wait_indirect_dma semaphore(%run_scoped3A_193 : memref<!tpu.dma_semaphore, #tpu.memory_space<semaphore_mem>>) src(%arg9 : memref<128x128xf32, #tpu.memory_space<vmem>>) dst(%dma_wait3A_205 : memref<10112x128xf32, #tpu.memory_space<vmem_shared>>)
          tpu.yield
        }) : () -> ()
        %add3A = arith.constant 1 : i32
        %add3A_182 = arith.addi %scan3A_32, %add3A : i32
        %min3A = arith.constant 9 : i32
        %min3A_183 = arith.minsi %add3A_182, %min3A : i32
        %mul3A_184 = arith.constant 8 : i32
        %mul3A_185 = arith.muli %min3A_183, %mul3A_184 : i32
        %add3A_186 = arith.addi %mul3A_0, %mul3A_185 : i32
        %dma_start3A_187 = arith.constant 0 : i32
        %dma_start3A_188 = arith.constant 0 : i32
        %dma_start3A_189 = tpu.memref_slice %arg2[%dma_start3A_187, %add3A_186, %dma_start3A_188] : memref<2x1280x128xi32, #tpu.memory_space<hbm>> -> memref<2x8x128xi32, #tpu.memory_space<hbm>>
        %dma_start3A_190 = arith.constant 0 : i32
        %dma_start3A_191 = arith.constant 0 : i32
        %dma_start3A_192 = tpu.memref_slice %arg2[%dma_start3A_190, %add3A_186, %dma_start3A_191] : memref<2x1280x128xi32, #tpu.memory_space<hbm>> -> memref<2x8x128xi32, #tpu.memory_space<hbm>>
        tpu.enqueue_dma source(%dma_start3A_192 : memref<2x8x128xi32, #tpu.memory_space<hbm>>) target(%arg7 : memref<2x8x128xi32, #tpu.memory_space<vmem>>) target_semaphore(%arg10 : memref<!tpu.dma_semaphore, #tpu.memory_space<semaphore_mem>>)
      }
      %scan3A_26 = arith.constant 10 : i32
      %dma_wait3A = arith.constant 0 : i32
      %dma_wait3A_27 = arith.constant 0 : i32
      %dma_wait3A_28 = tpu.memref_slice %arg2[%dma_wait3A, %mul3A_0, %dma_wait3A_27] : memref<2x1280x128xi32, #tpu.memory_space<hbm>> -> memref<2x8x128xi32, #tpu.memory_space<hbm>>
      %dma_wait3A_29 = arith.constant 0 : i32
      %dma_wait3A_30 = arith.constant 0 : i32
      %dma_wait3A_31 = tpu.memref_slice %arg2[%dma_wait3A_29, %mul3A_0, %dma_wait3A_30] : memref<2x1280x128xi32, #tpu.memory_space<hbm>> -> memref<2x8x128xi32, #tpu.memory_space<hbm>>
      tpu.wait_dma2 semaphore(%arg10 : memref<!tpu.dma_semaphore, #tpu.memory_space<semaphore_mem>>) src(%dma_wait3A_31 : memref<2x8x128xi32, #tpu.memory_space<hbm>>) dst(%arg7 : memref<2x8x128xi32, #tpu.memory_space<vmem>>)
    } else {
    }
    %eq3A_12 = arith.constant 1 : i32
    %eq3A_13 = arith.cmpi eq, %arg0, %eq3A_12 : i32
    %convert_element_type3A_14 = arith.extui %eq3A_13 : i1 to i32
    %cond3A_15 = arith.constant 0 : i32
    %cond3A_16 = arith.cmpi ne, %convert_element_type3A_14, %cond3A_15 : i32
    scf.if %cond3A_16 {
      %scan3A = arith.constant 0 : i32
      %scan3A_22 = arith.constant 0 : i32
      %scan3A_23 = arith.constant 10 : i32
      %scan3A_24 = arith.addi %scan3A_22, %scan3A_23 : i32
      %scan3A_25 = arith.constant 1 : i32
      scf.for %scan3A_32 = %scan3A_22 to %scan3A_24 step %scan3A_25  : i32 {
        %dma_wait3A_33 = arith.constant 0 : i32
        %dma_wait3A_34 = arith.constant 0 : i32
        %dma_wait3A_35 = tpu.memref_slice %arg2[%dma_wait3A_33, %mul3A_0, %dma_wait3A_34] : memref<2x1280x128xi32, #tpu.memory_space<hbm>> -> memref<2x8x128xi32, #tpu.memory_space<hbm>>
        %dma_wait3A_36 = arith.constant 0 : i32
        %dma_wait3A_37 = arith.constant 0 : i32
        %dma_wait3A_38 = tpu.memref_slice %arg2[%dma_wait3A_36, %mul3A_0, %dma_wait3A_37] : memref<2x1280x128xi32, #tpu.memory_space<hbm>> -> memref<2x8x128xi32, #tpu.memory_space<hbm>>
        tpu.wait_dma2 semaphore(%arg10 : memref<!tpu.dma_semaphore, #tpu.memory_space<semaphore_mem>>) src(%dma_wait3A_38 : memref<2x8x128xi32, #tpu.memory_space<hbm>>) dst(%arg7 : memref<2x8x128xi32, #tpu.memory_space<vmem>>)
        %dma_start3A_39 = arith.constant 0 : i32
        %dma_start3A_40 = arith.constant 0 : i32
        %dma_start3A_41 = arith.constant 0 : i32
        %dma_start3A_42 = tpu.memref_slice %arg7[%dma_start3A_39, %dma_start3A_40, %dma_start3A_41] : memref<2x8x128xi32, #tpu.memory_space<vmem>> -> memref<1x1x128xi32, #tpu.memory_space<vmem>>
        %dma_start3A_43 = tpu.memref_squeeze %dma_start3A_42 : memref<1x1x128xi32, #tpu.memory_space<vmem>> -> memref<128xi32, #tpu.memory_space<vmem>>
        %dma_start3A_44 = arith.constant 0 : i32
        %dma_start3A_45 = arith.constant 0 : i32
        %dma_start3A_46 = tpu.memref_slice %arg4[%dma_start3A_44, %dma_start3A_45] : memref<10000x128xf32, #tpu.memory_space<hbm>> -> memref<10000x128xf32, #tpu.memory_space<hbm>>
        tpu.enqueue_indirect_dma source(%dma_start3A_46 : memref<10000x128xf32, #tpu.memory_space<hbm>>) target(%arg8 : memref<128x128xf32, #tpu.memory_space<vmem>>) offsets(%dma_start3A_43 : memref<128xi32, #tpu.memory_space<vmem>>) semaphore(%arg11 : memref<!tpu.dma_semaphore, #tpu.memory_space<semaphore_mem>>)
        %dma_start3A_47 = arith.constant 0 : i32
        %dma_start3A_48 = arith.constant 1 : i32
        %dma_start3A_49 = arith.constant 0 : i32
        %dma_start3A_50 = tpu.memref_slice %arg7[%dma_start3A_47, %dma_start3A_48, %dma_start3A_49] : memref<2x8x128xi32, #tpu.memory_space<vmem>> -> memref<1x1x128xi32, #tpu.memory_space<vmem>>
        %dma_start3A_51 = tpu.memref_squeeze %dma_start3A_50 : memref<1x1x128xi32, #tpu.memory_space<vmem>> -> memref<128xi32, #tpu.memory_space<vmem>>
        %dma_start3A_52 = arith.constant 0 : i32
        %dma_start3A_53 = arith.constant 0 : i32
        %dma_start3A_54 = tpu.memref_slice %arg4[%dma_start3A_52, %dma_start3A_53] : memref<10000x128xf32, #tpu.memory_space<hbm>> -> memref<10000x128xf32, #tpu.memory_space<hbm>>
        tpu.enqueue_indirect_dma source(%dma_start3A_54 : memref<10000x128xf32, #tpu.memory_space<hbm>>) target(%arg9 : memref<128x128xf32, #tpu.memory_space<vmem>>) offsets(%dma_start3A_51 : memref<128xi32, #tpu.memory_space<vmem>>) semaphore(%arg12 : memref<!tpu.dma_semaphore, #tpu.memory_space<semaphore_mem>>)
        %dma_wait3A_55 = arith.constant 0 : i32
        %dma_wait3A_56 = arith.constant 0 : i32
        %dma_wait3A_57 = arith.constant 0 : i32
        %dma_wait3A_58 = tpu.memref_slice %arg7[%dma_wait3A_55, %dma_wait3A_56, %dma_wait3A_57] : memref<2x8x128xi32, #tpu.memory_space<vmem>> -> memref<1x1x128xi32, #tpu.memory_space<vmem>>
        %dma_wait3A_59 = tpu.memref_squeeze %dma_wait3A_58 : memref<1x1x128xi32, #tpu.memory_space<vmem>> -> memref<128xi32, #tpu.memory_space<vmem>>
        %dma_wait3A_60 = arith.constant 0 : i32
        %dma_wait3A_61 = arith.constant 0 : i32
        %dma_wait3A_62 = tpu.memref_slice %arg4[%dma_wait3A_60, %dma_wait3A_61] : memref<10000x128xf32, #tpu.memory_space<hbm>> -> memref<10000x128xf32, #tpu.memory_space<hbm>>
        tpu.wait_indirect_dma semaphore(%arg11 : memref<!tpu.dma_semaphore, #tpu.memory_space<semaphore_mem>>) src(%dma_wait3A_62 : memref<10000x128xf32, #tpu.memory_space<hbm>>) dst(%arg8 : memref<128x128xf32, #tpu.memory_space<vmem>>)
        %run_scoped3A = arith.constant 1 : i32
        %run_scoped3A_63 = arith.constant 0 : i32
        "tpu.region"() ({
          %run_scoped3A_193 = tpu.sem_alloc : memref<!tpu.dma_semaphore, #tpu.memory_space<semaphore_mem>>
          %dma_start3A_194 = arith.constant 0 : i32
          %dma_start3A_195 = tpu.memref_slice %arg7[%run_scoped3A, %run_scoped3A_63, %dma_start3A_194] : memref<2x8x128xi32, #tpu.memory_space<vmem>> -> memref<1x1x128xi32, #tpu.memory_space<vmem>>
          %dma_start3A_196 = tpu.memref_squeeze %dma_start3A_195 : memref<1x1x128xi32, #tpu.memory_space<vmem>> -> memref<128xi32, #tpu.memory_space<vmem>>
          %dma_start3A_197 = arith.constant 0 : i32
          %dma_start3A_198 = arith.constant 0 : i32
          %dma_start3A_199 = tpu.memref_slice %arg13[%dma_start3A_197, %dma_start3A_198] : memref<10112x128xf32, #tpu.memory_space<vmem_shared>> -> memref<10112x128xf32, #tpu.memory_space<vmem_shared>>
          tpu.enqueue_indirect_dma source(%arg8 : memref<128x128xf32, #tpu.memory_space<vmem>>) target(%dma_start3A_199 : memref<10112x128xf32, #tpu.memory_space<vmem_shared>>) offsets(%dma_start3A_196 : memref<128xi32, #tpu.memory_space<vmem>>) semaphore(%run_scoped3A_193 : memref<!tpu.dma_semaphore, #tpu.memory_space<semaphore_mem>>) {add = true}
          %dma_wait3A_200 = arith.constant 0 : i32
          %dma_wait3A_201 = tpu.memref_slice %arg7[%run_scoped3A, %run_scoped3A_63, %dma_wait3A_200] : memref<2x8x128xi32, #tpu.memory_space<vmem>> -> memref<1x1x128xi32, #tpu.memory_space<vmem>>
          %dma_wait3A_202 = tpu.memref_squeeze %dma_wait3A_201 : memref<1x1x128xi32, #tpu.memory_space<vmem>> -> memref<128xi32, #tpu.memory_space<vmem>>
          %dma_wait3A_203 = arith.constant 0 : i32
          %dma_wait3A_204 = arith.constant 0 : i32
          %dma_wait3A_205 = tpu.memref_slice %arg13[%dma_wait3A_203, %dma_wait3A_204] : memref<10112x128xf32, #tpu.memory_space<vmem_shared>> -> memref<10112x128xf32, #tpu.memory_space<vmem_shared>>
          tpu.wait_indirect_dma semaphore(%run_scoped3A_193 : memref<!tpu.dma_semaphore, #tpu.memory_space<semaphore_mem>>) src(%arg8 : memref<128x128xf32, #tpu.memory_space<vmem>>) dst(%dma_wait3A_205 : memref<10112x128xf32, #tpu.memory_space<vmem_shared>>)
          tpu.yield
        }) : () -> ()
        %dma_start3A_64 = arith.constant 0 : i32
        %dma_start3A_65 = arith.constant 2 : i32
        %dma_start3A_66 = arith.constant 0 : i32
        %dma_start3A_67 = tpu.memref_slice %arg7[%dma_start3A_64, %dma_start3A_65, %dma_start3A_66] : memref<2x8x128xi32, #tpu.memory_space<vmem>> -> memref<1x1x128xi32, #tpu.memory_space<vmem>>
        %dma_start3A_68 = tpu.memref_squeeze %dma_start3A_67 : memref<1x1x128xi32, #tpu.memory_space<vmem>> -> memref<128xi32, #tpu.memory_space<vmem>>
        %dma_start3A_69 = arith.constant 0 : i32
        %dma_start3A_70 = arith.constant 0 : i32
        %dma_start3A_71 = tpu.memref_slice %arg4[%dma_start3A_69, %dma_start3A_70] : memref<10000x128xf32, #tpu.memory_space<hbm>> -> memref<10000x128xf32, #tpu.memory_space<hbm>>
        tpu.enqueue_indirect_dma source(%dma_start3A_71 : memref<10000x128xf32, #tpu.memory_space<hbm>>) target(%arg8 : memref<128x128xf32, #tpu.memory_space<vmem>>) offsets(%dma_start3A_68 : memref<128xi32, #tpu.memory_space<vmem>>) semaphore(%arg11 : memref<!tpu.dma_semaphore, #tpu.memory_space<semaphore_mem>>)
        %dma_wait3A_72 = arith.constant 0 : i32
        %dma_wait3A_73 = arith.constant 0 : i32
        %dma_wait3A_74 = arith.constant 0 : i32
        %dma_wait3A_75 = tpu.memref_slice %arg7[%dma_wait3A_72, %dma_wait3A_73, %dma_wait3A_74] : memref<2x8x128xi32, #tpu.memory_space<vmem>> -> memref<1x1x128xi32, #tpu.memory_space<vmem>>
        %dma_wait3A_76 = tpu.memref_squeeze %dma_wait3A_75 : memref<1x1x128xi32, #tpu.memory_space<vmem>> -> memref<128xi32, #tpu.memory_space<vmem>>
        %dma_wait3A_77 = arith.constant 0 : i32
        %dma_wait3A_78 = arith.constant 0 : i32
        %dma_wait3A_79 = tpu.memref_slice %arg4[%dma_wait3A_77, %dma_wait3A_78] : memref<10000x128xf32, #tpu.memory_space<hbm>> -> memref<10000x128xf32, #tpu.memory_space<hbm>>
        tpu.wait_indirect_dma semaphore(%arg12 : memref<!tpu.dma_semaphore, #tpu.memory_space<semaphore_mem>>) src(%dma_wait3A_79 : memref<10000x128xf32, #tpu.memory_space<hbm>>) dst(%arg9 : memref<128x128xf32, #tpu.memory_space<vmem>>)
        %run_scoped3A_80 = arith.constant 1 : i32
        %run_scoped3A_81 = arith.constant 1 : i32
        "tpu.region"() ({
          %run_scoped3A_193 = tpu.sem_alloc : memref<!tpu.dma_semaphore, #tpu.memory_space<semaphore_mem>>
          %dma_start3A_194 = arith.constant 0 : i32
          %dma_start3A_195 = tpu.memref_slice %arg7[%run_scoped3A_80, %run_scoped3A_81, %dma_start3A_194] : memref<2x8x128xi32, #tpu.memory_space<vmem>> -> memref<1x1x128xi32, #tpu.memory_space<vmem>>
          %dma_start3A_196 = tpu.memref_squeeze %dma_start3A_195 : memref<1x1x128xi32, #tpu.memory_space<vmem>> -> memref<128xi32, #tpu.memory_space<vmem>>
          %dma_start3A_197 = arith.constant 0 : i32
          %dma_start3A_198 = arith.constant 0 : i32
          %dma_start3A_199 = tpu.memref_slice %arg13[%dma_start3A_197, %dma_start3A_198] : memref<10112x128xf32, #tpu.memory_space<vmem_shared>> -> memref<10112x128xf32, #tpu.memory_space<vmem_shared>>
          tpu.enqueue_indirect_dma source(%arg9 : memref<128x128xf32, #tpu.memory_space<vmem>>) target(%dma_start3A_199 : memref<10112x128xf32, #tpu.memory_space<vmem_shared>>) offsets(%dma_start3A_196 : memref<128xi32, #tpu.memory_space<vmem>>) semaphore(%run_scoped3A_193 : memref<!tpu.dma_semaphore, #tpu.memory_space<semaphore_mem>>) {add = true}
          %dma_wait3A_200 = arith.constant 0 : i32
          %dma_wait3A_201 = tpu.memref_slice %arg7[%run_scoped3A_80, %run_scoped3A_81, %dma_wait3A_200] : memref<2x8x128xi32, #tpu.memory_space<vmem>> -> memref<1x1x128xi32, #tpu.memory_space<vmem>>
          %dma_wait3A_202 = tpu.memref_squeeze %dma_wait3A_201 : memref<1x1x128xi32, #tpu.memory_space<vmem>> -> memref<128xi32, #tpu.memory_space<vmem>>
          %dma_wait3A_203 = arith.constant 0 : i32
          %dma_wait3A_204 = arith.constant 0 : i32
          %dma_wait3A_205 = tpu.memref_slice %arg13[%dma_wait3A_203, %dma_wait3A_204] : memref<10112x128xf32, #tpu.memory_space<vmem_shared>> -> memref<10112x128xf32, #tpu.memory_space<vmem_shared>>
          tpu.wait_indirect_dma semaphore(%run_scoped3A_193 : memref<!tpu.dma_semaphore, #tpu.memory_space<semaphore_mem>>) src(%arg9 : memref<128x128xf32, #tpu.memory_space<vmem>>) dst(%dma_wait3A_205 : memref<10112x128xf32, #tpu.memory_space<vmem_shared>>)
          tpu.yield
        }) : () -> ()
        %dma_start3A_82 = arith.constant 0 : i32
        %dma_start3A_83 = arith.constant 3 : i32
        %dma_start3A_84 = arith.constant 0 : i32
        %dma_start3A_85 = tpu.memref_slice %arg7[%dma_start3A_82, %dma_start3A_83, %dma_start3A_84] : memref<2x8x128xi32, #tpu.memory_space<vmem>> -> memref<1x1x128xi32, #tpu.memory_space<vmem>>
        %dma_start3A_86 = tpu.memref_squeeze %dma_start3A_85 : memref<1x1x128xi32, #tpu.memory_space<vmem>> -> memref<128xi32, #tpu.memory_space<vmem>>
        %dma_start3A_87 = arith.constant 0 : i32
        %dma_start3A_88 = arith.constant 0 : i32
        %dma_start3A_89 = tpu.memref_slice %arg4[%dma_start3A_87, %dma_start3A_88] : memref<10000x128xf32, #tpu.memory_space<hbm>> -> memref<10000x128xf32, #tpu.memory_space<hbm>>
        tpu.enqueue_indirect_dma source(%dma_start3A_89 : memref<10000x128xf32, #tpu.memory_space<hbm>>) target(%arg9 : memref<128x128xf32, #tpu.memory_space<vmem>>) offsets(%dma_start3A_86 : memref<128xi32, #tpu.memory_space<vmem>>) semaphore(%arg12 : memref<!tpu.dma_semaphore, #tpu.memory_space<semaphore_mem>>)
        %dma_wait3A_90 = arith.constant 0 : i32
        %dma_wait3A_91 = arith.constant 0 : i32
        %dma_wait3A_92 = arith.constant 0 : i32
        %dma_wait3A_93 = tpu.memref_slice %arg7[%dma_wait3A_90, %dma_wait3A_91, %dma_wait3A_92] : memref<2x8x128xi32, #tpu.memory_space<vmem>> -> memref<1x1x128xi32, #tpu.memory_space<vmem>>
        %dma_wait3A_94 = tpu.memref_squeeze %dma_wait3A_93 : memref<1x1x128xi32, #tpu.memory_space<vmem>> -> memref<128xi32, #tpu.memory_space<vmem>>
        %dma_wait3A_95 = arith.constant 0 : i32
        %dma_wait3A_96 = arith.constant 0 : i32
        %dma_wait3A_97 = tpu.memref_slice %arg4[%dma_wait3A_95, %dma_wait3A_96] : memref<10000x128xf32, #tpu.memory_space<hbm>> -> memref<10000x128xf32, #tpu.memory_space<hbm>>
        tpu.wait_indirect_dma semaphore(%arg11 : memref<!tpu.dma_semaphore, #tpu.memory_space<semaphore_mem>>) src(%dma_wait3A_97 : memref<10000x128xf32, #tpu.memory_space<hbm>>) dst(%arg8 : memref<128x128xf32, #tpu.memory_space<vmem>>)
        %run_scoped3A_98 = arith.constant 1 : i32
        %run_scoped3A_99 = arith.constant 2 : i32
        "tpu.region"() ({
          %run_scoped3A_193 = tpu.sem_alloc : memref<!tpu.dma_semaphore, #tpu.memory_space<semaphore_mem>>
          %dma_start3A_194 = arith.constant 0 : i32
          %dma_start3A_195 = tpu.memref_slice %arg7[%run_scoped3A_98, %run_scoped3A_99, %dma_start3A_194] : memref<2x8x128xi32, #tpu.memory_space<vmem>> -> memref<1x1x128xi32, #tpu.memory_space<vmem>>
          %dma_start3A_196 = tpu.memref_squeeze %dma_start3A_195 : memref<1x1x128xi32, #tpu.memory_space<vmem>> -> memref<128xi32, #tpu.memory_space<vmem>>
          %dma_start3A_197 = arith.constant 0 : i32
          %dma_start3A_198 = arith.constant 0 : i32
          %dma_start3A_199 = tpu.memref_slice %arg13[%dma_start3A_197, %dma_start3A_198] : memref<10112x128xf32, #tpu.memory_space<vmem_shared>> -> memref<10112x128xf32, #tpu.memory_space<vmem_shared>>
          tpu.enqueue_indirect_dma source(%arg8 : memref<128x128xf32, #tpu.memory_space<vmem>>) target(%dma_start3A_199 : memref<10112x128xf32, #tpu.memory_space<vmem_shared>>) offsets(%dma_start3A_196 : memref<128xi32, #tpu.memory_space<vmem>>) semaphore(%run_scoped3A_193 : memref<!tpu.dma_semaphore, #tpu.memory_space<semaphore_mem>>) {add = true}
          %dma_wait3A_200 = arith.constant 0 : i32
          %dma_wait3A_201 = tpu.memref_slice %arg7[%run_scoped3A_98, %run_scoped3A_99, %dma_wait3A_200] : memref<2x8x128xi32, #tpu.memory_space<vmem>> -> memref<1x1x128xi32, #tpu.memory_space<vmem>>
          %dma_wait3A_202 = tpu.memref_squeeze %dma_wait3A_201 : memref<1x1x128xi32, #tpu.memory_space<vmem>> -> memref<128xi32, #tpu.memory_space<vmem>>
          %dma_wait3A_203 = arith.constant 0 : i32
          %dma_wait3A_204 = arith.constant 0 : i32
          %dma_wait3A_205 = tpu.memref_slice %arg13[%dma_wait3A_203, %dma_wait3A_204] : memref<10112x128xf32, #tpu.memory_space<vmem_shared>> -> memref<10112x128xf32, #tpu.memory_space<vmem_shared>>
          tpu.wait_indirect_dma semaphore(%run_scoped3A_193 : memref<!tpu.dma_semaphore, #tpu.memory_space<semaphore_mem>>) src(%arg8 : memref<128x128xf32, #tpu.memory_space<vmem>>) dst(%dma_wait3A_205 : memref<10112x128xf32, #tpu.memory_space<vmem_shared>>)
          tpu.yield
        }) : () -> ()
        %dma_start3A_100 = arith.constant 0 : i32
        %dma_start3A_101 = arith.constant 4 : i32
        %dma_start3A_102 = arith.constant 0 : i32
        %dma_start3A_103 = tpu.memref_slice %arg7[%dma_start3A_100, %dma_start3A_101, %dma_start3A_102] : memref<2x8x128xi32, #tpu.memory_space<vmem>> -> memref<1x1x128xi32, #tpu.memory_space<vmem>>
        %dma_start3A_104 = tpu.memref_squeeze %dma_start3A_103 : memref<1x1x128xi32, #tpu.memory_space<vmem>> -> memref<128xi32, #tpu.memory_space<vmem>>
        %dma_start3A_105 = arith.constant 0 : i32
        %dma_start3A_106 = arith.constant 0 : i32
        %dma_start3A_107 = tpu.memref_slice %arg4[%dma_start3A_105, %dma_start3A_106] : memref<10000x128xf32, #tpu.memory_space<hbm>> -> memref<10000x128xf32, #tpu.memory_space<hbm>>
        tpu.enqueue_indirect_dma source(%dma_start3A_107 : memref<10000x128xf32, #tpu.memory_space<hbm>>) target(%arg8 : memref<128x128xf32, #tpu.memory_space<vmem>>) offsets(%dma_start3A_104 : memref<128xi32, #tpu.memory_space<vmem>>) semaphore(%arg11 : memref<!tpu.dma_semaphore, #tpu.memory_space<semaphore_mem>>)
        %dma_wait3A_108 = arith.constant 0 : i32
        %dma_wait3A_109 = arith.constant 0 : i32
        %dma_wait3A_110 = arith.constant 0 : i32
        %dma_wait3A_111 = tpu.memref_slice %arg7[%dma_wait3A_108, %dma_wait3A_109, %dma_wait3A_110] : memref<2x8x128xi32, #tpu.memory_space<vmem>> -> memref<1x1x128xi32, #tpu.memory_space<vmem>>
        %dma_wait3A_112 = tpu.memref_squeeze %dma_wait3A_111 : memref<1x1x128xi32, #tpu.memory_space<vmem>> -> memref<128xi32, #tpu.memory_space<vmem>>
        %dma_wait3A_113 = arith.constant 0 : i32
        %dma_wait3A_114 = arith.constant 0 : i32
        %dma_wait3A_115 = tpu.memref_slice %arg4[%dma_wait3A_113, %dma_wait3A_114] : memref<10000x128xf32, #tpu.memory_space<hbm>> -> memref<10000x128xf32, #tpu.memory_space<hbm>>
        tpu.wait_indirect_dma semaphore(%arg12 : memref<!tpu.dma_semaphore, #tpu.memory_space<semaphore_mem>>) src(%dma_wait3A_115 : memref<10000x128xf32, #tpu.memory_space<hbm>>) dst(%arg9 : memref<128x128xf32, #tpu.memory_space<vmem>>)
        %run_scoped3A_116 = arith.constant 1 : i32
        %run_scoped3A_117 = arith.constant 3 : i32
        "tpu.region"() ({
          %run_scoped3A_193 = tpu.sem_alloc : memref<!tpu.dma_semaphore, #tpu.memory_space<semaphore_mem>>
          %dma_start3A_194 = arith.constant 0 : i32
          %dma_start3A_195 = tpu.memref_slice %arg7[%run_scoped3A_116, %run_scoped3A_117, %dma_start3A_194] : memref<2x8x128xi32, #tpu.memory_space<vmem>> -> memref<1x1x128xi32, #tpu.memory_space<vmem>>
          %dma_start3A_196 = tpu.memref_squeeze %dma_start3A_195 : memref<1x1x128xi32, #tpu.memory_space<vmem>> -> memref<128xi32, #tpu.memory_space<vmem>>
          %dma_start3A_197 = arith.constant 0 : i32
          %dma_start3A_198 = arith.constant 0 : i32
          %dma_start3A_199 = tpu.memref_slice %arg13[%dma_start3A_197, %dma_start3A_198] : memref<10112x128xf32, #tpu.memory_space<vmem_shared>> -> memref<10112x128xf32, #tpu.memory_space<vmem_shared>>
          tpu.enqueue_indirect_dma source(%arg9 : memref<128x128xf32, #tpu.memory_space<vmem>>) target(%dma_start3A_199 : memref<10112x128xf32, #tpu.memory_space<vmem_shared>>) offsets(%dma_start3A_196 : memref<128xi32, #tpu.memory_space<vmem>>) semaphore(%run_scoped3A_193 : memref<!tpu.dma_semaphore, #tpu.memory_space<semaphore_mem>>) {add = true}
          %dma_wait3A_200 = arith.constant 0 : i32
          %dma_wait3A_201 = tpu.memref_slice %arg7[%run_scoped3A_116, %run_scoped3A_117, %dma_wait3A_200] : memref<2x8x128xi32, #tpu.memory_space<vmem>> -> memref<1x1x128xi32, #tpu.memory_space<vmem>>
          %dma_wait3A_202 = tpu.memref_squeeze %dma_wait3A_201 : memref<1x1x128xi32, #tpu.memory_space<vmem>> -> memref<128xi32, #tpu.memory_space<vmem>>
          %dma_wait3A_203 = arith.constant 0 : i32
          %dma_wait3A_204 = arith.constant 0 : i32
          %dma_wait3A_205 = tpu.memref_slice %arg13[%dma_wait3A_203, %dma_wait3A_204] : memref<10112x128xf32, #tpu.memory_space<vmem_shared>> -> memref<10112x128xf32, #tpu.memory_space<vmem_shared>>
          tpu.wait_indirect_dma semaphore(%run_scoped3A_193 : memref<!tpu.dma_semaphore, #tpu.memory_space<semaphore_mem>>) src(%arg9 : memref<128x128xf32, #tpu.memory_space<vmem>>) dst(%dma_wait3A_205 : memref<10112x128xf32, #tpu.memory_space<vmem_shared>>)
          tpu.yield
        }) : () -> ()
        %dma_start3A_118 = arith.constant 0 : i32
        %dma_start3A_119 = arith.constant 5 : i32
        %dma_start3A_120 = arith.constant 0 : i32
        %dma_start3A_121 = tpu.memref_slice %arg7[%dma_start3A_118, %dma_start3A_119, %dma_start3A_120] : memref<2x8x128xi32, #tpu.memory_space<vmem>> -> memref<1x1x128xi32, #tpu.memory_space<vmem>>
        %dma_start3A_122 = tpu.memref_squeeze %dma_start3A_121 : memref<1x1x128xi32, #tpu.memory_space<vmem>> -> memref<128xi32, #tpu.memory_space<vmem>>
        %dma_start3A_123 = arith.constant 0 : i32
        %dma_start3A_124 = arith.constant 0 : i32
        %dma_start3A_125 = tpu.memref_slice %arg4[%dma_start3A_123, %dma_start3A_124] : memref<10000x128xf32, #tpu.memory_space<hbm>> -> memref<10000x128xf32, #tpu.memory_space<hbm>>
        tpu.enqueue_indirect_dma source(%dma_start3A_125 : memref<10000x128xf32, #tpu.memory_space<hbm>>) target(%arg9 : memref<128x128xf32, #tpu.memory_space<vmem>>) offsets(%dma_start3A_122 : memref<128xi32, #tpu.memory_space<vmem>>) semaphore(%arg12 : memref<!tpu.dma_semaphore, #tpu.memory_space<semaphore_mem>>)
        %dma_wait3A_126 = arith.constant 0 : i32
        %dma_wait3A_127 = arith.constant 0 : i32
        %dma_wait3A_128 = arith.constant 0 : i32
        %dma_wait3A_129 = tpu.memref_slice %arg7[%dma_wait3A_126, %dma_wait3A_127, %dma_wait3A_128] : memref<2x8x128xi32, #tpu.memory_space<vmem>> -> memref<1x1x128xi32, #tpu.memory_space<vmem>>
        %dma_wait3A_130 = tpu.memref_squeeze %dma_wait3A_129 : memref<1x1x128xi32, #tpu.memory_space<vmem>> -> memref<128xi32, #tpu.memory_space<vmem>>
        %dma_wait3A_131 = arith.constant 0 : i32
        %dma_wait3A_132 = arith.constant 0 : i32
        %dma_wait3A_133 = tpu.memref_slice %arg4[%dma_wait3A_131, %dma_wait3A_132] : memref<10000x128xf32, #tpu.memory_space<hbm>> -> memref<10000x128xf32, #tpu.memory_space<hbm>>
        tpu.wait_indirect_dma semaphore(%arg11 : memref<!tpu.dma_semaphore, #tpu.memory_space<semaphore_mem>>) src(%dma_wait3A_133 : memref<10000x128xf32, #tpu.memory_space<hbm>>) dst(%arg8 : memref<128x128xf32, #tpu.memory_space<vmem>>)
        %run_scoped3A_134 = arith.constant 1 : i32
        %run_scoped3A_135 = arith.constant 4 : i32
        "tpu.region"() ({
          %run_scoped3A_193 = tpu.sem_alloc : memref<!tpu.dma_semaphore, #tpu.memory_space<semaphore_mem>>
          %dma_start3A_194 = arith.constant 0 : i32
          %dma_start3A_195 = tpu.memref_slice %arg7[%run_scoped3A_134, %run_scoped3A_135, %dma_start3A_194] : memref<2x8x128xi32, #tpu.memory_space<vmem>> -> memref<1x1x128xi32, #tpu.memory_space<vmem>>
          %dma_start3A_196 = tpu.memref_squeeze %dma_start3A_195 : memref<1x1x128xi32, #tpu.memory_space<vmem>> -> memref<128xi32, #tpu.memory_space<vmem>>
          %dma_start3A_197 = arith.constant 0 : i32
          %dma_start3A_198 = arith.constant 0 : i32
          %dma_start3A_199 = tpu.memref_slice %arg13[%dma_start3A_197, %dma_start3A_198] : memref<10112x128xf32, #tpu.memory_space<vmem_shared>> -> memref<10112x128xf32, #tpu.memory_space<vmem_shared>>
          tpu.enqueue_indirect_dma source(%arg8 : memref<128x128xf32, #tpu.memory_space<vmem>>) target(%dma_start3A_199 : memref<10112x128xf32, #tpu.memory_space<vmem_shared>>) offsets(%dma_start3A_196 : memref<128xi32, #tpu.memory_space<vmem>>) semaphore(%run_scoped3A_193 : memref<!tpu.dma_semaphore, #tpu.memory_space<semaphore_mem>>) {add = true}
          %dma_wait3A_200 = arith.constant 0 : i32
          %dma_wait3A_201 = tpu.memref_slice %arg7[%run_scoped3A_134, %run_scoped3A_135, %dma_wait3A_200] : memref<2x8x128xi32, #tpu.memory_space<vmem>> -> memref<1x1x128xi32, #tpu.memory_space<vmem>>
          %dma_wait3A_202 = tpu.memref_squeeze %dma_wait3A_201 : memref<1x1x128xi32, #tpu.memory_space<vmem>> -> memref<128xi32, #tpu.memory_space<vmem>>
          %dma_wait3A_203 = arith.constant 0 : i32
          %dma_wait3A_204 = arith.constant 0 : i32
          %dma_wait3A_205 = tpu.memref_slice %arg13[%dma_wait3A_203, %dma_wait3A_204] : memref<10112x128xf32, #tpu.memory_space<vmem_shared>> -> memref<10112x128xf32, #tpu.memory_space<vmem_shared>>
          tpu.wait_indirect_dma semaphore(%run_scoped3A_193 : memref<!tpu.dma_semaphore, #tpu.memory_space<semaphore_mem>>) src(%arg8 : memref<128x128xf32, #tpu.memory_space<vmem>>) dst(%dma_wait3A_205 : memref<10112x128xf32, #tpu.memory_space<vmem_shared>>)
          tpu.yield
        }) : () -> ()
        %dma_start3A_136 = arith.constant 0 : i32
        %dma_start3A_137 = arith.constant 6 : i32
        %dma_start3A_138 = arith.constant 0 : i32
        %dma_start3A_139 = tpu.memref_slice %arg7[%dma_start3A_136, %dma_start3A_137, %dma_start3A_138] : memref<2x8x128xi32, #tpu.memory_space<vmem>> -> memref<1x1x128xi32, #tpu.memory_space<vmem>>
        %dma_start3A_140 = tpu.memref_squeeze %dma_start3A_139 : memref<1x1x128xi32, #tpu.memory_space<vmem>> -> memref<128xi32, #tpu.memory_space<vmem>>
        %dma_start3A_141 = arith.constant 0 : i32
        %dma_start3A_142 = arith.constant 0 : i32
        %dma_start3A_143 = tpu.memref_slice %arg4[%dma_start3A_141, %dma_start3A_142] : memref<10000x128xf32, #tpu.memory_space<hbm>> -> memref<10000x128xf32, #tpu.memory_space<hbm>>
        tpu.enqueue_indirect_dma source(%dma_start3A_143 : memref<10000x128xf32, #tpu.memory_space<hbm>>) target(%arg8 : memref<128x128xf32, #tpu.memory_space<vmem>>) offsets(%dma_start3A_140 : memref<128xi32, #tpu.memory_space<vmem>>) semaphore(%arg11 : memref<!tpu.dma_semaphore, #tpu.memory_space<semaphore_mem>>)
        %dma_wait3A_144 = arith.constant 0 : i32
        %dma_wait3A_145 = arith.constant 0 : i32
        %dma_wait3A_146 = arith.constant 0 : i32
        %dma_wait3A_147 = tpu.memref_slice %arg7[%dma_wait3A_144, %dma_wait3A_145, %dma_wait3A_146] : memref<2x8x128xi32, #tpu.memory_space<vmem>> -> memref<1x1x128xi32, #tpu.memory_space<vmem>>
        %dma_wait3A_148 = tpu.memref_squeeze %dma_wait3A_147 : memref<1x1x128xi32, #tpu.memory_space<vmem>> -> memref<128xi32, #tpu.memory_space<vmem>>
        %dma_wait3A_149 = arith.constant 0 : i32
        %dma_wait3A_150 = arith.constant 0 : i32
        %dma_wait3A_151 = tpu.memref_slice %arg4[%dma_wait3A_149, %dma_wait3A_150] : memref<10000x128xf32, #tpu.memory_space<hbm>> -> memref<10000x128xf32, #tpu.memory_space<hbm>>
        tpu.wait_indirect_dma semaphore(%arg12 : memref<!tpu.dma_semaphore, #tpu.memory_space<semaphore_mem>>) src(%dma_wait3A_151 : memref<10000x128xf32, #tpu.memory_space<hbm>>) dst(%arg9 : memref<128x128xf32, #tpu.memory_space<vmem>>)
        %run_scoped3A_152 = arith.constant 1 : i32
        %run_scoped3A_153 = arith.constant 5 : i32
        "tpu.region"() ({
          %run_scoped3A_193 = tpu.sem_alloc : memref<!tpu.dma_semaphore, #tpu.memory_space<semaphore_mem>>
          %dma_start3A_194 = arith.constant 0 : i32
          %dma_start3A_195 = tpu.memref_slice %arg7[%run_scoped3A_152, %run_scoped3A_153, %dma_start3A_194] : memref<2x8x128xi32, #tpu.memory_space<vmem>> -> memref<1x1x128xi32, #tpu.memory_space<vmem>>
          %dma_start3A_196 = tpu.memref_squeeze %dma_start3A_195 : memref<1x1x128xi32, #tpu.memory_space<vmem>> -> memref<128xi32, #tpu.memory_space<vmem>>
          %dma_start3A_197 = arith.constant 0 : i32
          %dma_start3A_198 = arith.constant 0 : i32
          %dma_start3A_199 = tpu.memref_slice %arg13[%dma_start3A_197, %dma_start3A_198] : memref<10112x128xf32, #tpu.memory_space<vmem_shared>> -> memref<10112x128xf32, #tpu.memory_space<vmem_shared>>
          tpu.enqueue_indirect_dma source(%arg9 : memref<128x128xf32, #tpu.memory_space<vmem>>) target(%dma_start3A_199 : memref<10112x128xf32, #tpu.memory_space<vmem_shared>>) offsets(%dma_start3A_196 : memref<128xi32, #tpu.memory_space<vmem>>) semaphore(%run_scoped3A_193 : memref<!tpu.dma_semaphore, #tpu.memory_space<semaphore_mem>>) {add = true}
          %dma_wait3A_200 = arith.constant 0 : i32
          %dma_wait3A_201 = tpu.memref_slice %arg7[%run_scoped3A_152, %run_scoped3A_153, %dma_wait3A_200] : memref<2x8x128xi32, #tpu.memory_space<vmem>> -> memref<1x1x128xi32, #tpu.memory_space<vmem>>
          %dma_wait3A_202 = tpu.memref_squeeze %dma_wait3A_201 : memref<1x1x128xi32, #tpu.memory_space<vmem>> -> memref<128xi32, #tpu.memory_space<vmem>>
          %dma_wait3A_203 = arith.constant 0 : i32
          %dma_wait3A_204 = arith.constant 0 : i32
          %dma_wait3A_205 = tpu.memref_slice %arg13[%dma_wait3A_203, %dma_wait3A_204] : memref<10112x128xf32, #tpu.memory_space<vmem_shared>> -> memref<10112x128xf32, #tpu.memory_space<vmem_shared>>
          tpu.wait_indirect_dma semaphore(%run_scoped3A_193 : memref<!tpu.dma_semaphore, #tpu.memory_space<semaphore_mem>>) src(%arg9 : memref<128x128xf32, #tpu.memory_space<vmem>>) dst(%dma_wait3A_205 : memref<10112x128xf32, #tpu.memory_space<vmem_shared>>)
          tpu.yield
        }) : () -> ()
        %dma_start3A_154 = arith.constant 0 : i32
        %dma_start3A_155 = arith.constant 7 : i32
        %dma_start3A_156 = arith.constant 0 : i32
        %dma_start3A_157 = tpu.memref_slice %arg7[%dma_start3A_154, %dma_start3A_155, %dma_start3A_156] : memref<2x8x128xi32, #tpu.memory_space<vmem>> -> memref<1x1x128xi32, #tpu.memory_space<vmem>>
        %dma_start3A_158 = tpu.memref_squeeze %dma_start3A_157 : memref<1x1x128xi32, #tpu.memory_space<vmem>> -> memref<128xi32, #tpu.memory_space<vmem>>
        %dma_start3A_159 = arith.constant 0 : i32
        %dma_start3A_160 = arith.constant 0 : i32
        %dma_start3A_161 = tpu.memref_slice %arg4[%dma_start3A_159, %dma_start3A_160] : memref<10000x128xf32, #tpu.memory_space<hbm>> -> memref<10000x128xf32, #tpu.memory_space<hbm>>
        tpu.enqueue_indirect_dma source(%dma_start3A_161 : memref<10000x128xf32, #tpu.memory_space<hbm>>) target(%arg9 : memref<128x128xf32, #tpu.memory_space<vmem>>) offsets(%dma_start3A_158 : memref<128xi32, #tpu.memory_space<vmem>>) semaphore(%arg12 : memref<!tpu.dma_semaphore, #tpu.memory_space<semaphore_mem>>)
        %dma_wait3A_162 = arith.constant 0 : i32
        %dma_wait3A_163 = arith.constant 0 : i32
        %dma_wait3A_164 = arith.constant 0 : i32
        %dma_wait3A_165 = tpu.memref_slice %arg7[%dma_wait3A_162, %dma_wait3A_163, %dma_wait3A_164] : memref<2x8x128xi32, #tpu.memory_space<vmem>> -> memref<1x1x128xi32, #tpu.memory_space<vmem>>
        %dma_wait3A_166 = tpu.memref_squeeze %dma_wait3A_165 : memref<1x1x128xi32, #tpu.memory_space<vmem>> -> memref<128xi32, #tpu.memory_space<vmem>>
        %dma_wait3A_167 = arith.constant 0 : i32
        %dma_wait3A_168 = arith.constant 0 : i32
        %dma_wait3A_169 = tpu.memref_slice %arg4[%dma_wait3A_167, %dma_wait3A_168] : memref<10000x128xf32, #tpu.memory_space<hbm>> -> memref<10000x128xf32, #tpu.memory_space<hbm>>
        tpu.wait_indirect_dma semaphore(%arg11 : memref<!tpu.dma_semaphore, #tpu.memory_space<semaphore_mem>>) src(%dma_wait3A_169 : memref<10000x128xf32, #tpu.memory_space<hbm>>) dst(%arg8 : memref<128x128xf32, #tpu.memory_space<vmem>>)
        %run_scoped3A_170 = arith.constant 1 : i32
        %run_scoped3A_171 = arith.constant 6 : i32
        "tpu.region"() ({
          %run_scoped3A_193 = tpu.sem_alloc : memref<!tpu.dma_semaphore, #tpu.memory_space<semaphore_mem>>
          %dma_start3A_194 = arith.constant 0 : i32
          %dma_start3A_195 = tpu.memref_slice %arg7[%run_scoped3A_170, %run_scoped3A_171, %dma_start3A_194] : memref<2x8x128xi32, #tpu.memory_space<vmem>> -> memref<1x1x128xi32, #tpu.memory_space<vmem>>
          %dma_start3A_196 = tpu.memref_squeeze %dma_start3A_195 : memref<1x1x128xi32, #tpu.memory_space<vmem>> -> memref<128xi32, #tpu.memory_space<vmem>>
          %dma_start3A_197 = arith.constant 0 : i32
          %dma_start3A_198 = arith.constant 0 : i32
          %dma_start3A_199 = tpu.memref_slice %arg13[%dma_start3A_197, %dma_start3A_198] : memref<10112x128xf32, #tpu.memory_space<vmem_shared>> -> memref<10112x128xf32, #tpu.memory_space<vmem_shared>>
          tpu.enqueue_indirect_dma source(%arg8 : memref<128x128xf32, #tpu.memory_space<vmem>>) target(%dma_start3A_199 : memref<10112x128xf32, #tpu.memory_space<vmem_shared>>) offsets(%dma_start3A_196 : memref<128xi32, #tpu.memory_space<vmem>>) semaphore(%run_scoped3A_193 : memref<!tpu.dma_semaphore, #tpu.memory_space<semaphore_mem>>) {add = true}
          %dma_wait3A_200 = arith.constant 0 : i32
          %dma_wait3A_201 = tpu.memref_slice %arg7[%run_scoped3A_170, %run_scoped3A_171, %dma_wait3A_200] : memref<2x8x128xi32, #tpu.memory_space<vmem>> -> memref<1x1x128xi32, #tpu.memory_space<vmem>>
          %dma_wait3A_202 = tpu.memref_squeeze %dma_wait3A_201 : memref<1x1x128xi32, #tpu.memory_space<vmem>> -> memref<128xi32, #tpu.memory_space<vmem>>
          %dma_wait3A_203 = arith.constant 0 : i32
          %dma_wait3A_204 = arith.constant 0 : i32
          %dma_wait3A_205 = tpu.memref_slice %arg13[%dma_wait3A_203, %dma_wait3A_204] : memref<10112x128xf32, #tpu.memory_space<vmem_shared>> -> memref<10112x128xf32, #tpu.memory_space<vmem_shared>>
          tpu.wait_indirect_dma semaphore(%run_scoped3A_193 : memref<!tpu.dma_semaphore, #tpu.memory_space<semaphore_mem>>) src(%arg8 : memref<128x128xf32, #tpu.memory_space<vmem>>) dst(%dma_wait3A_205 : memref<10112x128xf32, #tpu.memory_space<vmem_shared>>)
          tpu.yield
        }) : () -> ()
        %dma_wait3A_172 = arith.constant 0 : i32
        %dma_wait3A_173 = arith.constant 0 : i32
        %dma_wait3A_174 = arith.constant 0 : i32
        %dma_wait3A_175 = tpu.memref_slice %arg7[%dma_wait3A_172, %dma_wait3A_173, %dma_wait3A_174] : memref<2x8x128xi32, #tpu.memory_space<vmem>> -> memref<1x1x128xi32, #tpu.memory_space<vmem>>
        %dma_wait3A_176 = tpu.memref_squeeze %dma_wait3A_175 : memref<1x1x128xi32, #tpu.memory_space<vmem>> -> memref<128xi32, #tpu.memory_space<vmem>>
        %dma_wait3A_177 = arith.constant 0 : i32
        %dma_wait3A_178 = arith.constant 0 : i32
        %dma_wait3A_179 = tpu.memref_slice %arg4[%dma_wait3A_177, %dma_wait3A_178] : memref<10000x128xf32, #tpu.memory_space<hbm>> -> memref<10000x128xf32, #tpu.memory_space<hbm>>
        tpu.wait_indirect_dma semaphore(%arg12 : memref<!tpu.dma_semaphore, #tpu.memory_space<semaphore_mem>>) src(%dma_wait3A_179 : memref<10000x128xf32, #tpu.memory_space<hbm>>) dst(%arg9 : memref<128x128xf32, #tpu.memory_space<vmem>>)
        %run_scoped3A_180 = arith.constant 1 : i32
        %run_scoped3A_181 = arith.constant 7 : i32
        "tpu.region"() ({
          %run_scoped3A_193 = tpu.sem_alloc : memref<!tpu.dma_semaphore, #tpu.memory_space<semaphore_mem>>
          %dma_start3A_194 = arith.constant 0 : i32
          %dma_start3A_195 = tpu.memref_slice %arg7[%run_scoped3A_180, %run_scoped3A_181, %dma_start3A_194] : memref<2x8x128xi32, #tpu.memory_space<vmem>> -> memref<1x1x128xi32, #tpu.memory_space<vmem>>
          %dma_start3A_196 = tpu.memref_squeeze %dma_start3A_195 : memref<1x1x128xi32, #tpu.memory_space<vmem>> -> memref<128xi32, #tpu.memory_space<vmem>>
          %dma_start3A_197 = arith.constant 0 : i32
          %dma_start3A_198 = arith.constant 0 : i32
          %dma_start3A_199 = tpu.memref_slice %arg13[%dma_start3A_197, %dma_start3A_198] : memref<10112x128xf32, #tpu.memory_space<vmem_shared>> -> memref<10112x128xf32, #tpu.memory_space<vmem_shared>>
          tpu.enqueue_indirect_dma source(%arg9 : memref<128x128xf32, #tpu.memory_space<vmem>>) target(%dma_start3A_199 : memref<10112x128xf32, #tpu.memory_space<vmem_shared>>) offsets(%dma_start3A_196 : memref<128xi32, #tpu.memory_space<vmem>>) semaphore(%run_scoped3A_193 : memref<!tpu.dma_semaphore, #tpu.memory_space<semaphore_mem>>) {add = true}
          %dma_wait3A_200 = arith.constant 0 : i32
          %dma_wait3A_201 = tpu.memref_slice %arg7[%run_scoped3A_180, %run_scoped3A_181, %dma_wait3A_200] : memref<2x8x128xi32, #tpu.memory_space<vmem>> -> memref<1x1x128xi32, #tpu.memory_space<vmem>>
          %dma_wait3A_202 = tpu.memref_squeeze %dma_wait3A_201 : memref<1x1x128xi32, #tpu.memory_space<vmem>> -> memref<128xi32, #tpu.memory_space<vmem>>
          %dma_wait3A_203 = arith.constant 0 : i32
          %dma_wait3A_204 = arith.constant 0 : i32
          %dma_wait3A_205 = tpu.memref_slice %arg13[%dma_wait3A_203, %dma_wait3A_204] : memref<10112x128xf32, #tpu.memory_space<vmem_shared>> -> memref<10112x128xf32, #tpu.memory_space<vmem_shared>>
          tpu.wait_indirect_dma semaphore(%run_scoped3A_193 : memref<!tpu.dma_semaphore, #tpu.memory_space<semaphore_mem>>) src(%arg9 : memref<128x128xf32, #tpu.memory_space<vmem>>) dst(%dma_wait3A_205 : memref<10112x128xf32, #tpu.memory_space<vmem_shared>>)
          tpu.yield
        }) : () -> ()
        %add3A = arith.constant 1 : i32
        %add3A_182 = arith.addi %scan3A_32, %add3A : i32
        %min3A = arith.constant 9 : i32
        %min3A_183 = arith.minsi %add3A_182, %min3A : i32
        %mul3A_184 = arith.constant 8 : i32
        %mul3A_185 = arith.muli %min3A_183, %mul3A_184 : i32
        %add3A_186 = arith.addi %mul3A_0, %mul3A_185 : i32
        %dma_start3A_187 = arith.constant 0 : i32
        %dma_start3A_188 = arith.constant 0 : i32
        %dma_start3A_189 = tpu.memref_slice %arg2[%dma_start3A_187, %add3A_186, %dma_start3A_188] : memref<2x1280x128xi32, #tpu.memory_space<hbm>> -> memref<2x8x128xi32, #tpu.memory_space<hbm>>
        %dma_start3A_190 = arith.constant 0 : i32
        %dma_start3A_191 = arith.constant 0 : i32
        %dma_start3A_192 = tpu.memref_slice %arg2[%dma_start3A_190, %add3A_186, %dma_start3A_191] : memref<2x1280x128xi32, #tpu.memory_space<hbm>> -> memref<2x8x128xi32, #tpu.memory_space<hbm>>
        tpu.enqueue_dma source(%dma_start3A_192 : memref<2x8x128xi32, #tpu.memory_space<hbm>>) target(%arg7 : memref<2x8x128xi32, #tpu.memory_space<vmem>>) target_semaphore(%arg10 : memref<!tpu.dma_semaphore, #tpu.memory_space<semaphore_mem>>)
      }
      %scan3A_26 = arith.constant 10 : i32
      %dma_wait3A = arith.constant 0 : i32
      %dma_wait3A_27 = arith.constant 0 : i32
      %dma_wait3A_28 = tpu.memref_slice %arg2[%dma_wait3A, %mul3A_0, %dma_wait3A_27] : memref<2x1280x128xi32, #tpu.memory_space<hbm>> -> memref<2x8x128xi32, #tpu.memory_space<hbm>>
      %dma_wait3A_29 = arith.constant 0 : i32
      %dma_wait3A_30 = arith.constant 0 : i32
      %dma_wait3A_31 = tpu.memref_slice %arg2[%dma_wait3A_29, %mul3A_0, %dma_wait3A_30] : memref<2x1280x128xi32, #tpu.memory_space<hbm>> -> memref<2x8x128xi32, #tpu.memory_space<hbm>>
      tpu.wait_dma2 semaphore(%arg10 : memref<!tpu.dma_semaphore, #tpu.memory_space<semaphore_mem>>) src(%dma_wait3A_31 : memref<2x8x128xi32, #tpu.memory_space<hbm>>) dst(%arg7 : memref<2x8x128xi32, #tpu.memory_space<vmem>>)
    } else {
    }
    %barrier3A_17 = arith.constant 0 : index
    tpu.barrier barrier_id(%barrier3A_17)
    %mul3A_18 = arith.constant 632 : i32
    %mul3A_19 = arith.muli %arg1, %mul3A_18 : i32
    %mul3A_20 = arith.constant 632 : i32
    %mul3A_21 = arith.muli %arg1, %mul3A_20 : i32
    "tpu.region"() ({
      %run_scoped3A = tpu.sem_alloc : memref<!tpu.dma_semaphore, #tpu.memory_space<semaphore_mem>>
      %dma_start3A_22 = arith.constant 0 : i32
      %dma_start3A_23 = tpu.memref_slice %arg6[%arg0, %mul3A_21, %dma_start3A_22] : memref<2x10112x128xf32, #tpu.memory_space<hbm>> -> memref<1x632x128xf32, #tpu.memory_space<hbm>>
      %dma_start3A_24 = tpu.memref_squeeze %dma_start3A_23 : memref<1x632x128xf32, #tpu.memory_space<hbm>> -> memref<632x128xf32, #tpu.memory_space<hbm>>
      %dma_start3A_25 = arith.constant 0 : i32
      %dma_start3A_26 = tpu.memref_slice %arg13[%mul3A_19, %dma_start3A_25] : memref<10112x128xf32, #tpu.memory_space<vmem_shared>> -> memref<632x128xf32, #tpu.memory_space<vmem_shared>>
      tpu.enqueue_dma source(%dma_start3A_26 : memref<632x128xf32, #tpu.memory_space<vmem_shared>>) target(%dma_start3A_24 : memref<632x128xf32, #tpu.memory_space<hbm>>) target_semaphore(%run_scoped3A : memref<!tpu.dma_semaphore, #tpu.memory_space<semaphore_mem>>)
      %dma_wait3A = arith.constant 0 : i32
      %dma_wait3A_27 = tpu.memref_slice %arg6[%arg0, %mul3A_21, %dma_wait3A] : memref<2x10112x128xf32, #tpu.memory_space<hbm>> -> memref<1x632x128xf32, #tpu.memory_space<hbm>>
      %dma_wait3A_28 = tpu.memref_squeeze %dma_wait3A_27 : memref<1x632x128xf32, #tpu.memory_space<hbm>> -> memref<632x128xf32, #tpu.memory_space<hbm>>
      %dma_wait3A_29 = arith.constant 0 : i32
      %dma_wait3A_30 = tpu.memref_slice %arg13[%mul3A_19, %dma_wait3A_29] : memref<10112x128xf32, #tpu.memory_space<vmem_shared>> -> memref<632x128xf32, #tpu.memory_space<vmem_shared>>
      tpu.wait_dma2 semaphore(%run_scoped3A : memref<!tpu.dma_semaphore, #tpu.memory_space<semaphore_mem>>) src(%dma_wait3A_30 : memref<632x128xf32, #tpu.memory_space<vmem_shared>>) dst(%dma_wait3A_28 : memref<632x128xf32, #tpu.memory_space<hbm>>)
      tpu.yield
    }) : () -> ()
    return
  }
}

#map = affine_map<(d0, d1) -> (0, 0, 0)>
#map1 = affine_map<(d0, d1) -> (0, 0)>
module attributes {stable_mosaic.version = 14 : i64} {
  func.func @_agg_kernel(%arg0: i32, %arg1: i32, %arg2: memref<2x1280x128xi32, #tpu.memory_space<hbm>>, %arg3: memref<10000x128xf32, #tpu.memory_space<hbm>>, %arg4: memref<10000x128xf32, #tpu.memory_space<hbm>>, %arg5: memref<10112x128xf32, #tpu.memory_space<hbm>>, %arg6: memref<2x10112x128xf32, #tpu.memory_space<hbm>>, %arg7: memref<2x8x128xi32, #tpu.memory_space<vmem>>, %arg8: memref<128x128xf32, #tpu.memory_space<vmem>>, %arg9: memref<128x128xf32, #tpu.memory_space<vmem>>, %arg10: memref<!tpu.dma_semaphore, #tpu.memory_space<semaphore_mem>>, %arg11: memref<!tpu.dma_semaphore, #tpu.memory_space<semaphore_mem>>, %arg12: memref<!tpu.dma_semaphore, #tpu.memory_space<semaphore_mem>>, %arg13: memref<10112x128xf32, #tpu.memory_space<vmem_shared>>) attributes {dimension_semantics = [#tpu.dimension_semantics<core_parallel>, #tpu.dimension_semantics<subcore_parallel>], iteration_bounds = array<i64: 2, 16>, scalar_prefetch = 0 : i64, scratch_operands = 7 : i64, tpu.core_type = #tpu.core_type<sc_vector_subcore>, window_params = [{transform_indices = #map}, {transform_indices = #map1}, {transform_indices = #map1}, {transform_indices = #map1}, {transform_indices = #map}]} {
    %mul3A = arith.constant 80 : i32
    %mul3A_0 = arith.muli %arg1, %mul3A : i32
    %dma_start3A = arith.constant 0 : i32
    %dma_start3A_1 = arith.constant 0 : i32
    %dma_start3A_2 = tpu.memref_slice %arg2[%dma_start3A, %mul3A_0, %dma_start3A_1] : memref<2x1280x128xi32, #tpu.memory_space<hbm>> -> memref<2x8x128xi32, #tpu.memory_space<hbm>>
    %dma_start3A_3 = arith.constant 0 : i32
    %dma_start3A_4 = arith.constant 0 : i32
    %dma_start3A_5 = tpu.memref_slice %arg2[%dma_start3A_3, %mul3A_0, %dma_start3A_4] : memref<2x1280x128xi32, #tpu.memory_space<hbm>> -> memref<2x8x128xi32, #tpu.memory_space<hbm>>
    tpu.enqueue_dma source(%dma_start3A_5 : memref<2x8x128xi32, #tpu.memory_space<hbm>>) target(%arg7 : memref<2x8x128xi32, #tpu.memory_space<vmem>>) target_semaphore(%arg10 : memref<!tpu.dma_semaphore, #tpu.memory_space<semaphore_mem>>)
    %mul3A_6 = arith.constant 632 : i32
    %mul3A_7 = arith.muli %arg1, %mul3A_6 : i32
    %mul3A_8 = arith.constant 632 : i32
    %mul3A_9 = arith.muli %arg1, %mul3A_8 : i32
    "tpu.region"() ({
      %run_scoped3A = tpu.sem_alloc : memref<!tpu.dma_semaphore, #tpu.memory_space<semaphore_mem>>
      %dma_start3A_22 = arith.constant 0 : i32
      %dma_start3A_23 = tpu.memref_slice %arg13[%mul3A_9, %dma_start3A_22] : memref<10112x128xf32, #tpu.memory_space<vmem_shared>> -> memref<632x128xf32, #tpu.memory_space<vmem_shared>>
      %dma_start3A_24 = arith.constant 0 : i32
      %dma_start3A_25 = tpu.memref_slice %arg5[%mul3A_7, %dma_start3A_24] : memref<10112x128xf32, #tpu.memory_space<hbm>> -> memref<632x128xf32, #tpu.memory_space<hbm>>
      tpu.enqueue_dma source(%dma_start3A_25 : memref<632x128xf32, #tpu.memory_space<hbm>>) target(%dma_start3A_23 : memref<632x128xf32, #tpu.memory_space<vmem_shared>>) target_semaphore(%run_scoped3A : memref<!tpu.dma_semaphore, #tpu.memory_space<semaphore_mem>>)
      %dma_wait3A = arith.constant 0 : i32
      %dma_wait3A_26 = tpu.memref_slice %arg13[%mul3A_9, %dma_wait3A] : memref<10112x128xf32, #tpu.memory_space<vmem_shared>> -> memref<632x128xf32, #tpu.memory_space<vmem_shared>>
      %dma_wait3A_27 = arith.constant 0 : i32
      %dma_wait3A_28 = tpu.memref_slice %arg5[%mul3A_7, %dma_wait3A_27] : memref<10112x128xf32, #tpu.memory_space<hbm>> -> memref<632x128xf32, #tpu.memory_space<hbm>>
      tpu.wait_dma2 semaphore(%run_scoped3A : memref<!tpu.dma_semaphore, #tpu.memory_space<semaphore_mem>>) src(%dma_wait3A_28 : memref<632x128xf32, #tpu.memory_space<hbm>>) dst(%dma_wait3A_26 : memref<632x128xf32, #tpu.memory_space<vmem_shared>>)
      tpu.yield
    }) : () -> ()
    %barrier3A = arith.constant 0 : index
    tpu.barrier barrier_id(%barrier3A)
    %eq3A = arith.constant 0 : i32
    %eq3A_10 = arith.cmpi eq, %arg0, %eq3A : i32
    %convert_element_type3A = arith.extui %eq3A_10 : i1 to i32
    %cond3A = arith.constant 0 : i32
    %cond3A_11 = arith.cmpi ne, %convert_element_type3A, %cond3A : i32
    scf.if %cond3A_11 {
      %scan3A = arith.constant 0 : i32
      %scan3A_22 = arith.constant 0 : i32
      %scan3A_23 = arith.constant 10 : i32
      %scan3A_24 = arith.addi %scan3A_22, %scan3A_23 : i32
      %scan3A_25 = arith.constant 1 : i32
      scf.for %scan3A_32 = %scan3A_22 to %scan3A_24 step %scan3A_25  : i32 {
        %dma_wait3A_33 = arith.constant 0 : i32
        %dma_wait3A_34 = arith.constant 0 : i32
        %dma_wait3A_35 = tpu.memref_slice %arg2[%dma_wait3A_33, %mul3A_0, %dma_wait3A_34] : memref<2x1280x128xi32, #tpu.memory_space<hbm>> -> memref<2x8x128xi32, #tpu.memory_space<hbm>>
        %dma_wait3A_36 = arith.constant 0 : i32
        %dma_wait3A_37 = arith.constant 0 : i32
        %dma_wait3A_38 = tpu.memref_slice %arg2[%dma_wait3A_36, %mul3A_0, %dma_wait3A_37] : memref<2x1280x128xi32, #tpu.memory_space<hbm>> -> memref<2x8x128xi32, #tpu.memory_space<hbm>>
        tpu.wait_dma2 semaphore(%arg10 : memref<!tpu.dma_semaphore, #tpu.memory_space<semaphore_mem>>) src(%dma_wait3A_38 : memref<2x8x128xi32, #tpu.memory_space<hbm>>) dst(%arg7 : memref<2x8x128xi32, #tpu.memory_space<vmem>>)
        %dma_start3A_39 = arith.constant 0 : i32
        %dma_start3A_40 = arith.constant 0 : i32
        %dma_start3A_41 = arith.constant 0 : i32
        %dma_start3A_42 = tpu.memref_slice %arg7[%dma_start3A_39, %dma_start3A_40, %dma_start3A_41] : memref<2x8x128xi32, #tpu.memory_space<vmem>> -> memref<1x1x128xi32, #tpu.memory_space<vmem>>
        %dma_start3A_43 = tpu.memref_squeeze %dma_start3A_42 : memref<1x1x128xi32, #tpu.memory_space<vmem>> -> memref<128xi32, #tpu.memory_space<vmem>>
        %dma_start3A_44 = arith.constant 0 : i32
        %dma_start3A_45 = arith.constant 0 : i32
        %dma_start3A_46 = tpu.memref_slice %arg3[%dma_start3A_44, %dma_start3A_45] : memref<10000x128xf32, #tpu.memory_space<hbm>> -> memref<10000x128xf32, #tpu.memory_space<hbm>>
        tpu.enqueue_indirect_dma source(%dma_start3A_46 : memref<10000x128xf32, #tpu.memory_space<hbm>>) target(%arg8 : memref<128x128xf32, #tpu.memory_space<vmem>>) offsets(%dma_start3A_43 : memref<128xi32, #tpu.memory_space<vmem>>) semaphore(%arg11 : memref<!tpu.dma_semaphore, #tpu.memory_space<semaphore_mem>>)
        %dma_start3A_47 = arith.constant 0 : i32
        %dma_start3A_48 = arith.constant 1 : i32
        %dma_start3A_49 = arith.constant 0 : i32
        %dma_start3A_50 = tpu.memref_slice %arg7[%dma_start3A_47, %dma_start3A_48, %dma_start3A_49] : memref<2x8x128xi32, #tpu.memory_space<vmem>> -> memref<1x1x128xi32, #tpu.memory_space<vmem>>
        %dma_start3A_51 = tpu.memref_squeeze %dma_start3A_50 : memref<1x1x128xi32, #tpu.memory_space<vmem>> -> memref<128xi32, #tpu.memory_space<vmem>>
        %dma_start3A_52 = arith.constant 0 : i32
        %dma_start3A_53 = arith.constant 0 : i32
        %dma_start3A_54 = tpu.memref_slice %arg3[%dma_start3A_52, %dma_start3A_53] : memref<10000x128xf32, #tpu.memory_space<hbm>> -> memref<10000x128xf32, #tpu.memory_space<hbm>>
        tpu.enqueue_indirect_dma source(%dma_start3A_54 : memref<10000x128xf32, #tpu.memory_space<hbm>>) target(%arg9 : memref<128x128xf32, #tpu.memory_space<vmem>>) offsets(%dma_start3A_51 : memref<128xi32, #tpu.memory_space<vmem>>) semaphore(%arg12 : memref<!tpu.dma_semaphore, #tpu.memory_space<semaphore_mem>>)
        %dma_wait3A_55 = arith.constant 0 : i32
        %dma_wait3A_56 = arith.constant 0 : i32
        %dma_wait3A_57 = arith.constant 0 : i32
        %dma_wait3A_58 = tpu.memref_slice %arg7[%dma_wait3A_55, %dma_wait3A_56, %dma_wait3A_57] : memref<2x8x128xi32, #tpu.memory_space<vmem>> -> memref<1x1x128xi32, #tpu.memory_space<vmem>>
        %dma_wait3A_59 = tpu.memref_squeeze %dma_wait3A_58 : memref<1x1x128xi32, #tpu.memory_space<vmem>> -> memref<128xi32, #tpu.memory_space<vmem>>
        %dma_wait3A_60 = arith.constant 0 : i32
        %dma_wait3A_61 = arith.constant 0 : i32
        %dma_wait3A_62 = tpu.memref_slice %arg3[%dma_wait3A_60, %dma_wait3A_61] : memref<10000x128xf32, #tpu.memory_space<hbm>> -> memref<10000x128xf32, #tpu.memory_space<hbm>>
        tpu.wait_indirect_dma semaphore(%arg11 : memref<!tpu.dma_semaphore, #tpu.memory_space<semaphore_mem>>) src(%dma_wait3A_62 : memref<10000x128xf32, #tpu.memory_space<hbm>>) dst(%arg8 : memref<128x128xf32, #tpu.memory_space<vmem>>)
        %run_scoped3A = arith.constant 1 : i32
        %run_scoped3A_63 = arith.constant 0 : i32
        "tpu.region"() ({
          %run_scoped3A_193 = tpu.sem_alloc : memref<!tpu.dma_semaphore, #tpu.memory_space<semaphore_mem>>
          %dma_start3A_194 = arith.constant 0 : i32
          %dma_start3A_195 = tpu.memref_slice %arg7[%run_scoped3A, %run_scoped3A_63, %dma_start3A_194] : memref<2x8x128xi32, #tpu.memory_space<vmem>> -> memref<1x1x128xi32, #tpu.memory_space<vmem>>
          %dma_start3A_196 = tpu.memref_squeeze %dma_start3A_195 : memref<1x1x128xi32, #tpu.memory_space<vmem>> -> memref<128xi32, #tpu.memory_space<vmem>>
          %dma_start3A_197 = arith.constant 0 : i32
          %dma_start3A_198 = arith.constant 0 : i32
          %dma_start3A_199 = tpu.memref_slice %arg13[%dma_start3A_197, %dma_start3A_198] : memref<10112x128xf32, #tpu.memory_space<vmem_shared>> -> memref<10112x128xf32, #tpu.memory_space<vmem_shared>>
          tpu.enqueue_indirect_dma source(%arg8 : memref<128x128xf32, #tpu.memory_space<vmem>>) target(%dma_start3A_199 : memref<10112x128xf32, #tpu.memory_space<vmem_shared>>) offsets(%dma_start3A_196 : memref<128xi32, #tpu.memory_space<vmem>>) semaphore(%run_scoped3A_193 : memref<!tpu.dma_semaphore, #tpu.memory_space<semaphore_mem>>) {add = true}
          %dma_wait3A_200 = arith.constant 0 : i32
          %dma_wait3A_201 = tpu.memref_slice %arg7[%run_scoped3A, %run_scoped3A_63, %dma_wait3A_200] : memref<2x8x128xi32, #tpu.memory_space<vmem>> -> memref<1x1x128xi32, #tpu.memory_space<vmem>>
          %dma_wait3A_202 = tpu.memref_squeeze %dma_wait3A_201 : memref<1x1x128xi32, #tpu.memory_space<vmem>> -> memref<128xi32, #tpu.memory_space<vmem>>
          %dma_wait3A_203 = arith.constant 0 : i32
          %dma_wait3A_204 = arith.constant 0 : i32
          %dma_wait3A_205 = tpu.memref_slice %arg13[%dma_wait3A_203, %dma_wait3A_204] : memref<10112x128xf32, #tpu.memory_space<vmem_shared>> -> memref<10112x128xf32, #tpu.memory_space<vmem_shared>>
          tpu.wait_indirect_dma semaphore(%run_scoped3A_193 : memref<!tpu.dma_semaphore, #tpu.memory_space<semaphore_mem>>) src(%arg8 : memref<128x128xf32, #tpu.memory_space<vmem>>) dst(%dma_wait3A_205 : memref<10112x128xf32, #tpu.memory_space<vmem_shared>>)
          tpu.yield
        }) : () -> ()
        %dma_start3A_64 = arith.constant 0 : i32
        %dma_start3A_65 = arith.constant 2 : i32
        %dma_start3A_66 = arith.constant 0 : i32
        %dma_start3A_67 = tpu.memref_slice %arg7[%dma_start3A_64, %dma_start3A_65, %dma_start3A_66] : memref<2x8x128xi32, #tpu.memory_space<vmem>> -> memref<1x1x128xi32, #tpu.memory_space<vmem>>
        %dma_start3A_68 = tpu.memref_squeeze %dma_start3A_67 : memref<1x1x128xi32, #tpu.memory_space<vmem>> -> memref<128xi32, #tpu.memory_space<vmem>>
        %dma_start3A_69 = arith.constant 0 : i32
        %dma_start3A_70 = arith.constant 0 : i32
        %dma_start3A_71 = tpu.memref_slice %arg3[%dma_start3A_69, %dma_start3A_70] : memref<10000x128xf32, #tpu.memory_space<hbm>> -> memref<10000x128xf32, #tpu.memory_space<hbm>>
        tpu.enqueue_indirect_dma source(%dma_start3A_71 : memref<10000x128xf32, #tpu.memory_space<hbm>>) target(%arg8 : memref<128x128xf32, #tpu.memory_space<vmem>>) offsets(%dma_start3A_68 : memref<128xi32, #tpu.memory_space<vmem>>) semaphore(%arg11 : memref<!tpu.dma_semaphore, #tpu.memory_space<semaphore_mem>>)
        %dma_wait3A_72 = arith.constant 0 : i32
        %dma_wait3A_73 = arith.constant 0 : i32
        %dma_wait3A_74 = arith.constant 0 : i32
        %dma_wait3A_75 = tpu.memref_slice %arg7[%dma_wait3A_72, %dma_wait3A_73, %dma_wait3A_74] : memref<2x8x128xi32, #tpu.memory_space<vmem>> -> memref<1x1x128xi32, #tpu.memory_space<vmem>>
        %dma_wait3A_76 = tpu.memref_squeeze %dma_wait3A_75 : memref<1x1x128xi32, #tpu.memory_space<vmem>> -> memref<128xi32, #tpu.memory_space<vmem>>
        %dma_wait3A_77 = arith.constant 0 : i32
        %dma_wait3A_78 = arith.constant 0 : i32
        %dma_wait3A_79 = tpu.memref_slice %arg3[%dma_wait3A_77, %dma_wait3A_78] : memref<10000x128xf32, #tpu.memory_space<hbm>> -> memref<10000x128xf32, #tpu.memory_space<hbm>>
        tpu.wait_indirect_dma semaphore(%arg12 : memref<!tpu.dma_semaphore, #tpu.memory_space<semaphore_mem>>) src(%dma_wait3A_79 : memref<10000x128xf32, #tpu.memory_space<hbm>>) dst(%arg9 : memref<128x128xf32, #tpu.memory_space<vmem>>)
        %run_scoped3A_80 = arith.constant 1 : i32
        %run_scoped3A_81 = arith.constant 1 : i32
        "tpu.region"() ({
          %run_scoped3A_193 = tpu.sem_alloc : memref<!tpu.dma_semaphore, #tpu.memory_space<semaphore_mem>>
          %dma_start3A_194 = arith.constant 0 : i32
          %dma_start3A_195 = tpu.memref_slice %arg7[%run_scoped3A_80, %run_scoped3A_81, %dma_start3A_194] : memref<2x8x128xi32, #tpu.memory_space<vmem>> -> memref<1x1x128xi32, #tpu.memory_space<vmem>>
          %dma_start3A_196 = tpu.memref_squeeze %dma_start3A_195 : memref<1x1x128xi32, #tpu.memory_space<vmem>> -> memref<128xi32, #tpu.memory_space<vmem>>
          %dma_start3A_197 = arith.constant 0 : i32
          %dma_start3A_198 = arith.constant 0 : i32
          %dma_start3A_199 = tpu.memref_slice %arg13[%dma_start3A_197, %dma_start3A_198] : memref<10112x128xf32, #tpu.memory_space<vmem_shared>> -> memref<10112x128xf32, #tpu.memory_space<vmem_shared>>
          tpu.enqueue_indirect_dma source(%arg9 : memref<128x128xf32, #tpu.memory_space<vmem>>) target(%dma_start3A_199 : memref<10112x128xf32, #tpu.memory_space<vmem_shared>>) offsets(%dma_start3A_196 : memref<128xi32, #tpu.memory_space<vmem>>) semaphore(%run_scoped3A_193 : memref<!tpu.dma_semaphore, #tpu.memory_space<semaphore_mem>>) {add = true}
          %dma_wait3A_200 = arith.constant 0 : i32
          %dma_wait3A_201 = tpu.memref_slice %arg7[%run_scoped3A_80, %run_scoped3A_81, %dma_wait3A_200] : memref<2x8x128xi32, #tpu.memory_space<vmem>> -> memref<1x1x128xi32, #tpu.memory_space<vmem>>
          %dma_wait3A_202 = tpu.memref_squeeze %dma_wait3A_201 : memref<1x1x128xi32, #tpu.memory_space<vmem>> -> memref<128xi32, #tpu.memory_space<vmem>>
          %dma_wait3A_203 = arith.constant 0 : i32
          %dma_wait3A_204 = arith.constant 0 : i32
          %dma_wait3A_205 = tpu.memref_slice %arg13[%dma_wait3A_203, %dma_wait3A_204] : memref<10112x128xf32, #tpu.memory_space<vmem_shared>> -> memref<10112x128xf32, #tpu.memory_space<vmem_shared>>
          tpu.wait_indirect_dma semaphore(%run_scoped3A_193 : memref<!tpu.dma_semaphore, #tpu.memory_space<semaphore_mem>>) src(%arg9 : memref<128x128xf32, #tpu.memory_space<vmem>>) dst(%dma_wait3A_205 : memref<10112x128xf32, #tpu.memory_space<vmem_shared>>)
          tpu.yield
        }) : () -> ()
        %dma_start3A_82 = arith.constant 0 : i32
        %dma_start3A_83 = arith.constant 3 : i32
        %dma_start3A_84 = arith.constant 0 : i32
        %dma_start3A_85 = tpu.memref_slice %arg7[%dma_start3A_82, %dma_start3A_83, %dma_start3A_84] : memref<2x8x128xi32, #tpu.memory_space<vmem>> -> memref<1x1x128xi32, #tpu.memory_space<vmem>>
        %dma_start3A_86 = tpu.memref_squeeze %dma_start3A_85 : memref<1x1x128xi32, #tpu.memory_space<vmem>> -> memref<128xi32, #tpu.memory_space<vmem>>
        %dma_start3A_87 = arith.constant 0 : i32
        %dma_start3A_88 = arith.constant 0 : i32
        %dma_start3A_89 = tpu.memref_slice %arg3[%dma_start3A_87, %dma_start3A_88] : memref<10000x128xf32, #tpu.memory_space<hbm>> -> memref<10000x128xf32, #tpu.memory_space<hbm>>
        tpu.enqueue_indirect_dma source(%dma_start3A_89 : memref<10000x128xf32, #tpu.memory_space<hbm>>) target(%arg9 : memref<128x128xf32, #tpu.memory_space<vmem>>) offsets(%dma_start3A_86 : memref<128xi32, #tpu.memory_space<vmem>>) semaphore(%arg12 : memref<!tpu.dma_semaphore, #tpu.memory_space<semaphore_mem>>)
        %dma_wait3A_90 = arith.constant 0 : i32
        %dma_wait3A_91 = arith.constant 0 : i32
        %dma_wait3A_92 = arith.constant 0 : i32
        %dma_wait3A_93 = tpu.memref_slice %arg7[%dma_wait3A_90, %dma_wait3A_91, %dma_wait3A_92] : memref<2x8x128xi32, #tpu.memory_space<vmem>> -> memref<1x1x128xi32, #tpu.memory_space<vmem>>
        %dma_wait3A_94 = tpu.memref_squeeze %dma_wait3A_93 : memref<1x1x128xi32, #tpu.memory_space<vmem>> -> memref<128xi32, #tpu.memory_space<vmem>>
        %dma_wait3A_95 = arith.constant 0 : i32
        %dma_wait3A_96 = arith.constant 0 : i32
        %dma_wait3A_97 = tpu.memref_slice %arg3[%dma_wait3A_95, %dma_wait3A_96] : memref<10000x128xf32, #tpu.memory_space<hbm>> -> memref<10000x128xf32, #tpu.memory_space<hbm>>
        tpu.wait_indirect_dma semaphore(%arg11 : memref<!tpu.dma_semaphore, #tpu.memory_space<semaphore_mem>>) src(%dma_wait3A_97 : memref<10000x128xf32, #tpu.memory_space<hbm>>) dst(%arg8 : memref<128x128xf32, #tpu.memory_space<vmem>>)
        %run_scoped3A_98 = arith.constant 1 : i32
        %run_scoped3A_99 = arith.constant 2 : i32
        "tpu.region"() ({
          %run_scoped3A_193 = tpu.sem_alloc : memref<!tpu.dma_semaphore, #tpu.memory_space<semaphore_mem>>
          %dma_start3A_194 = arith.constant 0 : i32
          %dma_start3A_195 = tpu.memref_slice %arg7[%run_scoped3A_98, %run_scoped3A_99, %dma_start3A_194] : memref<2x8x128xi32, #tpu.memory_space<vmem>> -> memref<1x1x128xi32, #tpu.memory_space<vmem>>
          %dma_start3A_196 = tpu.memref_squeeze %dma_start3A_195 : memref<1x1x128xi32, #tpu.memory_space<vmem>> -> memref<128xi32, #tpu.memory_space<vmem>>
          %dma_start3A_197 = arith.constant 0 : i32
          %dma_start3A_198 = arith.constant 0 : i32
          %dma_start3A_199 = tpu.memref_slice %arg13[%dma_start3A_197, %dma_start3A_198] : memref<10112x128xf32, #tpu.memory_space<vmem_shared>> -> memref<10112x128xf32, #tpu.memory_space<vmem_shared>>
          tpu.enqueue_indirect_dma source(%arg8 : memref<128x128xf32, #tpu.memory_space<vmem>>) target(%dma_start3A_199 : memref<10112x128xf32, #tpu.memory_space<vmem_shared>>) offsets(%dma_start3A_196 : memref<128xi32, #tpu.memory_space<vmem>>) semaphore(%run_scoped3A_193 : memref<!tpu.dma_semaphore, #tpu.memory_space<semaphore_mem>>) {add = true}
          %dma_wait3A_200 = arith.constant 0 : i32
          %dma_wait3A_201 = tpu.memref_slice %arg7[%run_scoped3A_98, %run_scoped3A_99, %dma_wait3A_200] : memref<2x8x128xi32, #tpu.memory_space<vmem>> -> memref<1x1x128xi32, #tpu.memory_space<vmem>>
          %dma_wait3A_202 = tpu.memref_squeeze %dma_wait3A_201 : memref<1x1x128xi32, #tpu.memory_space<vmem>> -> memref<128xi32, #tpu.memory_space<vmem>>
          %dma_wait3A_203 = arith.constant 0 : i32
          %dma_wait3A_204 = arith.constant 0 : i32
          %dma_wait3A_205 = tpu.memref_slice %arg13[%dma_wait3A_203, %dma_wait3A_204] : memref<10112x128xf32, #tpu.memory_space<vmem_shared>> -> memref<10112x128xf32, #tpu.memory_space<vmem_shared>>
          tpu.wait_indirect_dma semaphore(%run_scoped3A_193 : memref<!tpu.dma_semaphore, #tpu.memory_space<semaphore_mem>>) src(%arg8 : memref<128x128xf32, #tpu.memory_space<vmem>>) dst(%dma_wait3A_205 : memref<10112x128xf32, #tpu.memory_space<vmem_shared>>)
          tpu.yield
        }) : () -> ()
        %dma_start3A_100 = arith.constant 0 : i32
        %dma_start3A_101 = arith.constant 4 : i32
        %dma_start3A_102 = arith.constant 0 : i32
        %dma_start3A_103 = tpu.memref_slice %arg7[%dma_start3A_100, %dma_start3A_101, %dma_start3A_102] : memref<2x8x128xi32, #tpu.memory_space<vmem>> -> memref<1x1x128xi32, #tpu.memory_space<vmem>>
        %dma_start3A_104 = tpu.memref_squeeze %dma_start3A_103 : memref<1x1x128xi32, #tpu.memory_space<vmem>> -> memref<128xi32, #tpu.memory_space<vmem>>
        %dma_start3A_105 = arith.constant 0 : i32
        %dma_start3A_106 = arith.constant 0 : i32
        %dma_start3A_107 = tpu.memref_slice %arg3[%dma_start3A_105, %dma_start3A_106] : memref<10000x128xf32, #tpu.memory_space<hbm>> -> memref<10000x128xf32, #tpu.memory_space<hbm>>
        tpu.enqueue_indirect_dma source(%dma_start3A_107 : memref<10000x128xf32, #tpu.memory_space<hbm>>) target(%arg8 : memref<128x128xf32, #tpu.memory_space<vmem>>) offsets(%dma_start3A_104 : memref<128xi32, #tpu.memory_space<vmem>>) semaphore(%arg11 : memref<!tpu.dma_semaphore, #tpu.memory_space<semaphore_mem>>)
        %dma_wait3A_108 = arith.constant 0 : i32
        %dma_wait3A_109 = arith.constant 0 : i32
        %dma_wait3A_110 = arith.constant 0 : i32
        %dma_wait3A_111 = tpu.memref_slice %arg7[%dma_wait3A_108, %dma_wait3A_109, %dma_wait3A_110] : memref<2x8x128xi32, #tpu.memory_space<vmem>> -> memref<1x1x128xi32, #tpu.memory_space<vmem>>
        %dma_wait3A_112 = tpu.memref_squeeze %dma_wait3A_111 : memref<1x1x128xi32, #tpu.memory_space<vmem>> -> memref<128xi32, #tpu.memory_space<vmem>>
        %dma_wait3A_113 = arith.constant 0 : i32
        %dma_wait3A_114 = arith.constant 0 : i32
        %dma_wait3A_115 = tpu.memref_slice %arg3[%dma_wait3A_113, %dma_wait3A_114] : memref<10000x128xf32, #tpu.memory_space<hbm>> -> memref<10000x128xf32, #tpu.memory_space<hbm>>
        tpu.wait_indirect_dma semaphore(%arg12 : memref<!tpu.dma_semaphore, #tpu.memory_space<semaphore_mem>>) src(%dma_wait3A_115 : memref<10000x128xf32, #tpu.memory_space<hbm>>) dst(%arg9 : memref<128x128xf32, #tpu.memory_space<vmem>>)
        %run_scoped3A_116 = arith.constant 1 : i32
        %run_scoped3A_117 = arith.constant 3 : i32
        "tpu.region"() ({
          %run_scoped3A_193 = tpu.sem_alloc : memref<!tpu.dma_semaphore, #tpu.memory_space<semaphore_mem>>
          %dma_start3A_194 = arith.constant 0 : i32
          %dma_start3A_195 = tpu.memref_slice %arg7[%run_scoped3A_116, %run_scoped3A_117, %dma_start3A_194] : memref<2x8x128xi32, #tpu.memory_space<vmem>> -> memref<1x1x128xi32, #tpu.memory_space<vmem>>
          %dma_start3A_196 = tpu.memref_squeeze %dma_start3A_195 : memref<1x1x128xi32, #tpu.memory_space<vmem>> -> memref<128xi32, #tpu.memory_space<vmem>>
          %dma_start3A_197 = arith.constant 0 : i32
          %dma_start3A_198 = arith.constant 0 : i32
          %dma_start3A_199 = tpu.memref_slice %arg13[%dma_start3A_197, %dma_start3A_198] : memref<10112x128xf32, #tpu.memory_space<vmem_shared>> -> memref<10112x128xf32, #tpu.memory_space<vmem_shared>>
          tpu.enqueue_indirect_dma source(%arg9 : memref<128x128xf32, #tpu.memory_space<vmem>>) target(%dma_start3A_199 : memref<10112x128xf32, #tpu.memory_space<vmem_shared>>) offsets(%dma_start3A_196 : memref<128xi32, #tpu.memory_space<vmem>>) semaphore(%run_scoped3A_193 : memref<!tpu.dma_semaphore, #tpu.memory_space<semaphore_mem>>) {add = true}
          %dma_wait3A_200 = arith.constant 0 : i32
          %dma_wait3A_201 = tpu.memref_slice %arg7[%run_scoped3A_116, %run_scoped3A_117, %dma_wait3A_200] : memref<2x8x128xi32, #tpu.memory_space<vmem>> -> memref<1x1x128xi32, #tpu.memory_space<vmem>>
          %dma_wait3A_202 = tpu.memref_squeeze %dma_wait3A_201 : memref<1x1x128xi32, #tpu.memory_space<vmem>> -> memref<128xi32, #tpu.memory_space<vmem>>
          %dma_wait3A_203 = arith.constant 0 : i32
          %dma_wait3A_204 = arith.constant 0 : i32
          %dma_wait3A_205 = tpu.memref_slice %arg13[%dma_wait3A_203, %dma_wait3A_204] : memref<10112x128xf32, #tpu.memory_space<vmem_shared>> -> memref<10112x128xf32, #tpu.memory_space<vmem_shared>>
          tpu.wait_indirect_dma semaphore(%run_scoped3A_193 : memref<!tpu.dma_semaphore, #tpu.memory_space<semaphore_mem>>) src(%arg9 : memref<128x128xf32, #tpu.memory_space<vmem>>) dst(%dma_wait3A_205 : memref<10112x128xf32, #tpu.memory_space<vmem_shared>>)
          tpu.yield
        }) : () -> ()
        %dma_start3A_118 = arith.constant 0 : i32
        %dma_start3A_119 = arith.constant 5 : i32
        %dma_start3A_120 = arith.constant 0 : i32
        %dma_start3A_121 = tpu.memref_slice %arg7[%dma_start3A_118, %dma_start3A_119, %dma_start3A_120] : memref<2x8x128xi32, #tpu.memory_space<vmem>> -> memref<1x1x128xi32, #tpu.memory_space<vmem>>
        %dma_start3A_122 = tpu.memref_squeeze %dma_start3A_121 : memref<1x1x128xi32, #tpu.memory_space<vmem>> -> memref<128xi32, #tpu.memory_space<vmem>>
        %dma_start3A_123 = arith.constant 0 : i32
        %dma_start3A_124 = arith.constant 0 : i32
        %dma_start3A_125 = tpu.memref_slice %arg3[%dma_start3A_123, %dma_start3A_124] : memref<10000x128xf32, #tpu.memory_space<hbm>> -> memref<10000x128xf32, #tpu.memory_space<hbm>>
        tpu.enqueue_indirect_dma source(%dma_start3A_125 : memref<10000x128xf32, #tpu.memory_space<hbm>>) target(%arg9 : memref<128x128xf32, #tpu.memory_space<vmem>>) offsets(%dma_start3A_122 : memref<128xi32, #tpu.memory_space<vmem>>) semaphore(%arg12 : memref<!tpu.dma_semaphore, #tpu.memory_space<semaphore_mem>>)
        %dma_wait3A_126 = arith.constant 0 : i32
        %dma_wait3A_127 = arith.constant 0 : i32
        %dma_wait3A_128 = arith.constant 0 : i32
        %dma_wait3A_129 = tpu.memref_slice %arg7[%dma_wait3A_126, %dma_wait3A_127, %dma_wait3A_128] : memref<2x8x128xi32, #tpu.memory_space<vmem>> -> memref<1x1x128xi32, #tpu.memory_space<vmem>>
        %dma_wait3A_130 = tpu.memref_squeeze %dma_wait3A_129 : memref<1x1x128xi32, #tpu.memory_space<vmem>> -> memref<128xi32, #tpu.memory_space<vmem>>
        %dma_wait3A_131 = arith.constant 0 : i32
        %dma_wait3A_132 = arith.constant 0 : i32
        %dma_wait3A_133 = tpu.memref_slice %arg3[%dma_wait3A_131, %dma_wait3A_132] : memref<10000x128xf32, #tpu.memory_space<hbm>> -> memref<10000x128xf32, #tpu.memory_space<hbm>>
        tpu.wait_indirect_dma semaphore(%arg11 : memref<!tpu.dma_semaphore, #tpu.memory_space<semaphore_mem>>) src(%dma_wait3A_133 : memref<10000x128xf32, #tpu.memory_space<hbm>>) dst(%arg8 : memref<128x128xf32, #tpu.memory_space<vmem>>)
        %run_scoped3A_134 = arith.constant 1 : i32
        %run_scoped3A_135 = arith.constant 4 : i32
        "tpu.region"() ({
          %run_scoped3A_193 = tpu.sem_alloc : memref<!tpu.dma_semaphore, #tpu.memory_space<semaphore_mem>>
          %dma_start3A_194 = arith.constant 0 : i32
          %dma_start3A_195 = tpu.memref_slice %arg7[%run_scoped3A_134, %run_scoped3A_135, %dma_start3A_194] : memref<2x8x128xi32, #tpu.memory_space<vmem>> -> memref<1x1x128xi32, #tpu.memory_space<vmem>>
          %dma_start3A_196 = tpu.memref_squeeze %dma_start3A_195 : memref<1x1x128xi32, #tpu.memory_space<vmem>> -> memref<128xi32, #tpu.memory_space<vmem>>
          %dma_start3A_197 = arith.constant 0 : i32
          %dma_start3A_198 = arith.constant 0 : i32
          %dma_start3A_199 = tpu.memref_slice %arg13[%dma_start3A_197, %dma_start3A_198] : memref<10112x128xf32, #tpu.memory_space<vmem_shared>> -> memref<10112x128xf32, #tpu.memory_space<vmem_shared>>
          tpu.enqueue_indirect_dma source(%arg8 : memref<128x128xf32, #tpu.memory_space<vmem>>) target(%dma_start3A_199 : memref<10112x128xf32, #tpu.memory_space<vmem_shared>>) offsets(%dma_start3A_196 : memref<128xi32, #tpu.memory_space<vmem>>) semaphore(%run_scoped3A_193 : memref<!tpu.dma_semaphore, #tpu.memory_space<semaphore_mem>>) {add = true}
          %dma_wait3A_200 = arith.constant 0 : i32
          %dma_wait3A_201 = tpu.memref_slice %arg7[%run_scoped3A_134, %run_scoped3A_135, %dma_wait3A_200] : memref<2x8x128xi32, #tpu.memory_space<vmem>> -> memref<1x1x128xi32, #tpu.memory_space<vmem>>
          %dma_wait3A_202 = tpu.memref_squeeze %dma_wait3A_201 : memref<1x1x128xi32, #tpu.memory_space<vmem>> -> memref<128xi32, #tpu.memory_space<vmem>>
          %dma_wait3A_203 = arith.constant 0 : i32
          %dma_wait3A_204 = arith.constant 0 : i32
          %dma_wait3A_205 = tpu.memref_slice %arg13[%dma_wait3A_203, %dma_wait3A_204] : memref<10112x128xf32, #tpu.memory_space<vmem_shared>> -> memref<10112x128xf32, #tpu.memory_space<vmem_shared>>
          tpu.wait_indirect_dma semaphore(%run_scoped3A_193 : memref<!tpu.dma_semaphore, #tpu.memory_space<semaphore_mem>>) src(%arg8 : memref<128x128xf32, #tpu.memory_space<vmem>>) dst(%dma_wait3A_205 : memref<10112x128xf32, #tpu.memory_space<vmem_shared>>)
          tpu.yield
        }) : () -> ()
        %dma_start3A_136 = arith.constant 0 : i32
        %dma_start3A_137 = arith.constant 6 : i32
        %dma_start3A_138 = arith.constant 0 : i32
        %dma_start3A_139 = tpu.memref_slice %arg7[%dma_start3A_136, %dma_start3A_137, %dma_start3A_138] : memref<2x8x128xi32, #tpu.memory_space<vmem>> -> memref<1x1x128xi32, #tpu.memory_space<vmem>>
        %dma_start3A_140 = tpu.memref_squeeze %dma_start3A_139 : memref<1x1x128xi32, #tpu.memory_space<vmem>> -> memref<128xi32, #tpu.memory_space<vmem>>
        %dma_start3A_141 = arith.constant 0 : i32
        %dma_start3A_142 = arith.constant 0 : i32
        %dma_start3A_143 = tpu.memref_slice %arg3[%dma_start3A_141, %dma_start3A_142] : memref<10000x128xf32, #tpu.memory_space<hbm>> -> memref<10000x128xf32, #tpu.memory_space<hbm>>
        tpu.enqueue_indirect_dma source(%dma_start3A_143 : memref<10000x128xf32, #tpu.memory_space<hbm>>) target(%arg8 : memref<128x128xf32, #tpu.memory_space<vmem>>) offsets(%dma_start3A_140 : memref<128xi32, #tpu.memory_space<vmem>>) semaphore(%arg11 : memref<!tpu.dma_semaphore, #tpu.memory_space<semaphore_mem>>)
        %dma_wait3A_144 = arith.constant 0 : i32
        %dma_wait3A_145 = arith.constant 0 : i32
        %dma_wait3A_146 = arith.constant 0 : i32
        %dma_wait3A_147 = tpu.memref_slice %arg7[%dma_wait3A_144, %dma_wait3A_145, %dma_wait3A_146] : memref<2x8x128xi32, #tpu.memory_space<vmem>> -> memref<1x1x128xi32, #tpu.memory_space<vmem>>
        %dma_wait3A_148 = tpu.memref_squeeze %dma_wait3A_147 : memref<1x1x128xi32, #tpu.memory_space<vmem>> -> memref<128xi32, #tpu.memory_space<vmem>>
        %dma_wait3A_149 = arith.constant 0 : i32
        %dma_wait3A_150 = arith.constant 0 : i32
        %dma_wait3A_151 = tpu.memref_slice %arg3[%dma_wait3A_149, %dma_wait3A_150] : memref<10000x128xf32, #tpu.memory_space<hbm>> -> memref<10000x128xf32, #tpu.memory_space<hbm>>
        tpu.wait_indirect_dma semaphore(%arg12 : memref<!tpu.dma_semaphore, #tpu.memory_space<semaphore_mem>>) src(%dma_wait3A_151 : memref<10000x128xf32, #tpu.memory_space<hbm>>) dst(%arg9 : memref<128x128xf32, #tpu.memory_space<vmem>>)
        %run_scoped3A_152 = arith.constant 1 : i32
        %run_scoped3A_153 = arith.constant 5 : i32
        "tpu.region"() ({
          %run_scoped3A_193 = tpu.sem_alloc : memref<!tpu.dma_semaphore, #tpu.memory_space<semaphore_mem>>
          %dma_start3A_194 = arith.constant 0 : i32
          %dma_start3A_195 = tpu.memref_slice %arg7[%run_scoped3A_152, %run_scoped3A_153, %dma_start3A_194] : memref<2x8x128xi32, #tpu.memory_space<vmem>> -> memref<1x1x128xi32, #tpu.memory_space<vmem>>
          %dma_start3A_196 = tpu.memref_squeeze %dma_start3A_195 : memref<1x1x128xi32, #tpu.memory_space<vmem>> -> memref<128xi32, #tpu.memory_space<vmem>>
          %dma_start3A_197 = arith.constant 0 : i32
          %dma_start3A_198 = arith.constant 0 : i32
          %dma_start3A_199 = tpu.memref_slice %arg13[%dma_start3A_197, %dma_start3A_198] : memref<10112x128xf32, #tpu.memory_space<vmem_shared>> -> memref<10112x128xf32, #tpu.memory_space<vmem_shared>>
          tpu.enqueue_indirect_dma source(%arg9 : memref<128x128xf32, #tpu.memory_space<vmem>>) target(%dma_start3A_199 : memref<10112x128xf32, #tpu.memory_space<vmem_shared>>) offsets(%dma_start3A_196 : memref<128xi32, #tpu.memory_space<vmem>>) semaphore(%run_scoped3A_193 : memref<!tpu.dma_semaphore, #tpu.memory_space<semaphore_mem>>) {add = true}
          %dma_wait3A_200 = arith.constant 0 : i32
          %dma_wait3A_201 = tpu.memref_slice %arg7[%run_scoped3A_152, %run_scoped3A_153, %dma_wait3A_200] : memref<2x8x128xi32, #tpu.memory_space<vmem>> -> memref<1x1x128xi32, #tpu.memory_space<vmem>>
          %dma_wait3A_202 = tpu.memref_squeeze %dma_wait3A_201 : memref<1x1x128xi32, #tpu.memory_space<vmem>> -> memref<128xi32, #tpu.memory_space<vmem>>
          %dma_wait3A_203 = arith.constant 0 : i32
          %dma_wait3A_204 = arith.constant 0 : i32
          %dma_wait3A_205 = tpu.memref_slice %arg13[%dma_wait3A_203, %dma_wait3A_204] : memref<10112x128xf32, #tpu.memory_space<vmem_shared>> -> memref<10112x128xf32, #tpu.memory_space<vmem_shared>>
          tpu.wait_indirect_dma semaphore(%run_scoped3A_193 : memref<!tpu.dma_semaphore, #tpu.memory_space<semaphore_mem>>) src(%arg9 : memref<128x128xf32, #tpu.memory_space<vmem>>) dst(%dma_wait3A_205 : memref<10112x128xf32, #tpu.memory_space<vmem_shared>>)
          tpu.yield
        }) : () -> ()
        %dma_start3A_154 = arith.constant 0 : i32
        %dma_start3A_155 = arith.constant 7 : i32
        %dma_start3A_156 = arith.constant 0 : i32
        %dma_start3A_157 = tpu.memref_slice %arg7[%dma_start3A_154, %dma_start3A_155, %dma_start3A_156] : memref<2x8x128xi32, #tpu.memory_space<vmem>> -> memref<1x1x128xi32, #tpu.memory_space<vmem>>
        %dma_start3A_158 = tpu.memref_squeeze %dma_start3A_157 : memref<1x1x128xi32, #tpu.memory_space<vmem>> -> memref<128xi32, #tpu.memory_space<vmem>>
        %dma_start3A_159 = arith.constant 0 : i32
        %dma_start3A_160 = arith.constant 0 : i32
        %dma_start3A_161 = tpu.memref_slice %arg3[%dma_start3A_159, %dma_start3A_160] : memref<10000x128xf32, #tpu.memory_space<hbm>> -> memref<10000x128xf32, #tpu.memory_space<hbm>>
        tpu.enqueue_indirect_dma source(%dma_start3A_161 : memref<10000x128xf32, #tpu.memory_space<hbm>>) target(%arg9 : memref<128x128xf32, #tpu.memory_space<vmem>>) offsets(%dma_start3A_158 : memref<128xi32, #tpu.memory_space<vmem>>) semaphore(%arg12 : memref<!tpu.dma_semaphore, #tpu.memory_space<semaphore_mem>>)
        %dma_wait3A_162 = arith.constant 0 : i32
        %dma_wait3A_163 = arith.constant 0 : i32
        %dma_wait3A_164 = arith.constant 0 : i32
        %dma_wait3A_165 = tpu.memref_slice %arg7[%dma_wait3A_162, %dma_wait3A_163, %dma_wait3A_164] : memref<2x8x128xi32, #tpu.memory_space<vmem>> -> memref<1x1x128xi32, #tpu.memory_space<vmem>>
        %dma_wait3A_166 = tpu.memref_squeeze %dma_wait3A_165 : memref<1x1x128xi32, #tpu.memory_space<vmem>> -> memref<128xi32, #tpu.memory_space<vmem>>
        %dma_wait3A_167 = arith.constant 0 : i32
        %dma_wait3A_168 = arith.constant 0 : i32
        %dma_wait3A_169 = tpu.memref_slice %arg3[%dma_wait3A_167, %dma_wait3A_168] : memref<10000x128xf32, #tpu.memory_space<hbm>> -> memref<10000x128xf32, #tpu.memory_space<hbm>>
        tpu.wait_indirect_dma semaphore(%arg11 : memref<!tpu.dma_semaphore, #tpu.memory_space<semaphore_mem>>) src(%dma_wait3A_169 : memref<10000x128xf32, #tpu.memory_space<hbm>>) dst(%arg8 : memref<128x128xf32, #tpu.memory_space<vmem>>)
        %run_scoped3A_170 = arith.constant 1 : i32
        %run_scoped3A_171 = arith.constant 6 : i32
        "tpu.region"() ({
          %run_scoped3A_193 = tpu.sem_alloc : memref<!tpu.dma_semaphore, #tpu.memory_space<semaphore_mem>>
          %dma_start3A_194 = arith.constant 0 : i32
          %dma_start3A_195 = tpu.memref_slice %arg7[%run_scoped3A_170, %run_scoped3A_171, %dma_start3A_194] : memref<2x8x128xi32, #tpu.memory_space<vmem>> -> memref<1x1x128xi32, #tpu.memory_space<vmem>>
          %dma_start3A_196 = tpu.memref_squeeze %dma_start3A_195 : memref<1x1x128xi32, #tpu.memory_space<vmem>> -> memref<128xi32, #tpu.memory_space<vmem>>
          %dma_start3A_197 = arith.constant 0 : i32
          %dma_start3A_198 = arith.constant 0 : i32
          %dma_start3A_199 = tpu.memref_slice %arg13[%dma_start3A_197, %dma_start3A_198] : memref<10112x128xf32, #tpu.memory_space<vmem_shared>> -> memref<10112x128xf32, #tpu.memory_space<vmem_shared>>
          tpu.enqueue_indirect_dma source(%arg8 : memref<128x128xf32, #tpu.memory_space<vmem>>) target(%dma_start3A_199 : memref<10112x128xf32, #tpu.memory_space<vmem_shared>>) offsets(%dma_start3A_196 : memref<128xi32, #tpu.memory_space<vmem>>) semaphore(%run_scoped3A_193 : memref<!tpu.dma_semaphore, #tpu.memory_space<semaphore_mem>>) {add = true}
          %dma_wait3A_200 = arith.constant 0 : i32
          %dma_wait3A_201 = tpu.memref_slice %arg7[%run_scoped3A_170, %run_scoped3A_171, %dma_wait3A_200] : memref<2x8x128xi32, #tpu.memory_space<vmem>> -> memref<1x1x128xi32, #tpu.memory_space<vmem>>
          %dma_wait3A_202 = tpu.memref_squeeze %dma_wait3A_201 : memref<1x1x128xi32, #tpu.memory_space<vmem>> -> memref<128xi32, #tpu.memory_space<vmem>>
          %dma_wait3A_203 = arith.constant 0 : i32
          %dma_wait3A_204 = arith.constant 0 : i32
          %dma_wait3A_205 = tpu.memref_slice %arg13[%dma_wait3A_203, %dma_wait3A_204] : memref<10112x128xf32, #tpu.memory_space<vmem_shared>> -> memref<10112x128xf32, #tpu.memory_space<vmem_shared>>
          tpu.wait_indirect_dma semaphore(%run_scoped3A_193 : memref<!tpu.dma_semaphore, #tpu.memory_space<semaphore_mem>>) src(%arg8 : memref<128x128xf32, #tpu.memory_space<vmem>>) dst(%dma_wait3A_205 : memref<10112x128xf32, #tpu.memory_space<vmem_shared>>)
          tpu.yield
        }) : () -> ()
        %dma_wait3A_172 = arith.constant 0 : i32
        %dma_wait3A_173 = arith.constant 0 : i32
        %dma_wait3A_174 = arith.constant 0 : i32
        %dma_wait3A_175 = tpu.memref_slice %arg7[%dma_wait3A_172, %dma_wait3A_173, %dma_wait3A_174] : memref<2x8x128xi32, #tpu.memory_space<vmem>> -> memref<1x1x128xi32, #tpu.memory_space<vmem>>
        %dma_wait3A_176 = tpu.memref_squeeze %dma_wait3A_175 : memref<1x1x128xi32, #tpu.memory_space<vmem>> -> memref<128xi32, #tpu.memory_space<vmem>>
        %dma_wait3A_177 = arith.constant 0 : i32
        %dma_wait3A_178 = arith.constant 0 : i32
        %dma_wait3A_179 = tpu.memref_slice %arg3[%dma_wait3A_177, %dma_wait3A_178] : memref<10000x128xf32, #tpu.memory_space<hbm>> -> memref<10000x128xf32, #tpu.memory_space<hbm>>
        tpu.wait_indirect_dma semaphore(%arg12 : memref<!tpu.dma_semaphore, #tpu.memory_space<semaphore_mem>>) src(%dma_wait3A_179 : memref<10000x128xf32, #tpu.memory_space<hbm>>) dst(%arg9 : memref<128x128xf32, #tpu.memory_space<vmem>>)
        %run_scoped3A_180 = arith.constant 1 : i32
        %run_scoped3A_181 = arith.constant 7 : i32
        "tpu.region"() ({
          %run_scoped3A_193 = tpu.sem_alloc : memref<!tpu.dma_semaphore, #tpu.memory_space<semaphore_mem>>
          %dma_start3A_194 = arith.constant 0 : i32
          %dma_start3A_195 = tpu.memref_slice %arg7[%run_scoped3A_180, %run_scoped3A_181, %dma_start3A_194] : memref<2x8x128xi32, #tpu.memory_space<vmem>> -> memref<1x1x128xi32, #tpu.memory_space<vmem>>
          %dma_start3A_196 = tpu.memref_squeeze %dma_start3A_195 : memref<1x1x128xi32, #tpu.memory_space<vmem>> -> memref<128xi32, #tpu.memory_space<vmem>>
          %dma_start3A_197 = arith.constant 0 : i32
          %dma_start3A_198 = arith.constant 0 : i32
          %dma_start3A_199 = tpu.memref_slice %arg13[%dma_start3A_197, %dma_start3A_198] : memref<10112x128xf32, #tpu.memory_space<vmem_shared>> -> memref<10112x128xf32, #tpu.memory_space<vmem_shared>>
          tpu.enqueue_indirect_dma source(%arg9 : memref<128x128xf32, #tpu.memory_space<vmem>>) target(%dma_start3A_199 : memref<10112x128xf32, #tpu.memory_space<vmem_shared>>) offsets(%dma_start3A_196 : memref<128xi32, #tpu.memory_space<vmem>>) semaphore(%run_scoped3A_193 : memref<!tpu.dma_semaphore, #tpu.memory_space<semaphore_mem>>) {add = true}
          %dma_wait3A_200 = arith.constant 0 : i32
          %dma_wait3A_201 = tpu.memref_slice %arg7[%run_scoped3A_180, %run_scoped3A_181, %dma_wait3A_200] : memref<2x8x128xi32, #tpu.memory_space<vmem>> -> memref<1x1x128xi32, #tpu.memory_space<vmem>>
          %dma_wait3A_202 = tpu.memref_squeeze %dma_wait3A_201 : memref<1x1x128xi32, #tpu.memory_space<vmem>> -> memref<128xi32, #tpu.memory_space<vmem>>
          %dma_wait3A_203 = arith.constant 0 : i32
          %dma_wait3A_204 = arith.constant 0 : i32
          %dma_wait3A_205 = tpu.memref_slice %arg13[%dma_wait3A_203, %dma_wait3A_204] : memref<10112x128xf32, #tpu.memory_space<vmem_shared>> -> memref<10112x128xf32, #tpu.memory_space<vmem_shared>>
          tpu.wait_indirect_dma semaphore(%run_scoped3A_193 : memref<!tpu.dma_semaphore, #tpu.memory_space<semaphore_mem>>) src(%arg9 : memref<128x128xf32, #tpu.memory_space<vmem>>) dst(%dma_wait3A_205 : memref<10112x128xf32, #tpu.memory_space<vmem_shared>>)
          tpu.yield
        }) : () -> ()
        %add3A = arith.constant 1 : i32
        %add3A_182 = arith.addi %scan3A_32, %add3A : i32
        %min3A = arith.constant 9 : i32
        %min3A_183 = arith.minsi %add3A_182, %min3A : i32
        %mul3A_184 = arith.constant 8 : i32
        %mul3A_185 = arith.muli %min3A_183, %mul3A_184 : i32
        %add3A_186 = arith.addi %mul3A_0, %mul3A_185 : i32
        %dma_start3A_187 = arith.constant 0 : i32
        %dma_start3A_188 = arith.constant 0 : i32
        %dma_start3A_189 = tpu.memref_slice %arg2[%dma_start3A_187, %add3A_186, %dma_start3A_188] : memref<2x1280x128xi32, #tpu.memory_space<hbm>> -> memref<2x8x128xi32, #tpu.memory_space<hbm>>
        %dma_start3A_190 = arith.constant 0 : i32
        %dma_start3A_191 = arith.constant 0 : i32
        %dma_start3A_192 = tpu.memref_slice %arg2[%dma_start3A_190, %add3A_186, %dma_start3A_191] : memref<2x1280x128xi32, #tpu.memory_space<hbm>> -> memref<2x8x128xi32, #tpu.memory_space<hbm>>
        tpu.enqueue_dma source(%dma_start3A_192 : memref<2x8x128xi32, #tpu.memory_space<hbm>>) target(%arg7 : memref<2x8x128xi32, #tpu.memory_space<vmem>>) target_semaphore(%arg10 : memref<!tpu.dma_semaphore, #tpu.memory_space<semaphore_mem>>)
      }
      %scan3A_26 = arith.constant 10 : i32
      %dma_wait3A = arith.constant 0 : i32
      %dma_wait3A_27 = arith.constant 0 : i32
      %dma_wait3A_28 = tpu.memref_slice %arg2[%dma_wait3A, %mul3A_0, %dma_wait3A_27] : memref<2x1280x128xi32, #tpu.memory_space<hbm>> -> memref<2x8x128xi32, #tpu.memory_space<hbm>>
      %dma_wait3A_29 = arith.constant 0 : i32
      %dma_wait3A_30 = arith.constant 0 : i32
      %dma_wait3A_31 = tpu.memref_slice %arg2[%dma_wait3A_29, %mul3A_0, %dma_wait3A_30] : memref<2x1280x128xi32, #tpu.memory_space<hbm>> -> memref<2x8x128xi32, #tpu.memory_space<hbm>>
      tpu.wait_dma2 semaphore(%arg10 : memref<!tpu.dma_semaphore, #tpu.memory_space<semaphore_mem>>) src(%dma_wait3A_31 : memref<2x8x128xi32, #tpu.memory_space<hbm>>) dst(%arg7 : memref<2x8x128xi32, #tpu.memory_space<vmem>>)
    } else {
    }
    %eq3A_12 = arith.constant 1 : i32
    %eq3A_13 = arith.cmpi eq, %arg0, %eq3A_12 : i32
    %convert_element_type3A_14 = arith.extui %eq3A_13 : i1 to i32
    %cond3A_15 = arith.constant 0 : i32
    %cond3A_16 = arith.cmpi ne, %convert_element_type3A_14, %cond3A_15 : i32
    scf.if %cond3A_16 {
      %scan3A = arith.constant 0 : i32
      %scan3A_22 = arith.constant 0 : i32
      %scan3A_23 = arith.constant 10 : i32
      %scan3A_24 = arith.addi %scan3A_22, %scan3A_23 : i32
      %scan3A_25 = arith.constant 1 : i32
      scf.for %scan3A_32 = %scan3A_22 to %scan3A_24 step %scan3A_25  : i32 {
        %dma_wait3A_33 = arith.constant 0 : i32
        %dma_wait3A_34 = arith.constant 0 : i32
        %dma_wait3A_35 = tpu.memref_slice %arg2[%dma_wait3A_33, %mul3A_0, %dma_wait3A_34] : memref<2x1280x128xi32, #tpu.memory_space<hbm>> -> memref<2x8x128xi32, #tpu.memory_space<hbm>>
        %dma_wait3A_36 = arith.constant 0 : i32
        %dma_wait3A_37 = arith.constant 0 : i32
        %dma_wait3A_38 = tpu.memref_slice %arg2[%dma_wait3A_36, %mul3A_0, %dma_wait3A_37] : memref<2x1280x128xi32, #tpu.memory_space<hbm>> -> memref<2x8x128xi32, #tpu.memory_space<hbm>>
        tpu.wait_dma2 semaphore(%arg10 : memref<!tpu.dma_semaphore, #tpu.memory_space<semaphore_mem>>) src(%dma_wait3A_38 : memref<2x8x128xi32, #tpu.memory_space<hbm>>) dst(%arg7 : memref<2x8x128xi32, #tpu.memory_space<vmem>>)
        %dma_start3A_39 = arith.constant 0 : i32
        %dma_start3A_40 = arith.constant 0 : i32
        %dma_start3A_41 = arith.constant 0 : i32
        %dma_start3A_42 = tpu.memref_slice %arg7[%dma_start3A_39, %dma_start3A_40, %dma_start3A_41] : memref<2x8x128xi32, #tpu.memory_space<vmem>> -> memref<1x1x128xi32, #tpu.memory_space<vmem>>
        %dma_start3A_43 = tpu.memref_squeeze %dma_start3A_42 : memref<1x1x128xi32, #tpu.memory_space<vmem>> -> memref<128xi32, #tpu.memory_space<vmem>>
        %dma_start3A_44 = arith.constant 0 : i32
        %dma_start3A_45 = arith.constant 0 : i32
        %dma_start3A_46 = tpu.memref_slice %arg4[%dma_start3A_44, %dma_start3A_45] : memref<10000x128xf32, #tpu.memory_space<hbm>> -> memref<10000x128xf32, #tpu.memory_space<hbm>>
        tpu.enqueue_indirect_dma source(%dma_start3A_46 : memref<10000x128xf32, #tpu.memory_space<hbm>>) target(%arg8 : memref<128x128xf32, #tpu.memory_space<vmem>>) offsets(%dma_start3A_43 : memref<128xi32, #tpu.memory_space<vmem>>) semaphore(%arg11 : memref<!tpu.dma_semaphore, #tpu.memory_space<semaphore_mem>>)
        %dma_start3A_47 = arith.constant 0 : i32
        %dma_start3A_48 = arith.constant 1 : i32
        %dma_start3A_49 = arith.constant 0 : i32
        %dma_start3A_50 = tpu.memref_slice %arg7[%dma_start3A_47, %dma_start3A_48, %dma_start3A_49] : memref<2x8x128xi32, #tpu.memory_space<vmem>> -> memref<1x1x128xi32, #tpu.memory_space<vmem>>
        %dma_start3A_51 = tpu.memref_squeeze %dma_start3A_50 : memref<1x1x128xi32, #tpu.memory_space<vmem>> -> memref<128xi32, #tpu.memory_space<vmem>>
        %dma_start3A_52 = arith.constant 0 : i32
        %dma_start3A_53 = arith.constant 0 : i32
        %dma_start3A_54 = tpu.memref_slice %arg4[%dma_start3A_52, %dma_start3A_53] : memref<10000x128xf32, #tpu.memory_space<hbm>> -> memref<10000x128xf32, #tpu.memory_space<hbm>>
        tpu.enqueue_indirect_dma source(%dma_start3A_54 : memref<10000x128xf32, #tpu.memory_space<hbm>>) target(%arg9 : memref<128x128xf32, #tpu.memory_space<vmem>>) offsets(%dma_start3A_51 : memref<128xi32, #tpu.memory_space<vmem>>) semaphore(%arg12 : memref<!tpu.dma_semaphore, #tpu.memory_space<semaphore_mem>>)
        %dma_wait3A_55 = arith.constant 0 : i32
        %dma_wait3A_56 = arith.constant 0 : i32
        %dma_wait3A_57 = arith.constant 0 : i32
        %dma_wait3A_58 = tpu.memref_slice %arg7[%dma_wait3A_55, %dma_wait3A_56, %dma_wait3A_57] : memref<2x8x128xi32, #tpu.memory_space<vmem>> -> memref<1x1x128xi32, #tpu.memory_space<vmem>>
        %dma_wait3A_59 = tpu.memref_squeeze %dma_wait3A_58 : memref<1x1x128xi32, #tpu.memory_space<vmem>> -> memref<128xi32, #tpu.memory_space<vmem>>
        %dma_wait3A_60 = arith.constant 0 : i32
        %dma_wait3A_61 = arith.constant 0 : i32
        %dma_wait3A_62 = tpu.memref_slice %arg4[%dma_wait3A_60, %dma_wait3A_61] : memref<10000x128xf32, #tpu.memory_space<hbm>> -> memref<10000x128xf32, #tpu.memory_space<hbm>>
        tpu.wait_indirect_dma semaphore(%arg11 : memref<!tpu.dma_semaphore, #tpu.memory_space<semaphore_mem>>) src(%dma_wait3A_62 : memref<10000x128xf32, #tpu.memory_space<hbm>>) dst(%arg8 : memref<128x128xf32, #tpu.memory_space<vmem>>)
        %run_scoped3A = arith.constant 1 : i32
        %run_scoped3A_63 = arith.constant 0 : i32
        "tpu.region"() ({
          %run_scoped3A_193 = tpu.sem_alloc : memref<!tpu.dma_semaphore, #tpu.memory_space<semaphore_mem>>
          %dma_start3A_194 = arith.constant 0 : i32
          %dma_start3A_195 = tpu.memref_slice %arg7[%run_scoped3A, %run_scoped3A_63, %dma_start3A_194] : memref<2x8x128xi32, #tpu.memory_space<vmem>> -> memref<1x1x128xi32, #tpu.memory_space<vmem>>
          %dma_start3A_196 = tpu.memref_squeeze %dma_start3A_195 : memref<1x1x128xi32, #tpu.memory_space<vmem>> -> memref<128xi32, #tpu.memory_space<vmem>>
          %dma_start3A_197 = arith.constant 0 : i32
          %dma_start3A_198 = arith.constant 0 : i32
          %dma_start3A_199 = tpu.memref_slice %arg13[%dma_start3A_197, %dma_start3A_198] : memref<10112x128xf32, #tpu.memory_space<vmem_shared>> -> memref<10112x128xf32, #tpu.memory_space<vmem_shared>>
          tpu.enqueue_indirect_dma source(%arg8 : memref<128x128xf32, #tpu.memory_space<vmem>>) target(%dma_start3A_199 : memref<10112x128xf32, #tpu.memory_space<vmem_shared>>) offsets(%dma_start3A_196 : memref<128xi32, #tpu.memory_space<vmem>>) semaphore(%run_scoped3A_193 : memref<!tpu.dma_semaphore, #tpu.memory_space<semaphore_mem>>) {add = true}
          %dma_wait3A_200 = arith.constant 0 : i32
          %dma_wait3A_201 = tpu.memref_slice %arg7[%run_scoped3A, %run_scoped3A_63, %dma_wait3A_200] : memref<2x8x128xi32, #tpu.memory_space<vmem>> -> memref<1x1x128xi32, #tpu.memory_space<vmem>>
          %dma_wait3A_202 = tpu.memref_squeeze %dma_wait3A_201 : memref<1x1x128xi32, #tpu.memory_space<vmem>> -> memref<128xi32, #tpu.memory_space<vmem>>
          %dma_wait3A_203 = arith.constant 0 : i32
          %dma_wait3A_204 = arith.constant 0 : i32
          %dma_wait3A_205 = tpu.memref_slice %arg13[%dma_wait3A_203, %dma_wait3A_204] : memref<10112x128xf32, #tpu.memory_space<vmem_shared>> -> memref<10112x128xf32, #tpu.memory_space<vmem_shared>>
          tpu.wait_indirect_dma semaphore(%run_scoped3A_193 : memref<!tpu.dma_semaphore, #tpu.memory_space<semaphore_mem>>) src(%arg8 : memref<128x128xf32, #tpu.memory_space<vmem>>) dst(%dma_wait3A_205 : memref<10112x128xf32, #tpu.memory_space<vmem_shared>>)
          tpu.yield
        }) : () -> ()
        %dma_start3A_64 = arith.constant 0 : i32
        %dma_start3A_65 = arith.constant 2 : i32
        %dma_start3A_66 = arith.constant 0 : i32
        %dma_start3A_67 = tpu.memref_slice %arg7[%dma_start3A_64, %dma_start3A_65, %dma_start3A_66] : memref<2x8x128xi32, #tpu.memory_space<vmem>> -> memref<1x1x128xi32, #tpu.memory_space<vmem>>
        %dma_start3A_68 = tpu.memref_squeeze %dma_start3A_67 : memref<1x1x128xi32, #tpu.memory_space<vmem>> -> memref<128xi32, #tpu.memory_space<vmem>>
        %dma_start3A_69 = arith.constant 0 : i32
        %dma_start3A_70 = arith.constant 0 : i32
        %dma_start3A_71 = tpu.memref_slice %arg4[%dma_start3A_69, %dma_start3A_70] : memref<10000x128xf32, #tpu.memory_space<hbm>> -> memref<10000x128xf32, #tpu.memory_space<hbm>>
        tpu.enqueue_indirect_dma source(%dma_start3A_71 : memref<10000x128xf32, #tpu.memory_space<hbm>>) target(%arg8 : memref<128x128xf32, #tpu.memory_space<vmem>>) offsets(%dma_start3A_68 : memref<128xi32, #tpu.memory_space<vmem>>) semaphore(%arg11 : memref<!tpu.dma_semaphore, #tpu.memory_space<semaphore_mem>>)
        %dma_wait3A_72 = arith.constant 0 : i32
        %dma_wait3A_73 = arith.constant 0 : i32
        %dma_wait3A_74 = arith.constant 0 : i32
        %dma_wait3A_75 = tpu.memref_slice %arg7[%dma_wait3A_72, %dma_wait3A_73, %dma_wait3A_74] : memref<2x8x128xi32, #tpu.memory_space<vmem>> -> memref<1x1x128xi32, #tpu.memory_space<vmem>>
        %dma_wait3A_76 = tpu.memref_squeeze %dma_wait3A_75 : memref<1x1x128xi32, #tpu.memory_space<vmem>> -> memref<128xi32, #tpu.memory_space<vmem>>
        %dma_wait3A_77 = arith.constant 0 : i32
        %dma_wait3A_78 = arith.constant 0 : i32
        %dma_wait3A_79 = tpu.memref_slice %arg4[%dma_wait3A_77, %dma_wait3A_78] : memref<10000x128xf32, #tpu.memory_space<hbm>> -> memref<10000x128xf32, #tpu.memory_space<hbm>>
        tpu.wait_indirect_dma semaphore(%arg12 : memref<!tpu.dma_semaphore, #tpu.memory_space<semaphore_mem>>) src(%dma_wait3A_79 : memref<10000x128xf32, #tpu.memory_space<hbm>>) dst(%arg9 : memref<128x128xf32, #tpu.memory_space<vmem>>)
        %run_scoped3A_80 = arith.constant 1 : i32
        %run_scoped3A_81 = arith.constant 1 : i32
        "tpu.region"() ({
          %run_scoped3A_193 = tpu.sem_alloc : memref<!tpu.dma_semaphore, #tpu.memory_space<semaphore_mem>>
          %dma_start3A_194 = arith.constant 0 : i32
          %dma_start3A_195 = tpu.memref_slice %arg7[%run_scoped3A_80, %run_scoped3A_81, %dma_start3A_194] : memref<2x8x128xi32, #tpu.memory_space<vmem>> -> memref<1x1x128xi32, #tpu.memory_space<vmem>>
          %dma_start3A_196 = tpu.memref_squeeze %dma_start3A_195 : memref<1x1x128xi32, #tpu.memory_space<vmem>> -> memref<128xi32, #tpu.memory_space<vmem>>
          %dma_start3A_197 = arith.constant 0 : i32
          %dma_start3A_198 = arith.constant 0 : i32
          %dma_start3A_199 = tpu.memref_slice %arg13[%dma_start3A_197, %dma_start3A_198] : memref<10112x128xf32, #tpu.memory_space<vmem_shared>> -> memref<10112x128xf32, #tpu.memory_space<vmem_shared>>
          tpu.enqueue_indirect_dma source(%arg9 : memref<128x128xf32, #tpu.memory_space<vmem>>) target(%dma_start3A_199 : memref<10112x128xf32, #tpu.memory_space<vmem_shared>>) offsets(%dma_start3A_196 : memref<128xi32, #tpu.memory_space<vmem>>) semaphore(%run_scoped3A_193 : memref<!tpu.dma_semaphore, #tpu.memory_space<semaphore_mem>>) {add = true}
          %dma_wait3A_200 = arith.constant 0 : i32
          %dma_wait3A_201 = tpu.memref_slice %arg7[%run_scoped3A_80, %run_scoped3A_81, %dma_wait3A_200] : memref<2x8x128xi32, #tpu.memory_space<vmem>> -> memref<1x1x128xi32, #tpu.memory_space<vmem>>
          %dma_wait3A_202 = tpu.memref_squeeze %dma_wait3A_201 : memref<1x1x128xi32, #tpu.memory_space<vmem>> -> memref<128xi32, #tpu.memory_space<vmem>>
          %dma_wait3A_203 = arith.constant 0 : i32
          %dma_wait3A_204 = arith.constant 0 : i32
          %dma_wait3A_205 = tpu.memref_slice %arg13[%dma_wait3A_203, %dma_wait3A_204] : memref<10112x128xf32, #tpu.memory_space<vmem_shared>> -> memref<10112x128xf32, #tpu.memory_space<vmem_shared>>
          tpu.wait_indirect_dma semaphore(%run_scoped3A_193 : memref<!tpu.dma_semaphore, #tpu.memory_space<semaphore_mem>>) src(%arg9 : memref<128x128xf32, #tpu.memory_space<vmem>>) dst(%dma_wait3A_205 : memref<10112x128xf32, #tpu.memory_space<vmem_shared>>)
          tpu.yield
        }) : () -> ()
        %dma_start3A_82 = arith.constant 0 : i32
        %dma_start3A_83 = arith.constant 3 : i32
        %dma_start3A_84 = arith.constant 0 : i32
        %dma_start3A_85 = tpu.memref_slice %arg7[%dma_start3A_82, %dma_start3A_83, %dma_start3A_84] : memref<2x8x128xi32, #tpu.memory_space<vmem>> -> memref<1x1x128xi32, #tpu.memory_space<vmem>>
        %dma_start3A_86 = tpu.memref_squeeze %dma_start3A_85 : memref<1x1x128xi32, #tpu.memory_space<vmem>> -> memref<128xi32, #tpu.memory_space<vmem>>
        %dma_start3A_87 = arith.constant 0 : i32
        %dma_start3A_88 = arith.constant 0 : i32
        %dma_start3A_89 = tpu.memref_slice %arg4[%dma_start3A_87, %dma_start3A_88] : memref<10000x128xf32, #tpu.memory_space<hbm>> -> memref<10000x128xf32, #tpu.memory_space<hbm>>
        tpu.enqueue_indirect_dma source(%dma_start3A_89 : memref<10000x128xf32, #tpu.memory_space<hbm>>) target(%arg9 : memref<128x128xf32, #tpu.memory_space<vmem>>) offsets(%dma_start3A_86 : memref<128xi32, #tpu.memory_space<vmem>>) semaphore(%arg12 : memref<!tpu.dma_semaphore, #tpu.memory_space<semaphore_mem>>)
        %dma_wait3A_90 = arith.constant 0 : i32
        %dma_wait3A_91 = arith.constant 0 : i32
        %dma_wait3A_92 = arith.constant 0 : i32
        %dma_wait3A_93 = tpu.memref_slice %arg7[%dma_wait3A_90, %dma_wait3A_91, %dma_wait3A_92] : memref<2x8x128xi32, #tpu.memory_space<vmem>> -> memref<1x1x128xi32, #tpu.memory_space<vmem>>
        %dma_wait3A_94 = tpu.memref_squeeze %dma_wait3A_93 : memref<1x1x128xi32, #tpu.memory_space<vmem>> -> memref<128xi32, #tpu.memory_space<vmem>>
        %dma_wait3A_95 = arith.constant 0 : i32
        %dma_wait3A_96 = arith.constant 0 : i32
        %dma_wait3A_97 = tpu.memref_slice %arg4[%dma_wait3A_95, %dma_wait3A_96] : memref<10000x128xf32, #tpu.memory_space<hbm>> -> memref<10000x128xf32, #tpu.memory_space<hbm>>
        tpu.wait_indirect_dma semaphore(%arg11 : memref<!tpu.dma_semaphore, #tpu.memory_space<semaphore_mem>>) src(%dma_wait3A_97 : memref<10000x128xf32, #tpu.memory_space<hbm>>) dst(%arg8 : memref<128x128xf32, #tpu.memory_space<vmem>>)
        %run_scoped3A_98 = arith.constant 1 : i32
        %run_scoped3A_99 = arith.constant 2 : i32
        "tpu.region"() ({
          %run_scoped3A_193 = tpu.sem_alloc : memref<!tpu.dma_semaphore, #tpu.memory_space<semaphore_mem>>
          %dma_start3A_194 = arith.constant 0 : i32
          %dma_start3A_195 = tpu.memref_slice %arg7[%run_scoped3A_98, %run_scoped3A_99, %dma_start3A_194] : memref<2x8x128xi32, #tpu.memory_space<vmem>> -> memref<1x1x128xi32, #tpu.memory_space<vmem>>
          %dma_start3A_196 = tpu.memref_squeeze %dma_start3A_195 : memref<1x1x128xi32, #tpu.memory_space<vmem>> -> memref<128xi32, #tpu.memory_space<vmem>>
          %dma_start3A_197 = arith.constant 0 : i32
          %dma_start3A_198 = arith.constant 0 : i32
          %dma_start3A_199 = tpu.memref_slice %arg13[%dma_start3A_197, %dma_start3A_198] : memref<10112x128xf32, #tpu.memory_space<vmem_shared>> -> memref<10112x128xf32, #tpu.memory_space<vmem_shared>>
          tpu.enqueue_indirect_dma source(%arg8 : memref<128x128xf32, #tpu.memory_space<vmem>>) target(%dma_start3A_199 : memref<10112x128xf32, #tpu.memory_space<vmem_shared>>) offsets(%dma_start3A_196 : memref<128xi32, #tpu.memory_space<vmem>>) semaphore(%run_scoped3A_193 : memref<!tpu.dma_semaphore, #tpu.memory_space<semaphore_mem>>) {add = true}
          %dma_wait3A_200 = arith.constant 0 : i32
          %dma_wait3A_201 = tpu.memref_slice %arg7[%run_scoped3A_98, %run_scoped3A_99, %dma_wait3A_200] : memref<2x8x128xi32, #tpu.memory_space<vmem>> -> memref<1x1x128xi32, #tpu.memory_space<vmem>>
          %dma_wait3A_202 = tpu.memref_squeeze %dma_wait3A_201 : memref<1x1x128xi32, #tpu.memory_space<vmem>> -> memref<128xi32, #tpu.memory_space<vmem>>
          %dma_wait3A_203 = arith.constant 0 : i32
          %dma_wait3A_204 = arith.constant 0 : i32
          %dma_wait3A_205 = tpu.memref_slice %arg13[%dma_wait3A_203, %dma_wait3A_204] : memref<10112x128xf32, #tpu.memory_space<vmem_shared>> -> memref<10112x128xf32, #tpu.memory_space<vmem_shared>>
          tpu.wait_indirect_dma semaphore(%run_scoped3A_193 : memref<!tpu.dma_semaphore, #tpu.memory_space<semaphore_mem>>) src(%arg8 : memref<128x128xf32, #tpu.memory_space<vmem>>) dst(%dma_wait3A_205 : memref<10112x128xf32, #tpu.memory_space<vmem_shared>>)
          tpu.yield
        }) : () -> ()
        %dma_start3A_100 = arith.constant 0 : i32
        %dma_start3A_101 = arith.constant 4 : i32
        %dma_start3A_102 = arith.constant 0 : i32
        %dma_start3A_103 = tpu.memref_slice %arg7[%dma_start3A_100, %dma_start3A_101, %dma_start3A_102] : memref<2x8x128xi32, #tpu.memory_space<vmem>> -> memref<1x1x128xi32, #tpu.memory_space<vmem>>
        %dma_start3A_104 = tpu.memref_squeeze %dma_start3A_103 : memref<1x1x128xi32, #tpu.memory_space<vmem>> -> memref<128xi32, #tpu.memory_space<vmem>>
        %dma_start3A_105 = arith.constant 0 : i32
        %dma_start3A_106 = arith.constant 0 : i32
        %dma_start3A_107 = tpu.memref_slice %arg4[%dma_start3A_105, %dma_start3A_106] : memref<10000x128xf32, #tpu.memory_space<hbm>> -> memref<10000x128xf32, #tpu.memory_space<hbm>>
        tpu.enqueue_indirect_dma source(%dma_start3A_107 : memref<10000x128xf32, #tpu.memory_space<hbm>>) target(%arg8 : memref<128x128xf32, #tpu.memory_space<vmem>>) offsets(%dma_start3A_104 : memref<128xi32, #tpu.memory_space<vmem>>) semaphore(%arg11 : memref<!tpu.dma_semaphore, #tpu.memory_space<semaphore_mem>>)
        %dma_wait3A_108 = arith.constant 0 : i32
        %dma_wait3A_109 = arith.constant 0 : i32
        %dma_wait3A_110 = arith.constant 0 : i32
        %dma_wait3A_111 = tpu.memref_slice %arg7[%dma_wait3A_108, %dma_wait3A_109, %dma_wait3A_110] : memref<2x8x128xi32, #tpu.memory_space<vmem>> -> memref<1x1x128xi32, #tpu.memory_space<vmem>>
        %dma_wait3A_112 = tpu.memref_squeeze %dma_wait3A_111 : memref<1x1x128xi32, #tpu.memory_space<vmem>> -> memref<128xi32, #tpu.memory_space<vmem>>
        %dma_wait3A_113 = arith.constant 0 : i32
        %dma_wait3A_114 = arith.constant 0 : i32
        %dma_wait3A_115 = tpu.memref_slice %arg4[%dma_wait3A_113, %dma_wait3A_114] : memref<10000x128xf32, #tpu.memory_space<hbm>> -> memref<10000x128xf32, #tpu.memory_space<hbm>>
        tpu.wait_indirect_dma semaphore(%arg12 : memref<!tpu.dma_semaphore, #tpu.memory_space<semaphore_mem>>) src(%dma_wait3A_115 : memref<10000x128xf32, #tpu.memory_space<hbm>>) dst(%arg9 : memref<128x128xf32, #tpu.memory_space<vmem>>)
        %run_scoped3A_116 = arith.constant 1 : i32
        %run_scoped3A_117 = arith.constant 3 : i32
        "tpu.region"() ({
          %run_scoped3A_193 = tpu.sem_alloc : memref<!tpu.dma_semaphore, #tpu.memory_space<semaphore_mem>>
          %dma_start3A_194 = arith.constant 0 : i32
          %dma_start3A_195 = tpu.memref_slice %arg7[%run_scoped3A_116, %run_scoped3A_117, %dma_start3A_194] : memref<2x8x128xi32, #tpu.memory_space<vmem>> -> memref<1x1x128xi32, #tpu.memory_space<vmem>>
          %dma_start3A_196 = tpu.memref_squeeze %dma_start3A_195 : memref<1x1x128xi32, #tpu.memory_space<vmem>> -> memref<128xi32, #tpu.memory_space<vmem>>
          %dma_start3A_197 = arith.constant 0 : i32
          %dma_start3A_198 = arith.constant 0 : i32
          %dma_start3A_199 = tpu.memref_slice %arg13[%dma_start3A_197, %dma_start3A_198] : memref<10112x128xf32, #tpu.memory_space<vmem_shared>> -> memref<10112x128xf32, #tpu.memory_space<vmem_shared>>
          tpu.enqueue_indirect_dma source(%arg9 : memref<128x128xf32, #tpu.memory_space<vmem>>) target(%dma_start3A_199 : memref<10112x128xf32, #tpu.memory_space<vmem_shared>>) offsets(%dma_start3A_196 : memref<128xi32, #tpu.memory_space<vmem>>) semaphore(%run_scoped3A_193 : memref<!tpu.dma_semaphore, #tpu.memory_space<semaphore_mem>>) {add = true}
          %dma_wait3A_200 = arith.constant 0 : i32
          %dma_wait3A_201 = tpu.memref_slice %arg7[%run_scoped3A_116, %run_scoped3A_117, %dma_wait3A_200] : memref<2x8x128xi32, #tpu.memory_space<vmem>> -> memref<1x1x128xi32, #tpu.memory_space<vmem>>
          %dma_wait3A_202 = tpu.memref_squeeze %dma_wait3A_201 : memref<1x1x128xi32, #tpu.memory_space<vmem>> -> memref<128xi32, #tpu.memory_space<vmem>>
          %dma_wait3A_203 = arith.constant 0 : i32
          %dma_wait3A_204 = arith.constant 0 : i32
          %dma_wait3A_205 = tpu.memref_slice %arg13[%dma_wait3A_203, %dma_wait3A_204] : memref<10112x128xf32, #tpu.memory_space<vmem_shared>> -> memref<10112x128xf32, #tpu.memory_space<vmem_shared>>
          tpu.wait_indirect_dma semaphore(%run_scoped3A_193 : memref<!tpu.dma_semaphore, #tpu.memory_space<semaphore_mem>>) src(%arg9 : memref<128x128xf32, #tpu.memory_space<vmem>>) dst(%dma_wait3A_205 : memref<10112x128xf32, #tpu.memory_space<vmem_shared>>)
          tpu.yield
        }) : () -> ()
        %dma_start3A_118 = arith.constant 0 : i32
        %dma_start3A_119 = arith.constant 5 : i32
        %dma_start3A_120 = arith.constant 0 : i32
        %dma_start3A_121 = tpu.memref_slice %arg7[%dma_start3A_118, %dma_start3A_119, %dma_start3A_120] : memref<2x8x128xi32, #tpu.memory_space<vmem>> -> memref<1x1x128xi32, #tpu.memory_space<vmem>>
        %dma_start3A_122 = tpu.memref_squeeze %dma_start3A_121 : memref<1x1x128xi32, #tpu.memory_space<vmem>> -> memref<128xi32, #tpu.memory_space<vmem>>
        %dma_start3A_123 = arith.constant 0 : i32
        %dma_start3A_124 = arith.constant 0 : i32
        %dma_start3A_125 = tpu.memref_slice %arg4[%dma_start3A_123, %dma_start3A_124] : memref<10000x128xf32, #tpu.memory_space<hbm>> -> memref<10000x128xf32, #tpu.memory_space<hbm>>
        tpu.enqueue_indirect_dma source(%dma_start3A_125 : memref<10000x128xf32, #tpu.memory_space<hbm>>) target(%arg9 : memref<128x128xf32, #tpu.memory_space<vmem>>) offsets(%dma_start3A_122 : memref<128xi32, #tpu.memory_space<vmem>>) semaphore(%arg12 : memref<!tpu.dma_semaphore, #tpu.memory_space<semaphore_mem>>)
        %dma_wait3A_126 = arith.constant 0 : i32
        %dma_wait3A_127 = arith.constant 0 : i32
        %dma_wait3A_128 = arith.constant 0 : i32
        %dma_wait3A_129 = tpu.memref_slice %arg7[%dma_wait3A_126, %dma_wait3A_127, %dma_wait3A_128] : memref<2x8x128xi32, #tpu.memory_space<vmem>> -> memref<1x1x128xi32, #tpu.memory_space<vmem>>
        %dma_wait3A_130 = tpu.memref_squeeze %dma_wait3A_129 : memref<1x1x128xi32, #tpu.memory_space<vmem>> -> memref<128xi32, #tpu.memory_space<vmem>>
        %dma_wait3A_131 = arith.constant 0 : i32
        %dma_wait3A_132 = arith.constant 0 : i32
        %dma_wait3A_133 = tpu.memref_slice %arg4[%dma_wait3A_131, %dma_wait3A_132] : memref<10000x128xf32, #tpu.memory_space<hbm>> -> memref<10000x128xf32, #tpu.memory_space<hbm>>
        tpu.wait_indirect_dma semaphore(%arg11 : memref<!tpu.dma_semaphore, #tpu.memory_space<semaphore_mem>>) src(%dma_wait3A_133 : memref<10000x128xf32, #tpu.memory_space<hbm>>) dst(%arg8 : memref<128x128xf32, #tpu.memory_space<vmem>>)
        %run_scoped3A_134 = arith.constant 1 : i32
        %run_scoped3A_135 = arith.constant 4 : i32
        "tpu.region"() ({
          %run_scoped3A_193 = tpu.sem_alloc : memref<!tpu.dma_semaphore, #tpu.memory_space<semaphore_mem>>
          %dma_start3A_194 = arith.constant 0 : i32
          %dma_start3A_195 = tpu.memref_slice %arg7[%run_scoped3A_134, %run_scoped3A_135, %dma_start3A_194] : memref<2x8x128xi32, #tpu.memory_space<vmem>> -> memref<1x1x128xi32, #tpu.memory_space<vmem>>
          %dma_start3A_196 = tpu.memref_squeeze %dma_start3A_195 : memref<1x1x128xi32, #tpu.memory_space<vmem>> -> memref<128xi32, #tpu.memory_space<vmem>>
          %dma_start3A_197 = arith.constant 0 : i32
          %dma_start3A_198 = arith.constant 0 : i32
          %dma_start3A_199 = tpu.memref_slice %arg13[%dma_start3A_197, %dma_start3A_198] : memref<10112x128xf32, #tpu.memory_space<vmem_shared>> -> memref<10112x128xf32, #tpu.memory_space<vmem_shared>>
          tpu.enqueue_indirect_dma source(%arg8 : memref<128x128xf32, #tpu.memory_space<vmem>>) target(%dma_start3A_199 : memref<10112x128xf32, #tpu.memory_space<vmem_shared>>) offsets(%dma_start3A_196 : memref<128xi32, #tpu.memory_space<vmem>>) semaphore(%run_scoped3A_193 : memref<!tpu.dma_semaphore, #tpu.memory_space<semaphore_mem>>) {add = true}
          %dma_wait3A_200 = arith.constant 0 : i32
          %dma_wait3A_201 = tpu.memref_slice %arg7[%run_scoped3A_134, %run_scoped3A_135, %dma_wait3A_200] : memref<2x8x128xi32, #tpu.memory_space<vmem>> -> memref<1x1x128xi32, #tpu.memory_space<vmem>>
          %dma_wait3A_202 = tpu.memref_squeeze %dma_wait3A_201 : memref<1x1x128xi32, #tpu.memory_space<vmem>> -> memref<128xi32, #tpu.memory_space<vmem>>
          %dma_wait3A_203 = arith.constant 0 : i32
          %dma_wait3A_204 = arith.constant 0 : i32
          %dma_wait3A_205 = tpu.memref_slice %arg13[%dma_wait3A_203, %dma_wait3A_204] : memref<10112x128xf32, #tpu.memory_space<vmem_shared>> -> memref<10112x128xf32, #tpu.memory_space<vmem_shared>>
          tpu.wait_indirect_dma semaphore(%run_scoped3A_193 : memref<!tpu.dma_semaphore, #tpu.memory_space<semaphore_mem>>) src(%arg8 : memref<128x128xf32, #tpu.memory_space<vmem>>) dst(%dma_wait3A_205 : memref<10112x128xf32, #tpu.memory_space<vmem_shared>>)
          tpu.yield
        }) : () -> ()
        %dma_start3A_136 = arith.constant 0 : i32
        %dma_start3A_137 = arith.constant 6 : i32
        %dma_start3A_138 = arith.constant 0 : i32
        %dma_start3A_139 = tpu.memref_slice %arg7[%dma_start3A_136, %dma_start3A_137, %dma_start3A_138] : memref<2x8x128xi32, #tpu.memory_space<vmem>> -> memref<1x1x128xi32, #tpu.memory_space<vmem>>
        %dma_start3A_140 = tpu.memref_squeeze %dma_start3A_139 : memref<1x1x128xi32, #tpu.memory_space<vmem>> -> memref<128xi32, #tpu.memory_space<vmem>>
        %dma_start3A_141 = arith.constant 0 : i32
        %dma_start3A_142 = arith.constant 0 : i32
        %dma_start3A_143 = tpu.memref_slice %arg4[%dma_start3A_141, %dma_start3A_142] : memref<10000x128xf32, #tpu.memory_space<hbm>> -> memref<10000x128xf32, #tpu.memory_space<hbm>>
        tpu.enqueue_indirect_dma source(%dma_start3A_143 : memref<10000x128xf32, #tpu.memory_space<hbm>>) target(%arg8 : memref<128x128xf32, #tpu.memory_space<vmem>>) offsets(%dma_start3A_140 : memref<128xi32, #tpu.memory_space<vmem>>) semaphore(%arg11 : memref<!tpu.dma_semaphore, #tpu.memory_space<semaphore_mem>>)
        %dma_wait3A_144 = arith.constant 0 : i32
        %dma_wait3A_145 = arith.constant 0 : i32
        %dma_wait3A_146 = arith.constant 0 : i32
        %dma_wait3A_147 = tpu.memref_slice %arg7[%dma_wait3A_144, %dma_wait3A_145, %dma_wait3A_146] : memref<2x8x128xi32, #tpu.memory_space<vmem>> -> memref<1x1x128xi32, #tpu.memory_space<vmem>>
        %dma_wait3A_148 = tpu.memref_squeeze %dma_wait3A_147 : memref<1x1x128xi32, #tpu.memory_space<vmem>> -> memref<128xi32, #tpu.memory_space<vmem>>
        %dma_wait3A_149 = arith.constant 0 : i32
        %dma_wait3A_150 = arith.constant 0 : i32
        %dma_wait3A_151 = tpu.memref_slice %arg4[%dma_wait3A_149, %dma_wait3A_150] : memref<10000x128xf32, #tpu.memory_space<hbm>> -> memref<10000x128xf32, #tpu.memory_space<hbm>>
        tpu.wait_indirect_dma semaphore(%arg12 : memref<!tpu.dma_semaphore, #tpu.memory_space<semaphore_mem>>) src(%dma_wait3A_151 : memref<10000x128xf32, #tpu.memory_space<hbm>>) dst(%arg9 : memref<128x128xf32, #tpu.memory_space<vmem>>)
        %run_scoped3A_152 = arith.constant 1 : i32
        %run_scoped3A_153 = arith.constant 5 : i32
        "tpu.region"() ({
          %run_scoped3A_193 = tpu.sem_alloc : memref<!tpu.dma_semaphore, #tpu.memory_space<semaphore_mem>>
          %dma_start3A_194 = arith.constant 0 : i32
          %dma_start3A_195 = tpu.memref_slice %arg7[%run_scoped3A_152, %run_scoped3A_153, %dma_start3A_194] : memref<2x8x128xi32, #tpu.memory_space<vmem>> -> memref<1x1x128xi32, #tpu.memory_space<vmem>>
          %dma_start3A_196 = tpu.memref_squeeze %dma_start3A_195 : memref<1x1x128xi32, #tpu.memory_space<vmem>> -> memref<128xi32, #tpu.memory_space<vmem>>
          %dma_start3A_197 = arith.constant 0 : i32
          %dma_start3A_198 = arith.constant 0 : i32
          %dma_start3A_199 = tpu.memref_slice %arg13[%dma_start3A_197, %dma_start3A_198] : memref<10112x128xf32, #tpu.memory_space<vmem_shared>> -> memref<10112x128xf32, #tpu.memory_space<vmem_shared>>
          tpu.enqueue_indirect_dma source(%arg9 : memref<128x128xf32, #tpu.memory_space<vmem>>) target(%dma_start3A_199 : memref<10112x128xf32, #tpu.memory_space<vmem_shared>>) offsets(%dma_start3A_196 : memref<128xi32, #tpu.memory_space<vmem>>) semaphore(%run_scoped3A_193 : memref<!tpu.dma_semaphore, #tpu.memory_space<semaphore_mem>>) {add = true}
          %dma_wait3A_200 = arith.constant 0 : i32
          %dma_wait3A_201 = tpu.memref_slice %arg7[%run_scoped3A_152, %run_scoped3A_153, %dma_wait3A_200] : memref<2x8x128xi32, #tpu.memory_space<vmem>> -> memref<1x1x128xi32, #tpu.memory_space<vmem>>
          %dma_wait3A_202 = tpu.memref_squeeze %dma_wait3A_201 : memref<1x1x128xi32, #tpu.memory_space<vmem>> -> memref<128xi32, #tpu.memory_space<vmem>>
          %dma_wait3A_203 = arith.constant 0 : i32
          %dma_wait3A_204 = arith.constant 0 : i32
          %dma_wait3A_205 = tpu.memref_slice %arg13[%dma_wait3A_203, %dma_wait3A_204] : memref<10112x128xf32, #tpu.memory_space<vmem_shared>> -> memref<10112x128xf32, #tpu.memory_space<vmem_shared>>
          tpu.wait_indirect_dma semaphore(%run_scoped3A_193 : memref<!tpu.dma_semaphore, #tpu.memory_space<semaphore_mem>>) src(%arg9 : memref<128x128xf32, #tpu.memory_space<vmem>>) dst(%dma_wait3A_205 : memref<10112x128xf32, #tpu.memory_space<vmem_shared>>)
          tpu.yield
        }) : () -> ()
        %dma_start3A_154 = arith.constant 0 : i32
        %dma_start3A_155 = arith.constant 7 : i32
        %dma_start3A_156 = arith.constant 0 : i32
        %dma_start3A_157 = tpu.memref_slice %arg7[%dma_start3A_154, %dma_start3A_155, %dma_start3A_156] : memref<2x8x128xi32, #tpu.memory_space<vmem>> -> memref<1x1x128xi32, #tpu.memory_space<vmem>>
        %dma_start3A_158 = tpu.memref_squeeze %dma_start3A_157 : memref<1x1x128xi32, #tpu.memory_space<vmem>> -> memref<128xi32, #tpu.memory_space<vmem>>
        %dma_start3A_159 = arith.constant 0 : i32
        %dma_start3A_160 = arith.constant 0 : i32
        %dma_start3A_161 = tpu.memref_slice %arg4[%dma_start3A_159, %dma_start3A_160] : memref<10000x128xf32, #tpu.memory_space<hbm>> -> memref<10000x128xf32, #tpu.memory_space<hbm>>
        tpu.enqueue_indirect_dma source(%dma_start3A_161 : memref<10000x128xf32, #tpu.memory_space<hbm>>) target(%arg9 : memref<128x128xf32, #tpu.memory_space<vmem>>) offsets(%dma_start3A_158 : memref<128xi32, #tpu.memory_space<vmem>>) semaphore(%arg12 : memref<!tpu.dma_semaphore, #tpu.memory_space<semaphore_mem>>)
        %dma_wait3A_162 = arith.constant 0 : i32
        %dma_wait3A_163 = arith.constant 0 : i32
        %dma_wait3A_164 = arith.constant 0 : i32
        %dma_wait3A_165 = tpu.memref_slice %arg7[%dma_wait3A_162, %dma_wait3A_163, %dma_wait3A_164] : memref<2x8x128xi32, #tpu.memory_space<vmem>> -> memref<1x1x128xi32, #tpu.memory_space<vmem>>
        %dma_wait3A_166 = tpu.memref_squeeze %dma_wait3A_165 : memref<1x1x128xi32, #tpu.memory_space<vmem>> -> memref<128xi32, #tpu.memory_space<vmem>>
        %dma_wait3A_167 = arith.constant 0 : i32
        %dma_wait3A_168 = arith.constant 0 : i32
        %dma_wait3A_169 = tpu.memref_slice %arg4[%dma_wait3A_167, %dma_wait3A_168] : memref<10000x128xf32, #tpu.memory_space<hbm>> -> memref<10000x128xf32, #tpu.memory_space<hbm>>
        tpu.wait_indirect_dma semaphore(%arg11 : memref<!tpu.dma_semaphore, #tpu.memory_space<semaphore_mem>>) src(%dma_wait3A_169 : memref<10000x128xf32, #tpu.memory_space<hbm>>) dst(%arg8 : memref<128x128xf32, #tpu.memory_space<vmem>>)
        %run_scoped3A_170 = arith.constant 1 : i32
        %run_scoped3A_171 = arith.constant 6 : i32
        "tpu.region"() ({
          %run_scoped3A_193 = tpu.sem_alloc : memref<!tpu.dma_semaphore, #tpu.memory_space<semaphore_mem>>
          %dma_start3A_194 = arith.constant 0 : i32
          %dma_start3A_195 = tpu.memref_slice %arg7[%run_scoped3A_170, %run_scoped3A_171, %dma_start3A_194] : memref<2x8x128xi32, #tpu.memory_space<vmem>> -> memref<1x1x128xi32, #tpu.memory_space<vmem>>
          %dma_start3A_196 = tpu.memref_squeeze %dma_start3A_195 : memref<1x1x128xi32, #tpu.memory_space<vmem>> -> memref<128xi32, #tpu.memory_space<vmem>>
          %dma_start3A_197 = arith.constant 0 : i32
          %dma_start3A_198 = arith.constant 0 : i32
          %dma_start3A_199 = tpu.memref_slice %arg13[%dma_start3A_197, %dma_start3A_198] : memref<10112x128xf32, #tpu.memory_space<vmem_shared>> -> memref<10112x128xf32, #tpu.memory_space<vmem_shared>>
          tpu.enqueue_indirect_dma source(%arg8 : memref<128x128xf32, #tpu.memory_space<vmem>>) target(%dma_start3A_199 : memref<10112x128xf32, #tpu.memory_space<vmem_shared>>) offsets(%dma_start3A_196 : memref<128xi32, #tpu.memory_space<vmem>>) semaphore(%run_scoped3A_193 : memref<!tpu.dma_semaphore, #tpu.memory_space<semaphore_mem>>) {add = true}
          %dma_wait3A_200 = arith.constant 0 : i32
          %dma_wait3A_201 = tpu.memref_slice %arg7[%run_scoped3A_170, %run_scoped3A_171, %dma_wait3A_200] : memref<2x8x128xi32, #tpu.memory_space<vmem>> -> memref<1x1x128xi32, #tpu.memory_space<vmem>>
          %dma_wait3A_202 = tpu.memref_squeeze %dma_wait3A_201 : memref<1x1x128xi32, #tpu.memory_space<vmem>> -> memref<128xi32, #tpu.memory_space<vmem>>
          %dma_wait3A_203 = arith.constant 0 : i32
          %dma_wait3A_204 = arith.constant 0 : i32
          %dma_wait3A_205 = tpu.memref_slice %arg13[%dma_wait3A_203, %dma_wait3A_204] : memref<10112x128xf32, #tpu.memory_space<vmem_shared>> -> memref<10112x128xf32, #tpu.memory_space<vmem_shared>>
          tpu.wait_indirect_dma semaphore(%run_scoped3A_193 : memref<!tpu.dma_semaphore, #tpu.memory_space<semaphore_mem>>) src(%arg8 : memref<128x128xf32, #tpu.memory_space<vmem>>) dst(%dma_wait3A_205 : memref<10112x128xf32, #tpu.memory_space<vmem_shared>>)
          tpu.yield
        }) : () -> ()
        %dma_wait3A_172 = arith.constant 0 : i32
        %dma_wait3A_173 = arith.constant 0 : i32
        %dma_wait3A_174 = arith.constant 0 : i32
        %dma_wait3A_175 = tpu.memref_slice %arg7[%dma_wait3A_172, %dma_wait3A_173, %dma_wait3A_174] : memref<2x8x128xi32, #tpu.memory_space<vmem>> -> memref<1x1x128xi32, #tpu.memory_space<vmem>>
        %dma_wait3A_176 = tpu.memref_squeeze %dma_wait3A_175 : memref<1x1x128xi32, #tpu.memory_space<vmem>> -> memref<128xi32, #tpu.memory_space<vmem>>
        %dma_wait3A_177 = arith.constant 0 : i32
        %dma_wait3A_178 = arith.constant 0 : i32
        %dma_wait3A_179 = tpu.memref_slice %arg4[%dma_wait3A_177, %dma_wait3A_178] : memref<10000x128xf32, #tpu.memory_space<hbm>> -> memref<10000x128xf32, #tpu.memory_space<hbm>>
        tpu.wait_indirect_dma semaphore(%arg12 : memref<!tpu.dma_semaphore, #tpu.memory_space<semaphore_mem>>) src(%dma_wait3A_179 : memref<10000x128xf32, #tpu.memory_space<hbm>>) dst(%arg9 : memref<128x128xf32, #tpu.memory_space<vmem>>)
        %run_scoped3A_180 = arith.constant 1 : i32
        %run_scoped3A_181 = arith.constant 7 : i32
        "tpu.region"() ({
          %run_scoped3A_193 = tpu.sem_alloc : memref<!tpu.dma_semaphore, #tpu.memory_space<semaphore_mem>>
          %dma_start3A_194 = arith.constant 0 : i32
          %dma_start3A_195 = tpu.memref_slice %arg7[%run_scoped3A_180, %run_scoped3A_181, %dma_start3A_194] : memref<2x8x128xi32, #tpu.memory_space<vmem>> -> memref<1x1x128xi32, #tpu.memory_space<vmem>>
          %dma_start3A_196 = tpu.memref_squeeze %dma_start3A_195 : memref<1x1x128xi32, #tpu.memory_space<vmem>> -> memref<128xi32, #tpu.memory_space<vmem>>
          %dma_start3A_197 = arith.constant 0 : i32
          %dma_start3A_198 = arith.constant 0 : i32
          %dma_start3A_199 = tpu.memref_slice %arg13[%dma_start3A_197, %dma_start3A_198] : memref<10112x128xf32, #tpu.memory_space<vmem_shared>> -> memref<10112x128xf32, #tpu.memory_space<vmem_shared>>
          tpu.enqueue_indirect_dma source(%arg9 : memref<128x128xf32, #tpu.memory_space<vmem>>) target(%dma_start3A_199 : memref<10112x128xf32, #tpu.memory_space<vmem_shared>>) offsets(%dma_start3A_196 : memref<128xi32, #tpu.memory_space<vmem>>) semaphore(%run_scoped3A_193 : memref<!tpu.dma_semaphore, #tpu.memory_space<semaphore_mem>>) {add = true}
          %dma_wait3A_200 = arith.constant 0 : i32
          %dma_wait3A_201 = tpu.memref_slice %arg7[%run_scoped3A_180, %run_scoped3A_181, %dma_wait3A_200] : memref<2x8x128xi32, #tpu.memory_space<vmem>> -> memref<1x1x128xi32, #tpu.memory_space<vmem>>
          %dma_wait3A_202 = tpu.memref_squeeze %dma_wait3A_201 : memref<1x1x128xi32, #tpu.memory_space<vmem>> -> memref<128xi32, #tpu.memory_space<vmem>>
          %dma_wait3A_203 = arith.constant 0 : i32
          %dma_wait3A_204 = arith.constant 0 : i32
          %dma_wait3A_205 = tpu.memref_slice %arg13[%dma_wait3A_203, %dma_wait3A_204] : memref<10112x128xf32, #tpu.memory_space<vmem_shared>> -> memref<10112x128xf32, #tpu.memory_space<vmem_shared>>
          tpu.wait_indirect_dma semaphore(%run_scoped3A_193 : memref<!tpu.dma_semaphore, #tpu.memory_space<semaphore_mem>>) src(%arg9 : memref<128x128xf32, #tpu.memory_space<vmem>>) dst(%dma_wait3A_205 : memref<10112x128xf32, #tpu.memory_space<vmem_shared>>)
          tpu.yield
        }) : () -> ()
        %add3A = arith.constant 1 : i32
        %add3A_182 = arith.addi %scan3A_32, %add3A : i32
        %min3A = arith.constant 9 : i32
        %min3A_183 = arith.minsi %add3A_182, %min3A : i32
        %mul3A_184 = arith.constant 8 : i32
        %mul3A_185 = arith.muli %min3A_183, %mul3A_184 : i32
        %add3A_186 = arith.addi %mul3A_0, %mul3A_185 : i32
        %dma_start3A_187 = arith.constant 0 : i32
        %dma_start3A_188 = arith.constant 0 : i32
        %dma_start3A_189 = tpu.memref_slice %arg2[%dma_start3A_187, %add3A_186, %dma_start3A_188] : memref<2x1280x128xi32, #tpu.memory_space<hbm>> -> memref<2x8x128xi32, #tpu.memory_space<hbm>>
        %dma_start3A_190 = arith.constant 0 : i32
        %dma_start3A_191 = arith.constant 0 : i32
        %dma_start3A_192 = tpu.memref_slice %arg2[%dma_start3A_190, %add3A_186, %dma_start3A_191] : memref<2x1280x128xi32, #tpu.memory_space<hbm>> -> memref<2x8x128xi32, #tpu.memory_space<hbm>>
        tpu.enqueue_dma source(%dma_start3A_192 : memref<2x8x128xi32, #tpu.memory_space<hbm>>) target(%arg7 : memref<2x8x128xi32, #tpu.memory_space<vmem>>) target_semaphore(%arg10 : memref<!tpu.dma_semaphore, #tpu.memory_space<semaphore_mem>>)
      }
      %scan3A_26 = arith.constant 10 : i32
      %dma_wait3A = arith.constant 0 : i32
      %dma_wait3A_27 = arith.constant 0 : i32
      %dma_wait3A_28 = tpu.memref_slice %arg2[%dma_wait3A, %mul3A_0, %dma_wait3A_27] : memref<2x1280x128xi32, #tpu.memory_space<hbm>> -> memref<2x8x128xi32, #tpu.memory_space<hbm>>
      %dma_wait3A_29 = arith.constant 0 : i32
      %dma_wait3A_30 = arith.constant 0 : i32
      %dma_wait3A_31 = tpu.memref_slice %arg2[%dma_wait3A_29, %mul3A_0, %dma_wait3A_30] : memref<2x1280x128xi32, #tpu.memory_space<hbm>> -> memref<2x8x128xi32, #tpu.memory_space<hbm>>
      tpu.wait_dma2 semaphore(%arg10 : memref<!tpu.dma_semaphore, #tpu.memory_space<semaphore_mem>>) src(%dma_wait3A_31 : memref<2x8x128xi32, #tpu.memory_space<hbm>>) dst(%arg7 : memref<2x8x128xi32, #tpu.memory_space<vmem>>)
    } else {
    }
    %barrier3A_17 = arith.constant 0 : index
    tpu.barrier barrier_id(%barrier3A_17)
    %mul3A_18 = arith.constant 632 : i32
    %mul3A_19 = arith.muli %arg1, %mul3A_18 : i32
    %mul3A_20 = arith.constant 632 : i32
    %mul3A_21 = arith.muli %arg1, %mul3A_20 : i32
    "tpu.region"() ({
      %run_scoped3A = tpu.sem_alloc : memref<!tpu.dma_semaphore, #tpu.memory_space<semaphore_mem>>
      %dma_start3A_22 = arith.constant 0 : i32
      %dma_start3A_23 = tpu.memref_slice %arg6[%arg0, %mul3A_21, %dma_start3A_22] : memref<2x10112x128xf32, #tpu.memory_space<hbm>> -> memref<1x632x128xf32, #tpu.memory_space<hbm>>
      %dma_start3A_24 = tpu.memref_squeeze %dma_start3A_23 : memref<1x632x128xf32, #tpu.memory_space<hbm>> -> memref<632x128xf32, #tpu.memory_space<hbm>>
      %dma_start3A_25 = arith.constant 0 : i32
      %dma_start3A_26 = tpu.memref_slice %arg13[%mul3A_19, %dma_start3A_25] : memref<10112x128xf32, #tpu.memory_space<vmem_shared>> -> memref<632x128xf32, #tpu.memory_space<vmem_shared>>
      tpu.enqueue_dma source(%dma_start3A_26 : memref<632x128xf32, #tpu.memory_space<vmem_shared>>) target(%dma_start3A_24 : memref<632x128xf32, #tpu.memory_space<hbm>>) target_semaphore(%run_scoped3A : memref<!tpu.dma_semaphore, #tpu.memory_space<semaphore_mem>>)
      %dma_wait3A = arith.constant 0 : i32
      %dma_wait3A_27 = tpu.memref_slice %arg6[%arg0, %mul3A_21, %dma_wait3A] : memref<2x10112x128xf32, #tpu.memory_space<hbm>> -> memref<1x632x128xf32, #tpu.memory_space<hbm>>
      %dma_wait3A_28 = tpu.memref_squeeze %dma_wait3A_27 : memref<1x632x128xf32, #tpu.memory_space<hbm>> -> memref<632x128xf32, #tpu.memory_space<hbm>>
      %dma_wait3A_29 = arith.constant 0 : i32
      %dma_wait3A_30 = tpu.memref_slice %arg13[%mul3A_19, %dma_wait3A_29] : memref<10112x128xf32, #tpu.memory_space<vmem_shared>> -> memref<632x128xf32, #tpu.memory_space<vmem_shared>>
      tpu.wait_dma2 semaphore(%run_scoped3A : memref<!tpu.dma_semaphore, #tpu.memory_space<semaphore_mem>>) src(%dma_wait3A_30 : memref<632x128xf32, #tpu.memory_space<vmem_shared>>) dst(%dma_wait3A_28 : memref<632x128xf32, #tpu.memory_space<hbm>>)
      tpu.yield
    }) : () -> ()
    return
  }
}

#map = affine_map<(d0, d1) -> (0, 0, 0)>
#map1 = affine_map<(d0, d1) -> (0, 0)>
module attributes {stable_mosaic.version = 14 : i64} {
  func.func @_deg_kernel(%arg0: i32, %arg1: i32, %arg2: memref<2x1280x128xi32, #tpu.memory_space<hbm>>, %arg3: memref<128x128xf32, #tpu.memory_space<hbm>>, %arg4: memref<10112x128xf32, #tpu.memory_space<hbm>>, %arg5: memref<2x10112x128xf32, #tpu.memory_space<hbm>>, %arg6: memref<40x128xi32, #tpu.memory_space<vmem>>, %arg7: memref<128x128xf32, #tpu.memory_space<vmem>>, %arg8: memref<10112x128xf32, #tpu.memory_space<vmem_shared>>) attributes {dimension_semantics = [#tpu.dimension_semantics<core_parallel>, #tpu.dimension_semantics<subcore_parallel>], iteration_bounds = array<i64: 2, 16>, scalar_prefetch = 0 : i64, scratch_operands = 3 : i64, tpu.core_type = #tpu.core_type<sc_vector_subcore>, window_params = [{transform_indices = #map}, {transform_indices = #map1}, {transform_indices = #map1}, {transform_indices = #map}]} {
    %mul3A = arith.constant 2 : i32
    %mul3A_0 = arith.muli %arg1, %mul3A : i32
    %add3A = arith.addi %mul3A_0, %arg0 : i32
    "tpu.region"() ({
      %run_scoped3A_17 = tpu.sem_alloc : memref<!tpu.dma_semaphore, #tpu.memory_space<semaphore_mem>>
      tpu.enqueue_dma source(%arg3 : memref<128x128xf32, #tpu.memory_space<hbm>>) target(%arg7 : memref<128x128xf32, #tpu.memory_space<vmem>>) target_semaphore(%run_scoped3A_17 : memref<!tpu.dma_semaphore, #tpu.memory_space<semaphore_mem>>)
      tpu.wait_dma2 semaphore(%run_scoped3A_17 : memref<!tpu.dma_semaphore, #tpu.memory_space<semaphore_mem>>) src(%arg3 : memref<128x128xf32, #tpu.memory_space<hbm>>) dst(%arg7 : memref<128x128xf32, #tpu.memory_space<vmem>>)
      tpu.yield
    }) : () -> ()
    %mul3A_1 = arith.constant 632 : i32
    %mul3A_2 = arith.muli %arg1, %mul3A_1 : i32
    %mul3A_3 = arith.constant 632 : i32
    %mul3A_4 = arith.muli %arg1, %mul3A_3 : i32
    "tpu.region"() ({
      %run_scoped3A_17 = tpu.sem_alloc : memref<!tpu.dma_semaphore, #tpu.memory_space<semaphore_mem>>
      %dma_start3A = arith.constant 0 : i32
      %dma_start3A_18 = tpu.memref_slice %arg8[%mul3A_4, %dma_start3A] : memref<10112x128xf32, #tpu.memory_space<vmem_shared>> -> memref<632x128xf32, #tpu.memory_space<vmem_shared>>
      %dma_start3A_19 = arith.constant 0 : i32
      %dma_start3A_20 = tpu.memref_slice %arg4[%mul3A_2, %dma_start3A_19] : memref<10112x128xf32, #tpu.memory_space<hbm>> -> memref<632x128xf32, #tpu.memory_space<hbm>>
      tpu.enqueue_dma source(%dma_start3A_20 : memref<632x128xf32, #tpu.memory_space<hbm>>) target(%dma_start3A_18 : memref<632x128xf32, #tpu.memory_space<vmem_shared>>) target_semaphore(%run_scoped3A_17 : memref<!tpu.dma_semaphore, #tpu.memory_space<semaphore_mem>>)
      %dma_wait3A = arith.constant 0 : i32
      %dma_wait3A_21 = tpu.memref_slice %arg8[%mul3A_4, %dma_wait3A] : memref<10112x128xf32, #tpu.memory_space<vmem_shared>> -> memref<632x128xf32, #tpu.memory_space<vmem_shared>>
      %dma_wait3A_22 = arith.constant 0 : i32
      %dma_wait3A_23 = tpu.memref_slice %arg4[%mul3A_2, %dma_wait3A_22] : memref<10112x128xf32, #tpu.memory_space<hbm>> -> memref<632x128xf32, #tpu.memory_space<hbm>>
      tpu.wait_dma2 semaphore(%run_scoped3A_17 : memref<!tpu.dma_semaphore, #tpu.memory_space<semaphore_mem>>) src(%dma_wait3A_23 : memref<632x128xf32, #tpu.memory_space<hbm>>) dst(%dma_wait3A_21 : memref<632x128xf32, #tpu.memory_space<vmem_shared>>)
      tpu.yield
    }) : () -> ()
    %mul3A_5 = arith.constant 40 : i32
    %mul3A_6 = arith.muli %add3A, %mul3A_5 : i32
    %run_scoped3A = arith.constant 1 : i32
    "tpu.region"() ({
      %run_scoped3A_17 = tpu.sem_alloc : memref<!tpu.dma_semaphore, #tpu.memory_space<semaphore_mem>>
      %dma_start3A = arith.constant 0 : i32
      %dma_start3A_18 = tpu.memref_slice %arg2[%run_scoped3A, %mul3A_6, %dma_start3A] : memref<2x1280x128xi32, #tpu.memory_space<hbm>> -> memref<1x40x128xi32, #tpu.memory_space<hbm>>
      %dma_start3A_19 = tpu.memref_squeeze %dma_start3A_18 : memref<1x40x128xi32, #tpu.memory_space<hbm>> -> memref<40x128xi32, #tpu.memory_space<hbm>>
      %dma_start3A_20 = arith.constant 0 : i32
      %dma_start3A_21 = tpu.memref_slice %arg2[%run_scoped3A, %mul3A_6, %dma_start3A_20] : memref<2x1280x128xi32, #tpu.memory_space<hbm>> -> memref<1x40x128xi32, #tpu.memory_space<hbm>>
      %dma_start3A_22 = tpu.memref_squeeze %dma_start3A_21 : memref<1x40x128xi32, #tpu.memory_space<hbm>> -> memref<40x128xi32, #tpu.memory_space<hbm>>
      tpu.enqueue_dma source(%dma_start3A_22 : memref<40x128xi32, #tpu.memory_space<hbm>>) target(%arg6 : memref<40x128xi32, #tpu.memory_space<vmem>>) target_semaphore(%run_scoped3A_17 : memref<!tpu.dma_semaphore, #tpu.memory_space<semaphore_mem>>)
      %dma_wait3A = arith.constant 0 : i32
      %dma_wait3A_23 = tpu.memref_slice %arg2[%run_scoped3A, %mul3A_6, %dma_wait3A] : memref<2x1280x128xi32, #tpu.memory_space<hbm>> -> memref<1x40x128xi32, #tpu.memory_space<hbm>>
      %dma_wait3A_24 = tpu.memref_squeeze %dma_wait3A_23 : memref<1x40x128xi32, #tpu.memory_space<hbm>> -> memref<40x128xi32, #tpu.memory_space<hbm>>
      %dma_wait3A_25 = arith.constant 0 : i32
      %dma_wait3A_26 = tpu.memref_slice %arg2[%run_scoped3A, %mul3A_6, %dma_wait3A_25] : memref<2x1280x128xi32, #tpu.memory_space<hbm>> -> memref<1x40x128xi32, #tpu.memory_space<hbm>>
      %dma_wait3A_27 = tpu.memref_squeeze %dma_wait3A_26 : memref<1x40x128xi32, #tpu.memory_space<hbm>> -> memref<40x128xi32, #tpu.memory_space<hbm>>
      tpu.wait_dma2 semaphore(%run_scoped3A_17 : memref<!tpu.dma_semaphore, #tpu.memory_space<semaphore_mem>>) src(%dma_wait3A_27 : memref<40x128xi32, #tpu.memory_space<hbm>>) dst(%arg6 : memref<40x128xi32, #tpu.memory_space<vmem>>)
      tpu.yield
    }) : () -> ()
    %barrier3A = arith.constant 0 : index
    tpu.barrier barrier_id(%barrier3A)
    %scan3A = arith.constant 0 : i32
    %scan3A_7 = arith.constant 0 : i32
    %scan3A_8 = arith.constant 40 : i32
    %scan3A_9 = arith.addi %scan3A_7, %scan3A_8 : i32
    %scan3A_10 = arith.constant 1 : i32
    scf.for %scan3A_17 = %scan3A_7 to %scan3A_9 step %scan3A_10  : i32 {
      "tpu.region"() ({
        %run_scoped3A_18 = tpu.sem_alloc : memref<!tpu.dma_semaphore, #tpu.memory_space<semaphore_mem>>
        %dma_start3A = arith.constant 0 : i32
        %dma_start3A_19 = tpu.memref_slice %arg6[%scan3A_17, %dma_start3A] : memref<40x128xi32, #tpu.memory_space<vmem>> -> memref<1x128xi32, #tpu.memory_space<vmem>>
        %dma_start3A_20 = tpu.memref_squeeze %dma_start3A_19 : memref<1x128xi32, #tpu.memory_space<vmem>> -> memref<128xi32, #tpu.memory_space<vmem>>
        %dma_start3A_21 = arith.constant 0 : i32
        %dma_start3A_22 = arith.constant 0 : i32
        %dma_start3A_23 = tpu.memref_slice %arg8[%dma_start3A_21, %dma_start3A_22] : memref<10112x128xf32, #tpu.memory_space<vmem_shared>> -> memref<10112x128xf32, #tpu.memory_space<vmem_shared>>
        tpu.enqueue_indirect_dma source(%arg7 : memref<128x128xf32, #tpu.memory_space<vmem>>) target(%dma_start3A_23 : memref<10112x128xf32, #tpu.memory_space<vmem_shared>>) offsets(%dma_start3A_20 : memref<128xi32, #tpu.memory_space<vmem>>) semaphore(%run_scoped3A_18 : memref<!tpu.dma_semaphore, #tpu.memory_space<semaphore_mem>>) {add = true}
        %dma_wait3A = arith.constant 0 : i32
        %dma_wait3A_24 = tpu.memref_slice %arg6[%scan3A_17, %dma_wait3A] : memref<40x128xi32, #tpu.memory_space<vmem>> -> memref<1x128xi32, #tpu.memory_space<vmem>>
        %dma_wait3A_25 = tpu.memref_squeeze %dma_wait3A_24 : memref<1x128xi32, #tpu.memory_space<vmem>> -> memref<128xi32, #tpu.memory_space<vmem>>
        %dma_wait3A_26 = arith.constant 0 : i32
        %dma_wait3A_27 = arith.constant 0 : i32
        %dma_wait3A_28 = tpu.memref_slice %arg8[%dma_wait3A_26, %dma_wait3A_27] : memref<10112x128xf32, #tpu.memory_space<vmem_shared>> -> memref<10112x128xf32, #tpu.memory_space<vmem_shared>>
        tpu.wait_indirect_dma semaphore(%run_scoped3A_18 : memref<!tpu.dma_semaphore, #tpu.memory_space<semaphore_mem>>) src(%arg7 : memref<128x128xf32, #tpu.memory_space<vmem>>) dst(%dma_wait3A_28 : memref<10112x128xf32, #tpu.memory_space<vmem_shared>>)
        tpu.yield
      }) : () -> ()
    }
    %scan3A_11 = arith.constant 40 : i32
    %barrier3A_12 = arith.constant 0 : index
    tpu.barrier barrier_id(%barrier3A_12)
    %mul3A_13 = arith.constant 632 : i32
    %mul3A_14 = arith.muli %arg1, %mul3A_13 : i32
    %mul3A_15 = arith.constant 632 : i32
    %mul3A_16 = arith.muli %arg1, %mul3A_15 : i32
    "tpu.region"() ({
      %run_scoped3A_17 = tpu.sem_alloc : memref<!tpu.dma_semaphore, #tpu.memory_space<semaphore_mem>>
      %dma_start3A = arith.constant 0 : i32
      %dma_start3A_18 = tpu.memref_slice %arg5[%arg0, %mul3A_16, %dma_start3A] : memref<2x10112x128xf32, #tpu.memory_space<hbm>> -> memref<1x632x128xf32, #tpu.memory_space<hbm>>
      %dma_start3A_19 = tpu.memref_squeeze %dma_start3A_18 : memref<1x632x128xf32, #tpu.memory_space<hbm>> -> memref<632x128xf32, #tpu.memory_space<hbm>>
      %dma_start3A_20 = arith.constant 0 : i32
      %dma_start3A_21 = tpu.memref_slice %arg8[%mul3A_14, %dma_start3A_20] : memref<10112x128xf32, #tpu.memory_space<vmem_shared>> -> memref<632x128xf32, #tpu.memory_space<vmem_shared>>
      tpu.enqueue_dma source(%dma_start3A_21 : memref<632x128xf32, #tpu.memory_space<vmem_shared>>) target(%dma_start3A_19 : memref<632x128xf32, #tpu.memory_space<hbm>>) target_semaphore(%run_scoped3A_17 : memref<!tpu.dma_semaphore, #tpu.memory_space<semaphore_mem>>)
      %dma_wait3A = arith.constant 0 : i32
      %dma_wait3A_22 = tpu.memref_slice %arg5[%arg0, %mul3A_16, %dma_wait3A] : memref<2x10112x128xf32, #tpu.memory_space<hbm>> -> memref<1x632x128xf32, #tpu.memory_space<hbm>>
      %dma_wait3A_23 = tpu.memref_squeeze %dma_wait3A_22 : memref<1x632x128xf32, #tpu.memory_space<hbm>> -> memref<632x128xf32, #tpu.memory_space<hbm>>
      %dma_wait3A_24 = arith.constant 0 : i32
      %dma_wait3A_25 = tpu.memref_slice %arg8[%mul3A_14, %dma_wait3A_24] : memref<10112x128xf32, #tpu.memory_space<vmem_shared>> -> memref<632x128xf32, #tpu.memory_space<vmem_shared>>
      tpu.wait_dma2 semaphore(%run_scoped3A_17 : memref<!tpu.dma_semaphore, #tpu.memory_space<semaphore_mem>>) src(%dma_wait3A_25 : memref<632x128xf32, #tpu.memory_space<vmem_shared>>) dst(%dma_wait3A_23 : memref<632x128xf32, #tpu.memory_space<hbm>>)
      tpu.yield
    }) : () -> ()
    return
  }
}

#map = affine_map<(d0, d1) -> (0, 0, 0)>
#map1 = affine_map<(d0, d1) -> (0, 0)>
module attributes {stable_mosaic.version = 14 : i64} {
  func.func @_agg_kernel(%arg0: i32, %arg1: i32, %arg2: memref<2x1280x128xi32, #tpu.memory_space<hbm>>, %arg3: memref<10000x128xf32, #tpu.memory_space<hbm>>, %arg4: memref<10000x128xf32, #tpu.memory_space<hbm>>, %arg5: memref<10112x128xf32, #tpu.memory_space<hbm>>, %arg6: memref<2x10112x128xf32, #tpu.memory_space<hbm>>, %arg7: memref<2x8x128xi32, #tpu.memory_space<vmem>>, %arg8: memref<128x128xf32, #tpu.memory_space<vmem>>, %arg9: memref<128x128xf32, #tpu.memory_space<vmem>>, %arg10: memref<!tpu.dma_semaphore, #tpu.memory_space<semaphore_mem>>, %arg11: memref<!tpu.dma_semaphore, #tpu.memory_space<semaphore_mem>>, %arg12: memref<!tpu.dma_semaphore, #tpu.memory_space<semaphore_mem>>, %arg13: memref<10112x128xf32, #tpu.memory_space<vmem_shared>>) attributes {dimension_semantics = [#tpu.dimension_semantics<core_parallel>, #tpu.dimension_semantics<subcore_parallel>], iteration_bounds = array<i64: 2, 16>, scalar_prefetch = 0 : i64, scratch_operands = 7 : i64, tpu.core_type = #tpu.core_type<sc_vector_subcore>, window_params = [{transform_indices = #map}, {transform_indices = #map1}, {transform_indices = #map1}, {transform_indices = #map1}, {transform_indices = #map}]} {
    %mul3A = arith.constant 80 : i32
    %mul3A_0 = arith.muli %arg1, %mul3A : i32
    %dma_start3A = arith.constant 0 : i32
    %dma_start3A_1 = arith.constant 0 : i32
    %dma_start3A_2 = tpu.memref_slice %arg2[%dma_start3A, %mul3A_0, %dma_start3A_1] : memref<2x1280x128xi32, #tpu.memory_space<hbm>> -> memref<2x8x128xi32, #tpu.memory_space<hbm>>
    %dma_start3A_3 = arith.constant 0 : i32
    %dma_start3A_4 = arith.constant 0 : i32
    %dma_start3A_5 = tpu.memref_slice %arg2[%dma_start3A_3, %mul3A_0, %dma_start3A_4] : memref<2x1280x128xi32, #tpu.memory_space<hbm>> -> memref<2x8x128xi32, #tpu.memory_space<hbm>>
    tpu.enqueue_dma source(%dma_start3A_5 : memref<2x8x128xi32, #tpu.memory_space<hbm>>) target(%arg7 : memref<2x8x128xi32, #tpu.memory_space<vmem>>) target_semaphore(%arg10 : memref<!tpu.dma_semaphore, #tpu.memory_space<semaphore_mem>>)
    %mul3A_6 = arith.constant 632 : i32
    %mul3A_7 = arith.muli %arg1, %mul3A_6 : i32
    %mul3A_8 = arith.constant 632 : i32
    %mul3A_9 = arith.muli %arg1, %mul3A_8 : i32
    "tpu.region"() ({
      %run_scoped3A = tpu.sem_alloc : memref<!tpu.dma_semaphore, #tpu.memory_space<semaphore_mem>>
      %dma_start3A_22 = arith.constant 0 : i32
      %dma_start3A_23 = tpu.memref_slice %arg13[%mul3A_9, %dma_start3A_22] : memref<10112x128xf32, #tpu.memory_space<vmem_shared>> -> memref<632x128xf32, #tpu.memory_space<vmem_shared>>
      %dma_start3A_24 = arith.constant 0 : i32
      %dma_start3A_25 = tpu.memref_slice %arg5[%mul3A_7, %dma_start3A_24] : memref<10112x128xf32, #tpu.memory_space<hbm>> -> memref<632x128xf32, #tpu.memory_space<hbm>>
      tpu.enqueue_dma source(%dma_start3A_25 : memref<632x128xf32, #tpu.memory_space<hbm>>) target(%dma_start3A_23 : memref<632x128xf32, #tpu.memory_space<vmem_shared>>) target_semaphore(%run_scoped3A : memref<!tpu.dma_semaphore, #tpu.memory_space<semaphore_mem>>)
      %dma_wait3A = arith.constant 0 : i32
      %dma_wait3A_26 = tpu.memref_slice %arg13[%mul3A_9, %dma_wait3A] : memref<10112x128xf32, #tpu.memory_space<vmem_shared>> -> memref<632x128xf32, #tpu.memory_space<vmem_shared>>
      %dma_wait3A_27 = arith.constant 0 : i32
      %dma_wait3A_28 = tpu.memref_slice %arg5[%mul3A_7, %dma_wait3A_27] : memref<10112x128xf32, #tpu.memory_space<hbm>> -> memref<632x128xf32, #tpu.memory_space<hbm>>
      tpu.wait_dma2 semaphore(%run_scoped3A : memref<!tpu.dma_semaphore, #tpu.memory_space<semaphore_mem>>) src(%dma_wait3A_28 : memref<632x128xf32, #tpu.memory_space<hbm>>) dst(%dma_wait3A_26 : memref<632x128xf32, #tpu.memory_space<vmem_shared>>)
      tpu.yield
    }) : () -> ()
    %barrier3A = arith.constant 0 : index
    tpu.barrier barrier_id(%barrier3A)
    %eq3A = arith.constant 0 : i32
    %eq3A_10 = arith.cmpi eq, %arg0, %eq3A : i32
    %convert_element_type3A = arith.extui %eq3A_10 : i1 to i32
    %cond3A = arith.constant 0 : i32
    %cond3A_11 = arith.cmpi ne, %convert_element_type3A, %cond3A : i32
    scf.if %cond3A_11 {
      %scan3A = arith.constant 0 : i32
      %scan3A_22 = arith.constant 0 : i32
      %scan3A_23 = arith.constant 10 : i32
      %scan3A_24 = arith.addi %scan3A_22, %scan3A_23 : i32
      %scan3A_25 = arith.constant 1 : i32
      scf.for %scan3A_32 = %scan3A_22 to %scan3A_24 step %scan3A_25  : i32 {
        %dma_wait3A_33 = arith.constant 0 : i32
        %dma_wait3A_34 = arith.constant 0 : i32
        %dma_wait3A_35 = tpu.memref_slice %arg2[%dma_wait3A_33, %mul3A_0, %dma_wait3A_34] : memref<2x1280x128xi32, #tpu.memory_space<hbm>> -> memref<2x8x128xi32, #tpu.memory_space<hbm>>
        %dma_wait3A_36 = arith.constant 0 : i32
        %dma_wait3A_37 = arith.constant 0 : i32
        %dma_wait3A_38 = tpu.memref_slice %arg2[%dma_wait3A_36, %mul3A_0, %dma_wait3A_37] : memref<2x1280x128xi32, #tpu.memory_space<hbm>> -> memref<2x8x128xi32, #tpu.memory_space<hbm>>
        tpu.wait_dma2 semaphore(%arg10 : memref<!tpu.dma_semaphore, #tpu.memory_space<semaphore_mem>>) src(%dma_wait3A_38 : memref<2x8x128xi32, #tpu.memory_space<hbm>>) dst(%arg7 : memref<2x8x128xi32, #tpu.memory_space<vmem>>)
        %dma_start3A_39 = arith.constant 0 : i32
        %dma_start3A_40 = arith.constant 0 : i32
        %dma_start3A_41 = arith.constant 0 : i32
        %dma_start3A_42 = tpu.memref_slice %arg7[%dma_start3A_39, %dma_start3A_40, %dma_start3A_41] : memref<2x8x128xi32, #tpu.memory_space<vmem>> -> memref<1x1x128xi32, #tpu.memory_space<vmem>>
        %dma_start3A_43 = tpu.memref_squeeze %dma_start3A_42 : memref<1x1x128xi32, #tpu.memory_space<vmem>> -> memref<128xi32, #tpu.memory_space<vmem>>
        %dma_start3A_44 = arith.constant 0 : i32
        %dma_start3A_45 = arith.constant 0 : i32
        %dma_start3A_46 = tpu.memref_slice %arg3[%dma_start3A_44, %dma_start3A_45] : memref<10000x128xf32, #tpu.memory_space<hbm>> -> memref<10000x128xf32, #tpu.memory_space<hbm>>
        tpu.enqueue_indirect_dma source(%dma_start3A_46 : memref<10000x128xf32, #tpu.memory_space<hbm>>) target(%arg8 : memref<128x128xf32, #tpu.memory_space<vmem>>) offsets(%dma_start3A_43 : memref<128xi32, #tpu.memory_space<vmem>>) semaphore(%arg11 : memref<!tpu.dma_semaphore, #tpu.memory_space<semaphore_mem>>)
        %dma_start3A_47 = arith.constant 0 : i32
        %dma_start3A_48 = arith.constant 1 : i32
        %dma_start3A_49 = arith.constant 0 : i32
        %dma_start3A_50 = tpu.memref_slice %arg7[%dma_start3A_47, %dma_start3A_48, %dma_start3A_49] : memref<2x8x128xi32, #tpu.memory_space<vmem>> -> memref<1x1x128xi32, #tpu.memory_space<vmem>>
        %dma_start3A_51 = tpu.memref_squeeze %dma_start3A_50 : memref<1x1x128xi32, #tpu.memory_space<vmem>> -> memref<128xi32, #tpu.memory_space<vmem>>
        %dma_start3A_52 = arith.constant 0 : i32
        %dma_start3A_53 = arith.constant 0 : i32
        %dma_start3A_54 = tpu.memref_slice %arg3[%dma_start3A_52, %dma_start3A_53] : memref<10000x128xf32, #tpu.memory_space<hbm>> -> memref<10000x128xf32, #tpu.memory_space<hbm>>
        tpu.enqueue_indirect_dma source(%dma_start3A_54 : memref<10000x128xf32, #tpu.memory_space<hbm>>) target(%arg9 : memref<128x128xf32, #tpu.memory_space<vmem>>) offsets(%dma_start3A_51 : memref<128xi32, #tpu.memory_space<vmem>>) semaphore(%arg12 : memref<!tpu.dma_semaphore, #tpu.memory_space<semaphore_mem>>)
        %dma_wait3A_55 = arith.constant 0 : i32
        %dma_wait3A_56 = arith.constant 0 : i32
        %dma_wait3A_57 = arith.constant 0 : i32
        %dma_wait3A_58 = tpu.memref_slice %arg7[%dma_wait3A_55, %dma_wait3A_56, %dma_wait3A_57] : memref<2x8x128xi32, #tpu.memory_space<vmem>> -> memref<1x1x128xi32, #tpu.memory_space<vmem>>
        %dma_wait3A_59 = tpu.memref_squeeze %dma_wait3A_58 : memref<1x1x128xi32, #tpu.memory_space<vmem>> -> memref<128xi32, #tpu.memory_space<vmem>>
        %dma_wait3A_60 = arith.constant 0 : i32
        %dma_wait3A_61 = arith.constant 0 : i32
        %dma_wait3A_62 = tpu.memref_slice %arg3[%dma_wait3A_60, %dma_wait3A_61] : memref<10000x128xf32, #tpu.memory_space<hbm>> -> memref<10000x128xf32, #tpu.memory_space<hbm>>
        tpu.wait_indirect_dma semaphore(%arg11 : memref<!tpu.dma_semaphore, #tpu.memory_space<semaphore_mem>>) src(%dma_wait3A_62 : memref<10000x128xf32, #tpu.memory_space<hbm>>) dst(%arg8 : memref<128x128xf32, #tpu.memory_space<vmem>>)
        %run_scoped3A = arith.constant 1 : i32
        %run_scoped3A_63 = arith.constant 0 : i32
        "tpu.region"() ({
          %run_scoped3A_193 = tpu.sem_alloc : memref<!tpu.dma_semaphore, #tpu.memory_space<semaphore_mem>>
          %dma_start3A_194 = arith.constant 0 : i32
          %dma_start3A_195 = tpu.memref_slice %arg7[%run_scoped3A, %run_scoped3A_63, %dma_start3A_194] : memref<2x8x128xi32, #tpu.memory_space<vmem>> -> memref<1x1x128xi32, #tpu.memory_space<vmem>>
          %dma_start3A_196 = tpu.memref_squeeze %dma_start3A_195 : memref<1x1x128xi32, #tpu.memory_space<vmem>> -> memref<128xi32, #tpu.memory_space<vmem>>
          %dma_start3A_197 = arith.constant 0 : i32
          %dma_start3A_198 = arith.constant 0 : i32
          %dma_start3A_199 = tpu.memref_slice %arg13[%dma_start3A_197, %dma_start3A_198] : memref<10112x128xf32, #tpu.memory_space<vmem_shared>> -> memref<10112x128xf32, #tpu.memory_space<vmem_shared>>
          tpu.enqueue_indirect_dma source(%arg8 : memref<128x128xf32, #tpu.memory_space<vmem>>) target(%dma_start3A_199 : memref<10112x128xf32, #tpu.memory_space<vmem_shared>>) offsets(%dma_start3A_196 : memref<128xi32, #tpu.memory_space<vmem>>) semaphore(%run_scoped3A_193 : memref<!tpu.dma_semaphore, #tpu.memory_space<semaphore_mem>>) {add = true}
          %dma_wait3A_200 = arith.constant 0 : i32
          %dma_wait3A_201 = tpu.memref_slice %arg7[%run_scoped3A, %run_scoped3A_63, %dma_wait3A_200] : memref<2x8x128xi32, #tpu.memory_space<vmem>> -> memref<1x1x128xi32, #tpu.memory_space<vmem>>
          %dma_wait3A_202 = tpu.memref_squeeze %dma_wait3A_201 : memref<1x1x128xi32, #tpu.memory_space<vmem>> -> memref<128xi32, #tpu.memory_space<vmem>>
          %dma_wait3A_203 = arith.constant 0 : i32
          %dma_wait3A_204 = arith.constant 0 : i32
          %dma_wait3A_205 = tpu.memref_slice %arg13[%dma_wait3A_203, %dma_wait3A_204] : memref<10112x128xf32, #tpu.memory_space<vmem_shared>> -> memref<10112x128xf32, #tpu.memory_space<vmem_shared>>
          tpu.wait_indirect_dma semaphore(%run_scoped3A_193 : memref<!tpu.dma_semaphore, #tpu.memory_space<semaphore_mem>>) src(%arg8 : memref<128x128xf32, #tpu.memory_space<vmem>>) dst(%dma_wait3A_205 : memref<10112x128xf32, #tpu.memory_space<vmem_shared>>)
          tpu.yield
        }) : () -> ()
        %dma_start3A_64 = arith.constant 0 : i32
        %dma_start3A_65 = arith.constant 2 : i32
        %dma_start3A_66 = arith.constant 0 : i32
        %dma_start3A_67 = tpu.memref_slice %arg7[%dma_start3A_64, %dma_start3A_65, %dma_start3A_66] : memref<2x8x128xi32, #tpu.memory_space<vmem>> -> memref<1x1x128xi32, #tpu.memory_space<vmem>>
        %dma_start3A_68 = tpu.memref_squeeze %dma_start3A_67 : memref<1x1x128xi32, #tpu.memory_space<vmem>> -> memref<128xi32, #tpu.memory_space<vmem>>
        %dma_start3A_69 = arith.constant 0 : i32
        %dma_start3A_70 = arith.constant 0 : i32
        %dma_start3A_71 = tpu.memref_slice %arg3[%dma_start3A_69, %dma_start3A_70] : memref<10000x128xf32, #tpu.memory_space<hbm>> -> memref<10000x128xf32, #tpu.memory_space<hbm>>
        tpu.enqueue_indirect_dma source(%dma_start3A_71 : memref<10000x128xf32, #tpu.memory_space<hbm>>) target(%arg8 : memref<128x128xf32, #tpu.memory_space<vmem>>) offsets(%dma_start3A_68 : memref<128xi32, #tpu.memory_space<vmem>>) semaphore(%arg11 : memref<!tpu.dma_semaphore, #tpu.memory_space<semaphore_mem>>)
        %dma_wait3A_72 = arith.constant 0 : i32
        %dma_wait3A_73 = arith.constant 0 : i32
        %dma_wait3A_74 = arith.constant 0 : i32
        %dma_wait3A_75 = tpu.memref_slice %arg7[%dma_wait3A_72, %dma_wait3A_73, %dma_wait3A_74] : memref<2x8x128xi32, #tpu.memory_space<vmem>> -> memref<1x1x128xi32, #tpu.memory_space<vmem>>
        %dma_wait3A_76 = tpu.memref_squeeze %dma_wait3A_75 : memref<1x1x128xi32, #tpu.memory_space<vmem>> -> memref<128xi32, #tpu.memory_space<vmem>>
        %dma_wait3A_77 = arith.constant 0 : i32
        %dma_wait3A_78 = arith.constant 0 : i32
        %dma_wait3A_79 = tpu.memref_slice %arg3[%dma_wait3A_77, %dma_wait3A_78] : memref<10000x128xf32, #tpu.memory_space<hbm>> -> memref<10000x128xf32, #tpu.memory_space<hbm>>
        tpu.wait_indirect_dma semaphore(%arg12 : memref<!tpu.dma_semaphore, #tpu.memory_space<semaphore_mem>>) src(%dma_wait3A_79 : memref<10000x128xf32, #tpu.memory_space<hbm>>) dst(%arg9 : memref<128x128xf32, #tpu.memory_space<vmem>>)
        %run_scoped3A_80 = arith.constant 1 : i32
        %run_scoped3A_81 = arith.constant 1 : i32
        "tpu.region"() ({
          %run_scoped3A_193 = tpu.sem_alloc : memref<!tpu.dma_semaphore, #tpu.memory_space<semaphore_mem>>
          %dma_start3A_194 = arith.constant 0 : i32
          %dma_start3A_195 = tpu.memref_slice %arg7[%run_scoped3A_80, %run_scoped3A_81, %dma_start3A_194] : memref<2x8x128xi32, #tpu.memory_space<vmem>> -> memref<1x1x128xi32, #tpu.memory_space<vmem>>
          %dma_start3A_196 = tpu.memref_squeeze %dma_start3A_195 : memref<1x1x128xi32, #tpu.memory_space<vmem>> -> memref<128xi32, #tpu.memory_space<vmem>>
          %dma_start3A_197 = arith.constant 0 : i32
          %dma_start3A_198 = arith.constant 0 : i32
          %dma_start3A_199 = tpu.memref_slice %arg13[%dma_start3A_197, %dma_start3A_198] : memref<10112x128xf32, #tpu.memory_space<vmem_shared>> -> memref<10112x128xf32, #tpu.memory_space<vmem_shared>>
          tpu.enqueue_indirect_dma source(%arg9 : memref<128x128xf32, #tpu.memory_space<vmem>>) target(%dma_start3A_199 : memref<10112x128xf32, #tpu.memory_space<vmem_shared>>) offsets(%dma_start3A_196 : memref<128xi32, #tpu.memory_space<vmem>>) semaphore(%run_scoped3A_193 : memref<!tpu.dma_semaphore, #tpu.memory_space<semaphore_mem>>) {add = true}
          %dma_wait3A_200 = arith.constant 0 : i32
          %dma_wait3A_201 = tpu.memref_slice %arg7[%run_scoped3A_80, %run_scoped3A_81, %dma_wait3A_200] : memref<2x8x128xi32, #tpu.memory_space<vmem>> -> memref<1x1x128xi32, #tpu.memory_space<vmem>>
          %dma_wait3A_202 = tpu.memref_squeeze %dma_wait3A_201 : memref<1x1x128xi32, #tpu.memory_space<vmem>> -> memref<128xi32, #tpu.memory_space<vmem>>
          %dma_wait3A_203 = arith.constant 0 : i32
          %dma_wait3A_204 = arith.constant 0 : i32
          %dma_wait3A_205 = tpu.memref_slice %arg13[%dma_wait3A_203, %dma_wait3A_204] : memref<10112x128xf32, #tpu.memory_space<vmem_shared>> -> memref<10112x128xf32, #tpu.memory_space<vmem_shared>>
          tpu.wait_indirect_dma semaphore(%run_scoped3A_193 : memref<!tpu.dma_semaphore, #tpu.memory_space<semaphore_mem>>) src(%arg9 : memref<128x128xf32, #tpu.memory_space<vmem>>) dst(%dma_wait3A_205 : memref<10112x128xf32, #tpu.memory_space<vmem_shared>>)
          tpu.yield
        }) : () -> ()
        %dma_start3A_82 = arith.constant 0 : i32
        %dma_start3A_83 = arith.constant 3 : i32
        %dma_start3A_84 = arith.constant 0 : i32
        %dma_start3A_85 = tpu.memref_slice %arg7[%dma_start3A_82, %dma_start3A_83, %dma_start3A_84] : memref<2x8x128xi32, #tpu.memory_space<vmem>> -> memref<1x1x128xi32, #tpu.memory_space<vmem>>
        %dma_start3A_86 = tpu.memref_squeeze %dma_start3A_85 : memref<1x1x128xi32, #tpu.memory_space<vmem>> -> memref<128xi32, #tpu.memory_space<vmem>>
        %dma_start3A_87 = arith.constant 0 : i32
        %dma_start3A_88 = arith.constant 0 : i32
        %dma_start3A_89 = tpu.memref_slice %arg3[%dma_start3A_87, %dma_start3A_88] : memref<10000x128xf32, #tpu.memory_space<hbm>> -> memref<10000x128xf32, #tpu.memory_space<hbm>>
        tpu.enqueue_indirect_dma source(%dma_start3A_89 : memref<10000x128xf32, #tpu.memory_space<hbm>>) target(%arg9 : memref<128x128xf32, #tpu.memory_space<vmem>>) offsets(%dma_start3A_86 : memref<128xi32, #tpu.memory_space<vmem>>) semaphore(%arg12 : memref<!tpu.dma_semaphore, #tpu.memory_space<semaphore_mem>>)
        %dma_wait3A_90 = arith.constant 0 : i32
        %dma_wait3A_91 = arith.constant 0 : i32
        %dma_wait3A_92 = arith.constant 0 : i32
        %dma_wait3A_93 = tpu.memref_slice %arg7[%dma_wait3A_90, %dma_wait3A_91, %dma_wait3A_92] : memref<2x8x128xi32, #tpu.memory_space<vmem>> -> memref<1x1x128xi32, #tpu.memory_space<vmem>>
        %dma_wait3A_94 = tpu.memref_squeeze %dma_wait3A_93 : memref<1x1x128xi32, #tpu.memory_space<vmem>> -> memref<128xi32, #tpu.memory_space<vmem>>
        %dma_wait3A_95 = arith.constant 0 : i32
        %dma_wait3A_96 = arith.constant 0 : i32
        %dma_wait3A_97 = tpu.memref_slice %arg3[%dma_wait3A_95, %dma_wait3A_96] : memref<10000x128xf32, #tpu.memory_space<hbm>> -> memref<10000x128xf32, #tpu.memory_space<hbm>>
        tpu.wait_indirect_dma semaphore(%arg11 : memref<!tpu.dma_semaphore, #tpu.memory_space<semaphore_mem>>) src(%dma_wait3A_97 : memref<10000x128xf32, #tpu.memory_space<hbm>>) dst(%arg8 : memref<128x128xf32, #tpu.memory_space<vmem>>)
        %run_scoped3A_98 = arith.constant 1 : i32
        %run_scoped3A_99 = arith.constant 2 : i32
        "tpu.region"() ({
          %run_scoped3A_193 = tpu.sem_alloc : memref<!tpu.dma_semaphore, #tpu.memory_space<semaphore_mem>>
          %dma_start3A_194 = arith.constant 0 : i32
          %dma_start3A_195 = tpu.memref_slice %arg7[%run_scoped3A_98, %run_scoped3A_99, %dma_start3A_194] : memref<2x8x128xi32, #tpu.memory_space<vmem>> -> memref<1x1x128xi32, #tpu.memory_space<vmem>>
          %dma_start3A_196 = tpu.memref_squeeze %dma_start3A_195 : memref<1x1x128xi32, #tpu.memory_space<vmem>> -> memref<128xi32, #tpu.memory_space<vmem>>
          %dma_start3A_197 = arith.constant 0 : i32
          %dma_start3A_198 = arith.constant 0 : i32
          %dma_start3A_199 = tpu.memref_slice %arg13[%dma_start3A_197, %dma_start3A_198] : memref<10112x128xf32, #tpu.memory_space<vmem_shared>> -> memref<10112x128xf32, #tpu.memory_space<vmem_shared>>
          tpu.enqueue_indirect_dma source(%arg8 : memref<128x128xf32, #tpu.memory_space<vmem>>) target(%dma_start3A_199 : memref<10112x128xf32, #tpu.memory_space<vmem_shared>>) offsets(%dma_start3A_196 : memref<128xi32, #tpu.memory_space<vmem>>) semaphore(%run_scoped3A_193 : memref<!tpu.dma_semaphore, #tpu.memory_space<semaphore_mem>>) {add = true}
          %dma_wait3A_200 = arith.constant 0 : i32
          %dma_wait3A_201 = tpu.memref_slice %arg7[%run_scoped3A_98, %run_scoped3A_99, %dma_wait3A_200] : memref<2x8x128xi32, #tpu.memory_space<vmem>> -> memref<1x1x128xi32, #tpu.memory_space<vmem>>
          %dma_wait3A_202 = tpu.memref_squeeze %dma_wait3A_201 : memref<1x1x128xi32, #tpu.memory_space<vmem>> -> memref<128xi32, #tpu.memory_space<vmem>>
          %dma_wait3A_203 = arith.constant 0 : i32
          %dma_wait3A_204 = arith.constant 0 : i32
          %dma_wait3A_205 = tpu.memref_slice %arg13[%dma_wait3A_203, %dma_wait3A_204] : memref<10112x128xf32, #tpu.memory_space<vmem_shared>> -> memref<10112x128xf32, #tpu.memory_space<vmem_shared>>
          tpu.wait_indirect_dma semaphore(%run_scoped3A_193 : memref<!tpu.dma_semaphore, #tpu.memory_space<semaphore_mem>>) src(%arg8 : memref<128x128xf32, #tpu.memory_space<vmem>>) dst(%dma_wait3A_205 : memref<10112x128xf32, #tpu.memory_space<vmem_shared>>)
          tpu.yield
        }) : () -> ()
        %dma_start3A_100 = arith.constant 0 : i32
        %dma_start3A_101 = arith.constant 4 : i32
        %dma_start3A_102 = arith.constant 0 : i32
        %dma_start3A_103 = tpu.memref_slice %arg7[%dma_start3A_100, %dma_start3A_101, %dma_start3A_102] : memref<2x8x128xi32, #tpu.memory_space<vmem>> -> memref<1x1x128xi32, #tpu.memory_space<vmem>>
        %dma_start3A_104 = tpu.memref_squeeze %dma_start3A_103 : memref<1x1x128xi32, #tpu.memory_space<vmem>> -> memref<128xi32, #tpu.memory_space<vmem>>
        %dma_start3A_105 = arith.constant 0 : i32
        %dma_start3A_106 = arith.constant 0 : i32
        %dma_start3A_107 = tpu.memref_slice %arg3[%dma_start3A_105, %dma_start3A_106] : memref<10000x128xf32, #tpu.memory_space<hbm>> -> memref<10000x128xf32, #tpu.memory_space<hbm>>
        tpu.enqueue_indirect_dma source(%dma_start3A_107 : memref<10000x128xf32, #tpu.memory_space<hbm>>) target(%arg8 : memref<128x128xf32, #tpu.memory_space<vmem>>) offsets(%dma_start3A_104 : memref<128xi32, #tpu.memory_space<vmem>>) semaphore(%arg11 : memref<!tpu.dma_semaphore, #tpu.memory_space<semaphore_mem>>)
        %dma_wait3A_108 = arith.constant 0 : i32
        %dma_wait3A_109 = arith.constant 0 : i32
        %dma_wait3A_110 = arith.constant 0 : i32
        %dma_wait3A_111 = tpu.memref_slice %arg7[%dma_wait3A_108, %dma_wait3A_109, %dma_wait3A_110] : memref<2x8x128xi32, #tpu.memory_space<vmem>> -> memref<1x1x128xi32, #tpu.memory_space<vmem>>
        %dma_wait3A_112 = tpu.memref_squeeze %dma_wait3A_111 : memref<1x1x128xi32, #tpu.memory_space<vmem>> -> memref<128xi32, #tpu.memory_space<vmem>>
        %dma_wait3A_113 = arith.constant 0 : i32
        %dma_wait3A_114 = arith.constant 0 : i32
        %dma_wait3A_115 = tpu.memref_slice %arg3[%dma_wait3A_113, %dma_wait3A_114] : memref<10000x128xf32, #tpu.memory_space<hbm>> -> memref<10000x128xf32, #tpu.memory_space<hbm>>
        tpu.wait_indirect_dma semaphore(%arg12 : memref<!tpu.dma_semaphore, #tpu.memory_space<semaphore_mem>>) src(%dma_wait3A_115 : memref<10000x128xf32, #tpu.memory_space<hbm>>) dst(%arg9 : memref<128x128xf32, #tpu.memory_space<vmem>>)
        %run_scoped3A_116 = arith.constant 1 : i32
        %run_scoped3A_117 = arith.constant 3 : i32
        "tpu.region"() ({
          %run_scoped3A_193 = tpu.sem_alloc : memref<!tpu.dma_semaphore, #tpu.memory_space<semaphore_mem>>
          %dma_start3A_194 = arith.constant 0 : i32
          %dma_start3A_195 = tpu.memref_slice %arg7[%run_scoped3A_116, %run_scoped3A_117, %dma_start3A_194] : memref<2x8x128xi32, #tpu.memory_space<vmem>> -> memref<1x1x128xi32, #tpu.memory_space<vmem>>
          %dma_start3A_196 = tpu.memref_squeeze %dma_start3A_195 : memref<1x1x128xi32, #tpu.memory_space<vmem>> -> memref<128xi32, #tpu.memory_space<vmem>>
          %dma_start3A_197 = arith.constant 0 : i32
          %dma_start3A_198 = arith.constant 0 : i32
          %dma_start3A_199 = tpu.memref_slice %arg13[%dma_start3A_197, %dma_start3A_198] : memref<10112x128xf32, #tpu.memory_space<vmem_shared>> -> memref<10112x128xf32, #tpu.memory_space<vmem_shared>>
          tpu.enqueue_indirect_dma source(%arg9 : memref<128x128xf32, #tpu.memory_space<vmem>>) target(%dma_start3A_199 : memref<10112x128xf32, #tpu.memory_space<vmem_shared>>) offsets(%dma_start3A_196 : memref<128xi32, #tpu.memory_space<vmem>>) semaphore(%run_scoped3A_193 : memref<!tpu.dma_semaphore, #tpu.memory_space<semaphore_mem>>) {add = true}
          %dma_wait3A_200 = arith.constant 0 : i32
          %dma_wait3A_201 = tpu.memref_slice %arg7[%run_scoped3A_116, %run_scoped3A_117, %dma_wait3A_200] : memref<2x8x128xi32, #tpu.memory_space<vmem>> -> memref<1x1x128xi32, #tpu.memory_space<vmem>>
          %dma_wait3A_202 = tpu.memref_squeeze %dma_wait3A_201 : memref<1x1x128xi32, #tpu.memory_space<vmem>> -> memref<128xi32, #tpu.memory_space<vmem>>
          %dma_wait3A_203 = arith.constant 0 : i32
          %dma_wait3A_204 = arith.constant 0 : i32
          %dma_wait3A_205 = tpu.memref_slice %arg13[%dma_wait3A_203, %dma_wait3A_204] : memref<10112x128xf32, #tpu.memory_space<vmem_shared>> -> memref<10112x128xf32, #tpu.memory_space<vmem_shared>>
          tpu.wait_indirect_dma semaphore(%run_scoped3A_193 : memref<!tpu.dma_semaphore, #tpu.memory_space<semaphore_mem>>) src(%arg9 : memref<128x128xf32, #tpu.memory_space<vmem>>) dst(%dma_wait3A_205 : memref<10112x128xf32, #tpu.memory_space<vmem_shared>>)
          tpu.yield
        }) : () -> ()
        %dma_start3A_118 = arith.constant 0 : i32
        %dma_start3A_119 = arith.constant 5 : i32
        %dma_start3A_120 = arith.constant 0 : i32
        %dma_start3A_121 = tpu.memref_slice %arg7[%dma_start3A_118, %dma_start3A_119, %dma_start3A_120] : memref<2x8x128xi32, #tpu.memory_space<vmem>> -> memref<1x1x128xi32, #tpu.memory_space<vmem>>
        %dma_start3A_122 = tpu.memref_squeeze %dma_start3A_121 : memref<1x1x128xi32, #tpu.memory_space<vmem>> -> memref<128xi32, #tpu.memory_space<vmem>>
        %dma_start3A_123 = arith.constant 0 : i32
        %dma_start3A_124 = arith.constant 0 : i32
        %dma_start3A_125 = tpu.memref_slice %arg3[%dma_start3A_123, %dma_start3A_124] : memref<10000x128xf32, #tpu.memory_space<hbm>> -> memref<10000x128xf32, #tpu.memory_space<hbm>>
        tpu.enqueue_indirect_dma source(%dma_start3A_125 : memref<10000x128xf32, #tpu.memory_space<hbm>>) target(%arg9 : memref<128x128xf32, #tpu.memory_space<vmem>>) offsets(%dma_start3A_122 : memref<128xi32, #tpu.memory_space<vmem>>) semaphore(%arg12 : memref<!tpu.dma_semaphore, #tpu.memory_space<semaphore_mem>>)
        %dma_wait3A_126 = arith.constant 0 : i32
        %dma_wait3A_127 = arith.constant 0 : i32
        %dma_wait3A_128 = arith.constant 0 : i32
        %dma_wait3A_129 = tpu.memref_slice %arg7[%dma_wait3A_126, %dma_wait3A_127, %dma_wait3A_128] : memref<2x8x128xi32, #tpu.memory_space<vmem>> -> memref<1x1x128xi32, #tpu.memory_space<vmem>>
        %dma_wait3A_130 = tpu.memref_squeeze %dma_wait3A_129 : memref<1x1x128xi32, #tpu.memory_space<vmem>> -> memref<128xi32, #tpu.memory_space<vmem>>
        %dma_wait3A_131 = arith.constant 0 : i32
        %dma_wait3A_132 = arith.constant 0 : i32
        %dma_wait3A_133 = tpu.memref_slice %arg3[%dma_wait3A_131, %dma_wait3A_132] : memref<10000x128xf32, #tpu.memory_space<hbm>> -> memref<10000x128xf32, #tpu.memory_space<hbm>>
        tpu.wait_indirect_dma semaphore(%arg11 : memref<!tpu.dma_semaphore, #tpu.memory_space<semaphore_mem>>) src(%dma_wait3A_133 : memref<10000x128xf32, #tpu.memory_space<hbm>>) dst(%arg8 : memref<128x128xf32, #tpu.memory_space<vmem>>)
        %run_scoped3A_134 = arith.constant 1 : i32
        %run_scoped3A_135 = arith.constant 4 : i32
        "tpu.region"() ({
          %run_scoped3A_193 = tpu.sem_alloc : memref<!tpu.dma_semaphore, #tpu.memory_space<semaphore_mem>>
          %dma_start3A_194 = arith.constant 0 : i32
          %dma_start3A_195 = tpu.memref_slice %arg7[%run_scoped3A_134, %run_scoped3A_135, %dma_start3A_194] : memref<2x8x128xi32, #tpu.memory_space<vmem>> -> memref<1x1x128xi32, #tpu.memory_space<vmem>>
          %dma_start3A_196 = tpu.memref_squeeze %dma_start3A_195 : memref<1x1x128xi32, #tpu.memory_space<vmem>> -> memref<128xi32, #tpu.memory_space<vmem>>
          %dma_start3A_197 = arith.constant 0 : i32
          %dma_start3A_198 = arith.constant 0 : i32
          %dma_start3A_199 = tpu.memref_slice %arg13[%dma_start3A_197, %dma_start3A_198] : memref<10112x128xf32, #tpu.memory_space<vmem_shared>> -> memref<10112x128xf32, #tpu.memory_space<vmem_shared>>
          tpu.enqueue_indirect_dma source(%arg8 : memref<128x128xf32, #tpu.memory_space<vmem>>) target(%dma_start3A_199 : memref<10112x128xf32, #tpu.memory_space<vmem_shared>>) offsets(%dma_start3A_196 : memref<128xi32, #tpu.memory_space<vmem>>) semaphore(%run_scoped3A_193 : memref<!tpu.dma_semaphore, #tpu.memory_space<semaphore_mem>>) {add = true}
          %dma_wait3A_200 = arith.constant 0 : i32
          %dma_wait3A_201 = tpu.memref_slice %arg7[%run_scoped3A_134, %run_scoped3A_135, %dma_wait3A_200] : memref<2x8x128xi32, #tpu.memory_space<vmem>> -> memref<1x1x128xi32, #tpu.memory_space<vmem>>
          %dma_wait3A_202 = tpu.memref_squeeze %dma_wait3A_201 : memref<1x1x128xi32, #tpu.memory_space<vmem>> -> memref<128xi32, #tpu.memory_space<vmem>>
          %dma_wait3A_203 = arith.constant 0 : i32
          %dma_wait3A_204 = arith.constant 0 : i32
          %dma_wait3A_205 = tpu.memref_slice %arg13[%dma_wait3A_203, %dma_wait3A_204] : memref<10112x128xf32, #tpu.memory_space<vmem_shared>> -> memref<10112x128xf32, #tpu.memory_space<vmem_shared>>
          tpu.wait_indirect_dma semaphore(%run_scoped3A_193 : memref<!tpu.dma_semaphore, #tpu.memory_space<semaphore_mem>>) src(%arg8 : memref<128x128xf32, #tpu.memory_space<vmem>>) dst(%dma_wait3A_205 : memref<10112x128xf32, #tpu.memory_space<vmem_shared>>)
          tpu.yield
        }) : () -> ()
        %dma_start3A_136 = arith.constant 0 : i32
        %dma_start3A_137 = arith.constant 6 : i32
        %dma_start3A_138 = arith.constant 0 : i32
        %dma_start3A_139 = tpu.memref_slice %arg7[%dma_start3A_136, %dma_start3A_137, %dma_start3A_138] : memref<2x8x128xi32, #tpu.memory_space<vmem>> -> memref<1x1x128xi32, #tpu.memory_space<vmem>>
        %dma_start3A_140 = tpu.memref_squeeze %dma_start3A_139 : memref<1x1x128xi32, #tpu.memory_space<vmem>> -> memref<128xi32, #tpu.memory_space<vmem>>
        %dma_start3A_141 = arith.constant 0 : i32
        %dma_start3A_142 = arith.constant 0 : i32
        %dma_start3A_143 = tpu.memref_slice %arg3[%dma_start3A_141, %dma_start3A_142] : memref<10000x128xf32, #tpu.memory_space<hbm>> -> memref<10000x128xf32, #tpu.memory_space<hbm>>
        tpu.enqueue_indirect_dma source(%dma_start3A_143 : memref<10000x128xf32, #tpu.memory_space<hbm>>) target(%arg8 : memref<128x128xf32, #tpu.memory_space<vmem>>) offsets(%dma_start3A_140 : memref<128xi32, #tpu.memory_space<vmem>>) semaphore(%arg11 : memref<!tpu.dma_semaphore, #tpu.memory_space<semaphore_mem>>)
        %dma_wait3A_144 = arith.constant 0 : i32
        %dma_wait3A_145 = arith.constant 0 : i32
        %dma_wait3A_146 = arith.constant 0 : i32
        %dma_wait3A_147 = tpu.memref_slice %arg7[%dma_wait3A_144, %dma_wait3A_145, %dma_wait3A_146] : memref<2x8x128xi32, #tpu.memory_space<vmem>> -> memref<1x1x128xi32, #tpu.memory_space<vmem>>
        %dma_wait3A_148 = tpu.memref_squeeze %dma_wait3A_147 : memref<1x1x128xi32, #tpu.memory_space<vmem>> -> memref<128xi32, #tpu.memory_space<vmem>>
        %dma_wait3A_149 = arith.constant 0 : i32
        %dma_wait3A_150 = arith.constant 0 : i32
        %dma_wait3A_151 = tpu.memref_slice %arg3[%dma_wait3A_149, %dma_wait3A_150] : memref<10000x128xf32, #tpu.memory_space<hbm>> -> memref<10000x128xf32, #tpu.memory_space<hbm>>
        tpu.wait_indirect_dma semaphore(%arg12 : memref<!tpu.dma_semaphore, #tpu.memory_space<semaphore_mem>>) src(%dma_wait3A_151 : memref<10000x128xf32, #tpu.memory_space<hbm>>) dst(%arg9 : memref<128x128xf32, #tpu.memory_space<vmem>>)
        %run_scoped3A_152 = arith.constant 1 : i32
        %run_scoped3A_153 = arith.constant 5 : i32
        "tpu.region"() ({
          %run_scoped3A_193 = tpu.sem_alloc : memref<!tpu.dma_semaphore, #tpu.memory_space<semaphore_mem>>
          %dma_start3A_194 = arith.constant 0 : i32
          %dma_start3A_195 = tpu.memref_slice %arg7[%run_scoped3A_152, %run_scoped3A_153, %dma_start3A_194] : memref<2x8x128xi32, #tpu.memory_space<vmem>> -> memref<1x1x128xi32, #tpu.memory_space<vmem>>
          %dma_start3A_196 = tpu.memref_squeeze %dma_start3A_195 : memref<1x1x128xi32, #tpu.memory_space<vmem>> -> memref<128xi32, #tpu.memory_space<vmem>>
          %dma_start3A_197 = arith.constant 0 : i32
          %dma_start3A_198 = arith.constant 0 : i32
          %dma_start3A_199 = tpu.memref_slice %arg13[%dma_start3A_197, %dma_start3A_198] : memref<10112x128xf32, #tpu.memory_space<vmem_shared>> -> memref<10112x128xf32, #tpu.memory_space<vmem_shared>>
          tpu.enqueue_indirect_dma source(%arg9 : memref<128x128xf32, #tpu.memory_space<vmem>>) target(%dma_start3A_199 : memref<10112x128xf32, #tpu.memory_space<vmem_shared>>) offsets(%dma_start3A_196 : memref<128xi32, #tpu.memory_space<vmem>>) semaphore(%run_scoped3A_193 : memref<!tpu.dma_semaphore, #tpu.memory_space<semaphore_mem>>) {add = true}
          %dma_wait3A_200 = arith.constant 0 : i32
          %dma_wait3A_201 = tpu.memref_slice %arg7[%run_scoped3A_152, %run_scoped3A_153, %dma_wait3A_200] : memref<2x8x128xi32, #tpu.memory_space<vmem>> -> memref<1x1x128xi32, #tpu.memory_space<vmem>>
          %dma_wait3A_202 = tpu.memref_squeeze %dma_wait3A_201 : memref<1x1x128xi32, #tpu.memory_space<vmem>> -> memref<128xi32, #tpu.memory_space<vmem>>
          %dma_wait3A_203 = arith.constant 0 : i32
          %dma_wait3A_204 = arith.constant 0 : i32
          %dma_wait3A_205 = tpu.memref_slice %arg13[%dma_wait3A_203, %dma_wait3A_204] : memref<10112x128xf32, #tpu.memory_space<vmem_shared>> -> memref<10112x128xf32, #tpu.memory_space<vmem_shared>>
          tpu.wait_indirect_dma semaphore(%run_scoped3A_193 : memref<!tpu.dma_semaphore, #tpu.memory_space<semaphore_mem>>) src(%arg9 : memref<128x128xf32, #tpu.memory_space<vmem>>) dst(%dma_wait3A_205 : memref<10112x128xf32, #tpu.memory_space<vmem_shared>>)
          tpu.yield
        }) : () -> ()
        %dma_start3A_154 = arith.constant 0 : i32
        %dma_start3A_155 = arith.constant 7 : i32
        %dma_start3A_156 = arith.constant 0 : i32
        %dma_start3A_157 = tpu.memref_slice %arg7[%dma_start3A_154, %dma_start3A_155, %dma_start3A_156] : memref<2x8x128xi32, #tpu.memory_space<vmem>> -> memref<1x1x128xi32, #tpu.memory_space<vmem>>
        %dma_start3A_158 = tpu.memref_squeeze %dma_start3A_157 : memref<1x1x128xi32, #tpu.memory_space<vmem>> -> memref<128xi32, #tpu.memory_space<vmem>>
        %dma_start3A_159 = arith.constant 0 : i32
        %dma_start3A_160 = arith.constant 0 : i32
        %dma_start3A_161 = tpu.memref_slice %arg3[%dma_start3A_159, %dma_start3A_160] : memref<10000x128xf32, #tpu.memory_space<hbm>> -> memref<10000x128xf32, #tpu.memory_space<hbm>>
        tpu.enqueue_indirect_dma source(%dma_start3A_161 : memref<10000x128xf32, #tpu.memory_space<hbm>>) target(%arg9 : memref<128x128xf32, #tpu.memory_space<vmem>>) offsets(%dma_start3A_158 : memref<128xi32, #tpu.memory_space<vmem>>) semaphore(%arg12 : memref<!tpu.dma_semaphore, #tpu.memory_space<semaphore_mem>>)
        %dma_wait3A_162 = arith.constant 0 : i32
        %dma_wait3A_163 = arith.constant 0 : i32
        %dma_wait3A_164 = arith.constant 0 : i32
        %dma_wait3A_165 = tpu.memref_slice %arg7[%dma_wait3A_162, %dma_wait3A_163, %dma_wait3A_164] : memref<2x8x128xi32, #tpu.memory_space<vmem>> -> memref<1x1x128xi32, #tpu.memory_space<vmem>>
        %dma_wait3A_166 = tpu.memref_squeeze %dma_wait3A_165 : memref<1x1x128xi32, #tpu.memory_space<vmem>> -> memref<128xi32, #tpu.memory_space<vmem>>
        %dma_wait3A_167 = arith.constant 0 : i32
        %dma_wait3A_168 = arith.constant 0 : i32
        %dma_wait3A_169 = tpu.memref_slice %arg3[%dma_wait3A_167, %dma_wait3A_168] : memref<10000x128xf32, #tpu.memory_space<hbm>> -> memref<10000x128xf32, #tpu.memory_space<hbm>>
        tpu.wait_indirect_dma semaphore(%arg11 : memref<!tpu.dma_semaphore, #tpu.memory_space<semaphore_mem>>) src(%dma_wait3A_169 : memref<10000x128xf32, #tpu.memory_space<hbm>>) dst(%arg8 : memref<128x128xf32, #tpu.memory_space<vmem>>)
        %run_scoped3A_170 = arith.constant 1 : i32
        %run_scoped3A_171 = arith.constant 6 : i32
        "tpu.region"() ({
          %run_scoped3A_193 = tpu.sem_alloc : memref<!tpu.dma_semaphore, #tpu.memory_space<semaphore_mem>>
          %dma_start3A_194 = arith.constant 0 : i32
          %dma_start3A_195 = tpu.memref_slice %arg7[%run_scoped3A_170, %run_scoped3A_171, %dma_start3A_194] : memref<2x8x128xi32, #tpu.memory_space<vmem>> -> memref<1x1x128xi32, #tpu.memory_space<vmem>>
          %dma_start3A_196 = tpu.memref_squeeze %dma_start3A_195 : memref<1x1x128xi32, #tpu.memory_space<vmem>> -> memref<128xi32, #tpu.memory_space<vmem>>
          %dma_start3A_197 = arith.constant 0 : i32
          %dma_start3A_198 = arith.constant 0 : i32
          %dma_start3A_199 = tpu.memref_slice %arg13[%dma_start3A_197, %dma_start3A_198] : memref<10112x128xf32, #tpu.memory_space<vmem_shared>> -> memref<10112x128xf32, #tpu.memory_space<vmem_shared>>
          tpu.enqueue_indirect_dma source(%arg8 : memref<128x128xf32, #tpu.memory_space<vmem>>) target(%dma_start3A_199 : memref<10112x128xf32, #tpu.memory_space<vmem_shared>>) offsets(%dma_start3A_196 : memref<128xi32, #tpu.memory_space<vmem>>) semaphore(%run_scoped3A_193 : memref<!tpu.dma_semaphore, #tpu.memory_space<semaphore_mem>>) {add = true}
          %dma_wait3A_200 = arith.constant 0 : i32
          %dma_wait3A_201 = tpu.memref_slice %arg7[%run_scoped3A_170, %run_scoped3A_171, %dma_wait3A_200] : memref<2x8x128xi32, #tpu.memory_space<vmem>> -> memref<1x1x128xi32, #tpu.memory_space<vmem>>
          %dma_wait3A_202 = tpu.memref_squeeze %dma_wait3A_201 : memref<1x1x128xi32, #tpu.memory_space<vmem>> -> memref<128xi32, #tpu.memory_space<vmem>>
          %dma_wait3A_203 = arith.constant 0 : i32
          %dma_wait3A_204 = arith.constant 0 : i32
          %dma_wait3A_205 = tpu.memref_slice %arg13[%dma_wait3A_203, %dma_wait3A_204] : memref<10112x128xf32, #tpu.memory_space<vmem_shared>> -> memref<10112x128xf32, #tpu.memory_space<vmem_shared>>
          tpu.wait_indirect_dma semaphore(%run_scoped3A_193 : memref<!tpu.dma_semaphore, #tpu.memory_space<semaphore_mem>>) src(%arg8 : memref<128x128xf32, #tpu.memory_space<vmem>>) dst(%dma_wait3A_205 : memref<10112x128xf32, #tpu.memory_space<vmem_shared>>)
          tpu.yield
        }) : () -> ()
        %dma_wait3A_172 = arith.constant 0 : i32
        %dma_wait3A_173 = arith.constant 0 : i32
        %dma_wait3A_174 = arith.constant 0 : i32
        %dma_wait3A_175 = tpu.memref_slice %arg7[%dma_wait3A_172, %dma_wait3A_173, %dma_wait3A_174] : memref<2x8x128xi32, #tpu.memory_space<vmem>> -> memref<1x1x128xi32, #tpu.memory_space<vmem>>
        %dma_wait3A_176 = tpu.memref_squeeze %dma_wait3A_175 : memref<1x1x128xi32, #tpu.memory_space<vmem>> -> memref<128xi32, #tpu.memory_space<vmem>>
        %dma_wait3A_177 = arith.constant 0 : i32
        %dma_wait3A_178 = arith.constant 0 : i32
        %dma_wait3A_179 = tpu.memref_slice %arg3[%dma_wait3A_177, %dma_wait3A_178] : memref<10000x128xf32, #tpu.memory_space<hbm>> -> memref<10000x128xf32, #tpu.memory_space<hbm>>
        tpu.wait_indirect_dma semaphore(%arg12 : memref<!tpu.dma_semaphore, #tpu.memory_space<semaphore_mem>>) src(%dma_wait3A_179 : memref<10000x128xf32, #tpu.memory_space<hbm>>) dst(%arg9 : memref<128x128xf32, #tpu.memory_space<vmem>>)
        %run_scoped3A_180 = arith.constant 1 : i32
        %run_scoped3A_181 = arith.constant 7 : i32
        "tpu.region"() ({
          %run_scoped3A_193 = tpu.sem_alloc : memref<!tpu.dma_semaphore, #tpu.memory_space<semaphore_mem>>
          %dma_start3A_194 = arith.constant 0 : i32
          %dma_start3A_195 = tpu.memref_slice %arg7[%run_scoped3A_180, %run_scoped3A_181, %dma_start3A_194] : memref<2x8x128xi32, #tpu.memory_space<vmem>> -> memref<1x1x128xi32, #tpu.memory_space<vmem>>
          %dma_start3A_196 = tpu.memref_squeeze %dma_start3A_195 : memref<1x1x128xi32, #tpu.memory_space<vmem>> -> memref<128xi32, #tpu.memory_space<vmem>>
          %dma_start3A_197 = arith.constant 0 : i32
          %dma_start3A_198 = arith.constant 0 : i32
          %dma_start3A_199 = tpu.memref_slice %arg13[%dma_start3A_197, %dma_start3A_198] : memref<10112x128xf32, #tpu.memory_space<vmem_shared>> -> memref<10112x128xf32, #tpu.memory_space<vmem_shared>>
          tpu.enqueue_indirect_dma source(%arg9 : memref<128x128xf32, #tpu.memory_space<vmem>>) target(%dma_start3A_199 : memref<10112x128xf32, #tpu.memory_space<vmem_shared>>) offsets(%dma_start3A_196 : memref<128xi32, #tpu.memory_space<vmem>>) semaphore(%run_scoped3A_193 : memref<!tpu.dma_semaphore, #tpu.memory_space<semaphore_mem>>) {add = true}
          %dma_wait3A_200 = arith.constant 0 : i32
          %dma_wait3A_201 = tpu.memref_slice %arg7[%run_scoped3A_180, %run_scoped3A_181, %dma_wait3A_200] : memref<2x8x128xi32, #tpu.memory_space<vmem>> -> memref<1x1x128xi32, #tpu.memory_space<vmem>>
          %dma_wait3A_202 = tpu.memref_squeeze %dma_wait3A_201 : memref<1x1x128xi32, #tpu.memory_space<vmem>> -> memref<128xi32, #tpu.memory_space<vmem>>
          %dma_wait3A_203 = arith.constant 0 : i32
          %dma_wait3A_204 = arith.constant 0 : i32
          %dma_wait3A_205 = tpu.memref_slice %arg13[%dma_wait3A_203, %dma_wait3A_204] : memref<10112x128xf32, #tpu.memory_space<vmem_shared>> -> memref<10112x128xf32, #tpu.memory_space<vmem_shared>>
          tpu.wait_indirect_dma semaphore(%run_scoped3A_193 : memref<!tpu.dma_semaphore, #tpu.memory_space<semaphore_mem>>) src(%arg9 : memref<128x128xf32, #tpu.memory_space<vmem>>) dst(%dma_wait3A_205 : memref<10112x128xf32, #tpu.memory_space<vmem_shared>>)
          tpu.yield
        }) : () -> ()
        %add3A = arith.constant 1 : i32
        %add3A_182 = arith.addi %scan3A_32, %add3A : i32
        %min3A = arith.constant 9 : i32
        %min3A_183 = arith.minsi %add3A_182, %min3A : i32
        %mul3A_184 = arith.constant 8 : i32
        %mul3A_185 = arith.muli %min3A_183, %mul3A_184 : i32
        %add3A_186 = arith.addi %mul3A_0, %mul3A_185 : i32
        %dma_start3A_187 = arith.constant 0 : i32
        %dma_start3A_188 = arith.constant 0 : i32
        %dma_start3A_189 = tpu.memref_slice %arg2[%dma_start3A_187, %add3A_186, %dma_start3A_188] : memref<2x1280x128xi32, #tpu.memory_space<hbm>> -> memref<2x8x128xi32, #tpu.memory_space<hbm>>
        %dma_start3A_190 = arith.constant 0 : i32
        %dma_start3A_191 = arith.constant 0 : i32
        %dma_start3A_192 = tpu.memref_slice %arg2[%dma_start3A_190, %add3A_186, %dma_start3A_191] : memref<2x1280x128xi32, #tpu.memory_space<hbm>> -> memref<2x8x128xi32, #tpu.memory_space<hbm>>
        tpu.enqueue_dma source(%dma_start3A_192 : memref<2x8x128xi32, #tpu.memory_space<hbm>>) target(%arg7 : memref<2x8x128xi32, #tpu.memory_space<vmem>>) target_semaphore(%arg10 : memref<!tpu.dma_semaphore, #tpu.memory_space<semaphore_mem>>)
      }
      %scan3A_26 = arith.constant 10 : i32
      %dma_wait3A = arith.constant 0 : i32
      %dma_wait3A_27 = arith.constant 0 : i32
      %dma_wait3A_28 = tpu.memref_slice %arg2[%dma_wait3A, %mul3A_0, %dma_wait3A_27] : memref<2x1280x128xi32, #tpu.memory_space<hbm>> -> memref<2x8x128xi32, #tpu.memory_space<hbm>>
      %dma_wait3A_29 = arith.constant 0 : i32
      %dma_wait3A_30 = arith.constant 0 : i32
      %dma_wait3A_31 = tpu.memref_slice %arg2[%dma_wait3A_29, %mul3A_0, %dma_wait3A_30] : memref<2x1280x128xi32, #tpu.memory_space<hbm>> -> memref<2x8x128xi32, #tpu.memory_space<hbm>>
      tpu.wait_dma2 semaphore(%arg10 : memref<!tpu.dma_semaphore, #tpu.memory_space<semaphore_mem>>) src(%dma_wait3A_31 : memref<2x8x128xi32, #tpu.memory_space<hbm>>) dst(%arg7 : memref<2x8x128xi32, #tpu.memory_space<vmem>>)
    } else {
    }
    %eq3A_12 = arith.constant 1 : i32
    %eq3A_13 = arith.cmpi eq, %arg0, %eq3A_12 : i32
    %convert_element_type3A_14 = arith.extui %eq3A_13 : i1 to i32
    %cond3A_15 = arith.constant 0 : i32
    %cond3A_16 = arith.cmpi ne, %convert_element_type3A_14, %cond3A_15 : i32
    scf.if %cond3A_16 {
      %scan3A = arith.constant 0 : i32
      %scan3A_22 = arith.constant 0 : i32
      %scan3A_23 = arith.constant 10 : i32
      %scan3A_24 = arith.addi %scan3A_22, %scan3A_23 : i32
      %scan3A_25 = arith.constant 1 : i32
      scf.for %scan3A_32 = %scan3A_22 to %scan3A_24 step %scan3A_25  : i32 {
        %dma_wait3A_33 = arith.constant 0 : i32
        %dma_wait3A_34 = arith.constant 0 : i32
        %dma_wait3A_35 = tpu.memref_slice %arg2[%dma_wait3A_33, %mul3A_0, %dma_wait3A_34] : memref<2x1280x128xi32, #tpu.memory_space<hbm>> -> memref<2x8x128xi32, #tpu.memory_space<hbm>>
        %dma_wait3A_36 = arith.constant 0 : i32
        %dma_wait3A_37 = arith.constant 0 : i32
        %dma_wait3A_38 = tpu.memref_slice %arg2[%dma_wait3A_36, %mul3A_0, %dma_wait3A_37] : memref<2x1280x128xi32, #tpu.memory_space<hbm>> -> memref<2x8x128xi32, #tpu.memory_space<hbm>>
        tpu.wait_dma2 semaphore(%arg10 : memref<!tpu.dma_semaphore, #tpu.memory_space<semaphore_mem>>) src(%dma_wait3A_38 : memref<2x8x128xi32, #tpu.memory_space<hbm>>) dst(%arg7 : memref<2x8x128xi32, #tpu.memory_space<vmem>>)
        %dma_start3A_39 = arith.constant 0 : i32
        %dma_start3A_40 = arith.constant 0 : i32
        %dma_start3A_41 = arith.constant 0 : i32
        %dma_start3A_42 = tpu.memref_slice %arg7[%dma_start3A_39, %dma_start3A_40, %dma_start3A_41] : memref<2x8x128xi32, #tpu.memory_space<vmem>> -> memref<1x1x128xi32, #tpu.memory_space<vmem>>
        %dma_start3A_43 = tpu.memref_squeeze %dma_start3A_42 : memref<1x1x128xi32, #tpu.memory_space<vmem>> -> memref<128xi32, #tpu.memory_space<vmem>>
        %dma_start3A_44 = arith.constant 0 : i32
        %dma_start3A_45 = arith.constant 0 : i32
        %dma_start3A_46 = tpu.memref_slice %arg4[%dma_start3A_44, %dma_start3A_45] : memref<10000x128xf32, #tpu.memory_space<hbm>> -> memref<10000x128xf32, #tpu.memory_space<hbm>>
        tpu.enqueue_indirect_dma source(%dma_start3A_46 : memref<10000x128xf32, #tpu.memory_space<hbm>>) target(%arg8 : memref<128x128xf32, #tpu.memory_space<vmem>>) offsets(%dma_start3A_43 : memref<128xi32, #tpu.memory_space<vmem>>) semaphore(%arg11 : memref<!tpu.dma_semaphore, #tpu.memory_space<semaphore_mem>>)
        %dma_start3A_47 = arith.constant 0 : i32
        %dma_start3A_48 = arith.constant 1 : i32
        %dma_start3A_49 = arith.constant 0 : i32
        %dma_start3A_50 = tpu.memref_slice %arg7[%dma_start3A_47, %dma_start3A_48, %dma_start3A_49] : memref<2x8x128xi32, #tpu.memory_space<vmem>> -> memref<1x1x128xi32, #tpu.memory_space<vmem>>
        %dma_start3A_51 = tpu.memref_squeeze %dma_start3A_50 : memref<1x1x128xi32, #tpu.memory_space<vmem>> -> memref<128xi32, #tpu.memory_space<vmem>>
        %dma_start3A_52 = arith.constant 0 : i32
        %dma_start3A_53 = arith.constant 0 : i32
        %dma_start3A_54 = tpu.memref_slice %arg4[%dma_start3A_52, %dma_start3A_53] : memref<10000x128xf32, #tpu.memory_space<hbm>> -> memref<10000x128xf32, #tpu.memory_space<hbm>>
        tpu.enqueue_indirect_dma source(%dma_start3A_54 : memref<10000x128xf32, #tpu.memory_space<hbm>>) target(%arg9 : memref<128x128xf32, #tpu.memory_space<vmem>>) offsets(%dma_start3A_51 : memref<128xi32, #tpu.memory_space<vmem>>) semaphore(%arg12 : memref<!tpu.dma_semaphore, #tpu.memory_space<semaphore_mem>>)
        %dma_wait3A_55 = arith.constant 0 : i32
        %dma_wait3A_56 = arith.constant 0 : i32
        %dma_wait3A_57 = arith.constant 0 : i32
        %dma_wait3A_58 = tpu.memref_slice %arg7[%dma_wait3A_55, %dma_wait3A_56, %dma_wait3A_57] : memref<2x8x128xi32, #tpu.memory_space<vmem>> -> memref<1x1x128xi32, #tpu.memory_space<vmem>>
        %dma_wait3A_59 = tpu.memref_squeeze %dma_wait3A_58 : memref<1x1x128xi32, #tpu.memory_space<vmem>> -> memref<128xi32, #tpu.memory_space<vmem>>
        %dma_wait3A_60 = arith.constant 0 : i32
        %dma_wait3A_61 = arith.constant 0 : i32
        %dma_wait3A_62 = tpu.memref_slice %arg4[%dma_wait3A_60, %dma_wait3A_61] : memref<10000x128xf32, #tpu.memory_space<hbm>> -> memref<10000x128xf32, #tpu.memory_space<hbm>>
        tpu.wait_indirect_dma semaphore(%arg11 : memref<!tpu.dma_semaphore, #tpu.memory_space<semaphore_mem>>) src(%dma_wait3A_62 : memref<10000x128xf32, #tpu.memory_space<hbm>>) dst(%arg8 : memref<128x128xf32, #tpu.memory_space<vmem>>)
        %run_scoped3A = arith.constant 1 : i32
        %run_scoped3A_63 = arith.constant 0 : i32
        "tpu.region"() ({
          %run_scoped3A_193 = tpu.sem_alloc : memref<!tpu.dma_semaphore, #tpu.memory_space<semaphore_mem>>
          %dma_start3A_194 = arith.constant 0 : i32
          %dma_start3A_195 = tpu.memref_slice %arg7[%run_scoped3A, %run_scoped3A_63, %dma_start3A_194] : memref<2x8x128xi32, #tpu.memory_space<vmem>> -> memref<1x1x128xi32, #tpu.memory_space<vmem>>
          %dma_start3A_196 = tpu.memref_squeeze %dma_start3A_195 : memref<1x1x128xi32, #tpu.memory_space<vmem>> -> memref<128xi32, #tpu.memory_space<vmem>>
          %dma_start3A_197 = arith.constant 0 : i32
          %dma_start3A_198 = arith.constant 0 : i32
          %dma_start3A_199 = tpu.memref_slice %arg13[%dma_start3A_197, %dma_start3A_198] : memref<10112x128xf32, #tpu.memory_space<vmem_shared>> -> memref<10112x128xf32, #tpu.memory_space<vmem_shared>>
          tpu.enqueue_indirect_dma source(%arg8 : memref<128x128xf32, #tpu.memory_space<vmem>>) target(%dma_start3A_199 : memref<10112x128xf32, #tpu.memory_space<vmem_shared>>) offsets(%dma_start3A_196 : memref<128xi32, #tpu.memory_space<vmem>>) semaphore(%run_scoped3A_193 : memref<!tpu.dma_semaphore, #tpu.memory_space<semaphore_mem>>) {add = true}
          %dma_wait3A_200 = arith.constant 0 : i32
          %dma_wait3A_201 = tpu.memref_slice %arg7[%run_scoped3A, %run_scoped3A_63, %dma_wait3A_200] : memref<2x8x128xi32, #tpu.memory_space<vmem>> -> memref<1x1x128xi32, #tpu.memory_space<vmem>>
          %dma_wait3A_202 = tpu.memref_squeeze %dma_wait3A_201 : memref<1x1x128xi32, #tpu.memory_space<vmem>> -> memref<128xi32, #tpu.memory_space<vmem>>
          %dma_wait3A_203 = arith.constant 0 : i32
          %dma_wait3A_204 = arith.constant 0 : i32
          %dma_wait3A_205 = tpu.memref_slice %arg13[%dma_wait3A_203, %dma_wait3A_204] : memref<10112x128xf32, #tpu.memory_space<vmem_shared>> -> memref<10112x128xf32, #tpu.memory_space<vmem_shared>>
          tpu.wait_indirect_dma semaphore(%run_scoped3A_193 : memref<!tpu.dma_semaphore, #tpu.memory_space<semaphore_mem>>) src(%arg8 : memref<128x128xf32, #tpu.memory_space<vmem>>) dst(%dma_wait3A_205 : memref<10112x128xf32, #tpu.memory_space<vmem_shared>>)
          tpu.yield
        }) : () -> ()
        %dma_start3A_64 = arith.constant 0 : i32
        %dma_start3A_65 = arith.constant 2 : i32
        %dma_start3A_66 = arith.constant 0 : i32
        %dma_start3A_67 = tpu.memref_slice %arg7[%dma_start3A_64, %dma_start3A_65, %dma_start3A_66] : memref<2x8x128xi32, #tpu.memory_space<vmem>> -> memref<1x1x128xi32, #tpu.memory_space<vmem>>
        %dma_start3A_68 = tpu.memref_squeeze %dma_start3A_67 : memref<1x1x128xi32, #tpu.memory_space<vmem>> -> memref<128xi32, #tpu.memory_space<vmem>>
        %dma_start3A_69 = arith.constant 0 : i32
        %dma_start3A_70 = arith.constant 0 : i32
        %dma_start3A_71 = tpu.memref_slice %arg4[%dma_start3A_69, %dma_start3A_70] : memref<10000x128xf32, #tpu.memory_space<hbm>> -> memref<10000x128xf32, #tpu.memory_space<hbm>>
        tpu.enqueue_indirect_dma source(%dma_start3A_71 : memref<10000x128xf32, #tpu.memory_space<hbm>>) target(%arg8 : memref<128x128xf32, #tpu.memory_space<vmem>>) offsets(%dma_start3A_68 : memref<128xi32, #tpu.memory_space<vmem>>) semaphore(%arg11 : memref<!tpu.dma_semaphore, #tpu.memory_space<semaphore_mem>>)
        %dma_wait3A_72 = arith.constant 0 : i32
        %dma_wait3A_73 = arith.constant 0 : i32
        %dma_wait3A_74 = arith.constant 0 : i32
        %dma_wait3A_75 = tpu.memref_slice %arg7[%dma_wait3A_72, %dma_wait3A_73, %dma_wait3A_74] : memref<2x8x128xi32, #tpu.memory_space<vmem>> -> memref<1x1x128xi32, #tpu.memory_space<vmem>>
        %dma_wait3A_76 = tpu.memref_squeeze %dma_wait3A_75 : memref<1x1x128xi32, #tpu.memory_space<vmem>> -> memref<128xi32, #tpu.memory_space<vmem>>
        %dma_wait3A_77 = arith.constant 0 : i32
        %dma_wait3A_78 = arith.constant 0 : i32
        %dma_wait3A_79 = tpu.memref_slice %arg4[%dma_wait3A_77, %dma_wait3A_78] : memref<10000x128xf32, #tpu.memory_space<hbm>> -> memref<10000x128xf32, #tpu.memory_space<hbm>>
        tpu.wait_indirect_dma semaphore(%arg12 : memref<!tpu.dma_semaphore, #tpu.memory_space<semaphore_mem>>) src(%dma_wait3A_79 : memref<10000x128xf32, #tpu.memory_space<hbm>>) dst(%arg9 : memref<128x128xf32, #tpu.memory_space<vmem>>)
        %run_scoped3A_80 = arith.constant 1 : i32
        %run_scoped3A_81 = arith.constant 1 : i32
        "tpu.region"() ({
          %run_scoped3A_193 = tpu.sem_alloc : memref<!tpu.dma_semaphore, #tpu.memory_space<semaphore_mem>>
          %dma_start3A_194 = arith.constant 0 : i32
          %dma_start3A_195 = tpu.memref_slice %arg7[%run_scoped3A_80, %run_scoped3A_81, %dma_start3A_194] : memref<2x8x128xi32, #tpu.memory_space<vmem>> -> memref<1x1x128xi32, #tpu.memory_space<vmem>>
          %dma_start3A_196 = tpu.memref_squeeze %dma_start3A_195 : memref<1x1x128xi32, #tpu.memory_space<vmem>> -> memref<128xi32, #tpu.memory_space<vmem>>
          %dma_start3A_197 = arith.constant 0 : i32
          %dma_start3A_198 = arith.constant 0 : i32
          %dma_start3A_199 = tpu.memref_slice %arg13[%dma_start3A_197, %dma_start3A_198] : memref<10112x128xf32, #tpu.memory_space<vmem_shared>> -> memref<10112x128xf32, #tpu.memory_space<vmem_shared>>
          tpu.enqueue_indirect_dma source(%arg9 : memref<128x128xf32, #tpu.memory_space<vmem>>) target(%dma_start3A_199 : memref<10112x128xf32, #tpu.memory_space<vmem_shared>>) offsets(%dma_start3A_196 : memref<128xi32, #tpu.memory_space<vmem>>) semaphore(%run_scoped3A_193 : memref<!tpu.dma_semaphore, #tpu.memory_space<semaphore_mem>>) {add = true}
          %dma_wait3A_200 = arith.constant 0 : i32
          %dma_wait3A_201 = tpu.memref_slice %arg7[%run_scoped3A_80, %run_scoped3A_81, %dma_wait3A_200] : memref<2x8x128xi32, #tpu.memory_space<vmem>> -> memref<1x1x128xi32, #tpu.memory_space<vmem>>
          %dma_wait3A_202 = tpu.memref_squeeze %dma_wait3A_201 : memref<1x1x128xi32, #tpu.memory_space<vmem>> -> memref<128xi32, #tpu.memory_space<vmem>>
          %dma_wait3A_203 = arith.constant 0 : i32
          %dma_wait3A_204 = arith.constant 0 : i32
          %dma_wait3A_205 = tpu.memref_slice %arg13[%dma_wait3A_203, %dma_wait3A_204] : memref<10112x128xf32, #tpu.memory_space<vmem_shared>> -> memref<10112x128xf32, #tpu.memory_space<vmem_shared>>
          tpu.wait_indirect_dma semaphore(%run_scoped3A_193 : memref<!tpu.dma_semaphore, #tpu.memory_space<semaphore_mem>>) src(%arg9 : memref<128x128xf32, #tpu.memory_space<vmem>>) dst(%dma_wait3A_205 : memref<10112x128xf32, #tpu.memory_space<vmem_shared>>)
          tpu.yield
        }) : () -> ()
        %dma_start3A_82 = arith.constant 0 : i32
        %dma_start3A_83 = arith.constant 3 : i32
        %dma_start3A_84 = arith.constant 0 : i32
        %dma_start3A_85 = tpu.memref_slice %arg7[%dma_start3A_82, %dma_start3A_83, %dma_start3A_84] : memref<2x8x128xi32, #tpu.memory_space<vmem>> -> memref<1x1x128xi32, #tpu.memory_space<vmem>>
        %dma_start3A_86 = tpu.memref_squeeze %dma_start3A_85 : memref<1x1x128xi32, #tpu.memory_space<vmem>> -> memref<128xi32, #tpu.memory_space<vmem>>
        %dma_start3A_87 = arith.constant 0 : i32
        %dma_start3A_88 = arith.constant 0 : i32
        %dma_start3A_89 = tpu.memref_slice %arg4[%dma_start3A_87, %dma_start3A_88] : memref<10000x128xf32, #tpu.memory_space<hbm>> -> memref<10000x128xf32, #tpu.memory_space<hbm>>
        tpu.enqueue_indirect_dma source(%dma_start3A_89 : memref<10000x128xf32, #tpu.memory_space<hbm>>) target(%arg9 : memref<128x128xf32, #tpu.memory_space<vmem>>) offsets(%dma_start3A_86 : memref<128xi32, #tpu.memory_space<vmem>>) semaphore(%arg12 : memref<!tpu.dma_semaphore, #tpu.memory_space<semaphore_mem>>)
        %dma_wait3A_90 = arith.constant 0 : i32
        %dma_wait3A_91 = arith.constant 0 : i32
        %dma_wait3A_92 = arith.constant 0 : i32
        %dma_wait3A_93 = tpu.memref_slice %arg7[%dma_wait3A_90, %dma_wait3A_91, %dma_wait3A_92] : memref<2x8x128xi32, #tpu.memory_space<vmem>> -> memref<1x1x128xi32, #tpu.memory_space<vmem>>
        %dma_wait3A_94 = tpu.memref_squeeze %dma_wait3A_93 : memref<1x1x128xi32, #tpu.memory_space<vmem>> -> memref<128xi32, #tpu.memory_space<vmem>>
        %dma_wait3A_95 = arith.constant 0 : i32
        %dma_wait3A_96 = arith.constant 0 : i32
        %dma_wait3A_97 = tpu.memref_slice %arg4[%dma_wait3A_95, %dma_wait3A_96] : memref<10000x128xf32, #tpu.memory_space<hbm>> -> memref<10000x128xf32, #tpu.memory_space<hbm>>
        tpu.wait_indirect_dma semaphore(%arg11 : memref<!tpu.dma_semaphore, #tpu.memory_space<semaphore_mem>>) src(%dma_wait3A_97 : memref<10000x128xf32, #tpu.memory_space<hbm>>) dst(%arg8 : memref<128x128xf32, #tpu.memory_space<vmem>>)
        %run_scoped3A_98 = arith.constant 1 : i32
        %run_scoped3A_99 = arith.constant 2 : i32
        "tpu.region"() ({
          %run_scoped3A_193 = tpu.sem_alloc : memref<!tpu.dma_semaphore, #tpu.memory_space<semaphore_mem>>
          %dma_start3A_194 = arith.constant 0 : i32
          %dma_start3A_195 = tpu.memref_slice %arg7[%run_scoped3A_98, %run_scoped3A_99, %dma_start3A_194] : memref<2x8x128xi32, #tpu.memory_space<vmem>> -> memref<1x1x128xi32, #tpu.memory_space<vmem>>
          %dma_start3A_196 = tpu.memref_squeeze %dma_start3A_195 : memref<1x1x128xi32, #tpu.memory_space<vmem>> -> memref<128xi32, #tpu.memory_space<vmem>>
          %dma_start3A_197 = arith.constant 0 : i32
          %dma_start3A_198 = arith.constant 0 : i32
          %dma_start3A_199 = tpu.memref_slice %arg13[%dma_start3A_197, %dma_start3A_198] : memref<10112x128xf32, #tpu.memory_space<vmem_shared>> -> memref<10112x128xf32, #tpu.memory_space<vmem_shared>>
          tpu.enqueue_indirect_dma source(%arg8 : memref<128x128xf32, #tpu.memory_space<vmem>>) target(%dma_start3A_199 : memref<10112x128xf32, #tpu.memory_space<vmem_shared>>) offsets(%dma_start3A_196 : memref<128xi32, #tpu.memory_space<vmem>>) semaphore(%run_scoped3A_193 : memref<!tpu.dma_semaphore, #tpu.memory_space<semaphore_mem>>) {add = true}
          %dma_wait3A_200 = arith.constant 0 : i32
          %dma_wait3A_201 = tpu.memref_slice %arg7[%run_scoped3A_98, %run_scoped3A_99, %dma_wait3A_200] : memref<2x8x128xi32, #tpu.memory_space<vmem>> -> memref<1x1x128xi32, #tpu.memory_space<vmem>>
          %dma_wait3A_202 = tpu.memref_squeeze %dma_wait3A_201 : memref<1x1x128xi32, #tpu.memory_space<vmem>> -> memref<128xi32, #tpu.memory_space<vmem>>
          %dma_wait3A_203 = arith.constant 0 : i32
          %dma_wait3A_204 = arith.constant 0 : i32
          %dma_wait3A_205 = tpu.memref_slice %arg13[%dma_wait3A_203, %dma_wait3A_204] : memref<10112x128xf32, #tpu.memory_space<vmem_shared>> -> memref<10112x128xf32, #tpu.memory_space<vmem_shared>>
          tpu.wait_indirect_dma semaphore(%run_scoped3A_193 : memref<!tpu.dma_semaphore, #tpu.memory_space<semaphore_mem>>) src(%arg8 : memref<128x128xf32, #tpu.memory_space<vmem>>) dst(%dma_wait3A_205 : memref<10112x128xf32, #tpu.memory_space<vmem_shared>>)
          tpu.yield
        }) : () -> ()
        %dma_start3A_100 = arith.constant 0 : i32
        %dma_start3A_101 = arith.constant 4 : i32
        %dma_start3A_102 = arith.constant 0 : i32
        %dma_start3A_103 = tpu.memref_slice %arg7[%dma_start3A_100, %dma_start3A_101, %dma_start3A_102] : memref<2x8x128xi32, #tpu.memory_space<vmem>> -> memref<1x1x128xi32, #tpu.memory_space<vmem>>
        %dma_start3A_104 = tpu.memref_squeeze %dma_start3A_103 : memref<1x1x128xi32, #tpu.memory_space<vmem>> -> memref<128xi32, #tpu.memory_space<vmem>>
        %dma_start3A_105 = arith.constant 0 : i32
        %dma_start3A_106 = arith.constant 0 : i32
        %dma_start3A_107 = tpu.memref_slice %arg4[%dma_start3A_105, %dma_start3A_106] : memref<10000x128xf32, #tpu.memory_space<hbm>> -> memref<10000x128xf32, #tpu.memory_space<hbm>>
        tpu.enqueue_indirect_dma source(%dma_start3A_107 : memref<10000x128xf32, #tpu.memory_space<hbm>>) target(%arg8 : memref<128x128xf32, #tpu.memory_space<vmem>>) offsets(%dma_start3A_104 : memref<128xi32, #tpu.memory_space<vmem>>) semaphore(%arg11 : memref<!tpu.dma_semaphore, #tpu.memory_space<semaphore_mem>>)
        %dma_wait3A_108 = arith.constant 0 : i32
        %dma_wait3A_109 = arith.constant 0 : i32
        %dma_wait3A_110 = arith.constant 0 : i32
        %dma_wait3A_111 = tpu.memref_slice %arg7[%dma_wait3A_108, %dma_wait3A_109, %dma_wait3A_110] : memref<2x8x128xi32, #tpu.memory_space<vmem>> -> memref<1x1x128xi32, #tpu.memory_space<vmem>>
        %dma_wait3A_112 = tpu.memref_squeeze %dma_wait3A_111 : memref<1x1x128xi32, #tpu.memory_space<vmem>> -> memref<128xi32, #tpu.memory_space<vmem>>
        %dma_wait3A_113 = arith.constant 0 : i32
        %dma_wait3A_114 = arith.constant 0 : i32
        %dma_wait3A_115 = tpu.memref_slice %arg4[%dma_wait3A_113, %dma_wait3A_114] : memref<10000x128xf32, #tpu.memory_space<hbm>> -> memref<10000x128xf32, #tpu.memory_space<hbm>>
        tpu.wait_indirect_dma semaphore(%arg12 : memref<!tpu.dma_semaphore, #tpu.memory_space<semaphore_mem>>) src(%dma_wait3A_115 : memref<10000x128xf32, #tpu.memory_space<hbm>>) dst(%arg9 : memref<128x128xf32, #tpu.memory_space<vmem>>)
        %run_scoped3A_116 = arith.constant 1 : i32
        %run_scoped3A_117 = arith.constant 3 : i32
        "tpu.region"() ({
          %run_scoped3A_193 = tpu.sem_alloc : memref<!tpu.dma_semaphore, #tpu.memory_space<semaphore_mem>>
          %dma_start3A_194 = arith.constant 0 : i32
          %dma_start3A_195 = tpu.memref_slice %arg7[%run_scoped3A_116, %run_scoped3A_117, %dma_start3A_194] : memref<2x8x128xi32, #tpu.memory_space<vmem>> -> memref<1x1x128xi32, #tpu.memory_space<vmem>>
          %dma_start3A_196 = tpu.memref_squeeze %dma_start3A_195 : memref<1x1x128xi32, #tpu.memory_space<vmem>> -> memref<128xi32, #tpu.memory_space<vmem>>
          %dma_start3A_197 = arith.constant 0 : i32
          %dma_start3A_198 = arith.constant 0 : i32
          %dma_start3A_199 = tpu.memref_slice %arg13[%dma_start3A_197, %dma_start3A_198] : memref<10112x128xf32, #tpu.memory_space<vmem_shared>> -> memref<10112x128xf32, #tpu.memory_space<vmem_shared>>
          tpu.enqueue_indirect_dma source(%arg9 : memref<128x128xf32, #tpu.memory_space<vmem>>) target(%dma_start3A_199 : memref<10112x128xf32, #tpu.memory_space<vmem_shared>>) offsets(%dma_start3A_196 : memref<128xi32, #tpu.memory_space<vmem>>) semaphore(%run_scoped3A_193 : memref<!tpu.dma_semaphore, #tpu.memory_space<semaphore_mem>>) {add = true}
          %dma_wait3A_200 = arith.constant 0 : i32
          %dma_wait3A_201 = tpu.memref_slice %arg7[%run_scoped3A_116, %run_scoped3A_117, %dma_wait3A_200] : memref<2x8x128xi32, #tpu.memory_space<vmem>> -> memref<1x1x128xi32, #tpu.memory_space<vmem>>
          %dma_wait3A_202 = tpu.memref_squeeze %dma_wait3A_201 : memref<1x1x128xi32, #tpu.memory_space<vmem>> -> memref<128xi32, #tpu.memory_space<vmem>>
          %dma_wait3A_203 = arith.constant 0 : i32
          %dma_wait3A_204 = arith.constant 0 : i32
          %dma_wait3A_205 = tpu.memref_slice %arg13[%dma_wait3A_203, %dma_wait3A_204] : memref<10112x128xf32, #tpu.memory_space<vmem_shared>> -> memref<10112x128xf32, #tpu.memory_space<vmem_shared>>
          tpu.wait_indirect_dma semaphore(%run_scoped3A_193 : memref<!tpu.dma_semaphore, #tpu.memory_space<semaphore_mem>>) src(%arg9 : memref<128x128xf32, #tpu.memory_space<vmem>>) dst(%dma_wait3A_205 : memref<10112x128xf32, #tpu.memory_space<vmem_shared>>)
          tpu.yield
        }) : () -> ()
        %dma_start3A_118 = arith.constant 0 : i32
        %dma_start3A_119 = arith.constant 5 : i32
        %dma_start3A_120 = arith.constant 0 : i32
        %dma_start3A_121 = tpu.memref_slice %arg7[%dma_start3A_118, %dma_start3A_119, %dma_start3A_120] : memref<2x8x128xi32, #tpu.memory_space<vmem>> -> memref<1x1x128xi32, #tpu.memory_space<vmem>>
        %dma_start3A_122 = tpu.memref_squeeze %dma_start3A_121 : memref<1x1x128xi32, #tpu.memory_space<vmem>> -> memref<128xi32, #tpu.memory_space<vmem>>
        %dma_start3A_123 = arith.constant 0 : i32
        %dma_start3A_124 = arith.constant 0 : i32
        %dma_start3A_125 = tpu.memref_slice %arg4[%dma_start3A_123, %dma_start3A_124] : memref<10000x128xf32, #tpu.memory_space<hbm>> -> memref<10000x128xf32, #tpu.memory_space<hbm>>
        tpu.enqueue_indirect_dma source(%dma_start3A_125 : memref<10000x128xf32, #tpu.memory_space<hbm>>) target(%arg9 : memref<128x128xf32, #tpu.memory_space<vmem>>) offsets(%dma_start3A_122 : memref<128xi32, #tpu.memory_space<vmem>>) semaphore(%arg12 : memref<!tpu.dma_semaphore, #tpu.memory_space<semaphore_mem>>)
        %dma_wait3A_126 = arith.constant 0 : i32
        %dma_wait3A_127 = arith.constant 0 : i32
        %dma_wait3A_128 = arith.constant 0 : i32
        %dma_wait3A_129 = tpu.memref_slice %arg7[%dma_wait3A_126, %dma_wait3A_127, %dma_wait3A_128] : memref<2x8x128xi32, #tpu.memory_space<vmem>> -> memref<1x1x128xi32, #tpu.memory_space<vmem>>
        %dma_wait3A_130 = tpu.memref_squeeze %dma_wait3A_129 : memref<1x1x128xi32, #tpu.memory_space<vmem>> -> memref<128xi32, #tpu.memory_space<vmem>>
        %dma_wait3A_131 = arith.constant 0 : i32
        %dma_wait3A_132 = arith.constant 0 : i32
        %dma_wait3A_133 = tpu.memref_slice %arg4[%dma_wait3A_131, %dma_wait3A_132] : memref<10000x128xf32, #tpu.memory_space<hbm>> -> memref<10000x128xf32, #tpu.memory_space<hbm>>
        tpu.wait_indirect_dma semaphore(%arg11 : memref<!tpu.dma_semaphore, #tpu.memory_space<semaphore_mem>>) src(%dma_wait3A_133 : memref<10000x128xf32, #tpu.memory_space<hbm>>) dst(%arg8 : memref<128x128xf32, #tpu.memory_space<vmem>>)
        %run_scoped3A_134 = arith.constant 1 : i32
        %run_scoped3A_135 = arith.constant 4 : i32
        "tpu.region"() ({
          %run_scoped3A_193 = tpu.sem_alloc : memref<!tpu.dma_semaphore, #tpu.memory_space<semaphore_mem>>
          %dma_start3A_194 = arith.constant 0 : i32
          %dma_start3A_195 = tpu.memref_slice %arg7[%run_scoped3A_134, %run_scoped3A_135, %dma_start3A_194] : memref<2x8x128xi32, #tpu.memory_space<vmem>> -> memref<1x1x128xi32, #tpu.memory_space<vmem>>
          %dma_start3A_196 = tpu.memref_squeeze %dma_start3A_195 : memref<1x1x128xi32, #tpu.memory_space<vmem>> -> memref<128xi32, #tpu.memory_space<vmem>>
          %dma_start3A_197 = arith.constant 0 : i32
          %dma_start3A_198 = arith.constant 0 : i32
          %dma_start3A_199 = tpu.memref_slice %arg13[%dma_start3A_197, %dma_start3A_198] : memref<10112x128xf32, #tpu.memory_space<vmem_shared>> -> memref<10112x128xf32, #tpu.memory_space<vmem_shared>>
          tpu.enqueue_indirect_dma source(%arg8 : memref<128x128xf32, #tpu.memory_space<vmem>>) target(%dma_start3A_199 : memref<10112x128xf32, #tpu.memory_space<vmem_shared>>) offsets(%dma_start3A_196 : memref<128xi32, #tpu.memory_space<vmem>>) semaphore(%run_scoped3A_193 : memref<!tpu.dma_semaphore, #tpu.memory_space<semaphore_mem>>) {add = true}
          %dma_wait3A_200 = arith.constant 0 : i32
          %dma_wait3A_201 = tpu.memref_slice %arg7[%run_scoped3A_134, %run_scoped3A_135, %dma_wait3A_200] : memref<2x8x128xi32, #tpu.memory_space<vmem>> -> memref<1x1x128xi32, #tpu.memory_space<vmem>>
          %dma_wait3A_202 = tpu.memref_squeeze %dma_wait3A_201 : memref<1x1x128xi32, #tpu.memory_space<vmem>> -> memref<128xi32, #tpu.memory_space<vmem>>
          %dma_wait3A_203 = arith.constant 0 : i32
          %dma_wait3A_204 = arith.constant 0 : i32
          %dma_wait3A_205 = tpu.memref_slice %arg13[%dma_wait3A_203, %dma_wait3A_204] : memref<10112x128xf32, #tpu.memory_space<vmem_shared>> -> memref<10112x128xf32, #tpu.memory_space<vmem_shared>>
          tpu.wait_indirect_dma semaphore(%run_scoped3A_193 : memref<!tpu.dma_semaphore, #tpu.memory_space<semaphore_mem>>) src(%arg8 : memref<128x128xf32, #tpu.memory_space<vmem>>) dst(%dma_wait3A_205 : memref<10112x128xf32, #tpu.memory_space<vmem_shared>>)
          tpu.yield
        }) : () -> ()
        %dma_start3A_136 = arith.constant 0 : i32
        %dma_start3A_137 = arith.constant 6 : i32
        %dma_start3A_138 = arith.constant 0 : i32
        %dma_start3A_139 = tpu.memref_slice %arg7[%dma_start3A_136, %dma_start3A_137, %dma_start3A_138] : memref<2x8x128xi32, #tpu.memory_space<vmem>> -> memref<1x1x128xi32, #tpu.memory_space<vmem>>
        %dma_start3A_140 = tpu.memref_squeeze %dma_start3A_139 : memref<1x1x128xi32, #tpu.memory_space<vmem>> -> memref<128xi32, #tpu.memory_space<vmem>>
        %dma_start3A_141 = arith.constant 0 : i32
        %dma_start3A_142 = arith.constant 0 : i32
        %dma_start3A_143 = tpu.memref_slice %arg4[%dma_start3A_141, %dma_start3A_142] : memref<10000x128xf32, #tpu.memory_space<hbm>> -> memref<10000x128xf32, #tpu.memory_space<hbm>>
        tpu.enqueue_indirect_dma source(%dma_start3A_143 : memref<10000x128xf32, #tpu.memory_space<hbm>>) target(%arg8 : memref<128x128xf32, #tpu.memory_space<vmem>>) offsets(%dma_start3A_140 : memref<128xi32, #tpu.memory_space<vmem>>) semaphore(%arg11 : memref<!tpu.dma_semaphore, #tpu.memory_space<semaphore_mem>>)
        %dma_wait3A_144 = arith.constant 0 : i32
        %dma_wait3A_145 = arith.constant 0 : i32
        %dma_wait3A_146 = arith.constant 0 : i32
        %dma_wait3A_147 = tpu.memref_slice %arg7[%dma_wait3A_144, %dma_wait3A_145, %dma_wait3A_146] : memref<2x8x128xi32, #tpu.memory_space<vmem>> -> memref<1x1x128xi32, #tpu.memory_space<vmem>>
        %dma_wait3A_148 = tpu.memref_squeeze %dma_wait3A_147 : memref<1x1x128xi32, #tpu.memory_space<vmem>> -> memref<128xi32, #tpu.memory_space<vmem>>
        %dma_wait3A_149 = arith.constant 0 : i32
        %dma_wait3A_150 = arith.constant 0 : i32
        %dma_wait3A_151 = tpu.memref_slice %arg4[%dma_wait3A_149, %dma_wait3A_150] : memref<10000x128xf32, #tpu.memory_space<hbm>> -> memref<10000x128xf32, #tpu.memory_space<hbm>>
        tpu.wait_indirect_dma semaphore(%arg12 : memref<!tpu.dma_semaphore, #tpu.memory_space<semaphore_mem>>) src(%dma_wait3A_151 : memref<10000x128xf32, #tpu.memory_space<hbm>>) dst(%arg9 : memref<128x128xf32, #tpu.memory_space<vmem>>)
        %run_scoped3A_152 = arith.constant 1 : i32
        %run_scoped3A_153 = arith.constant 5 : i32
        "tpu.region"() ({
          %run_scoped3A_193 = tpu.sem_alloc : memref<!tpu.dma_semaphore, #tpu.memory_space<semaphore_mem>>
          %dma_start3A_194 = arith.constant 0 : i32
          %dma_start3A_195 = tpu.memref_slice %arg7[%run_scoped3A_152, %run_scoped3A_153, %dma_start3A_194] : memref<2x8x128xi32, #tpu.memory_space<vmem>> -> memref<1x1x128xi32, #tpu.memory_space<vmem>>
          %dma_start3A_196 = tpu.memref_squeeze %dma_start3A_195 : memref<1x1x128xi32, #tpu.memory_space<vmem>> -> memref<128xi32, #tpu.memory_space<vmem>>
          %dma_start3A_197 = arith.constant 0 : i32
          %dma_start3A_198 = arith.constant 0 : i32
          %dma_start3A_199 = tpu.memref_slice %arg13[%dma_start3A_197, %dma_start3A_198] : memref<10112x128xf32, #tpu.memory_space<vmem_shared>> -> memref<10112x128xf32, #tpu.memory_space<vmem_shared>>
          tpu.enqueue_indirect_dma source(%arg9 : memref<128x128xf32, #tpu.memory_space<vmem>>) target(%dma_start3A_199 : memref<10112x128xf32, #tpu.memory_space<vmem_shared>>) offsets(%dma_start3A_196 : memref<128xi32, #tpu.memory_space<vmem>>) semaphore(%run_scoped3A_193 : memref<!tpu.dma_semaphore, #tpu.memory_space<semaphore_mem>>) {add = true}
          %dma_wait3A_200 = arith.constant 0 : i32
          %dma_wait3A_201 = tpu.memref_slice %arg7[%run_scoped3A_152, %run_scoped3A_153, %dma_wait3A_200] : memref<2x8x128xi32, #tpu.memory_space<vmem>> -> memref<1x1x128xi32, #tpu.memory_space<vmem>>
          %dma_wait3A_202 = tpu.memref_squeeze %dma_wait3A_201 : memref<1x1x128xi32, #tpu.memory_space<vmem>> -> memref<128xi32, #tpu.memory_space<vmem>>
          %dma_wait3A_203 = arith.constant 0 : i32
          %dma_wait3A_204 = arith.constant 0 : i32
          %dma_wait3A_205 = tpu.memref_slice %arg13[%dma_wait3A_203, %dma_wait3A_204] : memref<10112x128xf32, #tpu.memory_space<vmem_shared>> -> memref<10112x128xf32, #tpu.memory_space<vmem_shared>>
          tpu.wait_indirect_dma semaphore(%run_scoped3A_193 : memref<!tpu.dma_semaphore, #tpu.memory_space<semaphore_mem>>) src(%arg9 : memref<128x128xf32, #tpu.memory_space<vmem>>) dst(%dma_wait3A_205 : memref<10112x128xf32, #tpu.memory_space<vmem_shared>>)
          tpu.yield
        }) : () -> ()
        %dma_start3A_154 = arith.constant 0 : i32
        %dma_start3A_155 = arith.constant 7 : i32
        %dma_start3A_156 = arith.constant 0 : i32
        %dma_start3A_157 = tpu.memref_slice %arg7[%dma_start3A_154, %dma_start3A_155, %dma_start3A_156] : memref<2x8x128xi32, #tpu.memory_space<vmem>> -> memref<1x1x128xi32, #tpu.memory_space<vmem>>
        %dma_start3A_158 = tpu.memref_squeeze %dma_start3A_157 : memref<1x1x128xi32, #tpu.memory_space<vmem>> -> memref<128xi32, #tpu.memory_space<vmem>>
        %dma_start3A_159 = arith.constant 0 : i32
        %dma_start3A_160 = arith.constant 0 : i32
        %dma_start3A_161 = tpu.memref_slice %arg4[%dma_start3A_159, %dma_start3A_160] : memref<10000x128xf32, #tpu.memory_space<hbm>> -> memref<10000x128xf32, #tpu.memory_space<hbm>>
        tpu.enqueue_indirect_dma source(%dma_start3A_161 : memref<10000x128xf32, #tpu.memory_space<hbm>>) target(%arg9 : memref<128x128xf32, #tpu.memory_space<vmem>>) offsets(%dma_start3A_158 : memref<128xi32, #tpu.memory_space<vmem>>) semaphore(%arg12 : memref<!tpu.dma_semaphore, #tpu.memory_space<semaphore_mem>>)
        %dma_wait3A_162 = arith.constant 0 : i32
        %dma_wait3A_163 = arith.constant 0 : i32
        %dma_wait3A_164 = arith.constant 0 : i32
        %dma_wait3A_165 = tpu.memref_slice %arg7[%dma_wait3A_162, %dma_wait3A_163, %dma_wait3A_164] : memref<2x8x128xi32, #tpu.memory_space<vmem>> -> memref<1x1x128xi32, #tpu.memory_space<vmem>>
        %dma_wait3A_166 = tpu.memref_squeeze %dma_wait3A_165 : memref<1x1x128xi32, #tpu.memory_space<vmem>> -> memref<128xi32, #tpu.memory_space<vmem>>
        %dma_wait3A_167 = arith.constant 0 : i32
        %dma_wait3A_168 = arith.constant 0 : i32
        %dma_wait3A_169 = tpu.memref_slice %arg4[%dma_wait3A_167, %dma_wait3A_168] : memref<10000x128xf32, #tpu.memory_space<hbm>> -> memref<10000x128xf32, #tpu.memory_space<hbm>>
        tpu.wait_indirect_dma semaphore(%arg11 : memref<!tpu.dma_semaphore, #tpu.memory_space<semaphore_mem>>) src(%dma_wait3A_169 : memref<10000x128xf32, #tpu.memory_space<hbm>>) dst(%arg8 : memref<128x128xf32, #tpu.memory_space<vmem>>)
        %run_scoped3A_170 = arith.constant 1 : i32
        %run_scoped3A_171 = arith.constant 6 : i32
        "tpu.region"() ({
          %run_scoped3A_193 = tpu.sem_alloc : memref<!tpu.dma_semaphore, #tpu.memory_space<semaphore_mem>>
          %dma_start3A_194 = arith.constant 0 : i32
          %dma_start3A_195 = tpu.memref_slice %arg7[%run_scoped3A_170, %run_scoped3A_171, %dma_start3A_194] : memref<2x8x128xi32, #tpu.memory_space<vmem>> -> memref<1x1x128xi32, #tpu.memory_space<vmem>>
          %dma_start3A_196 = tpu.memref_squeeze %dma_start3A_195 : memref<1x1x128xi32, #tpu.memory_space<vmem>> -> memref<128xi32, #tpu.memory_space<vmem>>
          %dma_start3A_197 = arith.constant 0 : i32
          %dma_start3A_198 = arith.constant 0 : i32
          %dma_start3A_199 = tpu.memref_slice %arg13[%dma_start3A_197, %dma_start3A_198] : memref<10112x128xf32, #tpu.memory_space<vmem_shared>> -> memref<10112x128xf32, #tpu.memory_space<vmem_shared>>
          tpu.enqueue_indirect_dma source(%arg8 : memref<128x128xf32, #tpu.memory_space<vmem>>) target(%dma_start3A_199 : memref<10112x128xf32, #tpu.memory_space<vmem_shared>>) offsets(%dma_start3A_196 : memref<128xi32, #tpu.memory_space<vmem>>) semaphore(%run_scoped3A_193 : memref<!tpu.dma_semaphore, #tpu.memory_space<semaphore_mem>>) {add = true}
          %dma_wait3A_200 = arith.constant 0 : i32
          %dma_wait3A_201 = tpu.memref_slice %arg7[%run_scoped3A_170, %run_scoped3A_171, %dma_wait3A_200] : memref<2x8x128xi32, #tpu.memory_space<vmem>> -> memref<1x1x128xi32, #tpu.memory_space<vmem>>
          %dma_wait3A_202 = tpu.memref_squeeze %dma_wait3A_201 : memref<1x1x128xi32, #tpu.memory_space<vmem>> -> memref<128xi32, #tpu.memory_space<vmem>>
          %dma_wait3A_203 = arith.constant 0 : i32
          %dma_wait3A_204 = arith.constant 0 : i32
          %dma_wait3A_205 = tpu.memref_slice %arg13[%dma_wait3A_203, %dma_wait3A_204] : memref<10112x128xf32, #tpu.memory_space<vmem_shared>> -> memref<10112x128xf32, #tpu.memory_space<vmem_shared>>
          tpu.wait_indirect_dma semaphore(%run_scoped3A_193 : memref<!tpu.dma_semaphore, #tpu.memory_space<semaphore_mem>>) src(%arg8 : memref<128x128xf32, #tpu.memory_space<vmem>>) dst(%dma_wait3A_205 : memref<10112x128xf32, #tpu.memory_space<vmem_shared>>)
          tpu.yield
        }) : () -> ()
        %dma_wait3A_172 = arith.constant 0 : i32
        %dma_wait3A_173 = arith.constant 0 : i32
        %dma_wait3A_174 = arith.constant 0 : i32
        %dma_wait3A_175 = tpu.memref_slice %arg7[%dma_wait3A_172, %dma_wait3A_173, %dma_wait3A_174] : memref<2x8x128xi32, #tpu.memory_space<vmem>> -> memref<1x1x128xi32, #tpu.memory_space<vmem>>
        %dma_wait3A_176 = tpu.memref_squeeze %dma_wait3A_175 : memref<1x1x128xi32, #tpu.memory_space<vmem>> -> memref<128xi32, #tpu.memory_space<vmem>>
        %dma_wait3A_177 = arith.constant 0 : i32
        %dma_wait3A_178 = arith.constant 0 : i32
        %dma_wait3A_179 = tpu.memref_slice %arg4[%dma_wait3A_177, %dma_wait3A_178] : memref<10000x128xf32, #tpu.memory_space<hbm>> -> memref<10000x128xf32, #tpu.memory_space<hbm>>
        tpu.wait_indirect_dma semaphore(%arg12 : memref<!tpu.dma_semaphore, #tpu.memory_space<semaphore_mem>>) src(%dma_wait3A_179 : memref<10000x128xf32, #tpu.memory_space<hbm>>) dst(%arg9 : memref<128x128xf32, #tpu.memory_space<vmem>>)
        %run_scoped3A_180 = arith.constant 1 : i32
        %run_scoped3A_181 = arith.constant 7 : i32
        "tpu.region"() ({
          %run_scoped3A_193 = tpu.sem_alloc : memref<!tpu.dma_semaphore, #tpu.memory_space<semaphore_mem>>
          %dma_start3A_194 = arith.constant 0 : i32
          %dma_start3A_195 = tpu.memref_slice %arg7[%run_scoped3A_180, %run_scoped3A_181, %dma_start3A_194] : memref<2x8x128xi32, #tpu.memory_space<vmem>> -> memref<1x1x128xi32, #tpu.memory_space<vmem>>
          %dma_start3A_196 = tpu.memref_squeeze %dma_start3A_195 : memref<1x1x128xi32, #tpu.memory_space<vmem>> -> memref<128xi32, #tpu.memory_space<vmem>>
          %dma_start3A_197 = arith.constant 0 : i32
          %dma_start3A_198 = arith.constant 0 : i32
          %dma_start3A_199 = tpu.memref_slice %arg13[%dma_start3A_197, %dma_start3A_198] : memref<10112x128xf32, #tpu.memory_space<vmem_shared>> -> memref<10112x128xf32, #tpu.memory_space<vmem_shared>>
          tpu.enqueue_indirect_dma source(%arg9 : memref<128x128xf32, #tpu.memory_space<vmem>>) target(%dma_start3A_199 : memref<10112x128xf32, #tpu.memory_space<vmem_shared>>) offsets(%dma_start3A_196 : memref<128xi32, #tpu.memory_space<vmem>>) semaphore(%run_scoped3A_193 : memref<!tpu.dma_semaphore, #tpu.memory_space<semaphore_mem>>) {add = true}
          %dma_wait3A_200 = arith.constant 0 : i32
          %dma_wait3A_201 = tpu.memref_slice %arg7[%run_scoped3A_180, %run_scoped3A_181, %dma_wait3A_200] : memref<2x8x128xi32, #tpu.memory_space<vmem>> -> memref<1x1x128xi32, #tpu.memory_space<vmem>>
          %dma_wait3A_202 = tpu.memref_squeeze %dma_wait3A_201 : memref<1x1x128xi32, #tpu.memory_space<vmem>> -> memref<128xi32, #tpu.memory_space<vmem>>
          %dma_wait3A_203 = arith.constant 0 : i32
          %dma_wait3A_204 = arith.constant 0 : i32
          %dma_wait3A_205 = tpu.memref_slice %arg13[%dma_wait3A_203, %dma_wait3A_204] : memref<10112x128xf32, #tpu.memory_space<vmem_shared>> -> memref<10112x128xf32, #tpu.memory_space<vmem_shared>>
          tpu.wait_indirect_dma semaphore(%run_scoped3A_193 : memref<!tpu.dma_semaphore, #tpu.memory_space<semaphore_mem>>) src(%arg9 : memref<128x128xf32, #tpu.memory_space<vmem>>) dst(%dma_wait3A_205 : memref<10112x128xf32, #tpu.memory_space<vmem_shared>>)
          tpu.yield
        }) : () -> ()
        %add3A = arith.constant 1 : i32
        %add3A_182 = arith.addi %scan3A_32, %add3A : i32
        %min3A = arith.constant 9 : i32
        %min3A_183 = arith.minsi %add3A_182, %min3A : i32
        %mul3A_184 = arith.constant 8 : i32
        %mul3A_185 = arith.muli %min3A_183, %mul3A_184 : i32
        %add3A_186 = arith.addi %mul3A_0, %mul3A_185 : i32
        %dma_start3A_187 = arith.constant 0 : i32
        %dma_start3A_188 = arith.constant 0 : i32
        %dma_start3A_189 = tpu.memref_slice %arg2[%dma_start3A_187, %add3A_186, %dma_start3A_188] : memref<2x1280x128xi32, #tpu.memory_space<hbm>> -> memref<2x8x128xi32, #tpu.memory_space<hbm>>
        %dma_start3A_190 = arith.constant 0 : i32
        %dma_start3A_191 = arith.constant 0 : i32
        %dma_start3A_192 = tpu.memref_slice %arg2[%dma_start3A_190, %add3A_186, %dma_start3A_191] : memref<2x1280x128xi32, #tpu.memory_space<hbm>> -> memref<2x8x128xi32, #tpu.memory_space<hbm>>
        tpu.enqueue_dma source(%dma_start3A_192 : memref<2x8x128xi32, #tpu.memory_space<hbm>>) target(%arg7 : memref<2x8x128xi32, #tpu.memory_space<vmem>>) target_semaphore(%arg10 : memref<!tpu.dma_semaphore, #tpu.memory_space<semaphore_mem>>)
      }
      %scan3A_26 = arith.constant 10 : i32
      %dma_wait3A = arith.constant 0 : i32
      %dma_wait3A_27 = arith.constant 0 : i32
      %dma_wait3A_28 = tpu.memref_slice %arg2[%dma_wait3A, %mul3A_0, %dma_wait3A_27] : memref<2x1280x128xi32, #tpu.memory_space<hbm>> -> memref<2x8x128xi32, #tpu.memory_space<hbm>>
      %dma_wait3A_29 = arith.constant 0 : i32
      %dma_wait3A_30 = arith.constant 0 : i32
      %dma_wait3A_31 = tpu.memref_slice %arg2[%dma_wait3A_29, %mul3A_0, %dma_wait3A_30] : memref<2x1280x128xi32, #tpu.memory_space<hbm>> -> memref<2x8x128xi32, #tpu.memory_space<hbm>>
      tpu.wait_dma2 semaphore(%arg10 : memref<!tpu.dma_semaphore, #tpu.memory_space<semaphore_mem>>) src(%dma_wait3A_31 : memref<2x8x128xi32, #tpu.memory_space<hbm>>) dst(%arg7 : memref<2x8x128xi32, #tpu.memory_space<vmem>>)
    } else {
    }
    %barrier3A_17 = arith.constant 0 : index
    tpu.barrier barrier_id(%barrier3A_17)
    %mul3A_18 = arith.constant 632 : i32
    %mul3A_19 = arith.muli %arg1, %mul3A_18 : i32
    %mul3A_20 = arith.constant 632 : i32
    %mul3A_21 = arith.muli %arg1, %mul3A_20 : i32
    "tpu.region"() ({
      %run_scoped3A = tpu.sem_alloc : memref<!tpu.dma_semaphore, #tpu.memory_space<semaphore_mem>>
      %dma_start3A_22 = arith.constant 0 : i32
      %dma_start3A_23 = tpu.memref_slice %arg6[%arg0, %mul3A_21, %dma_start3A_22] : memref<2x10112x128xf32, #tpu.memory_space<hbm>> -> memref<1x632x128xf32, #tpu.memory_space<hbm>>
      %dma_start3A_24 = tpu.memref_squeeze %dma_start3A_23 : memref<1x632x128xf32, #tpu.memory_space<hbm>> -> memref<632x128xf32, #tpu.memory_space<hbm>>
      %dma_start3A_25 = arith.constant 0 : i32
      %dma_start3A_26 = tpu.memref_slice %arg13[%mul3A_19, %dma_start3A_25] : memref<10112x128xf32, #tpu.memory_space<vmem_shared>> -> memref<632x128xf32, #tpu.memory_space<vmem_shared>>
      tpu.enqueue_dma source(%dma_start3A_26 : memref<632x128xf32, #tpu.memory_space<vmem_shared>>) target(%dma_start3A_24 : memref<632x128xf32, #tpu.memory_space<hbm>>) target_semaphore(%run_scoped3A : memref<!tpu.dma_semaphore, #tpu.memory_space<semaphore_mem>>)
      %dma_wait3A = arith.constant 0 : i32
      %dma_wait3A_27 = tpu.memref_slice %arg6[%arg0, %mul3A_21, %dma_wait3A] : memref<2x10112x128xf32, #tpu.memory_space<hbm>> -> memref<1x632x128xf32, #tpu.memory_space<hbm>>
      %dma_wait3A_28 = tpu.memref_squeeze %dma_wait3A_27 : memref<1x632x128xf32, #tpu.memory_space<hbm>> -> memref<632x128xf32, #tpu.memory_space<hbm>>
      %dma_wait3A_29 = arith.constant 0 : i32
      %dma_wait3A_30 = tpu.memref_slice %arg13[%mul3A_19, %dma_wait3A_29] : memref<10112x128xf32, #tpu.memory_space<vmem_shared>> -> memref<632x128xf32, #tpu.memory_space<vmem_shared>>
      tpu.wait_dma2 semaphore(%run_scoped3A : memref<!tpu.dma_semaphore, #tpu.memory_space<semaphore_mem>>) src(%dma_wait3A_30 : memref<632x128xf32, #tpu.memory_space<vmem_shared>>) dst(%dma_wait3A_28 : memref<632x128xf32, #tpu.memory_space<hbm>>)
      tpu.yield
    }) : () -> ()
    return
  }
}

module attributes {stable_mosaic.version = 14 : i64} {
  func.func @_tc_first_body(%arg0: i32, %arg1: memref<2x2000x128xf32, #tpu.memory_space<vmem>>, %arg2: memref<2000x256xf32, #tpu.memory_space<vmem>>, %arg3: memref<256x256xf32, #tpu.memory_space<vmem>>, %arg4: memref<2000x1xf32, #tpu.memory_space<vmem>>, %arg5: memref<2000x128xf32, #tpu.memory_space<vmem>>, %arg6: memref<2000x128xf32, #tpu.memory_space<vmem>>) attributes {dimension_semantics = [#tpu.dimension_semantics<arbitrary>], iteration_bounds = array<i64: 5>, scalar_prefetch = 0 : i64, scratch_operands = 0 : i64, tpu.core_type = #tpu.core_type<tc>, window_params = [{transform_indices = @transform_0, window_bounds = array<i64: 2, 2000, 128>}, {transform_indices = @transform_1, window_bounds = array<i64: 2000, 256>}, {pipeline_mode = #tpu.pipeline_mode<synchronous>, transform_indices = @transform_2, window_bounds = array<i64: 256, 256>}, {transform_indices = @transform_3, window_bounds = array<i64: 2000, 1>}, {transform_indices = @transform_4, window_bounds = array<i64: 2000, 128>}, {transform_indices = @transform_5, window_bounds = array<i64: 2000, 128>}]} {
    %get3A = arith.constant 0 : index
    %get3A_0 = arith.constant 0 : index
    %get3A_1 = arith.constant 0 : index
    %get3A_2 = vector.load %arg1[%get3A, %get3A_0, %get3A_1] : memref<2x2000x128xf32, #tpu.memory_space<vmem>>, vector<1x2000x1xf32>
    %get3A_3 = vector.shape_cast %get3A_2 : vector<1x2000x1xf32> to vector<2000x1xf32>
    %get3A_4 = arith.constant 1 : index
    %get3A_5 = arith.constant 0 : index
    %get3A_6 = arith.constant 0 : index
    %get3A_7 = vector.load %arg1[%get3A_4, %get3A_5, %get3A_6] : memref<2x2000x128xf32, #tpu.memory_space<vmem>>, vector<1x2000x1xf32>
    %get3A_8 = vector.shape_cast %get3A_7 : vector<1x2000x1xf32> to vector<2000x1xf32>
    %add3A = arith.addf %get3A_3, %get3A_8 : vector<2000x1xf32>
    %add3A_9 = arith.constant 1.000000e+00 : f32
    %add3A_10 = vector.broadcast %add3A_9 : f32 to vector<2000x1xf32>
    %add3A_11 = arith.addf %add3A, %add3A_10 : vector<2000x1xf32>
    %rsqrt3A = math.rsqrt %add3A_11 : vector<2000x1xf32>
    %swap3A = arith.constant 0 : index
    %swap3A_12 = arith.constant 0 : index
    %swap3A_13 = vector.load %arg4[%swap3A, %swap3A_12] : memref<2000x1xf32, #tpu.memory_space<vmem>>, vector<2000x1xf32>
    tpu.vector_store %arg4[%swap3A, %swap3A_12], %rsqrt3A {strides = array<i32>} : memref<2000x1xf32, #tpu.memory_space<vmem>>, vector<2000x1xf32>,
    %get3A_14 = arith.constant 0 : index
    %get3A_15 = arith.constant 0 : index
    %get3A_16 = vector.load %arg2[%get3A_14, %get3A_15] : memref<2000x256xf32, #tpu.memory_space<vmem>>, vector<2000x256xf32>
    %get3A_17 = arith.constant 0 : index
    %get3A_18 = arith.constant 0 : index
    %get3A_19 = vector.load %arg3[%get3A_17, %get3A_18] : memref<256x256xf32, #tpu.memory_space<vmem>>, vector<256x256xf32>
    %dot_general3A = arith.constant dense<0.000000e+00> : vector<2000x256xf32>
    %dot_general3A_20 = tpu.matmul %get3A_16, %get3A_19, %dot_general3A {dimension_numbers = #tpu.dot_dimension_numbers<[1], [0], [0], [1], [0, 0, 1, 1], [], []>, transpose_lhs_hint = false} : vector<2000x256xf32>, vector<256x256xf32>, vector<2000x256xf32> -> vector<2000x256xf32>
    %mul3A = vector.broadcast %rsqrt3A : vector<2000x1xf32> to vector<2000x256xf32>
    %mul3A_21 = arith.mulf %mul3A, %dot_general3A_20 : vector<2000x256xf32>
    %slice3A = vector.extract_strided_slice %mul3A_21 {offsets = [0, 0], sizes = [2000, 128], strides = [1, 1]} : vector<2000x256xf32> to vector<2000x128xf32>
    %swap3A_22 = arith.constant 0 : index
    %swap3A_23 = arith.constant 0 : index
    %swap3A_24 = vector.load %arg5[%swap3A_22, %swap3A_23] : memref<2000x128xf32, #tpu.memory_space<vmem>>, vector<2000x128xf32>
    tpu.vector_store %arg5[%swap3A_22, %swap3A_23], %slice3A {strides = array<i32>} : memref<2000x128xf32, #tpu.memory_space<vmem>>, vector<2000x128xf32>,
    %slice3A_25 = vector.extract_strided_slice %mul3A_21 {offsets = [0, 128], sizes = [2000, 128], strides = [1, 1]} : vector<2000x256xf32> to vector<2000x128xf32>
    %swap3A_26 = arith.constant 0 : index
    %swap3A_27 = arith.constant 0 : index
    %swap3A_28 = vector.load %arg6[%swap3A_26, %swap3A_27] : memref<2000x128xf32, #tpu.memory_space<vmem>>, vector<2000x128xf32>
    tpu.vector_store %arg6[%swap3A_26, %swap3A_27], %slice3A_25 {strides = array<i32>} : memref<2000x128xf32, #tpu.memory_space<vmem>>, vector<2000x128xf32>,
    return
  }
  func.func @transform_0(%arg0: i32) -> (i32, i32, i32) {
    %c0_i32 = arith.constant 0 : i32
    %c0_i32_0 = arith.constant 0 : i32
    %c0_i32_1 = arith.constant 0 : i32
    return %c0_i32, %arg0, %c0_i32_0 : i32, i32, i32
  }
  func.func @transform_1(%arg0: i32) -> (i32, i32) {
    %c0_i32 = arith.constant 0 : i32
    %c0_i32_0 = arith.constant 0 : i32
    return %arg0, %c0_i32 : i32, i32
  }
  func.func @transform_2(%arg0: i32) -> (i32, i32) {
    %c0_i32 = arith.constant 0 : i32
    %c0_i32_0 = arith.constant 0 : i32
    %c0_i32_1 = arith.constant 0 : i32
    return %c0_i32, %c0_i32_0 : i32, i32
  }
  func.func @transform_3(%arg0: i32) -> (i32, i32) {
    %c0_i32 = arith.constant 0 : i32
    %c0_i32_0 = arith.constant 0 : i32
    return %arg0, %c0_i32 : i32, i32
  }
  func.func @transform_4(%arg0: i32) -> (i32, i32) {
    %c0_i32 = arith.constant 0 : i32
    %c0_i32_0 = arith.constant 0 : i32
    return %arg0, %c0_i32 : i32, i32
  }
  func.func @transform_5(%arg0: i32) -> (i32, i32) {
    %c0_i32 = arith.constant 0 : i32
    %c0_i32_0 = arith.constant 0 : i32
    return %arg0, %c0_i32 : i32, i32
  }
}

module attributes {stable_mosaic.version = 14 : i64} {
  func.func @_tc_mid_body(%arg0: i32, %arg1: memref<2x2000x128xf32, #tpu.memory_space<vmem>>, %arg2: memref<2000x128xf32, #tpu.memory_space<vmem>>, %arg3: memref<2000x128xf32, #tpu.memory_space<vmem>>, %arg4: memref<2000x1xf32, #tpu.memory_space<vmem>>, %arg5: memref<1x256xf32, #tpu.memory_space<vmem>>, %arg6: memref<256x256xf32, #tpu.memory_space<vmem>>, %arg7: memref<2000x128xf32, #tpu.memory_space<vmem>>, %arg8: memref<2000x128xf32, #tpu.memory_space<vmem>>) attributes {dimension_semantics = [#tpu.dimension_semantics<arbitrary>], iteration_bounds = array<i64: 5>, scalar_prefetch = 0 : i64, scratch_operands = 0 : i64, tpu.core_type = #tpu.core_type<tc>, window_params = [{transform_indices = @transform_0, window_bounds = array<i64: 2, 2000, 128>}, {transform_indices = @transform_1, window_bounds = array<i64: 2000, 128>}, {transform_indices = @transform_2, window_bounds = array<i64: 2000, 128>}, {transform_indices = @transform_3, window_bounds = array<i64: 2000, 1>}, {pipeline_mode = #tpu.pipeline_mode<synchronous>, transform_indices = @transform_4, window_bounds = array<i64: 1, 256>}, {pipeline_mode = #tpu.pipeline_mode<synchronous>, transform_indices = @transform_5, window_bounds = array<i64: 256, 256>}, {transform_indices = @transform_6, window_bounds = array<i64: 2000, 128>}, {transform_indices = @transform_7, window_bounds = array<i64: 2000, 128>}]} {
    %get3A = arith.constant 0 : index
    %get3A_0 = arith.constant 0 : index
    %get3A_1 = vector.load %arg4[%get3A, %get3A_0] : memref<2000x1xf32, #tpu.memory_space<vmem>>, vector<2000x1xf32>
    %get3A_2 = arith.constant 0 : index
    %get3A_3 = arith.constant 0 : index
    %get3A_4 = arith.constant 0 : index
    %get3A_5 = vector.load %arg1[%get3A_2, %get3A_3, %get3A_4] : memref<2x2000x128xf32, #tpu.memory_space<vmem>>, vector<1x2000x128xf32>
    %get3A_6 = vector.shape_cast %get3A_5 : vector<1x2000x128xf32> to vector<2000x128xf32>
    %get3A_7 = arith.constant 0 : index
    %get3A_8 = arith.constant 0 : index
    %get3A_9 = vector.load %arg2[%get3A_7, %get3A_8] : memref<2000x128xf32, #tpu.memory_space<vmem>>, vector<2000x128xf32>
    %add3A = arith.addf %get3A_6, %get3A_9 : vector<2000x128xf32>
    %get3A_10 = arith.constant 1 : index
    %get3A_11 = arith.constant 0 : index
    %get3A_12 = arith.constant 0 : index
    %get3A_13 = vector.load %arg1[%get3A_10, %get3A_11, %get3A_12] : memref<2x2000x128xf32, #tpu.memory_space<vmem>>, vector<1x2000x128xf32>
    %get3A_14 = vector.shape_cast %get3A_13 : vector<1x2000x128xf32> to vector<2000x128xf32>
    %get3A_15 = arith.constant 0 : index
    %get3A_16 = arith.constant 0 : index
    %get3A_17 = vector.load %arg3[%get3A_15, %get3A_16] : memref<2000x128xf32, #tpu.memory_space<vmem>>, vector<2000x128xf32>
    %add3A_18 = arith.addf %get3A_14, %get3A_17 : vector<2000x128xf32>
    %concatenate3A = tpu.concatenate %add3A, %add3A_18 in 1 : vector<2000x128xf32>, vector<2000x128xf32> -> vector<2000x256xf32>
    %mul3A = vector.broadcast %get3A_1 : vector<2000x1xf32> to vector<2000x256xf32>
    %mul3A_19 = arith.mulf %mul3A, %concatenate3A : vector<2000x256xf32>
    %get3A_20 = arith.constant 0 : index
    %get3A_21 = arith.constant 0 : index
    %get3A_22 = vector.load %arg5[%get3A_20, %get3A_21] : memref<1x256xf32, #tpu.memory_space<vmem>>, vector<1x256xf32>
    %add3A_23 = vector.broadcast %get3A_22 : vector<1x256xf32> to vector<2000x256xf32>
    %add3A_24 = arith.addf %mul3A_19, %add3A_23 : vector<2000x256xf32>
    %max3A = arith.constant 0.000000e+00 : f32
    %max3A_25 = vector.broadcast %max3A : f32 to vector<2000x256xf32>
    %max3A_26 = arith.maximumf %add3A_24, %max3A_25 : vector<2000x256xf32>
    %get3A_27 = arith.constant 0 : index
    %get3A_28 = arith.constant 0 : index
    %get3A_29 = vector.load %arg6[%get3A_27, %get3A_28] : memref<256x256xf32, #tpu.memory_space<vmem>>, vector<256x256xf32>
    %dot_general3A = arith.constant dense<0.000000e+00> : vector<2000x256xf32>
    %dot_general3A_30 = tpu.matmul %max3A_26, %get3A_29, %dot_general3A {dimension_numbers = #tpu.dot_dimension_numbers<[1], [0], [0], [1], [0, 0, 1, 1], [], []>, transpose_lhs_hint = false} : vector<2000x256xf32>, vector<256x256xf32>, vector<2000x256xf32> -> vector<2000x256xf32>
    %mul3A_31 = vector.broadcast %get3A_1 : vector<2000x1xf32> to vector<2000x256xf32>
    %mul3A_32 = arith.mulf %mul3A_31, %dot_general3A_30 : vector<2000x256xf32>
    %slice3A = vector.extract_strided_slice %mul3A_32 {offsets = [0, 0], sizes = [2000, 128], strides = [1, 1]} : vector<2000x256xf32> to vector<2000x128xf32>
    %swap3A = arith.constant 0 : index
    %swap3A_33 = arith.constant 0 : index
    %swap3A_34 = vector.load %arg7[%swap3A, %swap3A_33] : memref<2000x128xf32, #tpu.memory_space<vmem>>, vector<2000x128xf32>
    tpu.vector_store %arg7[%swap3A, %swap3A_33], %slice3A {strides = array<i32>} : memref<2000x128xf32, #tpu.memory_space<vmem>>, vector<2000x128xf32>,
    %slice3A_35 = vector.extract_strided_slice %mul3A_32 {offsets = [0, 128], sizes = [2000, 128], strides = [1, 1]} : vector<2000x256xf32> to vector<2000x128xf32>
    %swap3A_36 = arith.constant 0 : index
    %swap3A_37 = arith.constant 0 : index
    %swap3A_38 = vector.load %arg8[%swap3A_36, %swap3A_37] : memref<2000x128xf32, #tpu.memory_space<vmem>>, vector<2000x128xf32>
    tpu.vector_store %arg8[%swap3A_36, %swap3A_37], %slice3A_35 {strides = array<i32>} : memref<2000x128xf32, #tpu.memory_space<vmem>>, vector<2000x128xf32>,
    return
  }
  func.func @transform_0(%arg0: i32) -> (i32, i32, i32) {
    %c0_i32 = arith.constant 0 : i32
    %c0_i32_0 = arith.constant 0 : i32
    %c0_i32_1 = arith.constant 0 : i32
    return %c0_i32, %arg0, %c0_i32_0 : i32, i32, i32
  }
  func.func @transform_1(%arg0: i32) -> (i32, i32) {
    %c0_i32 = arith.constant 0 : i32
    %c0_i32_0 = arith.constant 0 : i32
    return %arg0, %c0_i32 : i32, i32
  }
  func.func @transform_2(%arg0: i32) -> (i32, i32) {
    %c0_i32 = arith.constant 0 : i32
    %c0_i32_0 = arith.constant 0 : i32
    return %arg0, %c0_i32 : i32, i32
  }
  func.func @transform_3(%arg0: i32) -> (i32, i32) {
    %c0_i32 = arith.constant 0 : i32
    %c0_i32_0 = arith.constant 0 : i32
    return %arg0, %c0_i32 : i32, i32
  }
  func.func @transform_4(%arg0: i32) -> (i32, i32) {
    %c0_i32 = arith.constant 0 : i32
    %c0_i32_0 = arith.constant 0 : i32
    %c0_i32_1 = arith.constant 0 : i32
    return %c0_i32, %c0_i32_0 : i32, i32
  }
  func.func @transform_5(%arg0: i32) -> (i32, i32) {
    %c0_i32 = arith.constant 0 : i32
    %c0_i32_0 = arith.constant 0 : i32
    %c0_i32_1 = arith.constant 0 : i32
    return %c0_i32, %c0_i32_0 : i32, i32
  }
  func.func @transform_6(%arg0: i32) -> (i32, i32) {
    %c0_i32 = arith.constant 0 : i32
    %c0_i32_0 = arith.constant 0 : i32
    return %arg0, %c0_i32 : i32, i32
  }
  func.func @transform_7(%arg0: i32) -> (i32, i32) {
    %c0_i32 = arith.constant 0 : i32
    %c0_i32_0 = arith.constant 0 : i32
    return %arg0, %c0_i32 : i32, i32
  }
}

module attributes {stable_mosaic.version = 14 : i64} {
  func.func @_tc_final_body(%arg0: i32, %arg1: memref<2x2000x128xf32, #tpu.memory_space<vmem>>, %arg2: memref<2000x128xf32, #tpu.memory_space<vmem>>, %arg3: memref<2000x128xf32, #tpu.memory_space<vmem>>, %arg4: memref<2000x1xf32, #tpu.memory_space<vmem>>, %arg5: memref<1x256xf32, #tpu.memory_space<vmem>>, %arg6: memref<1x1x2000xi32, #tpu.memory_space<vmem>>, %arg7: memref<256x1xf32, #tpu.memory_space<vmem>>, %arg8: memref<1x1xf32, #tpu.memory_space<vmem>>, %arg9: memref<128x1xf32, #tpu.memory_space<vmem>>, %arg10: memref<128x1xf32, #tpu.memory_space<vmem>>, %arg11: memref<128x1xf32, #tpu.memory_space<vmem>>) attributes {dimension_semantics = [#tpu.dimension_semantics<arbitrary>], iteration_bounds = array<i64: 5>, scalar_prefetch = 0 : i64, scratch_operands = 2 : i64, tpu.core_type = #tpu.core_type<tc>, window_params = [{transform_indices = @transform_0, window_bounds = array<i64: 2, 2000, 128>}, {transform_indices = @transform_1, window_bounds = array<i64: 2000, 128>}, {transform_indices = @transform_2, window_bounds = array<i64: 2000, 128>}, {transform_indices = @transform_3, window_bounds = array<i64: 2000, 1>}, {pipeline_mode = #tpu.pipeline_mode<synchronous>, transform_indices = @transform_4, window_bounds = array<i64: 1, 256>}, {transform_indices = @transform_5, window_bounds = array<i64: 1, 1, 2000>}, {pipeline_mode = #tpu.pipeline_mode<synchronous>, transform_indices = @transform_6, window_bounds = array<i64: 256, 1>}, {pipeline_mode = #tpu.pipeline_mode<synchronous>, transform_indices = @transform_7, window_bounds = array<i64: 1, 1>}, {pipeline_mode = #tpu.pipeline_mode<synchronous>, transform_indices = @transform_8, window_bounds = array<i64: 128, 1>}]} {
    %get3A = arith.constant 0 : index
    %get3A_0 = arith.constant 0 : index
    %get3A_1 = vector.load %arg4[%get3A, %get3A_0] : memref<2000x1xf32, #tpu.memory_space<vmem>>, vector<2000x1xf32>
    %get3A_2 = arith.constant 0 : index
    %get3A_3 = arith.constant 0 : index
    %get3A_4 = arith.constant 0 : index
    %get3A_5 = vector.load %arg1[%get3A_2, %get3A_3, %get3A_4] : memref<2x2000x128xf32, #tpu.memory_space<vmem>>, vector<1x2000x128xf32>
    %get3A_6 = vector.shape_cast %get3A_5 : vector<1x2000x128xf32> to vector<2000x128xf32>
    %get3A_7 = arith.constant 0 : index
    %get3A_8 = arith.constant 0 : index
    %get3A_9 = vector.load %arg2[%get3A_7, %get3A_8] : memref<2000x128xf32, #tpu.memory_space<vmem>>, vector<2000x128xf32>
    %add3A = arith.addf %get3A_6, %get3A_9 : vector<2000x128xf32>
    %get3A_10 = arith.constant 1 : index
    %get3A_11 = arith.constant 0 : index
    %get3A_12 = arith.constant 0 : index
    %get3A_13 = vector.load %arg1[%get3A_10, %get3A_11, %get3A_12] : memref<2x2000x128xf32, #tpu.memory_space<vmem>>, vector<1x2000x128xf32>
    %get3A_14 = vector.shape_cast %get3A_13 : vector<1x2000x128xf32> to vector<2000x128xf32>
    %get3A_15 = arith.constant 0 : index
    %get3A_16 = arith.constant 0 : index
    %get3A_17 = vector.load %arg3[%get3A_15, %get3A_16] : memref<2000x128xf32, #tpu.memory_space<vmem>>, vector<2000x128xf32>
    %add3A_18 = arith.addf %get3A_14, %get3A_17 : vector<2000x128xf32>
    %concatenate3A = tpu.concatenate %add3A, %add3A_18 in 1 : vector<2000x128xf32>, vector<2000x128xf32> -> vector<2000x256xf32>
    %mul3A = vector.broadcast %get3A_1 : vector<2000x1xf32> to vector<2000x256xf32>
    %mul3A_19 = arith.mulf %mul3A, %concatenate3A : vector<2000x256xf32>
    %get3A_20 = arith.constant 0 : index
    %get3A_21 = arith.constant 0 : index
    %get3A_22 = vector.load %arg5[%get3A_20, %get3A_21] : memref<1x256xf32, #tpu.memory_space<vmem>>, vector<1x256xf32>
    %add3A_23 = vector.broadcast %get3A_22 : vector<1x256xf32> to vector<2000x256xf32>
    %add3A_24 = arith.addf %mul3A_19, %add3A_23 : vector<2000x256xf32>
    %max3A = arith.constant 0.000000e+00 : f32
    %max3A_25 = vector.broadcast %max3A : f32 to vector<2000x256xf32>
    %max3A_26 = arith.maximumf %add3A_24, %max3A_25 : vector<2000x256xf32>
    %get3A_27 = arith.constant 0 : index
    %get3A_28 = arith.constant 0 : index
    %get3A_29 = vector.load %arg7[%get3A_27, %get3A_28] : memref<256x1xf32, #tpu.memory_space<vmem>>, vector<256x1xf32>
    %dot_general3A = arith.constant dense<0.000000e+00> : vector<2000x1xf32>
    %dot_general3A_30 = tpu.matmul %max3A_26, %get3A_29, %dot_general3A {dimension_numbers = #tpu.dot_dimension_numbers<[1], [0], [0], [1], [0, 0, 1, 1], [], []>, transpose_lhs_hint = false} : vector<2000x256xf32>, vector<256x1xf32>, vector<2000x1xf32> -> vector<2000x1xf32>
    %iota3A = tpu.iota {dimensions = array<i32: 0>} : vector<128x2000xi32>
    %get3A_31 = arith.constant 0 : index
    %get3A_32 = arith.constant 0 : index
    %get3A_33 = arith.constant 0 : index
    %get3A_34 = vector.load %arg6[%get3A_31, %get3A_32, %get3A_33] : memref<1x1x2000xi32, #tpu.memory_space<vmem>>, vector<1x1x2000xi32>
    %get3A_35 = vector.shape_cast %get3A_34 : vector<1x1x2000xi32> to vector<1x2000xi32>
    %eq3A = vector.broadcast %get3A_35 : vector<1x2000xi32> to vector<128x2000xi32>
    %eq3A_36 = arith.cmpi eq, %eq3A, %iota3A : vector<128x2000xi32>
    %convert_element_type3A = arith.extui %eq3A_36 : vector<128x2000xi1> to vector<128x2000xi32>
    %convert_element_type3A_37 = arith.sitofp %convert_element_type3A : vector<128x2000xi32> to vector<128x2000xf32>
    %dot_general3A_38 = arith.constant dense<0.000000e+00> : vector<128x1xf32>
    %dot_general3A_39 = tpu.matmul %convert_element_type3A_37, %dot_general3A_30, %dot_general3A_38 {dimension_numbers = #tpu.dot_dimension_numbers<[1], [0], [0], [1], [0, 0, 1, 1], [], []>, transpose_lhs_hint = false} : vector<128x2000xf32>, vector<2000x1xf32>, vector<128x1xf32> -> vector<128x1xf32>
    %reduce_sum3A = arith.constant dense<0.000000e+00> : vector<128xf32>
    %reduce_sum3A_40 = vector.multi_reduction <add>, %convert_element_type3A_37, %reduce_sum3A [1] : vector<128x2000xf32> to vector<128xf32>
    %broadcast_in_dim3A = vector.shape_cast %reduce_sum3A_40 : vector<128xf32> to vector<128x1xf32>
    %eq3A_41 = arith.constant 0 : i32
    %eq3A_42 = arith.cmpi eq, %arg0, %eq3A_41 : i32
    %convert_element_type3A_43 = arith.extui %eq3A_42 : i1 to i32
    %cond3A = arith.constant 0 : i32
    %cond3A_44 = arith.cmpi ne, %convert_element_type3A_43, %cond3A : i32
    scf.if %cond3A_44 {
      %broadcast_in_dim3A_63 = arith.constant 0.000000e+00 : f32
      %broadcast_in_dim3A_64 = vector.broadcast %broadcast_in_dim3A_63 : f32 to vector<128x1xf32>
      %swap3A_65 = arith.constant 0 : index
      %swap3A_66 = arith.constant 0 : index
      %swap3A_67 = vector.load %arg10[%swap3A_65, %swap3A_66] : memref<128x1xf32, #tpu.memory_space<vmem>>, vector<128x1xf32>
      tpu.vector_store %arg10[%swap3A_65, %swap3A_66], %broadcast_in_dim3A_64 {strides = array<i32>} : memref<128x1xf32, #tpu.memory_space<vmem>>, vector<128x1xf32>,
      %broadcast_in_dim3A_68 = arith.constant 0.000000e+00 : f32
      %broadcast_in_dim3A_69 = vector.broadcast %broadcast_in_dim3A_68 : f32 to vector<128x1xf32>
      %swap3A_70 = arith.constant 0 : index
      %swap3A_71 = arith.constant 0 : index
      %swap3A_72 = vector.load %arg11[%swap3A_70, %swap3A_71] : memref<128x1xf32, #tpu.memory_space<vmem>>, vector<128x1xf32>
      tpu.vector_store %arg11[%swap3A_70, %swap3A_71], %broadcast_in_dim3A_69 {strides = array<i32>} : memref<128x1xf32, #tpu.memory_space<vmem>>, vector<128x1xf32>,
    } else {
    }
    %get3A_45 = arith.constant 0 : index
    %get3A_46 = arith.constant 0 : index
    %get3A_47 = vector.load %arg10[%get3A_45, %get3A_46] : memref<128x1xf32, #tpu.memory_space<vmem>>, vector<128x1xf32>
    %add3A_48 = arith.addf %get3A_47, %dot_general3A_39 : vector<128x1xf32>
    %swap3A = arith.constant 0 : index
    %swap3A_49 = arith.constant 0 : index
    %swap3A_50 = vector.load %arg10[%swap3A, %swap3A_49] : memref<128x1xf32, #tpu.memory_space<vmem>>, vector<128x1xf32>
    tpu.vector_store %arg10[%swap3A, %swap3A_49], %add3A_48 {strides = array<i32>} : memref<128x1xf32, #tpu.memory_space<vmem>>, vector<128x1xf32>,
    %get3A_51 = arith.constant 0 : index
    %get3A_52 = arith.constant 0 : index
    %get3A_53 = vector.load %arg11[%get3A_51, %get3A_52] : memref<128x1xf32, #tpu.memory_space<vmem>>, vector<128x1xf32>
    %add3A_54 = arith.addf %get3A_53, %broadcast_in_dim3A : vector<128x1xf32>
    %swap3A_55 = arith.constant 0 : index
    %swap3A_56 = arith.constant 0 : index
    %swap3A_57 = vector.load %arg11[%swap3A_55, %swap3A_56] : memref<128x1xf32, #tpu.memory_space<vmem>>, vector<128x1xf32>
    tpu.vector_store %arg11[%swap3A_55, %swap3A_56], %add3A_54 {strides = array<i32>} : memref<128x1xf32, #tpu.memory_space<vmem>>, vector<128x1xf32>,
    %eq3A_58 = arith.constant 4 : i32
    %eq3A_59 = arith.cmpi eq, %arg0, %eq3A_58 : i32
    %convert_element_type3A_60 = arith.extui %eq3A_59 : i1 to i32
    %cond3A_61 = arith.constant 0 : i32
    %cond3A_62 = arith.cmpi ne, %convert_element_type3A_60, %cond3A_61 : i32
    scf.if %cond3A_62 {
      %get3A_63 = arith.constant 0 : index
      %get3A_64 = arith.constant 0 : index
      %get3A_65 = vector.load %arg10[%get3A_63, %get3A_64] : memref<128x1xf32, #tpu.memory_space<vmem>>, vector<128x1xf32>
      %get3A_66 = arith.constant 0 : index
      %get3A_67 = arith.constant 0 : index
      %get3A_68 = vector.load %arg11[%get3A_66, %get3A_67] : memref<128x1xf32, #tpu.memory_space<vmem>>, vector<128x1xf32>
      %max3A_69 = arith.constant 1.000000e+00 : f32
      %max3A_70 = vector.broadcast %max3A_69 : f32 to vector<128x1xf32>
      %max3A_71 = arith.maximumf %get3A_68, %max3A_70 : vector<128x1xf32>
      %div3A = arith.divf %get3A_65, %max3A_71 : vector<128x1xf32>
      %get3A_72 = arith.constant 0 : index
      %get3A_73 = arith.constant 0 : index
      %get3A_74 = vector.load %arg8[%get3A_72, %get3A_73] : memref<1x1xf32, #tpu.memory_space<vmem>>, vector<1x1xf32>
      %add3A_75 = vector.broadcast %get3A_74 : vector<1x1xf32> to vector<128x1xf32>
      %add3A_76 = arith.addf %div3A, %add3A_75 : vector<128x1xf32>
      %swap3A_77 = arith.constant 0 : index
      %swap3A_78 = arith.constant 0 : index
      %swap3A_79 = vector.load %arg9[%swap3A_77, %swap3A_78] : memref<128x1xf32, #tpu.memory_space<vmem>>, vector<128x1xf32>
      tpu.vector_store %arg9[%swap3A_77, %swap3A_78], %add3A_76 {strides = array<i32>} : memref<128x1xf32, #tpu.memory_space<vmem>>, vector<128x1xf32>,
    } else {
    }
    return
  }
  func.func @transform_0(%arg0: i32) -> (i32, i32, i32) {
    %c0_i32 = arith.constant 0 : i32
    %c0_i32_0 = arith.constant 0 : i32
    %c0_i32_1 = arith.constant 0 : i32
    return %c0_i32, %arg0, %c0_i32_0 : i32, i32, i32
  }
  func.func @transform_1(%arg0: i32) -> (i32, i32) {
    %c0_i32 = arith.constant 0 : i32
    %c0_i32_0 = arith.constant 0 : i32
    return %arg0, %c0_i32 : i32, i32
  }
  func.func @transform_2(%arg0: i32) -> (i32, i32) {
    %c0_i32 = arith.constant 0 : i32
    %c0_i32_0 = arith.constant 0 : i32
    return %arg0, %c0_i32 : i32, i32
  }
  func.func @transform_3(%arg0: i32) -> (i32, i32) {
    %c0_i32 = arith.constant 0 : i32
    %c0_i32_0 = arith.constant 0 : i32
    return %arg0, %c0_i32 : i32, i32
  }
  func.func @transform_4(%arg0: i32) -> (i32, i32) {
    %c0_i32 = arith.constant 0 : i32
    %c0_i32_0 = arith.constant 0 : i32
    %c0_i32_1 = arith.constant 0 : i32
    return %c0_i32, %c0_i32_0 : i32, i32
  }
  func.func @transform_5(%arg0: i32) -> (i32, i32, i32) {
    %c0_i32 = arith.constant 0 : i32
    %c0_i32_0 = arith.constant 0 : i32
    %c0_i32_1 = arith.constant 0 : i32
    return %arg0, %c0_i32, %c0_i32_0 : i32, i32, i32
  }
  func.func @transform_6(%arg0: i32) -> (i32, i32) {
    %c0_i32 = arith.constant 0 : i32
    %c0_i32_0 = arith.constant 0 : i32
    %c0_i32_1 = arith.constant 0 : i32
    return %c0_i32, %c0_i32_0 : i32, i32
  }
  func.func @transform_7(%arg0: i32) -> (i32, i32) {
    %c0_i32 = arith.constant 0 : i32
    %c0_i32_0 = arith.constant 0 : i32
    %c0_i32_1 = arith.constant 0 : i32
    return %c0_i32, %c0_i32_0 : i32, i32
  }
  func.func @transform_8(%arg0: i32) -> (i32, i32) {
    %c0_i32 = arith.constant 0 : i32
    %c0_i32_0 = arith.constant 0 : i32
    %c0_i32_1 = arith.constant 0 : i32
    return %c0_i32, %c0_i32_0 : i32, i32
  }
}

</mosaic_0001>

<sc_bundles>
// kernel: kernel.11.cloned.1.call-start
scs
__scs_entry_jumppad:
0x0: {  	(pc) =	sbr.rel $0x88, $3  }
0x1: {  	(tag) =	ssettag $0x0;
	lr =	simm.s32 $0x1  }
0x2: {  	[smem:$0x3F96] =	sst lr;
	_ =	strace $0xD0000000  }
0x3: {  	_ = 	snop  }
0x4: {  	_ = 	snop  }
0x5: {  	_ = 	snop  }
0x6: {  	_ = 	snop  }
0x7: {  	_ = 	snop  }
__scs_overlays_trampoline_lowered:
0x8: {  	[smem:$0x3FA5] =	sst s0  }
0x9: {  	[smem:$0x3FA6] =	sst s1  }
0xa: {  	[smem:$0x3FA7] =	sst s2  }
0xb: {  	[smem:$0x3FA8] =	sst s3  }
0xc: {  	[smem:$0x3FA9] =	sst s4  }
0xd: {  	[smem:$0x3FAA] =	sst s5  }
0xe: {  	[smem:$0x3FAB] =	sst s6  }
0xf: {  	[smem:$0x3FAC] =	sst s7  }
0x10: {  	[smem:$0x3FAD] =	sst s8  }
0x11: {  	[smem:$0x3FAE] =	sst s9;
	s0 =	simm.s32 @!p0 $0x0  }
0x12: {  	s1 =	sld [smem:$0x3F94];
	s0 =	simm.s32 @p0 $0x1  }
0x13: {  	[smem:$0x3FAF] =	sst s0;
	s0 =	simm.s32 @!p1 $0x0  }
0x14: {  	s2 =	sld [smem:$0x3F93];
	s0 =	simm.s32 @p1 $0x1  }
0x15: {  	[smem:$0x3FB0] =	sst s0;
	s0 =	simm.s32 @!p2 $0x0  }
0x16: {  	s3 =	sld [smem:$0x3FDB];
	s0 =	simm.s32 @p2 $0x1  }
0x17: {  	s4 =	simm.s32 $0x1BF5;
	[smem:$0x3FB2] =	sst s0  }
0x18: {  	s0 =	sld [smem:$0x3F95];
	_ =	swait.ge [sflag:s4], $0x0  }
0x19: {  	s7 =	sld [smem:$0x3F96]  }
0x1a: {  	s8 =	sadd.s32 $0xFFFFE003, lr  }
0x1b: {  	s9 =	sadd.s32 $0xFFFFFEF7, lr;
	s5 =	simm.s32 $0xFFFFFFFF;
	p2 =	slt.u32 s8, $0xFFFFF086  }
0x1c: {  	p1 =	slt.u32 s9, $0xF7A;
	s5 =	simm.s32 @!p2 $0x0  }
0x1d: {  	s5 =	simm.s32 @p1 $0x1;
	p0 =	seq.s32 s7, s2  }
0x1e: {  	s7 =	smul.u32 @!p0 $0xF7A, s2;
	p2 =	seq.s32 @!p0 s5, $0x0  }
0x1f: {  	s9 =	smul.u32 $0xF7A, s1;
	s8 =	simm.s32 @!p0 $0x1BF5;
	p2 =	por !p2, p0  }
0x20: {  	[sflag:s8] =	ssyncset.s32 @!p0 $0xFFFFF086;
	s6 =	sadd.s32 @!p0 s3, s7;
	s7 =	simm.s32 @!p0 $0x108  }
0x21: {  	s3 =	sadd.s32 s3, s9;
	s6 =	sadd.s32 @!p0 $0x88, s6;
	s7 =	simm.s32 @p2 $0x1082  }
0x22: {  	[simem:s7], [sflag:s8] =	dma.local @!p0 [hbm:s6], $0xF7A  }
0x23: {  	s9 =	sor.u32 $0xD0000000, s2;
	s6 =	simm.s32 $0x108;
	_ =	swait.ge @!p0 [sflag:s8], $0x0  }
0x24: {  	s3 =	sadd.s32 $0x88, s3;
	s6 =	simm.s32 @!p1 $0x1082;
	[sflag:s4] =	ssyncset.s32 $0xFFFFF086  }
0x25: {  	[simem:s6], [sflag:s4] =	dma.local [hbm:s3], $0xF7A  }
0x26: {  	[smem:$0x3F96] =	sst s1;
	(tag) =	ssettag s2;
	_ =	strace s9  }
0x27: {  	s1 =	sld [smem:$0x3FA6]  }
0x28: {  	s2 =	sld [smem:$0x3FA7]  }
0x29: {  	s4 =	sld [smem:$0x3FA9]  }
0x2a: {  	p0 =	seq.s32 s5, $0x0;
	s5 =	sld [smem:$0x3FAA]  }
0x2b: {  	s6 =	sld [smem:$0x3FAB]  }
0x2c: {  	s7 =	sld [smem:$0x3FAC]  }
0x2d: {  	s3 =	simm.s32 $0x108;
	s8 =	sld [smem:$0x3FAD]  }
0x2e: {  	s3 =	simm.s32 @!p0 $0x1082;
	s9 =	sld [smem:$0x3FAE]  }
0x2f: {  	lr =	sadd.s32 s0, s3;
	s0 =	sld [smem:$0x3FA5]  }
0x30: {  	s3 =	sld [smem:$0x3FA8]  }
0x31: {  	[smem:$0x3FB1] =	sst s10  }
0x32: {  	s10 =	sld [smem:$0x3FAF];
	_ =	sdelay $0x3  }
0x33: {  	p0 =	seq.s32 s10, $0x1;
	s10 =	sld [smem:$0x3FB1];
	_ =	sdelay $0x3  }
0x34: {  	[smem:$0x3FB1] =	sst s10  }
0x35: {  	s10 =	sld [smem:$0x3FB0];
	_ =	sdelay $0x3  }
0x36: {  	p1 =	seq.s32 s10, $0x1;
	s10 =	sld [smem:$0x3FB1];
	_ =	sdelay $0x3  }
0x37: {  	[smem:$0x3FB1] =	sst s10  }
0x38: {  	s10 =	sld [smem:$0x3FB2]  }
0x39: {  	_ = 	snop;
	(pc) =	sbr.ind lr, $3  }
0x3a: {  	_ = 	snop  }
0x3b: {  	_ = 	snop  }
0x3c: {  	p2 =	seq.s32 s10, $0x1;
	s10 =	sld [smem:$0x3FB1]  }
0x3d: {  	_ =	shalt  }
0x3e: {  	_ =	shalt  }
0x3f: {  	_ =	shalt  }
0x40: {  	_ =	shalt  }
0x41: {  	_ =	shalt  }
0x42: {  	_ =	shalt  }
0x43: {  	_ =	shalt  }
0x44: {  	_ =	shalt  }
0x45: {  	_ =	shalt  }
0x46: {  	_ =	shalt  }
0x47: {  	_ =	shalt  }
0x48: {  	_ =	shalt  }
0x49: {  	_ =	shalt  }
0x4a: {  	_ =	shalt  }
0x4b: {  	_ =	shalt  }
0x4c: {  	_ =	shalt  }
0x4d: {  	_ =	shalt  }
0x4e: {  	_ =	shalt  }
0x4f: {  	_ =	shalt  }
0x50: {  	_ =	shalt  }
0x51: {  	_ =	shalt  }
0x52: {  	_ =	shalt  }
0x53: {  	_ =	shalt  }
0x54: {  	_ =	shalt  }
0x55: {  	_ =	shalt  }
0x56: {  	_ =	shalt  }
0x57: {  	_ =	shalt  }
0x58: {  	_ =	shalt  }
0x59: {  	_ =	shalt  }
0x5a: {  	_ =	shalt  }
0x5b: {  	_ =	shalt  }
0x5c: {  	_ =	shalt  }
0x5d: {  	_ =	shalt  }
0x5e: {  	_ =	shalt  }
0x5f: {  	_ =	shalt  }
0x60: {  	_ =	shalt  }
0x61: {  	_ =	shalt  }
0x62: {  	_ =	shalt  }
0x63: {  	_ =	shalt  }
0x64: {  	_ =	shalt  }
0x65: {  	_ =	shalt  }
0x66: {  	_ =	shalt  }
0x67: {  	_ =	shalt  }
0x68: {  	_ =	shalt  }
0x69: {  	_ =	shalt  }
0x6a: {  	_ =	shalt  }
0x6b: {  	_ =	shalt  }
0x6c: {  	_ =	shalt  }
0x6d: {  	_ =	shalt  }
0x6e: {  	_ =	shalt  }
0x6f: {  	_ =	shalt  }
0x70: {  	_ =	shalt  }
0x71: {  	_ =	shalt  }
0x72: {  	_ =	shalt  }
0x73: {  	_ =	shalt  }
0x74: {  	_ =	shalt  }
0x75: {  	_ =	shalt  }
0x76: {  	_ =	shalt  }
0x77: {  	_ =	shalt  }
0x78: {  	_ =	shalt  }
0x79: {  	_ =	shalt  }
0x7a: {  	_ =	shalt  }
0x7b: {  	_ =	shalt  }
0x7c: {  	_ =	shalt  }
0x7d: {  	_ =	shalt  }
0x7e: {  	_ =	shalt  }
0x7f: {  	_ =	shalt  }
0x80: {  	_ =	shalt  }
0x81: {  	_ =	shalt  }
0x82: {  	_ =	shalt  }
0x83: {  	_ =	shalt  }
0x84: {  	_ =	shalt  }
0x85: {  	_ =	shalt  }
0x86: {  	_ =	shalt  }
0x87: {  	_ =	shalt  }
.Lfunc_end0:
.L_simem_size_0:
called_computation_lowered:
.L_overlay_start_0:
0x88: {  	s2 =	sld [smem:$0x3FD9]  }
0x89: {  	s3 =	sld [smem:$0x3FFE];
	_ =	sdelay $0x1  }
0x8a: {  	s1 =	srdreg.scid  }
0x8b: {  	s0 =	sand.u32 $0x1, s1  }
0x8c: {  	s16 =	sshll.u32 s0, $0xA;
	s2 =	sadd.s32 s3, s2  }
0x8d: {  	s2 =	sadd.s32 s2, s16  }
0x8e: {  	[smem:$0x3FBD] =	sst s2  }
0x8f: {  	_ = 	snop  }
0x90: {  	(tm) =	ssettm $0x1  }
0x91: {  	s17 =	sld [smem:$0x3FFB];
	_ =	sdelay $0x3  }
0x92: {  	_ =	strace s17  }
0x93: {  	s2 =	sld [smem:$0x3FFC];
	_ =	sdelay $0x3  }
0x94: {  	_ =	strace s2  }
0x95: {  	s2 =	sld [smem:$0x3FFD];
	_ =	sdelay $0x3  }
0x96: {  	_ =	strace s2  }
0x97: {  	_ =	strace $0x8FFFFFFF  }
0x98: {  	s18 =	sld [smem:$0x3FDB];
	_ =	sdelay $0x1  }
0x99: {  	s19 =	simm.s32 $_scs_section_size  }
0x9a: {  	s4 =	simm.s32 $_size__tile_overlayer_lowered;
	s5 =	simm.s32 $_tile_overlayer_lowered  }
0x9b: {  	s22 =	simm.s32 $0x1BFF;
	s21 =	sshll.u32 s5, $0x1;
	s2 =	sadd.s32 s19, s18  }
0x9c: {  	s6 =	simm.s32 $0x0;
	s20 =	sshll.u32 s4, $0x1;
	s4 =	sadd.s32 s21, s2  }
0x9d: {  	[timem:s6], [sflag:s22] =	dma.local [hbm:s4], s20  }
0x9e: {  	_ =	swait.ge [sflag:s22], s20  }
0x9f: {  	s3 =	ssub.s32 $0x0, s20;
	[sflag:s22] =	ssyncset.done $0x0  }
0xa0: {  	[sflag:s22] =	ssyncadd.s32 s3;
	_ =	sdelay $0x1  }
0xa1: {  	s23 =	simm.s32 $0x1B8B  }
0xa2: {  	_ =	swait.ge [sflag:s23], $0x1  }
0xa3: {  	[sflag:s23] =	ssyncset.done $0x0  }
0xa4: {  	s25 =	simm.s32 $0x1B8E;
	s24 =	sld [smem:$0x3FFE];
	[sflag:s23] =	ssyncadd.s32 $0xFFFFFFFF  }
0xa5: {  	s26 =	simm.s32 $execute0_lowered;
	[smem:$0x3FD2] =	sst s25  }
0xa6: {  	s4 =	sshll.u32 s26, $0x1;
	_ =	strace $0x80000046;
	[dreg:$0x1] =	wrdreg $0xFFFFFFFF  }
0xa7: {  	s28 =	simm.s32 $_size_execute0_lowered;
	s2 =	sadd.s32 s2, s4;
	[dreg:$0x0] =	wrdreg $0x0  }
0xa8: {  	s4 =	sshll.u32 s28, $0x1;
	[dreg:$0x2] =	wrdreg s2  }
0xa9: {  	[dreg:$0x3] =	wrdreg s4  }
0xaa: {  	[dreg:$0x4] =	wrdreg $0xC0  }
0xab: {  	_ =	task [dreg:s6], $0x5FFFF  }
0xac: {  	[dreg:$0x1] =	wrdreg $0xFFFFFFFF  }
0xad: {  	[dreg:$0x0] =	wrdreg $0x60  }
0xae: {  	[dreg:$0x2] =	wrdreg s24  }
0xaf: {  	[dreg:$0x3] =	wrdreg $0x9  }
0xb0: {  	_ =	task.clear_ibuf [dreg:s6], $0x4FFFF;
	_ =	strace $0x90000046  }
0xb1: {  	s29 =	simm.s32 $0x9;
	_ =	strace $0x80000048  }
0xb2: {  	_ =	swait.ge [sflag:s29], $0x1  }
0xb3: {  	[sflag:s29] =	ssyncadd.s32 $0xFFFFFFFF  }
0xb4: {  	_ =	strace $0x90000048  }
0xb5: {  	_ =	sfence  }
0xb6: {  	s30 =	sld [smem:$0x0];
	_ =	sdelay $0x2  }
0xb7: {  	s31 =	sshll.u32 s1, $0xD;
	s1 =	sshrl.u32 s1, $0x2  }
0xb8: {  	s3 =	sand.u32 $0x4000, s31;
	s1 =	sadd.s32 s1, s30  }
0xb9: {  	s0 =	sor.u32 s3, s0;
	s1 =	sshll.u32 s1, $0x11  }
0xba: {  	s0 =	sor.u32 s1, s0  }
0xbb: {  	s0 =	sadd.s32 $0x8F2B, s0  }
0xbc: {  	[sflag:s0] =	ssyncadd.remote.s32 $0x1  }
0xbd: {  	_ =	sfence.sel $0xFFFF  }
0xbe: {  	[dreg:$0x0] =	wrdreg $0xFFFFFFFF;
	(pc) =	sbr.abs _section_cstart, $3  }
0xbf: {  	[dreg:$0x1] =	wrdreg $0xFFFFFFFF  }
0xc0: {  	_ =	task.clear_ibuf [dreg:s6], $0x2FFFF;
	_ =	strace $0x9FFFFFFF  }
0xc1: {  	(tm) =	ssettm $0x7FFFFFFF  }
tec
execute0_lowered:
.L_overlay_start_1:
0x0: {  	(tag) =	ssettag $0x1  }
0x1: {  	s3 =	rddreg [dreg:$0x0]  }
0x2: {  	s0 =	rddreg [dreg:$0x1];
	s4 =	srdreg.scid  }
0x3: {  	s1 =	stileid.u32;
	s2 =	simm.s32 $0x0;
	s10 =	simm.s32 $0x1  }
0x4: {  	s11 =	simm.s32 $0x1400;
	s12 =	simm.s32 $0x5000;
	s13 =	simm.s32 $0x2800  }
0x5: {  	s14 =	simm.s32 $0x3C00;
	s4 =	sand.u32 $0x1, s4;
	s5 =	sshll.u32 s1, $0x1  }
0x6: {  	s15 =	simm.s32 $0x0;
	[smem:$0x7FF] =	sst s2;
	s5 =	sor.u32 s4, s5  }
0x7: {  	s6 =	sadd.s32 $0x4C00, s3;
	s4 =	ssub.s32 $0x2, s4;
	s5 =	smul.u32 $0x500, s5  }
0x8: {  	s7 =	sadd.s32 $0xEC00, s3;
	_ =	strace $0x80000047;
	s31 =	sshrl.u32 s4, $0x1  }
0x9: {  	s8 =	ssub.s32 s4, s31;
	s3 =	sadd.s32 s6, s5;
	s9 =	sor.u32 $0x10, s5  }
0xa: {  	v1 =	vlaneseq.u32;
	s5 =	sadd.s32 s7, s5;
	s4 =	sadd.s32 s6, s9;
	s6 =	sadd.s32 s7, s9  }
0xb: {  	v0 =	vimm.s32 $0x0;
	v1 =	vmul.u32 $0x4F0, v1;
	s7 =	smax.u32 s8, $0x1;
	s8 =	simm.s32 $0x80;
	s9 =	simm.s32 $0x100  }
.LBB2_1:
0xc: {  	[tilespmem:s2], [sflag:$0x1] =	stream.strided.gather [hbm4b:s3+s8], $0x1400, s9, s8, $0x38;
	[tilespmem:$0xA400] =	vst v63  }
0xd: {  	_ =	swait.ge [sflag:s10], $0x1400  }
0xe: {  	[sflag:s10] =	ssyncset.done $0x0  }
0xf: {  	[sflag:s10] =	ssyncadd.s32 $0xFFFFEC00  }
0x10: {  	[tilespmem:s11], [sflag:$0x1] =	stream.strided.gather [hbm4b:s4+s8], $0x1400, s9, s8, $0x38;
	[tilespmem:$0xA400] =	vst v63  }
0x11: {  	_ =	swait.ge [sflag:s10], $0x1400  }
0x12: {  	[sflag:s10] =	ssyncset.done $0x0  }
0x13: {  	s16 =	simm.s32 $0x40;
	s17 =	simm.s32 $0x0;
	[sflag:s10] =	ssyncadd.s32 $0xFFFFEC00  }
.LBB2_2:
0x14: {  	p0 =	sne.s32 s16, $0x13BC0;
	[tilespmem:s17+$0x5000] =	vst v0;
	s17 =	smov.u32 s16;
	s16 =	sadd.s32 $0x40, s16  }
.Ltmp0:
0x15: {  	(pc) =	sbr.rel @p0 .LBB2_2-.Ltmp0, $2  }
0x16: {  	_ =	sdelay $0x2  }
0x17: {  	s17 =	sshra.s32 s17, $0x2  }
0x18: {  	[tilespmem:s17+$0x5000] =	vst v0;
	s16 =	simm.s32 $0x0;
	s18 =	simm.s32 $0x0;
	s17 =	simm.s32 $0x40  }
.LBB2_4:
0x19: {  	p0 =	sne.s32 s17, $0x4FC0;
	v2 =	vld [tilespmem:s18+$0x0];
	_ =	sdelay $0x4  }
0x1a: {  	v2 =	vshrl.u32 v2, $0x3  }
0x1b: {  	v2 =	vadd.s32 v1, v2;
	_ =	sdelay $0x4  }
0x1c: {  	v3 =	vld.idx.msk [tilespmem:v2+s12+$0x0], $0xffff;
	_ =	sdelay $0x2  }
.Ltmp1:
0x1d: {  	(pc) =	sbr.rel @p0 .LBB2_4-.Ltmp1, $3  }
0x1e: {  	_ =	sdelay $0x1  }
0x1f: {  	v3 =	vadd.s32 $0x1, v3  }
0x20: {  	s18 =	sshra.s32 s17, $0x2;
	s17 =	sadd.s32 $0x40, s17;
	[tilespmem:v2+s12+$0x0] =	vst.idx.msk $0xffff, v3  }
0x21: {  	v2 =	vld [tilespmem:s18+$0x0];
	_ =	sdelay $0x4  }
0x22: {  	v2 =	vshrl.u32 v2, $0x3  }
0x23: {  	v2 =	vadd.s32 v1, v2;
	_ =	sdelay $0x4  }
0x24: {  	v3 =	vld.idx.msk [tilespmem:v2+s12+$0x0], $0xffff;
	_ =	sdelay $0x4  }
0x25: {  	v3 =	vadd.s32 $0x1, v3  }
0x26: {  	s19 =	simm.s32 $0x0;
	[tilespmem:v2+s12+$0x0] =	vst.idx.msk $0xffff, v3  }
0x27: {  	v2 =	vld [tilespmem:s19+$0x5000]  }
0x28: {  	v3 =	vld [tilespmem:s19+$0x54F0]  }
0x29: {  	v4 =	vld [tilespmem:s19+$0x59E0]  }
0x2a: {  	v5 =	vld [tilespmem:s19+$0x5ED0]  }
0x2b: {  	v6 =	vld [tilespmem:s19+$0x63C0]  }
0x2c: {  	[tilespmem:s19+$0x5000] =	vst v0;
	v7 =	vld [tilespmem:s19+$0x68B0]  }
0x2d: {  	[tilespmem:s19+$0x54F0] =	vst v2;
	v2 =	vadd.s32 v2, v3;
	v3 =	vld [tilespmem:s19+$0x6DA0]  }
0x2e: {  	[tilespmem:s19+$0x59E0] =	vst v2;
	v2 =	vadd.s32 v2, v4  }
0x2f: {  	v4 =	vld [tilespmem:s19+$0x7290];
	[tilespmem:s19+$0x5ED0] =	vst v2;
	v2 =	vadd.s32 v2, v5  }
0x30: {  	[tilespmem:s19+$0x63C0] =	vst v2;
	v2 =	vadd.s32 v2, v6  }
0x31: {  	[tilespmem:s19+$0x68B0] =	vst v2;
	v2 =	vadd.s32 v2, v7  }
0x32: {  	[tilespmem:s19+$0x6DA0] =	vst v2;
	v2 =	vadd.s32 v2, v3  }
0x33: {  	s16 =	sand.u32 $0x7F0, s16;
	[tilespmem:s19+$0x7290] =	vst v2  }
0x34: {  	v2 =	vadd.s32 v2, v4;
	v4 =	vld [tilespmem:s16+$0x7780]  }
0x35: {  	[tilespmem:s16+$0x7780] =	vst v2  }
0x36: {  	v3 =	vld [tilespmem:s19+$0x8650]  }
0x37: {  	v6 =	vld [tilespmem:s19+$0x7C70]  }
0x38: {  	v5 =	vld [tilespmem:s19+$0x8160]  }
0x39: {  	s21 =	simm.s32 $0xC0;
	s18 =	simm.s32 $0x10;
	v7 =	vadd.s32 v2, v4;
	v2 =	vld [tilespmem:s19+$0x9030]  }
0x3a: {  	s17 =	simm.s32 $0x20;
	s20 =	simm.s32 $0x10;
	s16 =	simm.s32 $0x10;
	v4 =	vld [tilespmem:s19+$0x8B40];
	[tilespmem:s19+$0x7C70] =	vst v7  }
.LBB2_6:
0x3b: {  	p0 =	sne.s32 s21, $0x1380  }
0x3c: {  	v8 =	vld [tilespmem:s16+$0x5000];
	s18 =	sadd.s32 $0x10, s18;
	s22 =	smov.u32 s21;
	s21 =	sadd.s32 $0x40, s21  }
0x3d: {  	[tilespmem:s16+$0x5000] =	vst v0;
	v6 =	vadd.s32 v7, v6;
	v7 =	vld [tilespmem:s19+$0x9520]  }
0x3e: {  	[tilespmem:s19+$0x8160] =	vst v6;
	v5 =	vadd.s32 v6, v5;
	v6 =	vld [tilespmem:s19+$0x9A10]  }
0x3f: {  	v9 =	vld [tilespmem:s16+$0x54F0];
	[tilespmem:s19+$0x8650] =	vst v5;
	v3 =	vadd.s32 v5, v3  }
0x40: {  	v5 =	vld [tilespmem:s16+$0x59E0];
	[tilespmem:s19+$0x8B40] =	vst v3;
	v3 =	vadd.s32 v3, v4  }
0x41: {  	v4 =	vld [tilespmem:s16+$0x5ED0];
	[tilespmem:s19+$0x9030] =	vst v3;
	v2 =	vadd.s32 v3, v2  }
0x42: {  	[tilespmem:s16+$0x54F0] =	vst v8;
	v3 =	vld [tilespmem:s16+$0x63C0];
	v7 =	vadd.s32 v2, v7  }
0x43: {  	v10 =	vld [tilespmem:s16+$0x68B0];
	[tilespmem:s19+$0x9A10] =	vst v7;
	v6 =	vadd.s32 v7, v6  }
0x44: {  	v7 =	vadd.s32 v8, v9;
	v8 =	vld [tilespmem:s16+$0x6DA0];
	[tilespmem:s19+$0x9520] =	vst v2  }
0x45: {  	[tilespmem:s16+$0x59E0] =	vst v7;
	v2 =	vadd.s32 v7, v5  }
0x46: {  	[tilespmem:s16+$0x5ED0] =	vst v2;
	v2 =	vadd.s32 v2, v4;
	v4 =	vld [tilespmem:s16+$0x7290]  }
0x47: {  	[tilespmem:s16+$0x63C0] =	vst v2;
	v2 =	vadd.s32 v2, v3  }
0x48: {  	[tilespmem:s16+$0x68B0] =	vst v2;
	v2 =	vadd.s32 v2, v10  }
0x49: {  	[tilespmem:s16+$0x6DA0] =	vst v2;
	v2 =	vadd.s32 v2, v8  }
0x4a: {  	[tilespmem:s16+$0x7290] =	vst v2  }
0x4b: {  	s23 =	sand.u32 $0x7F0, s20;
	s20 =	smov.u32 s18;
	v2 =	vadd.s32 v2, v4;
	[tilespmem:s19+$0x9F00] =	vst v6;
	s19 =	smov.u32 s16  }
0x4c: {  	s16 =	smov.u32 s17;
	v4 =	vld [tilespmem:s23+$0x7780]  }
0x4d: {  	[tilespmem:s23+$0x7780] =	vst v2  }
.Ltmp2:
0x4e: {  	v3 =	vld [tilespmem:s19+$0x8650];
	(pc) =	sbr.rel @p0 .LBB2_6-.Ltmp2, $4  }
0x4f: {  	s17 =	sshra.s32 s22, $0x2;
	v6 =	vld [tilespmem:s19+$0x7C70]  }
0x50: {  	v5 =	vld [tilespmem:s19+$0x8160]  }
0x51: {  	v7 =	vadd.s32 v2, v4;
	v2 =	vld [tilespmem:s19+$0x9030]  }
0x52: {  	[tilespmem:s19+$0x7C70] =	vst v7;
	v4 =	vld [tilespmem:s19+$0x8B40]  }
0x53: {  	v8 =	vld [tilespmem:s16+$0x5000];
	[tilespmem:s16+$0x5000] =	vst v0  }
0x54: {  	v6 =	vadd.s32 v7, v6;
	v40 =	vld [tilespmem:s19+$0x9520]  }
0x55: {  	v9 =	vld [tilespmem:s19+$0x9A10];
	[tilespmem:s19+$0x8160] =	vst v6;
	v5 =	vadd.s32 v6, v5  }
0x56: {  	v41 =	vld [tilespmem:s16+$0x54F0];
	[tilespmem:s19+$0x8650] =	vst v5;
	v3 =	vadd.s32 v5, v3  }
0x57: {  	v42 =	vld [tilespmem:s16+$0x59E0];
	[tilespmem:s19+$0x8B40] =	vst v3;
	v3 =	vadd.s32 v3, v4  }
0x58: {  	v43 =	vld [tilespmem:s16+$0x5ED0];
	[tilespmem:s19+$0x9030] =	vst v3;
	v2 =	vadd.s32 v3, v2  }
0x59: {  	[tilespmem:s16+$0x54F0] =	vst v8;
	v3 =	vld [tilespmem:s16+$0x63C0];
	v7 =	vadd.s32 v2, v40  }
0x5a: {  	v10 =	vld [tilespmem:s16+$0x68B0];
	[tilespmem:s19+$0x9A10] =	vst v7  }
0x5b: {  	v11 =	vld [tilespmem:s16+$0x6DA0];
	v6 =	vadd.s32 v8, v41;
	[tilespmem:s19+$0x9520] =	vst v2  }
0x5c: {  	[tilespmem:s16+$0x59E0] =	vst v6;
	v2 =	vadd.s32 v6, v42  }
0x5d: {  	[tilespmem:s16+$0x5ED0] =	vst v2;
	v2 =	vadd.s32 v2, v43  }
0x5e: {  	v44 =	vld [tilespmem:s16+$0x7290];
	[tilespmem:s16+$0x63C0] =	vst v2;
	v2 =	vadd.s32 v2, v3  }
0x5f: {  	[tilespmem:s16+$0x68B0] =	vst v2;
	v2 =	vadd.s32 v2, v10  }
0x60: {  	[tilespmem:s16+$0x6DA0] =	vst v2;
	v2 =	vadd.s32 v2, v11  }
0x61: {  	v3 =	vadd.s32 v7, v9;
	[tilespmem:s16+$0x7290] =	vst v2  }
0x62: {  	s20 =	sand.u32 $0x7F0, s20;
	[tilespmem:s19+$0x9F00] =	vst v3  }
0x63: {  	v2 =	vadd.s32 v2, v44;
	v3 =	vld [tilespmem:s20+$0x7780]  }
0x64: {  	[tilespmem:s20+$0x7780] =	vst v2  }
0x65: {  	v45 =	vld [tilespmem:s16+$0x8650]  }
0x66: {  	v46 =	vld [tilespmem:s16+$0x7C70]  }
0x67: {  	v47 =	vld [tilespmem:s16+$0x8160]  }
0x68: {  	v48 =	vld [tilespmem:s16+$0x8B40];
	v2 =	vadd.s32 v2, v3  }
0x69: {  	v3 =	vld [tilespmem:s16+$0x9030];
	[tilespmem:s16+$0x7C70] =	vst v2  }
0x6a: {  	v49 =	vld [tilespmem:s17+$0x5000];
	[tilespmem:s17+$0x5000] =	vst v0  }
0x6b: {  	v2 =	vadd.s32 v2, v46;
	v50 =	vld [tilespmem:s16+$0x9520]  }
0x6c: {  	[tilespmem:s16+$0x8160] =	vst v2;
	v51 =	vld [tilespmem:s16+$0x9A10];
	v2 =	vadd.s32 v2, v47  }
0x6d: {  	v52 =	vld [tilespmem:s17+$0x54F0];
	[tilespmem:s16+$0x8650] =	vst v2;
	v2 =	vadd.s32 v2, v45  }
0x6e: {  	v53 =	vld [tilespmem:s17+$0x59E0];
	[tilespmem:s16+$0x8B40] =	vst v2;
	v2 =	vadd.s32 v2, v48  }
0x6f: {  	v54 =	vld [tilespmem:s17+$0x5ED0];
	[tilespmem:s16+$0x9030] =	vst v2;
	v2 =	vadd.s32 v2, v3  }
0x70: {  	[tilespmem:s17+$0x54F0] =	vst v49;
	v3 =	vld [tilespmem:s17+$0x63C0];
	v5 =	vadd.s32 v2, v50  }
0x71: {  	v55 =	vld [tilespmem:s17+$0x68B0];
	[tilespmem:s16+$0x9A10] =	vst v5  }
0x72: {  	v6 =	vadd.s32 v49, v52;
	v56 =	vld [tilespmem:s17+$0x6DA0];
	[tilespmem:s16+$0x9520] =	vst v2  }
0x73: {  	v2 =	vadd.s32 v6, v53;
	[tilespmem:s17+$0x59E0] =	vst v6  }
0x74: {  	[tilespmem:s17+$0x5ED0] =	vst v2;
	v2 =	vadd.s32 v2, v54;
	v57 =	vld [tilespmem:s17+$0x7290]  }
0x75: {  	[tilespmem:s17+$0x63C0] =	vst v2;
	v2 =	vadd.s32 v2, v3  }
0x76: {  	[tilespmem:s17+$0x68B0] =	vst v2;
	v2 =	vadd.s32 v2, v55  }
0x77: {  	[tilespmem:s17+$0x6DA0] =	vst v2;
	v2 =	vadd.s32 v2, v56  }
0x78: {  	s18 =	sadd.s32 $0x10, s18;
	v3 =	vadd.s32 v5, v51;
	[tilespmem:s17+$0x7290] =	vst v2  }
0x79: {  	s18 =	sand.u32 $0x7F0, s18;
	v2 =	vadd.s32 v2, v57;
	[tilespmem:s16+$0x9F00] =	vst v3  }
0x7a: {  	v3 =	vld [tilespmem:s18+$0x7780];
	[tilespmem:s18+$0x7780] =	vst v2  }
0x7b: {  	v59 =	vld [tilespmem:s17+$0x7C70]  }
0x7c: {  	v60 =	vld [tilespmem:s17+$0x8160]  }
0x7d: {  	v58 =	vld [tilespmem:s17+$0x8650]  }
0x7e: {  	v61 =	vld [tilespmem:s17+$0x8B40]  }
0x7f: {  	v2 =	vadd.s32 v2, v3;
	v3 =	vld [tilespmem:s17+$0x9030]  }
0x80: {  	v62 =	vld [tilespmem:s17+$0x9520];
	[tilespmem:s17+$0x7C70] =	vst v2;
	v2 =	vadd.s32 v2, v59  }
0x81: {  	v63 =	vld [tilespmem:s17+$0x9A10];
	[tilespmem:s17+$0x8160] =	vst v2;
	v2 =	vadd.s32 v2, v60  }
0x82: {  	p0 =	por $0x1, $0x1;
	v4 =	vadd.s32 v2, v58;
	[tilespmem:s17+$0x8650] =	vst v2  }
.Ltmp3:
0x83: {  	v2 =	vadd.s32 v4, v61;
	[tilespmem:s17+$0x8B40] =	vst v4;
	(pc) =	sbr.rel @!p0 .LBB2_8-.Ltmp3, $4  }
0x84: {  	v3 =	vadd.s32 v2, v3;
	[tilespmem:s17+$0x9030] =	vst v2  }
0x85: {  	v2 =	vadd.s32 v3, v62;
	[tilespmem:s17+$0x9520] =	vst v3  }
0x86: {  	s21 =	simm.s32 $0x0;
	[tilespmem:s17+$0x9A10] =	vst v2;
	v2 =	vadd.s32 v2, v63  }
0x87: {  	p1 =	por $0x0, $0x0;
	s16 =	simm.s32 $0x0;
	[tilespmem:s17+$0x9F00] =	vst v2;
	s17 =	simm.s32 $0x40  }
0x88: {  	v2 =	vld [tilespmem:s21+$0x9F00];
	_ =	sdelay $0x4  }
0x89: {  	(xrf0) =	vadd.scan.msk.s32 $0xffff, v2;
	_ =	sdelay $0x4  }
0x8a: {  	p2 =	por $0x1, $0x1  }
.Ltmp4:
0x8b: {  	v3, _, _ =	vpop (xrf0);
	(pc) =	sbr.rel @!p2 .LBB2_10-.Ltmp4, $4  }
0x8c: {  	(v2sf) =	vpush v3, $0xF  }
0x8d: {  	v2 =	vsub.s32 s16, v2  }
0x8e: {  	s19 =	simm.s32 $0x10;
	v2 =	vadd.s32 v3, v2  }
0x8f: {  	s20 =	simm.s32 $0x80;
	p1 =	por $0x1, $0x1;
	s18 =	simm.s32 $0x0;
	[tilespmem:s21+$0x9F00] =	vst v2  }
.LBB2_11:
0x90: {  	p2 =	sne.s32 s20, $0x1380;
	v2 =	vld [tilespmem:s19+$0x9F00];
	_ =	sdelay $0x4  }
0x91: {  	(xrf0) =	vadd.scan.msk.s32 $0xffff, v2;
	_ =	sdelay $0x5  }
.Ltmp5:
0x92: {  	v3, _, _ =	vpop (xrf0);
	s21 =	spop (v2sf);
	(pc) =	sbr.rel @p2 .LBB2_11-.Ltmp5, $4  }
0x93: {  	(v2sf) =	vpush v3, $0xF;
	s18 =	sadd.s32 s18, s21  }
0x94: {  	v2 =	vsub.s32 s18, v2  }
0x95: {  	v2 =	vadd.s32 v3, v2  }
0x96: {  	[tilespmem:s19+$0x9F00] =	vst v2;
	s19 =	sshra.s32 s20, $0x2;
	s20 =	sadd.s32 $0x40, s20  }
0x97: {  	s21 =	smov.u32 s19  }
.LBB2_13:
0x98: {  	_ =	sdelay $0x1  }
0x99: {  	v2 =	vld [tilespmem:s21+$0x9F00];
	_ =	sdelay $0x4  }
0x9a: {  	(xrf0) =	vadd.scan.msk.s32 $0xffff, v2;
	_ =	sdelay $0x2  }
0x9b: {  	s19 =	spop @p1 (v2sf)  }
0x9c: {  	s18 =	sadd.s32 @p1 s18, s19;
	s19 =	simm.s32 $0x0  }
0x9d: {  	s19 =	smov.u32 @p1 s18  }
0x9e: {  	v3, _, _ =	vpop (xrf0);
	v2 =	vsub.s32 s19, v2  }
0x9f: {  	(v2sf) =	vpush v3, $0xF;
	v2 =	vadd.s32 v3, v2  }
0xa0: {  	s18 =	simm.s32 $0x0;
	[tilespmem:s21+$0x9F00] =	vst v2  }
0xa1: {  	v2 =	vld [tilespmem:s18+$0x9F00]  }
0xa2: {  	v3 =	vld [tilespmem:s18+$0x68B0]  }
0xa3: {  	v4 =	vld [tilespmem:s18+$0x59E0]  }
0xa4: {  	v5 =	vld [tilespmem:s18+$0x5ED0]  }
0xa5: {  	v6 =	vld [tilespmem:s18+$0x6DA0]  }
0xa6: {  	v7 =	vld [tilespmem:s18+$0x54F0]  }
0xa7: {  	v8 =	vld [tilespmem:s18+$0x5000]  }
0xa8: {  	v9 =	vld [tilespmem:s18+$0x63C0];
	v3 =	vadd.s32 v2, v3  }
0xa9: {  	[tilespmem:s18+$0x68B0] =	vst v3;
	v3 =	vadd.s32 v2, v5;
	v5 =	vld [tilespmem:s18+$0x7290]  }
.Ltmp6:
0xaa: {  	_ = 	snop;
	(pc) =	sbr.rel @!p0 .LBB2_15-.Ltmp6, $4  }
0xab: {  	[tilespmem:s18+$0x5ED0] =	vst v3;
	v3 =	vadd.s32 v2, v4  }
0xac: {  	v4 =	vadd.s32 v2, v7;
	[tilespmem:s18+$0x59E0] =	vst v3  }
0xad: {  	v7 =	vadd.s32 v2, v8;
	[tilespmem:s18+$0x54F0] =	vst v4  }
0xae: {  	s19 =	simm.s32 $0x0;
	v3 =	vadd.s32 v2, v6;
	[tilespmem:s18+$0x5000] =	vst v7;
	v4 =	vadd.s32 v2, v9;
	s31 =	spop (v2sf);
	v5 =	vadd.s32 v2, v5  }
.LBB2_14:
0xaf: {  	p0 =	sne.s32 s17, $0x1380  }
0xb0: {  	[tilespmem:s18+$0x7290] =	vst v5;
	s19 =	sadd.s32 $0x10, s19;
	s20 =	smov.u32 s17;
	s17 =	sadd.s32 $0x40, s17  }
0xb1: {  	[tilespmem:s18+$0x63C0] =	vst v4  }
0xb2: {  	s21 =	sand.u32 $0x7F0, s16;
	s16 =	smov.u32 s19;
	[tilespmem:s18+$0x6DA0] =	vst v3  }
0xb3: {  	v3 =	vld [tilespmem:s21+$0x7780];
	_ =	sdelay $0x4  }
0xb4: {  	v3 =	vadd.s32 v2, v3  }
0xb5: {  	[tilespmem:s21+$0x7780] =	vst v3  }
0xb6: {  	v3 =	vld [tilespmem:s18+$0x7C70]  }
0xb7: {  	s20 =	sshra.s32 s20, $0x2;
	v4 =	vld [tilespmem:s18+$0x8160]  }
0xb8: {  	v5 =	vld [tilespmem:s18+$0x8650]  }
0xb9: {  	v6 =	vld [tilespmem:s18+$0x8B40]  }
0xba: {  	v7 =	vld [tilespmem:s18+$0x9030]  }
0xbb: {  	v8 =	vld [tilespmem:s20+$0x59E0];
	v3 =	vadd.s32 v2, v3  }
0xbc: {  	v9 =	vld [tilespmem:s20+$0x6DA0];
	[tilespmem:s18+$0x7C70] =	vst v3;
	v3 =	vadd.s32 v2, v4  }
0xbd: {  	v4 =	vld [tilespmem:s20+$0x54F0];
	[tilespmem:s18+$0x8160] =	vst v3;
	v3 =	vadd.s32 v2, v5  }
0xbe: {  	v5 =	vld [tilespmem:s20+$0x9F00];
	[tilespmem:s18+$0x8650] =	vst v3;
	v3 =	vadd.s32 v2, v6  }
0xbf: {  	v6 =	vld [tilespmem:s20+$0x68B0];
	[tilespmem:s18+$0x8B40] =	vst v3;
	v3 =	vadd.s32 v2, v7  }
0xc0: {  	v7 =	vld [tilespmem:s20+$0x5ED0];
	[tilespmem:s18+$0x9030] =	vst v3  }
0xc1: {  	v10 =	vld [tilespmem:s18+$0x9520]  }
0xc2: {  	v11 =	vld [tilespmem:s18+$0x9A10];
	_ =	sdelay $0x1  }
0xc3: {  	v12 =	vld [tilespmem:s20+$0x5000];
	v3 =	vadd.s32 v5, v6  }
0xc4: {  	v6 =	vadd.s32 v5, v7;
	[tilespmem:s20+$0x68B0] =	vst v3;
	v3 =	vadd.s32 v5, v9;
	v7 =	vld [tilespmem:s20+$0x7290]  }
0xc5: {  	v4 =	vadd.s32 v5, v4;
	v8 =	vadd.s32 v5, v8;
	[tilespmem:s20+$0x5ED0] =	vst v6;
	v6 =	vld [tilespmem:s20+$0x63C0];
	v9 =	vadd.s32 v2, v10  }
.Ltmp7:
0xc6: {  	[tilespmem:s18+$0x9520] =	vst v9;
	v9 =	vadd.s32 v2, v11;
	v2 =	vmov v5;
	(pc) =	sbr.rel @p0 .LBB2_14-.Ltmp7, $4  }
0xc7: {  	[tilespmem:s18+$0x9A10] =	vst v9;
	s18 =	smov.u32 s20  }
0xc8: {  	v9 =	vadd.s32 v2, v12;
	[tilespmem:s18+$0x59E0] =	vst v8  }
0xc9: {  	[tilespmem:s18+$0x54F0] =	vst v4;
	v5 =	vadd.s32 v2, v7  }
0xca: {  	[tilespmem:s18+$0x5000] =	vst v9;
	v4 =	vadd.s32 v2, v6  }
.LBB2_15:
0xcb: {  	[tilespmem:s18+$0x7290] =	vst v5  }
0xcc: {  	[tilespmem:s18+$0x63C0] =	vst v4  }
0xcd: {  	[tilespmem:s18+$0x6DA0] =	vst v3;
	s16 =	sand.u32 $0x7F0, s16  }
0xce: {  	v3 =	vld [tilespmem:s16+$0x7780];
	_ =	sdelay $0x4  }
0xcf: {  	v3 =	vadd.s32 v2, v3  }
0xd0: {  	[tilespmem:s16+$0x7780] =	vst v3  }
0xd1: {  	v3 =	vld [tilespmem:s18+$0x7C70]  }
0xd2: {  	v4 =	vld [tilespmem:s18+$0x8160]  }
0xd3: {  	v5 =	vld [tilespmem:s18+$0x8650]  }
0xd4: {  	v6 =	vld [tilespmem:s18+$0x8B40]  }
0xd5: {  	v7 =	vld [tilespmem:s18+$0x9030]  }
0xd6: {  	v3 =	vadd.s32 v2, v3  }
0xd7: {  	[tilespmem:s18+$0x7C70] =	vst v3;
	v3 =	vadd.s32 v2, v4  }
0xd8: {  	[tilespmem:s18+$0x8160] =	vst v3;
	v3 =	vadd.s32 v2, v5  }
0xd9: {  	[tilespmem:s18+$0x8650] =	vst v3;
	v3 =	vadd.s32 v2, v6  }
0xda: {  	[tilespmem:s18+$0x8B40] =	vst v3;
	v3 =	vadd.s32 v2, v7  }
0xdb: {  	[tilespmem:s18+$0x9030] =	vst v3;
	v3 =	vld [tilespmem:s18+$0x9520]  }
0xdc: {  	v4 =	vld [tilespmem:s18+$0x9A10];
	_ =	sdelay $0x3  }
0xdd: {  	v3 =	vadd.s32 v2, v3  }
0xde: {  	v2 =	vadd.s32 v2, v4;
	[tilespmem:s18+$0x9520] =	vst v3  }
0xdf: {  	s31 =	simm.s32 $0x0;
	[tilespmem:s18+$0x9A10] =	vst v2  }
0xe0: {  	v3 =	vld [tilespmem:s31+$0x0];
	_ =	sdelay $0x4  }
0xe1: {  	v2 =	vshrl.u32 v3, $0x3  }
0xe2: {  	v2 =	vadd.s32 v1, v2;
	_ =	sdelay $0x4  }
0xe3: {  	v4 =	vld.idx.msk [tilespmem:v2+s12+$0x0], $0xffff;
	_ =	sdelay $0x3  }
0xe4: {  	v5 =	vld [tilespmem:s31+$0x1400];
	_ =	sdelay $0x3  }
0xe5: {  	[tilespmem:v4+s13+$0x0] =	vst.idx.msk $0xffff, v3  }
0xe6: {  	s17 =	simm.s32 $0x80;
	s16 =	simm.s32 $0x40;
	v3 =	vadd.s32 $0x1, v4;
	[tilespmem:v4+s14+$0x0] =	vst.idx.msk $0xffff, v5  }
.LBB2_16:
0xe7: {  	p0 =	sne.s32 s17, $0x4FC0  }
0xe8: {  	s18 =	sshra.s32 s16, $0x2;
	[tilespmem:v2+s12+$0x0] =	vst.idx.msk $0xffff, v3;
	s16 =	smov.u32 s17;
	s17 =	sadd.s32 $0x40, s17  }
0xe9: {  	v3 =	vld [tilespmem:s18+$0x0];
	_ =	sdelay $0x4  }
0xea: {  	v2 =	vshrl.u32 v3, $0x3  }
0xeb: {  	v2 =	vadd.s32 v1, v2;
	_ =	sdelay $0x4  }
0xec: {  	v4 =	vld.idx.msk [tilespmem:v2+s12+$0x0], $0xffff;
	_ =	sdelay $0x3  }
0xed: {  	v5 =	vld [tilespmem:s18+$0x1400]  }
.Ltmp8:
0xee: {  	(pc) =	sbr.rel @p0 .LBB2_16-.Ltmp8, $3  }
0xef: {  	_ =	sdelay $0x1  }
0xf0: {  	[tilespmem:v4+s13+$0x0] =	vst.idx.msk $0xffff, v3  }
0xf1: {  	v3 =	vadd.s32 $0x1, v4;
	[tilespmem:v4+s14+$0x0] =	vst.idx.msk $0xffff, v5  }
0xf2: {  	_ =	sdelay $0x3  }
0xf3: {  	s16 =	sshra.s32 s16, $0x2;
	[tilespmem:v2+s12+$0x0] =	vst.idx.msk $0xffff, v3  }
0xf4: {  	v2 =	vld [tilespmem:s16+$0x0];
	_ =	sdelay $0x4  }
0xf5: {  	v3 =	vshrl.u32 v2, $0x3  }
0xf6: {  	v3 =	vadd.s32 v1, v3;
	_ =	sdelay $0x4  }
0xf7: {  	v4 =	vld.idx.msk [tilespmem:v3+s12+$0x0], $0xffff;
	_ =	sdelay $0x3  }
0xf8: {  	v5 =	vld [tilespmem:s16+$0x1400];
	_ =	sdelay $0x3  }
0xf9: {  	[tilespmem:v4+s13+$0x0] =	vst.idx.msk $0xffff, v2  }
0xfa: {  	v2 =	vadd.s32 $0x1, v4;
	[tilespmem:v4+s14+$0x0] =	vst.idx.msk $0xffff, v5  }
0xfb: {  	[tilespmem:v3+s12+$0x0] =	vst.idx.msk $0xffff, v2  }
0xfc: {  	[hbm4b:s5+s8] =	stream.strided.scatter [tilespmem:s13], [sflag:$0x1], $0x1400, s9, s8, $0x38;
	[tilespmem:$0xA400] =	vst v63  }
0xfd: {  	_ =	swait.ge [sflag:s10], $0x1400  }
0xfe: {  	s15 =	sadd.s32 $0x1, s15;
	[sflag:s10] =	ssyncset.done $0x0  }
0xff: {  	p0 =	sne.s32 s15, s7;
	[sflag:s10] =	ssyncadd.s32 $0xFFFFEC00  }
0x100: {  	[hbm4b:s6+s8] =	stream.strided.scatter [tilespmem:s14], [sflag:$0x1], $0x1400, s9, s8, $0x38;
	[tilespmem:$0xA400] =	vst v63  }
.Ltmp9:
0x101: {  	_ = 	snop;
	(pc) =	sbr.rel @p0 .LBB2_1-.Ltmp9, $4  }
.Ltmp10:
0x102: {  	_ = 	snop;
	(pc) =	sbr.rel @!p0 .LBB2_18-.Ltmp10, $4  }
0x103: {  	_ =	swait.ge [sflag:s10], $0x1400  }
0x104: {  	[sflag:s10] =	ssyncset.done $0x0  }
0x105: {  	[sflag:s10] =	ssyncadd.s32 $0xFFFFEC00  }
0x106: {  	_ = 	snop  }
.LBB2_8:
.Ltmp11:
0x107: {  	(pc) =	sbr.rel .LBB2_13-.Ltmp11, $2  }
0x108: {  	_ =	sdelay $0x2  }
0x109: {  	s18 =	simm.s32 $0x0  }
.LBB2_10:
.Ltmp12:
0x10a: {  	(pc) =	sbr.rel .LBB2_13-.Ltmp12, $2  }
0x10b: {  	_ =	sdelay $0x2  }
0x10c: {  	s21 =	simm.s32 $0x10;
	s18 =	simm.s32 $0x0  }
.LBB2_18:
0x10d: {  	_ =	sfence.sel $0x180000  }
0x10e: {  	[bflag:$0x0] =	sbarrier.arrive $0xFFFF  }
0x10f: {  	p0 =	sne.s32 s1, $0x0;
	_ =	strace $0x90000047  }
0x110: {  	s0 =	sadd.s32 @!p0 $0x100000, s0;
	[bflag:$0x2] =	sbarrier.arrive $0xFFFF  }
0x111: {  	[sflag:s0] =	ssyncadd.tile.s32 @!p0 $0x1;
	_ =	shalt  }
.Lfunc_end2:
_tile_overlayer_lowered:
.L_overlay_start_2:
0x112: {  	(tag) =	ssettag $0x2  }
0x113: {  	s0 =	rddreg [dreg:$0x0];
	s2 =	stileid.u32  }
0x114: {  	s1 =	rddreg [dreg:$0x1];
	p0 =	sne.s32 s2, $0x0  }
0x115: {  	s3 =	rddreg [dreg:$0x2];
	[bflag:$0x3] =	sbarrier.arrive $0xFFFF;
	s2 =	simm.s32 @!p0 $0x1C01  }
0x116: {  	[timem:s3], [sflag:s2] =	dma.local @!p0 [hbm:s0], s1  }
0x117: {  	s0 =	simm.s32 @!p0 $0x1  }
0x118: {  	_ =	swait.ge @!p0 [sflag:s0], s1  }
0x119: {  	s1 =	ssub.s32 @!p0 $0x0, s1;
	[sflag:s0] =	ssyncset.done @!p0 $0x0  }
0x11a: {  	[sflag:s0] =	ssyncadd.s32 @!p0 s1  }
0x11b: {  	[bflag:$0x3] =	sbarrier.arrive $0xFFFF  }
0x11c: {  	_ =	shalt  }

// kernel: kernel.14.cloned.1.call-start
scs
__scs_entry_jumppad:
0x0: {  	(pc) =	sbr.rel $0x88, $3  }
0x1: {  	(tag) =	ssettag $0x0;
	lr =	simm.s32 $0x1  }
0x2: {  	[smem:$0x3F96] =	sst lr;
	_ =	strace $0xD0000000  }
0x3: {  	_ = 	snop  }
0x4: {  	_ = 	snop  }
0x5: {  	_ = 	snop  }
0x6: {  	_ = 	snop  }
0x7: {  	_ = 	snop  }
__scs_overlays_trampoline_lowered:
0x8: {  	[smem:$0x3FA5] =	sst s0  }
0x9: {  	[smem:$0x3FA6] =	sst s1  }
0xa: {  	[smem:$0x3FA7] =	sst s2  }
0xb: {  	[smem:$0x3FA8] =	sst s3  }
0xc: {  	[smem:$0x3FA9] =	sst s4  }
0xd: {  	[smem:$0x3FAA] =	sst s5  }
0xe: {  	[smem:$0x3FAB] =	sst s6  }
0xf: {  	[smem:$0x3FAC] =	sst s7  }
0x10: {  	[smem:$0x3FAD] =	sst s8  }
0x11: {  	[smem:$0x3FAE] =	sst s9;
	s0 =	simm.s32 @!p0 $0x0  }
0x12: {  	s1 =	sld [smem:$0x3F94];
	s0 =	simm.s32 @p0 $0x1  }
0x13: {  	[smem:$0x3FAF] =	sst s0;
	s0 =	simm.s32 @!p1 $0x0  }
0x14: {  	s2 =	sld [smem:$0x3F93];
	s0 =	simm.s32 @p1 $0x1  }
0x15: {  	[smem:$0x3FB0] =	sst s0;
	s0 =	simm.s32 @!p2 $0x0  }
0x16: {  	s3 =	sld [smem:$0x3FDB];
	s0 =	simm.s32 @p2 $0x1  }
0x17: {  	s4 =	simm.s32 $0x1BF5;
	[smem:$0x3FB2] =	sst s0  }
0x18: {  	s0 =	sld [smem:$0x3F95];
	_ =	swait.ge [sflag:s4], $0x0  }
0x19: {  	s7 =	sld [smem:$0x3F96]  }
0x1a: {  	s8 =	sadd.s32 $0xFFFFE003, lr  }
0x1b: {  	s9 =	sadd.s32 $0xFFFFFEF7, lr;
	s5 =	simm.s32 $0xFFFFFFFF;
	p2 =	slt.u32 s8, $0xFFFFF086  }
0x1c: {  	p1 =	slt.u32 s9, $0xF7A;
	s5 =	simm.s32 @!p2 $0x0  }
0x1d: {  	s5 =	simm.s32 @p1 $0x1;
	p0 =	seq.s32 s7, s2  }
0x1e: {  	s7 =	smul.u32 @!p0 $0xF7A, s2;
	p2 =	seq.s32 @!p0 s5, $0x0  }
0x1f: {  	s9 =	smul.u32 $0xF7A, s1;
	s8 =	simm.s32 @!p0 $0x1BF5;
	p2 =	por !p2, p0  }
0x20: {  	[sflag:s8] =	ssyncset.s32 @!p0 $0xFFFFF086;
	s6 =	sadd.s32 @!p0 s3, s7;
	s7 =	simm.s32 @!p0 $0x108  }
0x21: {  	s3 =	sadd.s32 s3, s9;
	s6 =	sadd.s32 @!p0 $0x88, s6;
	s7 =	simm.s32 @p2 $0x1082  }
0x22: {  	[simem:s7], [sflag:s8] =	dma.local @!p0 [hbm:s6], $0xF7A  }
0x23: {  	s9 =	sor.u32 $0xD0000000, s2;
	s6 =	simm.s32 $0x108;
	_ =	swait.ge @!p0 [sflag:s8], $0x0  }
0x24: {  	s3 =	sadd.s32 $0x88, s3;
	s6 =	simm.s32 @!p1 $0x1082;
	[sflag:s4] =	ssyncset.s32 $0xFFFFF086  }
0x25: {  	[simem:s6], [sflag:s4] =	dma.local [hbm:s3], $0xF7A  }
0x26: {  	[smem:$0x3F96] =	sst s1;
	(tag) =	ssettag s2;
	_ =	strace s9  }
0x27: {  	s1 =	sld [smem:$0x3FA6]  }
0x28: {  	s2 =	sld [smem:$0x3FA7]  }
0x29: {  	s4 =	sld [smem:$0x3FA9]  }
0x2a: {  	p0 =	seq.s32 s5, $0x0;
	s5 =	sld [smem:$0x3FAA]  }
0x2b: {  	s6 =	sld [smem:$0x3FAB]  }
0x2c: {  	s7 =	sld [smem:$0x3FAC]  }
0x2d: {  	s3 =	simm.s32 $0x108;
	s8 =	sld [smem:$0x3FAD]  }
0x2e: {  	s3 =	simm.s32 @!p0 $0x1082;
	s9 =	sld [smem:$0x3FAE]  }
0x2f: {  	lr =	sadd.s32 s0, s3;
	s0 =	sld [smem:$0x3FA5]  }
0x30: {  	s3 =	sld [smem:$0x3FA8]  }
0x31: {  	[smem:$0x3FB1] =	sst s10  }
0x32: {  	s10 =	sld [smem:$0x3FAF];
	_ =	sdelay $0x3  }
0x33: {  	p0 =	seq.s32 s10, $0x1;
	s10 =	sld [smem:$0x3FB1];
	_ =	sdelay $0x3  }
0x34: {  	[smem:$0x3FB1] =	sst s10  }
0x35: {  	s10 =	sld [smem:$0x3FB0];
	_ =	sdelay $0x3  }
0x36: {  	p1 =	seq.s32 s10, $0x1;
	s10 =	sld [smem:$0x3FB1];
	_ =	sdelay $0x3  }
0x37: {  	[smem:$0x3FB1] =	sst s10  }
0x38: {  	s10 =	sld [smem:$0x3FB2]  }
0x39: {  	_ = 	snop;
	(pc) =	sbr.ind lr, $3  }
0x3a: {  	_ = 	snop  }
0x3b: {  	_ = 	snop  }
0x3c: {  	p2 =	seq.s32 s10, $0x1;
	s10 =	sld [smem:$0x3FB1]  }
0x3d: {  	_ =	shalt  }
0x3e: {  	_ =	shalt  }
0x3f: {  	_ =	shalt  }
0x40: {  	_ =	shalt  }
0x41: {  	_ =	shalt  }
0x42: {  	_ =	shalt  }
0x43: {  	_ =	shalt  }
0x44: {  	_ =	shalt  }
0x45: {  	_ =	shalt  }
0x46: {  	_ =	shalt  }
0x47: {  	_ =	shalt  }
0x48: {  	_ =	shalt  }
0x49: {  	_ =	shalt  }
0x4a: {  	_ =	shalt  }
0x4b: {  	_ =	shalt  }
0x4c: {  	_ =	shalt  }
0x4d: {  	_ =	shalt  }
0x4e: {  	_ =	shalt  }
0x4f: {  	_ =	shalt  }
0x50: {  	_ =	shalt  }
0x51: {  	_ =	shalt  }
0x52: {  	_ =	shalt  }
0x53: {  	_ =	shalt  }
0x54: {  	_ =	shalt  }
0x55: {  	_ =	shalt  }
0x56: {  	_ =	shalt  }
0x57: {  	_ =	shalt  }
0x58: {  	_ =	shalt  }
0x59: {  	_ =	shalt  }
0x5a: {  	_ =	shalt  }
0x5b: {  	_ =	shalt  }
0x5c: {  	_ =	shalt  }
0x5d: {  	_ =	shalt  }
0x5e: {  	_ =	shalt  }
0x5f: {  	_ =	shalt  }
0x60: {  	_ =	shalt  }
0x61: {  	_ =	shalt  }
0x62: {  	_ =	shalt  }
0x63: {  	_ =	shalt  }
0x64: {  	_ =	shalt  }
0x65: {  	_ =	shalt  }
0x66: {  	_ =	shalt  }
0x67: {  	_ =	shalt  }
0x68: {  	_ =	shalt  }
0x69: {  	_ =	shalt  }
0x6a: {  	_ =	shalt  }
0x6b: {  	_ =	shalt  }
0x6c: {  	_ =	shalt  }
0x6d: {  	_ =	shalt  }
0x6e: {  	_ =	shalt  }
0x6f: {  	_ =	shalt  }
0x70: {  	_ =	shalt  }
0x71: {  	_ =	shalt  }
0x72: {  	_ =	shalt  }
0x73: {  	_ =	shalt  }
0x74: {  	_ =	shalt  }
0x75: {  	_ =	shalt  }
0x76: {  	_ =	shalt  }
0x77: {  	_ =	shalt  }
0x78: {  	_ =	shalt  }
0x79: {  	_ =	shalt  }
0x7a: {  	_ =	shalt  }
0x7b: {  	_ =	shalt  }
0x7c: {  	_ =	shalt  }
0x7d: {  	_ =	shalt  }
0x7e: {  	_ =	shalt  }
0x7f: {  	_ =	shalt  }
0x80: {  	_ =	shalt  }
0x81: {  	_ =	shalt  }
0x82: {  	_ =	shalt  }
0x83: {  	_ =	shalt  }
0x84: {  	_ =	shalt  }
0x85: {  	_ =	shalt  }
0x86: {  	_ =	shalt  }
0x87: {  	_ =	shalt  }
.Lfunc_end0:
.L_simem_size_0:
called_computation.1_lowered:
.L_overlay_start_0:
0x88: {  	s2 =	sld [smem:$0x3FD9]  }
0x89: {  	s3 =	sld [smem:$0x3FFE];
	_ =	sdelay $0x1  }
0x8a: {  	s1 =	srdreg.scid  }
0x8b: {  	s0 =	sand.u32 $0x1, s1  }
0x8c: {  	s16 =	sshll.u32 s0, $0xA;
	s2 =	sadd.s32 s3, s2  }
0x8d: {  	s2 =	sadd.s32 s2, s16  }
0x8e: {  	[smem:$0x3FBD] =	sst s2  }
0x8f: {  	_ = 	snop  }
0x90: {  	(tm) =	ssettm $0x1  }
0x91: {  	s17 =	sld [smem:$0x3FFB];
	_ =	sdelay $0x3  }
0x92: {  	_ =	strace s17  }
0x93: {  	s2 =	sld [smem:$0x3FFC];
	_ =	sdelay $0x3  }
0x94: {  	_ =	strace s2  }
0x95: {  	s2 =	sld [smem:$0x3FFD];
	_ =	sdelay $0x3  }
0x96: {  	_ =	strace s2  }
0x97: {  	_ =	strace $0x8FFFFFFF  }
0x98: {  	s18 =	sld [smem:$0x3FDB];
	_ =	sdelay $0x1  }
0x99: {  	s19 =	simm.s32 $_scs_section_size  }
0x9a: {  	s4 =	simm.s32 $_size__tile_overlayer_lowered;
	s5 =	simm.s32 $_tile_overlayer_lowered  }
0x9b: {  	s22 =	simm.s32 $0x1BFF;
	s21 =	sshll.u32 s5, $0x1;
	s2 =	sadd.s32 s19, s18  }
0x9c: {  	s6 =	simm.s32 $0x0;
	s20 =	sshll.u32 s4, $0x1;
	s4 =	sadd.s32 s21, s2  }
0x9d: {  	[timem:s6], [sflag:s22] =	dma.local [hbm:s4], s20  }
0x9e: {  	_ =	swait.ge [sflag:s22], s20  }
0x9f: {  	s3 =	ssub.s32 $0x0, s20;
	[sflag:s22] =	ssyncset.done $0x0  }
0xa0: {  	[sflag:s22] =	ssyncadd.s32 s3;
	_ =	sdelay $0x1  }
0xa1: {  	s23 =	simm.s32 $0x1B8B  }
0xa2: {  	_ =	swait.ge [sflag:s23], $0x1  }
0xa3: {  	[sflag:s23] =	ssyncset.done $0x0  }
0xa4: {  	s25 =	simm.s32 $0x1B8E;
	s24 =	sld [smem:$0x3FFE];
	[sflag:s23] =	ssyncadd.s32 $0xFFFFFFFF  }
0xa5: {  	s26 =	simm.s32 $execute0_lowered;
	[smem:$0x3FD2] =	sst s25  }
0xa6: {  	s4 =	sshll.u32 s26, $0x1;
	_ =	strace $0x80000049;
	[dreg:$0x1] =	wrdreg $0xFFFFFFFF  }
0xa7: {  	s28 =	simm.s32 $_size_execute0_lowered;
	s2 =	sadd.s32 s2, s4;
	[dreg:$0x0] =	wrdreg $0x0  }
0xa8: {  	s4 =	sshll.u32 s28, $0x1;
	[dreg:$0x2] =	wrdreg s2  }
0xa9: {  	[dreg:$0x3] =	wrdreg s4  }
0xaa: {  	[dreg:$0x4] =	wrdreg $0xC0  }
0xab: {  	_ =	task [dreg:s6], $0x5FFFF  }
0xac: {  	[dreg:$0x1] =	wrdreg $0xFFFFFFFF  }
0xad: {  	[dreg:$0x0] =	wrdreg $0x60  }
0xae: {  	[dreg:$0x2] =	wrdreg s24  }
0xaf: {  	[dreg:$0x3] =	wrdreg $0x54000  }
0xb0: {  	[dreg:$0x4] =	wrdreg $0x9  }
0xb1: {  	_ =	task.clear_ibuf [dreg:s6], $0x5FFFF;
	_ =	strace $0x90000049  }
0xb2: {  	s29 =	simm.s32 $0x9;
	_ =	strace $0x8000004B  }
0xb3: {  	_ =	swait.ge [sflag:s29], $0x1  }
0xb4: {  	[sflag:s29] =	ssyncadd.s32 $0xFFFFFFFF  }
0xb5: {  	_ =	strace $0x9000004B  }
0xb6: {  	_ =	sfence  }
0xb7: {  	s30 =	sld [smem:$0x0];
	_ =	sdelay $0x2  }
0xb8: {  	s31 =	sshll.u32 s1, $0xD;
	s1 =	sshrl.u32 s1, $0x2  }
0xb9: {  	s3 =	sand.u32 $0x4000, s31;
	s1 =	sadd.s32 s1, s30  }
0xba: {  	s0 =	sor.u32 s3, s0;
	s1 =	sshll.u32 s1, $0x11  }
0xbb: {  	s0 =	sor.u32 s1, s0  }
0xbc: {  	s0 =	sadd.s32 $0x8F2B, s0  }
0xbd: {  	[sflag:s0] =	ssyncadd.remote.s32 $0x1  }
0xbe: {  	_ =	sfence.sel $0xFFFF  }
0xbf: {  	[dreg:$0x0] =	wrdreg $0xFFFFFFFF;
	(pc) =	sbr.abs _section_cstart, $3  }
0xc0: {  	[dreg:$0x1] =	wrdreg $0xFFFFFFFF  }
0xc1: {  	_ =	task.clear_ibuf [dreg:s6], $0x2FFFF;
	_ =	strace $0x9FFFFFFF  }
0xc2: {  	(tm) =	ssettm $0x7FFFFFFF  }
0xc3: {  	_ =	shalt  }
tec
execute0_lowered:
.L_overlay_start_1:
0x0: {  	(tag) =	ssettag $0x1  }
0x1: {  	s5 =	rddreg [dreg:$0x0]  }
0x2: {  	s2 =	rddreg [dreg:$0x1]  }
0x3: {  	s0 =	rddreg [dreg:$0x2]  }
0x4: {  	s3 =	simm.s32 $0x0;
	s1 =	stileid.u32;
	s4 =	srdreg.scid  }
0x5: {  	s14 =	simm.s32 $0x0;
	[smem:$0x7FF] =	sst s3;
	s6 =	smul.u32 $0x13C00, s1  }
0x6: {  	s7 =	sand.u32 $0x1, s4;
	s9 =	sshll.u32 s1, $0x1;
	s4 =	sadd.s32 $0x36400, s5  }
0x7: {  	s26 =	smul.u32 $0x4F000, s1;
	s31 =	sshll.u32 s1, $0x6;
	_ =	strace $0x8000004A  }
0x8: {  	s8 =	smul.u32 $0x13C000, s7;
	s9 =	sor.u32 s7, s9;
	s7 =	ssub.s32 $0x2, s7  }
0x9: {  	s10 =	sshrl.u32 s6, $0x3;
	s25 =	smul.u32 $0x1400, s9;
	s28 =	sshrl.u32 s7, $0x1  }
0xa: {  	s29 =	sshrl.u32 s26, $0x2;
	s9 =	simm.s32 $0x1400;
	s6 =	sadd.s32 s6, s8  }
0xb: {  	s10 =	sadd.s32 s10, s5;
	s12 =	ssub.s32 s7, s28;
	s6 =	sshrl.u32 s6, $0x3  }
0xc: {  	s13 =	sadd.s32 s29, s2;
	s8 =	sshrl.u32 s25, $0x3;
	s11 =	sadd.s32 s6, s5  }
0xd: {  	s30 =	sadd.s32 s5, s8;
	s5 =	sadd.s32 $0xEC00, s10;
	s8 =	smax.u32 s12, $0x1  }
0xe: {  	s10 =	simm.s32 $0x1;
	s12 =	sshrl.u32 s13, $0x3;
	s13 =	simm.s32 $0x80  }
0xf: {  	s6 =	sadd.s32 $0x9C00, s30;
	s7 =	sadd.s32 $0x36C00, s11;
	s11 =	sor.u32 $0x1C01, s31  }
.LBB2_1:
0x10: {  	[tilespmem:s9], [sflag:$0x1] =	stream.linear.gather [hbm4b:s4+s3], $0x4000, $0x38;
	[tilespmem:$0x19000] =	vst v63  }
0x11: {  	_ =	swait.ge [sflag:s10], $0x4000  }
0x12: {  	[sflag:s10] =	ssyncset.done $0x0  }
0x13: {  	[sflag:s10] =	ssyncadd.s32 $0xFFFFC000  }
0x14: {  	[spmem:s12], [sflag:s11] =	dma.local [hbm:s5], $0x2780  }
0x15: {  	_ =	swait.ge [sflag:s10], $0x2780  }
0x16: {  	[sflag:s10] =	ssyncset.done $0x0  }
0x17: {  	[sflag:s10] =	ssyncadd.s32 $0xFFFFD880  }
0x18: {  	[tilespmem:s3], [sflag:$0x1] =	stream.linear.gather [hbm4b:s6+s3], $0x1400, $0x38;
	[tilespmem:$0x19000] =	vst v63  }
0x19: {  	_ =	swait.ge [sflag:s10], $0x1400  }
0x1a: {  	[sflag:s10] =	ssyncset.done $0x0  }
0x1b: {  	[sflag:s10] =	ssyncadd.s32 $0xFFFFEC00  }
0x1c: {  	s15 =	simm.s32 $0x0;
	[bflag:$0x0] =	sbarrier.arrive $0xFFFF  }
0x1d: {  	[spmem:s2] =	stream.indirect.scatter.add.f32 [tilespmem:s9], [sflag:$0x1], $0x80, s15, s13, $0xb8;
	[tilespmem:$0x19000] =	vst v63  }
0x1e: {  	_ =	swait.ge [sflag:s10], $0x4000  }
0x1f: {  	s15 =	simm.s32 $0x200;
	[sflag:s10] =	ssyncset.done $0x0  }
.LBB2_2:
0x20: {  	s16 =	sshra.s32 s15, $0x2;
	[sflag:s10] =	ssyncadd.s32 $0xFFFFC000;
	p0 =	sne.s32 s15, $0x4E00  }
0x21: {  	[spmem:s2] =	stream.indirect.scatter.add.f32 [tilespmem:s9], [sflag:$0x1], $0x80, s16, s13, $0xb8;
	[tilespmem:$0x19000] =	vst v63  }
.Ltmp0:
0x22: {  	_ = 	snop;
	(pc) =	sbr.rel @p0 .LBB2_2-.Ltmp0, $4  }
0x23: {  	_ = 	snop  }
0x24: {  	s15 =	sadd.s32 $0x200, s15  }
0x25: {  	_ =	swait.ge [sflag:s10], $0x4000  }
0x26: {  	[sflag:s10] =	ssyncset.done $0x0  }
0x27: {  	s14 =	sadd.s32 $0x1, s14  }
0x28: {  	[sflag:s10] =	ssyncadd.s32 $0xFFFFC000;
	p0 =	sne.s32 s14, s8  }
.Ltmp1:
0x29: {  	[bflag:$0x0] =	sbarrier.arrive $0xFFFF;
	(pc) =	sbr.rel @p0 .LBB2_1-.Ltmp1, $4  }
0x2a: {  	[hbm:s7], [sflag:s11] =	dma.local [spmem:s12], $0x2780  }
0x2b: {  	_ =	swait.ge [sflag:s10], $0x2780  }
0x2c: {  	[sflag:s10] =	ssyncset.done $0x0  }
0x2d: {  	[sflag:s10] =	ssyncadd.s32 $0xFFFFD880  }
0x2e: {  	_ =	sfence.sel $0x180000  }
0x2f: {  	[bflag:$0x0] =	sbarrier.arrive $0xFFFF  }
0x30: {  	p0 =	sne.s32 s1, $0x0;
	_ =	strace $0x9000004A  }
0x31: {  	s0 =	sadd.s32 @!p0 $0x100000, s0;
	[bflag:$0x2] =	sbarrier.arrive $0xFFFF  }
0x32: {  	[sflag:s0] =	ssyncadd.tile.s32 @!p0 $0x1;
	_ =	shalt  }
.Lfunc_end2:
_tile_overlayer_lowered:
.L_overlay_start_2:
0x33: {  	(tag) =	ssettag $0x2  }
0x34: {  	s0 =	rddreg [dreg:$0x0];
	s2 =	stileid.u32  }
0x35: {  	s1 =	rddreg [dreg:$0x1];
	p0 =	sne.s32 s2, $0x0  }
0x36: {  	s3 =	rddreg [dreg:$0x2];
	[bflag:$0x3] =	sbarrier.arrive $0xFFFF;
	s2 =	simm.s32 @!p0 $0x1C01  }
0x37: {  	[timem:s3], [sflag:s2] =	dma.local @!p0 [hbm:s0], s1  }
0x38: {  	s0 =	simm.s32 @!p0 $0x1  }
0x39: {  	_ =	swait.ge @!p0 [sflag:s0], s1  }
0x3a: {  	s1 =	ssub.s32 @!p0 $0x0, s1;
	[sflag:s0] =	ssyncset.done @!p0 $0x0  }
0x3b: {  	[sflag:s0] =	ssyncadd.s32 @!p0 s1  }
0x3c: {  	[bflag:$0x3] =	sbarrier.arrive $0xFFFF  }
0x3d: {  	_ =	shalt  }

// kernel: kernel.17.cloned.1.call-start
scs
__scs_entry_jumppad:
0x0: {  	(pc) =	sbr.rel $0x88, $3  }
0x1: {  	(tag) =	ssettag $0x0;
	lr =	simm.s32 $0x1  }
0x2: {  	[smem:$0x3F96] =	sst lr;
	_ =	strace $0xD0000000  }
0x3: {  	_ = 	snop  }
0x4: {  	_ = 	snop  }
0x5: {  	_ = 	snop  }
0x6: {  	_ = 	snop  }
0x7: {  	_ = 	snop  }
__scs_overlays_trampoline_lowered:
0x8: {  	[smem:$0x3FA5] =	sst s0  }
0x9: {  	[smem:$0x3FA6] =	sst s1  }
0xa: {  	[smem:$0x3FA7] =	sst s2  }
0xb: {  	[smem:$0x3FA8] =	sst s3  }
0xc: {  	[smem:$0x3FA9] =	sst s4  }
0xd: {  	[smem:$0x3FAA] =	sst s5  }
0xe: {  	[smem:$0x3FAB] =	sst s6  }
0xf: {  	[smem:$0x3FAC] =	sst s7  }
0x10: {  	[smem:$0x3FAD] =	sst s8  }
0x11: {  	[smem:$0x3FAE] =	sst s9;
	s0 =	simm.s32 @!p0 $0x0  }
0x12: {  	s1 =	sld [smem:$0x3F94];
	s0 =	simm.s32 @p0 $0x1  }
0x13: {  	[smem:$0x3FAF] =	sst s0;
	s0 =	simm.s32 @!p1 $0x0  }
0x14: {  	s2 =	sld [smem:$0x3F93];
	s0 =	simm.s32 @p1 $0x1  }
0x15: {  	[smem:$0x3FB0] =	sst s0;
	s0 =	simm.s32 @!p2 $0x0  }
0x16: {  	s3 =	sld [smem:$0x3FDB];
	s0 =	simm.s32 @p2 $0x1  }
0x17: {  	s4 =	simm.s32 $0x1BF5;
	[smem:$0x3FB2] =	sst s0  }
0x18: {  	s0 =	sld [smem:$0x3F95];
	_ =	swait.ge [sflag:s4], $0x0  }
0x19: {  	s7 =	sld [smem:$0x3F96]  }
0x1a: {  	s8 =	sadd.s32 $0xFFFFE003, lr  }
0x1b: {  	s9 =	sadd.s32 $0xFFFFFEF7, lr;
	s5 =	simm.s32 $0xFFFFFFFF;
	p2 =	slt.u32 s8, $0xFFFFF086  }
0x1c: {  	p1 =	slt.u32 s9, $0xF7A;
	s5 =	simm.s32 @!p2 $0x0  }
0x1d: {  	s5 =	simm.s32 @p1 $0x1;
	p0 =	seq.s32 s7, s2  }
0x1e: {  	s7 =	smul.u32 @!p0 $0xF7A, s2;
	p2 =	seq.s32 @!p0 s5, $0x0  }
0x1f: {  	s9 =	smul.u32 $0xF7A, s1;
	s8 =	simm.s32 @!p0 $0x1BF5;
	p2 =	por !p2, p0  }
0x20: {  	[sflag:s8] =	ssyncset.s32 @!p0 $0xFFFFF086;
	s6 =	sadd.s32 @!p0 s3, s7;
	s7 =	simm.s32 @!p0 $0x108  }
0x21: {  	s3 =	sadd.s32 s3, s9;
	s6 =	sadd.s32 @!p0 $0x88, s6;
	s7 =	simm.s32 @p2 $0x1082  }
0x22: {  	[simem:s7], [sflag:s8] =	dma.local @!p0 [hbm:s6], $0xF7A  }
0x23: {  	s9 =	sor.u32 $0xD0000000, s2;
	s6 =	simm.s32 $0x108;
	_ =	swait.ge @!p0 [sflag:s8], $0x0  }
0x24: {  	s3 =	sadd.s32 $0x88, s3;
	s6 =	simm.s32 @!p1 $0x1082;
	[sflag:s4] =	ssyncset.s32 $0xFFFFF086  }
0x25: {  	[simem:s6], [sflag:s4] =	dma.local [hbm:s3], $0xF7A  }
0x26: {  	[smem:$0x3F96] =	sst s1;
	(tag) =	ssettag s2;
	_ =	strace s9  }
0x27: {  	s1 =	sld [smem:$0x3FA6]  }
0x28: {  	s2 =	sld [smem:$0x3FA7]  }
0x29: {  	s4 =	sld [smem:$0x3FA9]  }
0x2a: {  	p0 =	seq.s32 s5, $0x0;
	s5 =	sld [smem:$0x3FAA]  }
0x2b: {  	s6 =	sld [smem:$0x3FAB]  }
0x2c: {  	s7 =	sld [smem:$0x3FAC]  }
0x2d: {  	s3 =	simm.s32 $0x108;
	s8 =	sld [smem:$0x3FAD]  }
0x2e: {  	s3 =	simm.s32 @!p0 $0x1082;
	s9 =	sld [smem:$0x3FAE]  }
0x2f: {  	lr =	sadd.s32 s0, s3;
	s0 =	sld [smem:$0x3FA5]  }
0x30: {  	s3 =	sld [smem:$0x3FA8]  }
0x31: {  	[smem:$0x3FB1] =	sst s10  }
0x32: {  	s10 =	sld [smem:$0x3FAF];
	_ =	sdelay $0x3  }
0x33: {  	p0 =	seq.s32 s10, $0x1;
	s10 =	sld [smem:$0x3FB1];
	_ =	sdelay $0x3  }
0x34: {  	[smem:$0x3FB1] =	sst s10  }
0x35: {  	s10 =	sld [smem:$0x3FB0];
	_ =	sdelay $0x3  }
0x36: {  	p1 =	seq.s32 s10, $0x1;
	s10 =	sld [smem:$0x3FB1];
	_ =	sdelay $0x3  }
0x37: {  	[smem:$0x3FB1] =	sst s10  }
0x38: {  	s10 =	sld [smem:$0x3FB2]  }
0x39: {  	_ = 	snop;
	(pc) =	sbr.ind lr, $3  }
0x3a: {  	_ = 	snop  }
0x3b: {  	_ = 	snop  }
0x3c: {  	p2 =	seq.s32 s10, $0x1;
	s10 =	sld [smem:$0x3FB1]  }
0x3d: {  	_ =	shalt  }
0x3e: {  	_ =	shalt  }
0x3f: {  	_ =	shalt  }
0x40: {  	_ =	shalt  }
0x41: {  	_ =	shalt  }
0x42: {  	_ =	shalt  }
0x43: {  	_ =	shalt  }
0x44: {  	_ =	shalt  }
0x45: {  	_ =	shalt  }
0x46: {  	_ =	shalt  }
0x47: {  	_ =	shalt  }
0x48: {  	_ =	shalt  }
0x49: {  	_ =	shalt  }
0x4a: {  	_ =	shalt  }
0x4b: {  	_ =	shalt  }
0x4c: {  	_ =	shalt  }
0x4d: {  	_ =	shalt  }
0x4e: {  	_ =	shalt  }
0x4f: {  	_ =	shalt  }
0x50: {  	_ =	shalt  }
0x51: {  	_ =	shalt  }
0x52: {  	_ =	shalt  }
0x53: {  	_ =	shalt  }
0x54: {  	_ =	shalt  }
0x55: {  	_ =	shalt  }
0x56: {  	_ =	shalt  }
0x57: {  	_ =	shalt  }
0x58: {  	_ =	shalt  }
0x59: {  	_ =	shalt  }
0x5a: {  	_ =	shalt  }
0x5b: {  	_ =	shalt  }
0x5c: {  	_ =	shalt  }
0x5d: {  	_ =	shalt  }
0x5e: {  	_ =	shalt  }
0x5f: {  	_ =	shalt  }
0x60: {  	_ =	shalt  }
0x61: {  	_ =	shalt  }
0x62: {  	_ =	shalt  }
0x63: {  	_ =	shalt  }
0x64: {  	_ =	shalt  }
0x65: {  	_ =	shalt  }
0x66: {  	_ =	shalt  }
0x67: {  	_ =	shalt  }
0x68: {  	_ =	shalt  }
0x69: {  	_ =	shalt  }
0x6a: {  	_ =	shalt  }
0x6b: {  	_ =	shalt  }
0x6c: {  	_ =	shalt  }
0x6d: {  	_ =	shalt  }
0x6e: {  	_ =	shalt  }
0x6f: {  	_ =	shalt  }
0x70: {  	_ =	shalt  }
0x71: {  	_ =	shalt  }
0x72: {  	_ =	shalt  }
0x73: {  	_ =	shalt  }
0x74: {  	_ =	shalt  }
0x75: {  	_ =	shalt  }
0x76: {  	_ =	shalt  }
0x77: {  	_ =	shalt  }
0x78: {  	_ =	shalt  }
0x79: {  	_ =	shalt  }
0x7a: {  	_ =	shalt  }
0x7b: {  	_ =	shalt  }
0x7c: {  	_ =	shalt  }
0x7d: {  	_ =	shalt  }
0x7e: {  	_ =	shalt  }
0x7f: {  	_ =	shalt  }
0x80: {  	_ =	shalt  }
0x81: {  	_ =	shalt  }
0x82: {  	_ =	shalt  }
0x83: {  	_ =	shalt  }
0x84: {  	_ =	shalt  }
0x85: {  	_ =	shalt  }
0x86: {  	_ =	shalt  }
0x87: {  	_ =	shalt  }
.Lfunc_end0:
.L_simem_size_0:
called_computation.2_lowered:
.L_overlay_start_0:
0x88: {  	s2 =	sld [smem:$0x3FD9]  }
0x89: {  	s3 =	sld [smem:$0x3FFE];
	_ =	sdelay $0x1  }
0x8a: {  	s1 =	srdreg.scid  }
0x8b: {  	s0 =	sand.u32 $0x1, s1  }
0x8c: {  	s16 =	sshll.u32 s0, $0xA;
	s2 =	sadd.s32 s3, s2  }
0x8d: {  	s2 =	sadd.s32 s2, s16  }
0x8e: {  	[smem:$0x3FBD] =	sst s2  }
0x8f: {  	_ = 	snop  }
0x90: {  	(tm) =	ssettm $0x1  }
0x91: {  	s17 =	sld [smem:$0x3FFB];
	_ =	sdelay $0x3  }
0x92: {  	_ =	strace s17  }
0x93: {  	s2 =	sld [smem:$0x3FFC];
	_ =	sdelay $0x3  }
0x94: {  	_ =	strace s2  }
0x95: {  	s2 =	sld [smem:$0x3FFD];
	_ =	sdelay $0x3  }
0x96: {  	_ =	strace s2  }
0x97: {  	_ =	strace $0x8FFFFFFF  }
0x98: {  	s18 =	sld [smem:$0x3FDB];
	_ =	sdelay $0x1  }
0x99: {  	s19 =	simm.s32 $_scs_section_size  }
0x9a: {  	s4 =	simm.s32 $_size__tile_overlayer_lowered;
	s5 =	simm.s32 $_tile_overlayer_lowered  }
0x9b: {  	s22 =	simm.s32 $0x1BFF;
	s21 =	sshll.u32 s5, $0x1;
	s2 =	sadd.s32 s19, s18  }
0x9c: {  	s6 =	simm.s32 $0x0;
	s20 =	sshll.u32 s4, $0x1;
	s4 =	sadd.s32 s21, s2  }
0x9d: {  	[timem:s6], [sflag:s22] =	dma.local [hbm:s4], s20  }
0x9e: {  	_ =	swait.ge [sflag:s22], s20  }
0x9f: {  	s3 =	ssub.s32 $0x0, s20;
	[sflag:s22] =	ssyncset.done $0x0  }
0xa0: {  	[sflag:s22] =	ssyncadd.s32 s3;
	_ =	sdelay $0x1  }
0xa1: {  	s23 =	simm.s32 $0x1B8B  }
0xa2: {  	_ =	swait.ge [sflag:s23], $0x1  }
0xa3: {  	[sflag:s23] =	ssyncset.done $0x0  }
0xa4: {  	s25 =	simm.s32 $0x1B8E;
	s24 =	sld [smem:$0x3FFE];
	[sflag:s23] =	ssyncadd.s32 $0xFFFFFFFF  }
0xa5: {  	s26 =	simm.s32 $execute0_lowered;
	[smem:$0x3FD2] =	sst s25  }
0xa6: {  	s4 =	sshll.u32 s26, $0x1;
	_ =	strace $0x8000004C;
	[dreg:$0x1] =	wrdreg $0xFFFFFFFF  }
0xa7: {  	s28 =	simm.s32 $_size_execute0_lowered;
	s2 =	sadd.s32 s2, s4;
	[dreg:$0x0] =	wrdreg $0x0  }
0xa8: {  	s4 =	sshll.u32 s28, $0x1;
	[dreg:$0x2] =	wrdreg s2  }
0xa9: {  	[dreg:$0x3] =	wrdreg s4  }
0xaa: {  	[dreg:$0x4] =	wrdreg $0xC0  }
0xab: {  	_ =	task [dreg:s6], $0x5FFFF  }
0xac: {  	[dreg:$0x1] =	wrdreg $0xFFFFFFFF  }
0xad: {  	[dreg:$0x0] =	wrdreg $0x60  }
0xae: {  	[dreg:$0x2] =	wrdreg s24  }
0xaf: {  	[dreg:$0x3] =	wrdreg $0x88000  }
0xb0: {  	[dreg:$0x4] =	wrdreg $0x9  }
0xb1: {  	_ =	task.clear_ibuf [dreg:s6], $0x5FFFF;
	_ =	strace $0x9000004C  }
0xb2: {  	s29 =	simm.s32 $0x9;
	_ =	strace $0x8000004E  }
0xb3: {  	_ =	swait.ge [sflag:s29], $0x1  }
0xb4: {  	[sflag:s29] =	ssyncadd.s32 $0xFFFFFFFF  }
0xb5: {  	_ =	strace $0x9000004E  }
0xb6: {  	_ =	sfence  }
0xb7: {  	s30 =	sld [smem:$0x0];
	_ =	sdelay $0x2  }
0xb8: {  	s31 =	sshll.u32 s1, $0xD;
	s1 =	sshrl.u32 s1, $0x2  }
0xb9: {  	s3 =	sand.u32 $0x4000, s31;
	s1 =	sadd.s32 s1, s30  }
0xba: {  	s0 =	sor.u32 s3, s0;
	s1 =	sshll.u32 s1, $0x11  }
0xbb: {  	s0 =	sor.u32 s1, s0  }
0xbc: {  	s0 =	sadd.s32 $0x8F2B, s0  }
0xbd: {  	[sflag:s0] =	ssyncadd.remote.s32 $0x1  }
0xbe: {  	_ =	sfence.sel $0xFFFF  }
0xbf: {  	[dreg:$0x0] =	wrdreg $0xFFFFFFFF;
	(pc) =	sbr.abs _section_cstart, $3  }
0xc0: {  	[dreg:$0x1] =	wrdreg $0xFFFFFFFF  }
0xc1: {  	_ =	task.clear_ibuf [dreg:s6], $0x2FFFF;
	_ =	strace $0x9FFFFFFF  }
0xc2: {  	(tm) =	ssettm $0x7FFFFFFF  }
0xc3: {  	_ =	shalt  }
tec
execute0_lowered:
.L_overlay_start_1:
0x0: {  	(tag) =	ssettag $0x1  }
0x1: {  	s0 =	rddreg [dreg:$0x0]  }
0x2: {  	s2 =	rddreg [dreg:$0x1];
	s3 =	simm.s32 $0x0;
	s13 =	stileid.u32  }
0x3: {  	s4 =	srdreg.scid;
	s14 =	simm.s32 $0x28000;
	s16 =	simm.s32 $0x4  }
0x4: {  	s17 =	simm.s32 $0x1;
	s18 =	simm.s32 $0x80;
	s28 =	simm.s32 $0x200  }
0x5: {  	s29 =	simm.s32 $0x580;
	s30 =	simm.s32 $0x280;
	s31 =	simm.s32 $0x600  }
0x6: {  	s15 =	simm.s32 $0x0;
	[smem:$0x7FF] =	sst s3;
	s1 =	smul.u32 $0x13C00, s13  }
0x7: {  	s7 =	sand.u32 $0x1, s4;
	s4 =	sadd.s32 $0x4C00, s0;
	s10 =	smul.u32 $0x4F000, s13  }
0x8: {  	s5 =	sadd.s32 $0x36400, s0;
	s6 =	sadd.s32 $0x5D600, s0;
	s12 =	smul.u32 $0x500, s13  }
0x9: {  	s23 =	sshll.u32 s13, $0x6;
	_ =	strace $0x8000004D;
	s9 =	smul.u32 $0x13C000, s7  }
0xa: {  	s19 =	ssub.s32 $0x2, s7;
	s24 =	sor.u32 $0x1C04, s23;
	p0 =	seq.s32 s7, $0x1  }
0xb: {  	s23 =	simm.s32 $0x3;
	s7 =	simm.s32 $0x380;
	s8 =	sshrl.u32 s1, $0x3  }
0xc: {  	s11 =	sshrl.u32 s19, $0x1;
	s21 =	sshrl.u32 s10, $0x2;
	s22 =	sadd.s32 s4, s12  }
0xd: {  	[dreg:$0x5] =	wrdreg s24;
	s10 =	smul.u32 $0xA, s13;
	s13 =	simm.s32 $0x400  }
0xe: {  	s24 =	simm.s32 $0x480;
	s8 =	sadd.s32 s8, s0;
	s1 =	sadd.s32 s1, s9  }
0xf: {  	s20 =	ssub.s32 s19, s11;
	[dreg:$0x3] =	wrdreg s22;
	s9 =	sadd.s32 s21, s2  }
0x10: {  	s19 =	simm.s32 $0x800;
	s21 =	simm.s32 $0x2;
	s22 =	simm.s32 $0x100  }
0x11: {  	s11 =	simm.s32 $0x780;
	s1 =	sshrl.u32 s1, $0x3;
	s8 =	sadd.s32 $0xEC00, s8  }
.Ltmp0:
0x12: {  	s25 =	smax.u32 s20, $0x1;
	[dreg:$0x4] =	wrdreg s8;
	(pc) =	sbr.rel .LBB2_1-.Ltmp0, $4  }
0x13: {  	s26 =	sshrl.u32 s9, $0x3;
	s20 =	simm.s32 $0x4800;
	[dreg:$0x7] =	wrdreg s25  }
0x14: {  	s0 =	sadd.s32 s1, s0;
	[dreg:$0x8] =	wrdreg s26;
	s25 =	simm.s32 $0x180  }
0x15: {  	s26 =	simm.s32 $0x500;
	s1 =	simm.s32 $0x680;
	s0 =	sadd.s32 $0xABA00, s0  }
0x16: {  	s8 =	simm.s32 $0x700;
	[dreg:$0x6] =	wrdreg s0;
	s0 =	simm.s32 $0x300  }
.LBB2_7:
0x17: {  	[tilespmem:s3], [sflag:$0x1] =	stream.strided.gather [hbm4b:s15+s13], $0x800, s14, s13, $0x38;
	[tilespmem:$0x1C400] =	vst v63  }
.LBB2_8:
0x18: {  	_ =	swait.ge [sflag:s17], $0x800  }
0x19: {  	[sflag:s17] =	ssyncset.done $0x0  }
0x1a: {  	[sflag:s17] =	ssyncadd.s32 $0xFFFFF800  }
0x1b: {  	[bflag:$0x0] =	sbarrier.arrive $0xFFFF  }
0x1c: {  	s9 =	rddreg [dreg:$0x6]  }
0x1d: {  	s15 =	rddreg [dreg:$0x5]  }
0x1e: {  	s12 =	rddreg [dreg:$0x8]  }
0x1f: {  	[hbm:s9], [sflag:s15] =	dma.local [spmem:s12], $0x2780  }
0x20: {  	_ =	swait.ge [sflag:s16], $0x2780  }
0x21: {  	s9 =	rddreg [dreg:$0x9]  }
0x22: {  	s12 =	rddreg [dreg:$0x7];
	s15 =	sadd.s32 $0x1, s9  }
0x23: {  	p1 =	sne.s32 s15, s12  }
.Ltmp1:
0x24: {  	_ = 	snop;
	(pc) =	sbr.rel @!p1 .LBB2_9-.Ltmp1, $3  }
0x25: {  	_ =	sdelay $0x1  }
0x26: {  	[sflag:s16] =	ssyncset.done $0x0  }
0x27: {  	[sflag:s16] =	ssyncadd.s32 $0xFFFFD880  }
.LBB2_1:
0x28: {  	[dreg:$0x9] =	wrdreg s15  }
0x29: {  	s9 =	rddreg [dreg:$0x3]  }
0x2a: {  	s15 =	rddreg [dreg:$0x5]  }
0x2b: {  	s12 =	rddreg [dreg:$0x8]  }
0x2c: {  	[tilespmem:s3], [sflag:$0x1] =	stream.strided.gather [hbm4b:s9+s13], $0x800, s14, s13, $0x38;
	[tilespmem:$0x1C400] =	vst v63  }
0x2d: {  	s9 =	rddreg [dreg:$0x4]  }
0x2e: {  	[spmem:s12], [sflag:s15] =	dma.local [hbm:s9], $0x2780  }
.Ltmp2:
0x2f: {  	_ =	swait.ge [sflag:s16], $0x2780;
	(pc) =	sbr.rel @!p0 .LBB2_2-.Ltmp2, $3  }
0x30: {  	[sflag:s16] =	ssyncset.done $0x0  }
0x31: {  	[sflag:s16] =	ssyncadd.s32 $0xFFFFD880  }
0x32: {  	[bflag:$0x0] =	sbarrier.arrive $0xFFFF;
	_ =	sdelay $0x1  }
0x33: {  	_ =	swait.ge [sflag:s17], $0x800  }
0x34: {  	[sflag:s17] =	ssyncset.done $0x0  }
0x35: {  	[sflag:s17] =	ssyncadd.s32 $0xFFFFF800  }
0x36: {  	[tilespmem:s19], [sflag:$0x2] =	stream.indirect.gather [hbm4b:s6+s18], $0x80, s3, s18, $0xb8;
	[tilespmem:$0x1C400] =	vst v63  }
0x37: {  	_ = 	snop  }
0x38: {  	[tilespmem:s20], [sflag:$0x3] =	stream.indirect.gather [hbm4b:s6+s18], $0x80, s18, s18, $0xb8;
	[tilespmem:$0x1C400] =	vst v63  }
0x39: {  	_ =	swait.ge [sflag:s21], $0x4000  }
0x3a: {  	[sflag:s21] =	ssyncset.done $0x0  }
0x3b: {  	[sflag:s21] =	ssyncadd.s32 $0xFFFFC000  }
0x3c: {  	[spmem:s2] =	stream.indirect.scatter.add.f32 [tilespmem:s19], [sflag:$0x4], $0x80, s13, s18, $0xb8;
	[tilespmem:$0x1C400] =	vst v63  }
0x3d: {  	_ =	swait.ge [sflag:s16], $0x4000  }
0x3e: {  	[sflag:s16] =	ssyncset.done $0x0  }
0x3f: {  	[sflag:s16] =	ssyncadd.s32 $0xFFFFC000  }
0x40: {  	[tilespmem:s19], [sflag:$0x2] =	stream.indirect.gather [hbm4b:s6+s18], $0x80, s22, s18, $0xb8;
	[tilespmem:$0x1C400] =	vst v63  }
0x41: {  	_ =	swait.ge [sflag:s23], $0x4000  }
0x42: {  	[sflag:s23] =	ssyncset.done $0x0  }
0x43: {  	[sflag:s23] =	ssyncadd.s32 $0xFFFFC000  }
0x44: {  	[spmem:s2] =	stream.indirect.scatter.add.f32 [tilespmem:s20], [sflag:$0x4], $0x80, s24, s18, $0xb8;
	[tilespmem:$0x1C400] =	vst v63  }
0x45: {  	_ =	swait.ge [sflag:s16], $0x4000  }
0x46: {  	[sflag:s16] =	ssyncset.done $0x0  }
0x47: {  	[sflag:s16] =	ssyncadd.s32 $0xFFFFC000  }
0x48: {  	[tilespmem:s20], [sflag:$0x3] =	stream.indirect.gather [hbm4b:s6+s18], $0x80, s25, s18, $0xb8;
	[tilespmem:$0x1C400] =	vst v63  }
0x49: {  	_ =	swait.ge [sflag:s21], $0x4000  }
0x4a: {  	[sflag:s21] =	ssyncset.done $0x0  }
0x4b: {  	[sflag:s21] =	ssyncadd.s32 $0xFFFFC000  }
0x4c: {  	[spmem:s2] =	stream.indirect.scatter.add.f32 [tilespmem:s19], [sflag:$0x4], $0x80, s26, s18, $0xb8;
	[tilespmem:$0x1C400] =	vst v63  }
0x4d: {  	_ =	swait.ge [sflag:s16], $0x4000  }
0x4e: {  	[sflag:s16] =	ssyncset.done $0x0  }
0x4f: {  	[sflag:s16] =	ssyncadd.s32 $0xFFFFC000  }
0x50: {  	[tilespmem:s19], [sflag:$0x2] =	stream.indirect.gather [hbm4b:s6+s18], $0x80, s28, s18, $0xb8;
	[tilespmem:$0x1C400] =	vst v63  }
0x51: {  	_ =	swait.ge [sflag:s23], $0x4000  }
0x52: {  	[sflag:s23] =	ssyncset.done $0x0  }
0x53: {  	[sflag:s23] =	ssyncadd.s32 $0xFFFFC000  }
0x54: {  	[spmem:s2] =	stream.indirect.scatter.add.f32 [tilespmem:s20], [sflag:$0x4], $0x80, s29, s18, $0xb8;
	[tilespmem:$0x1C400] =	vst v63  }
0x55: {  	_ =	swait.ge [sflag:s16], $0x4000  }
0x56: {  	[sflag:s16] =	ssyncset.done $0x0  }
0x57: {  	[sflag:s16] =	ssyncadd.s32 $0xFFFFC000  }
0x58: {  	[tilespmem:s20], [sflag:$0x3] =	stream.indirect.gather [hbm4b:s6+s18], $0x80, s30, s18, $0xb8;
	[tilespmem:$0x1C400] =	vst v63  }
0x59: {  	_ =	swait.ge [sflag:s21], $0x4000  }
0x5a: {  	[sflag:s21] =	ssyncset.done $0x0  }
0x5b: {  	[sflag:s21] =	ssyncadd.s32 $0xFFFFC000  }
0x5c: {  	[spmem:s2] =	stream.indirect.scatter.add.f32 [tilespmem:s19], [sflag:$0x4], $0x80, s31, s18, $0xb8;
	[tilespmem:$0x1C400] =	vst v63  }
0x5d: {  	_ =	swait.ge [sflag:s16], $0x4000  }
0x5e: {  	[sflag:s16] =	ssyncset.done $0x0  }
0x5f: {  	[sflag:s16] =	ssyncadd.s32 $0xFFFFC000  }
0x60: {  	[tilespmem:s19], [sflag:$0x2] =	stream.indirect.gather [hbm4b:s6+s18], $0x80, s0, s18, $0xb8;
	[tilespmem:$0x1C400] =	vst v63  }
0x61: {  	_ =	swait.ge [sflag:s23], $0x4000  }
0x62: {  	[sflag:s23] =	ssyncset.done $0x0  }
0x63: {  	[sflag:s23] =	ssyncadd.s32 $0xFFFFC000  }
0x64: {  	[spmem:s2] =	stream.indirect.scatter.add.f32 [tilespmem:s20], [sflag:$0x4], $0x80, s1, s18, $0xb8;
	[tilespmem:$0x1C400] =	vst v63  }
0x65: {  	_ =	swait.ge [sflag:s16], $0x4000  }
0x66: {  	[sflag:s16] =	ssyncset.done $0x0  }
0x67: {  	[sflag:s16] =	ssyncadd.s32 $0xFFFFC000  }
0x68: {  	[tilespmem:s20], [sflag:$0x3] =	stream.indirect.gather [hbm4b:s6+s18], $0x80, s7, s18, $0xb8;
	[tilespmem:$0x1C400] =	vst v63  }
0x69: {  	_ =	swait.ge [sflag:s21], $0x4000  }
0x6a: {  	[sflag:s21] =	ssyncset.done $0x0  }
0x6b: {  	[sflag:s21] =	ssyncadd.s32 $0xFFFFC000  }
0x6c: {  	[spmem:s2] =	stream.indirect.scatter.add.f32 [tilespmem:s19], [sflag:$0x4], $0x80, s8, s18, $0xb8;
	[tilespmem:$0x1C400] =	vst v63  }
0x6d: {  	_ =	swait.ge [sflag:s16], $0x4000  }
0x6e: {  	[sflag:s16] =	ssyncset.done $0x0  }
0x6f: {  	[sflag:s16] =	ssyncadd.s32 $0xFFFFC000  }
0x70: {  	_ =	swait.ge [sflag:s23], $0x4000  }
0x71: {  	[sflag:s23] =	ssyncset.done $0x0  }
0x72: {  	s9 =	smin.u32 s17, $0x9;
	[sflag:s23] =	ssyncadd.s32 $0xFFFFC000  }
0x73: {  	[spmem:s2] =	stream.indirect.scatter.add.f32 [tilespmem:s20], [sflag:$0x4], $0x80, s11, s18, $0xb8;
	[tilespmem:$0x1C400] =	vst v63  }
0x74: {  	s9 =	sadd.s32 s10, s9;
	_ =	swait.ge [sflag:s16], $0x4000  }
0x75: {  	s15 =	sshll.u32 s9, $0x7;
	[sflag:s16] =	ssyncset.done $0x0  }
0x76: {  	s9 =	simm.s32 $0x2;
	s15 =	sadd.s32 s4, s15;
	[sflag:s16] =	ssyncadd.s32 $0xFFFFC000  }
.LBB2_6:
0x77: {  	[tilespmem:s3], [sflag:$0x1] =	stream.strided.gather [hbm4b:s15+s13], $0x800, s14, s13, $0x38;
	[tilespmem:$0x1C400] =	vst v63  }
0x78: {  	s15 =	smov.u32 s9  }
0x79: {  	p1 =	sne.s32 s9, $0xA;
	s9 =	sadd.s32 $0x1, s9;
	_ =	swait.ge [sflag:s17], $0x800  }
0x7a: {  	[sflag:s17] =	ssyncset.done $0x0  }
0x7b: {  	[sflag:s17] =	ssyncadd.s32 $0xFFFFF800  }
0x7c: {  	[tilespmem:s19], [sflag:$0x2] =	stream.indirect.gather [hbm4b:s6+s18], $0x80, s3, s18, $0xb8;
	[tilespmem:$0x1C400] =	vst v63  }
0x7d: {  	_ = 	snop  }
0x7e: {  	[tilespmem:s20], [sflag:$0x3] =	stream.indirect.gather [hbm4b:s6+s18], $0x80, s18, s18, $0xb8;
	[tilespmem:$0x1C400] =	vst v63  }
0x7f: {  	_ =	swait.ge [sflag:s21], $0x4000  }
0x80: {  	[sflag:s21] =	ssyncset.done $0x0  }
0x81: {  	[sflag:s21] =	ssyncadd.s32 $0xFFFFC000  }
0x82: {  	[spmem:s2] =	stream.indirect.scatter.add.f32 [tilespmem:s19], [sflag:$0x4], $0x80, s13, s18, $0xb8;
	[tilespmem:$0x1C400] =	vst v63  }
0x83: {  	_ =	swait.ge [sflag:s16], $0x4000  }
0x84: {  	[sflag:s16] =	ssyncset.done $0x0  }
0x85: {  	[sflag:s16] =	ssyncadd.s32 $0xFFFFC000  }
0x86: {  	[tilespmem:s19], [sflag:$0x2] =	stream.indirect.gather [hbm4b:s6+s18], $0x80, s22, s18, $0xb8;
	[tilespmem:$0x1C400] =	vst v63  }
0x87: {  	_ =	swait.ge [sflag:s23], $0x4000  }
0x88: {  	[sflag:s23] =	ssyncset.done $0x0  }
0x89: {  	[sflag:s23] =	ssyncadd.s32 $0xFFFFC000  }
0x8a: {  	[spmem:s2] =	stream.indirect.scatter.add.f32 [tilespmem:s20], [sflag:$0x4], $0x80, s24, s18, $0xb8;
	[tilespmem:$0x1C400] =	vst v63  }
0x8b: {  	_ =	swait.ge [sflag:s16], $0x4000  }
0x8c: {  	[sflag:s16] =	ssyncset.done $0x0  }
0x8d: {  	[sflag:s16] =	ssyncadd.s32 $0xFFFFC000  }
0x8e: {  	[tilespmem:s20], [sflag:$0x3] =	stream.indirect.gather [hbm4b:s6+s18], $0x80, s25, s18, $0xb8;
	[tilespmem:$0x1C400] =	vst v63  }
0x8f: {  	_ =	swait.ge [sflag:s21], $0x4000  }
0x90: {  	[sflag:s21] =	ssyncset.done $0x0  }
0x91: {  	[sflag:s21] =	ssyncadd.s32 $0xFFFFC000  }
0x92: {  	[spmem:s2] =	stream.indirect.scatter.add.f32 [tilespmem:s19], [sflag:$0x4], $0x80, s26, s18, $0xb8;
	[tilespmem:$0x1C400] =	vst v63  }
0x93: {  	_ =	swait.ge [sflag:s16], $0x4000  }
0x94: {  	[sflag:s16] =	ssyncset.done $0x0  }
0x95: {  	[sflag:s16] =	ssyncadd.s32 $0xFFFFC000  }
0x96: {  	[tilespmem:s19], [sflag:$0x2] =	stream.indirect.gather [hbm4b:s6+s18], $0x80, s28, s18, $0xb8;
	[tilespmem:$0x1C400] =	vst v63  }
0x97: {  	_ =	swait.ge [sflag:s23], $0x4000  }
0x98: {  	[sflag:s23] =	ssyncset.done $0x0  }
0x99: {  	[sflag:s23] =	ssyncadd.s32 $0xFFFFC000  }
0x9a: {  	[spmem:s2] =	stream.indirect.scatter.add.f32 [tilespmem:s20], [sflag:$0x4], $0x80, s29, s18, $0xb8;
	[tilespmem:$0x1C400] =	vst v63  }
0x9b: {  	_ =	swait.ge [sflag:s16], $0x4000  }
0x9c: {  	[sflag:s16] =	ssyncset.done $0x0  }
0x9d: {  	[sflag:s16] =	ssyncadd.s32 $0xFFFFC000  }
0x9e: {  	[tilespmem:s20], [sflag:$0x3] =	stream.indirect.gather [hbm4b:s6+s18], $0x80, s30, s18, $0xb8;
	[tilespmem:$0x1C400] =	vst v63  }
0x9f: {  	_ =	swait.ge [sflag:s21], $0x4000  }
0xa0: {  	[sflag:s21] =	ssyncset.done $0x0  }
0xa1: {  	[sflag:s21] =	ssyncadd.s32 $0xFFFFC000  }
0xa2: {  	[spmem:s2] =	stream.indirect.scatter.add.f32 [tilespmem:s19], [sflag:$0x4], $0x80, s31, s18, $0xb8;
	[tilespmem:$0x1C400] =	vst v63  }
0xa3: {  	_ =	swait.ge [sflag:s16], $0x4000  }
0xa4: {  	[sflag:s16] =	ssyncset.done $0x0  }
0xa5: {  	[sflag:s16] =	ssyncadd.s32 $0xFFFFC000  }
0xa6: {  	[tilespmem:s19], [sflag:$0x2] =	stream.indirect.gather [hbm4b:s6+s18], $0x80, s0, s18, $0xb8;
	[tilespmem:$0x1C400] =	vst v63  }
0xa7: {  	_ =	swait.ge [sflag:s23], $0x4000  }
0xa8: {  	[sflag:s23] =	ssyncset.done $0x0  }
0xa9: {  	[sflag:s23] =	ssyncadd.s32 $0xFFFFC000  }
0xaa: {  	[spmem:s2] =	stream.indirect.scatter.add.f32 [tilespmem:s20], [sflag:$0x4], $0x80, s1, s18, $0xb8;
	[tilespmem:$0x1C400] =	vst v63  }
0xab: {  	_ =	swait.ge [sflag:s16], $0x4000  }
0xac: {  	[sflag:s16] =	ssyncset.done $0x0  }
0xad: {  	[sflag:s16] =	ssyncadd.s32 $0xFFFFC000  }
0xae: {  	[tilespmem:s20], [sflag:$0x3] =	stream.indirect.gather [hbm4b:s6+s18], $0x80, s7, s18, $0xb8;
	[tilespmem:$0x1C400] =	vst v63  }
0xaf: {  	_ =	swait.ge [sflag:s21], $0x4000  }
0xb0: {  	[sflag:s21] =	ssyncset.done $0x0  }
0xb1: {  	[sflag:s21] =	ssyncadd.s32 $0xFFFFC000  }
0xb2: {  	[spmem:s2] =	stream.indirect.scatter.add.f32 [tilespmem:s19], [sflag:$0x4], $0x80, s8, s18, $0xb8;
	[tilespmem:$0x1C400] =	vst v63  }
0xb3: {  	_ =	swait.ge [sflag:s16], $0x4000  }
0xb4: {  	[sflag:s16] =	ssyncset.done $0x0  }
0xb5: {  	[sflag:s16] =	ssyncadd.s32 $0xFFFFC000  }
0xb6: {  	_ =	swait.ge [sflag:s23], $0x4000  }
0xb7: {  	[sflag:s23] =	ssyncset.done $0x0  }
.Ltmp3:
0xb8: {  	s15 =	smin.u32 s15, $0x9;
	[sflag:s23] =	ssyncadd.s32 $0xFFFFC000;
	(pc) =	sbr.rel @p1 .LBB2_6-.Ltmp3, $4  }
0xb9: {  	[spmem:s2] =	stream.indirect.scatter.add.f32 [tilespmem:s20], [sflag:$0x4], $0x80, s11, s18, $0xb8;
	[tilespmem:$0x1C400] =	vst v63  }
0xba: {  	s15 =	sadd.s32 s10, s15;
	_ =	swait.ge [sflag:s16], $0x4000  }
0xbb: {  	s15 =	sshll.u32 s15, $0x7;
	[sflag:s16] =	ssyncset.done $0x0  }
0xbc: {  	s15 =	sadd.s32 s4, s15;
	[sflag:s16] =	ssyncadd.s32 $0xFFFFC000  }
.Ltmp4:
0xbd: {  	_ = 	snop;
	(pc) =	sbr.rel .LBB2_7-.Ltmp4, $1  }
0xbe: {  	_ =	sdelay $0x3  }
.LBB2_2:
0xbf: {  	_ =	swait.ge [sflag:s17], $0x800  }
0xc0: {  	[sflag:s17] =	ssyncset.done $0x0  }
0xc1: {  	[sflag:s17] =	ssyncadd.s32 $0xFFFFF800  }
0xc2: {  	[tilespmem:s19], [sflag:$0x2] =	stream.indirect.gather [hbm4b:s5+s18], $0x80, s3, s18, $0xb8;
	[tilespmem:$0x1C400] =	vst v63  }
0xc3: {  	_ = 	snop  }
0xc4: {  	[tilespmem:s20], [sflag:$0x3] =	stream.indirect.gather [hbm4b:s5+s18], $0x80, s18, s18, $0xb8;
	[tilespmem:$0x1C400] =	vst v63  }
0xc5: {  	_ =	swait.ge [sflag:s21], $0x4000  }
0xc6: {  	[sflag:s21] =	ssyncset.done $0x0  }
0xc7: {  	[sflag:s21] =	ssyncadd.s32 $0xFFFFC000  }
0xc8: {  	[spmem:s2] =	stream.indirect.scatter.add.f32 [tilespmem:s19], [sflag:$0x4], $0x80, s13, s18, $0xb8;
	[tilespmem:$0x1C400] =	vst v63  }
0xc9: {  	_ =	swait.ge [sflag:s16], $0x4000  }
0xca: {  	[sflag:s16] =	ssyncset.done $0x0  }
0xcb: {  	[sflag:s16] =	ssyncadd.s32 $0xFFFFC000  }
0xcc: {  	[tilespmem:s19], [sflag:$0x2] =	stream.indirect.gather [hbm4b:s5+s18], $0x80, s22, s18, $0xb8;
	[tilespmem:$0x1C400] =	vst v63  }
0xcd: {  	_ =	swait.ge [sflag:s23], $0x4000  }
0xce: {  	[sflag:s23] =	ssyncset.done $0x0  }
0xcf: {  	[sflag:s23] =	ssyncadd.s32 $0xFFFFC000  }
0xd0: {  	[spmem:s2] =	stream.indirect.scatter.add.f32 [tilespmem:s20], [sflag:$0x4], $0x80, s24, s18, $0xb8;
	[tilespmem:$0x1C400] =	vst v63  }
0xd1: {  	_ =	swait.ge [sflag:s16], $0x4000  }
0xd2: {  	[sflag:s16] =	ssyncset.done $0x0  }
0xd3: {  	[sflag:s16] =	ssyncadd.s32 $0xFFFFC000  }
0xd4: {  	[tilespmem:s20], [sflag:$0x3] =	stream.indirect.gather [hbm4b:s5+s18], $0x80, s25, s18, $0xb8;
	[tilespmem:$0x1C400] =	vst v63  }
0xd5: {  	_ =	swait.ge [sflag:s21], $0x4000  }
0xd6: {  	[sflag:s21] =	ssyncset.done $0x0  }
0xd7: {  	[sflag:s21] =	ssyncadd.s32 $0xFFFFC000  }
0xd8: {  	[spmem:s2] =	stream.indirect.scatter.add.f32 [tilespmem:s19], [sflag:$0x4], $0x80, s26, s18, $0xb8;
	[tilespmem:$0x1C400] =	vst v63  }
0xd9: {  	_ =	swait.ge [sflag:s16], $0x4000  }
0xda: {  	[sflag:s16] =	ssyncset.done $0x0  }
0xdb: {  	[sflag:s16] =	ssyncadd.s32 $0xFFFFC000  }
0xdc: {  	[tilespmem:s19], [sflag:$0x2] =	stream.indirect.gather [hbm4b:s5+s18], $0x80, s28, s18, $0xb8;
	[tilespmem:$0x1C400] =	vst v63  }
0xdd: {  	_ =	swait.ge [sflag:s23], $0x4000  }
0xde: {  	[sflag:s23] =	ssyncset.done $0x0  }
0xdf: {  	[sflag:s23] =	ssyncadd.s32 $0xFFFFC000  }
0xe0: {  	[spmem:s2] =	stream.indirect.scatter.add.f32 [tilespmem:s20], [sflag:$0x4], $0x80, s29, s18, $0xb8;
	[tilespmem:$0x1C400] =	vst v63  }
0xe1: {  	_ =	swait.ge [sflag:s16], $0x4000  }
0xe2: {  	[sflag:s16] =	ssyncset.done $0x0  }
0xe3: {  	[sflag:s16] =	ssyncadd.s32 $0xFFFFC000  }
0xe4: {  	[tilespmem:s20], [sflag:$0x3] =	stream.indirect.gather [hbm4b:s5+s18], $0x80, s30, s18, $0xb8;
	[tilespmem:$0x1C400] =	vst v63  }
0xe5: {  	_ =	swait.ge [sflag:s21], $0x4000  }
0xe6: {  	[sflag:s21] =	ssyncset.done $0x0  }
0xe7: {  	[sflag:s21] =	ssyncadd.s32 $0xFFFFC000  }
0xe8: {  	[spmem:s2] =	stream.indirect.scatter.add.f32 [tilespmem:s19], [sflag:$0x4], $0x80, s31, s18, $0xb8;
	[tilespmem:$0x1C400] =	vst v63  }
0xe9: {  	_ =	swait.ge [sflag:s16], $0x4000  }
0xea: {  	[sflag:s16] =	ssyncset.done $0x0  }
0xeb: {  	[sflag:s16] =	ssyncadd.s32 $0xFFFFC000  }
0xec: {  	[tilespmem:s19], [sflag:$0x2] =	stream.indirect.gather [hbm4b:s5+s18], $0x80, s0, s18, $0xb8;
	[tilespmem:$0x1C400] =	vst v63  }
0xed: {  	_ =	swait.ge [sflag:s23], $0x4000  }
0xee: {  	[sflag:s23] =	ssyncset.done $0x0  }
0xef: {  	[sflag:s23] =	ssyncadd.s32 $0xFFFFC000  }
0xf0: {  	[spmem:s2] =	stream.indirect.scatter.add.f32 [tilespmem:s20], [sflag:$0x4], $0x80, s1, s18, $0xb8;
	[tilespmem:$0x1C400] =	vst v63  }
0xf1: {  	_ =	swait.ge [sflag:s16], $0x4000  }
0xf2: {  	[sflag:s16] =	ssyncset.done $0x0  }
0xf3: {  	[sflag:s16] =	ssyncadd.s32 $0xFFFFC000  }
0xf4: {  	[tilespmem:s20], [sflag:$0x3] =	stream.indirect.gather [hbm4b:s5+s18], $0x80, s7, s18, $0xb8;
	[tilespmem:$0x1C400] =	vst v63  }
0xf5: {  	_ =	swait.ge [sflag:s21], $0x4000  }
0xf6: {  	[sflag:s21] =	ssyncset.done $0x0  }
0xf7: {  	[sflag:s21] =	ssyncadd.s32 $0xFFFFC000  }
0xf8: {  	[spmem:s2] =	stream.indirect.scatter.add.f32 [tilespmem:s19], [sflag:$0x4], $0x80, s8, s18, $0xb8;
	[tilespmem:$0x1C400] =	vst v63  }
0xf9: {  	_ =	swait.ge [sflag:s16], $0x4000  }
0xfa: {  	[sflag:s16] =	ssyncset.done $0x0  }
0xfb: {  	[sflag:s16] =	ssyncadd.s32 $0xFFFFC000  }
0xfc: {  	_ =	swait.ge [sflag:s23], $0x4000  }
0xfd: {  	[sflag:s23] =	ssyncset.done $0x0  }
0xfe: {  	s9 =	smin.u32 s17, $0x9;
	[sflag:s23] =	ssyncadd.s32 $0xFFFFC000  }
0xff: {  	[spmem:s2] =	stream.indirect.scatter.add.f32 [tilespmem:s20], [sflag:$0x4], $0x80, s11, s18, $0xb8;
	[tilespmem:$0x1C400] =	vst v63  }
0x100: {  	s9 =	sadd.s32 s10, s9;
	_ =	swait.ge [sflag:s16], $0x4000  }
0x101: {  	s15 =	sshll.u32 s9, $0x7;
	[sflag:s16] =	ssyncset.done $0x0  }
0x102: {  	s9 =	simm.s32 $0x2;
	s15 =	sadd.s32 s4, s15;
	[sflag:s16] =	ssyncadd.s32 $0xFFFFC000  }
.LBB2_3:
0x103: {  	[tilespmem:s3], [sflag:$0x1] =	stream.strided.gather [hbm4b:s15+s13], $0x800, s14, s13, $0x38;
	[tilespmem:$0x1C400] =	vst v63  }
0x104: {  	s15 =	smov.u32 s9  }
0x105: {  	p1 =	seq.s32 s9, $0xA;
	s9 =	sadd.s32 $0x1, s9;
	_ =	swait.ge [sflag:s17], $0x800  }
0x106: {  	[sflag:s17] =	ssyncset.done $0x0  }
0x107: {  	[sflag:s17] =	ssyncadd.s32 $0xFFFFF800  }
0x108: {  	[tilespmem:s19], [sflag:$0x2] =	stream.indirect.gather [hbm4b:s5+s18], $0x80, s3, s18, $0xb8;
	[tilespmem:$0x1C400] =	vst v63  }
0x109: {  	_ = 	snop  }
0x10a: {  	[tilespmem:s20], [sflag:$0x3] =	stream.indirect.gather [hbm4b:s5+s18], $0x80, s18, s18, $0xb8;
	[tilespmem:$0x1C400] =	vst v63  }
0x10b: {  	_ =	swait.ge [sflag:s21], $0x4000  }
0x10c: {  	[sflag:s21] =	ssyncset.done $0x0  }
0x10d: {  	[sflag:s21] =	ssyncadd.s32 $0xFFFFC000  }
0x10e: {  	[spmem:s2] =	stream.indirect.scatter.add.f32 [tilespmem:s19], [sflag:$0x4], $0x80, s13, s18, $0xb8;
	[tilespmem:$0x1C400] =	vst v63  }
0x10f: {  	_ =	swait.ge [sflag:s16], $0x4000  }
0x110: {  	[sflag:s16] =	ssyncset.done $0x0  }
0x111: {  	[sflag:s16] =	ssyncadd.s32 $0xFFFFC000  }
0x112: {  	[tilespmem:s19], [sflag:$0x2] =	stream.indirect.gather [hbm4b:s5+s18], $0x80, s22, s18, $0xb8;
	[tilespmem:$0x1C400] =	vst v63  }
0x113: {  	_ =	swait.ge [sflag:s23], $0x4000  }
0x114: {  	[sflag:s23] =	ssyncset.done $0x0  }
0x115: {  	[sflag:s23] =	ssyncadd.s32 $0xFFFFC000  }
0x116: {  	[spmem:s2] =	stream.indirect.scatter.add.f32 [tilespmem:s20], [sflag:$0x4], $0x80, s24, s18, $0xb8;
	[tilespmem:$0x1C400] =	vst v63  }
0x117: {  	_ =	swait.ge [sflag:s16], $0x4000  }
0x118: {  	[sflag:s16] =	ssyncset.done $0x0  }
0x119: {  	[sflag:s16] =	ssyncadd.s32 $0xFFFFC000  }
0x11a: {  	[tilespmem:s20], [sflag:$0x3] =	stream.indirect.gather [hbm4b:s5+s18], $0x80, s25, s18, $0xb8;
	[tilespmem:$0x1C400] =	vst v63  }
0x11b: {  	_ =	swait.ge [sflag:s21], $0x4000  }
0x11c: {  	[sflag:s21] =	ssyncset.done $0x0  }
0x11d: {  	[sflag:s21] =	ssyncadd.s32 $0xFFFFC000  }
0x11e: {  	[spmem:s2] =	stream.indirect.scatter.add.f32 [tilespmem:s19], [sflag:$0x4], $0x80, s26, s18, $0xb8;
	[tilespmem:$0x1C400] =	vst v63  }
0x11f: {  	_ =	swait.ge [sflag:s16], $0x4000  }
0x120: {  	[sflag:s16] =	ssyncset.done $0x0  }
0x121: {  	[sflag:s16] =	ssyncadd.s32 $0xFFFFC000  }
0x122: {  	[tilespmem:s19], [sflag:$0x2] =	stream.indirect.gather [hbm4b:s5+s18], $0x80, s28, s18, $0xb8;
	[tilespmem:$0x1C400] =	vst v63  }
0x123: {  	_ =	swait.ge [sflag:s23], $0x4000  }
0x124: {  	[sflag:s23] =	ssyncset.done $0x0  }
0x125: {  	[sflag:s23] =	ssyncadd.s32 $0xFFFFC000  }
0x126: {  	[spmem:s2] =	stream.indirect.scatter.add.f32 [tilespmem:s20], [sflag:$0x4], $0x80, s29, s18, $0xb8;
	[tilespmem:$0x1C400] =	vst v63  }
0x127: {  	_ =	swait.ge [sflag:s16], $0x4000  }
0x128: {  	[sflag:s16] =	ssyncset.done $0x0  }
0x129: {  	[sflag:s16] =	ssyncadd.s32 $0xFFFFC000  }
0x12a: {  	[tilespmem:s20], [sflag:$0x3] =	stream.indirect.gather [hbm4b:s5+s18], $0x80, s30, s18, $0xb8;
	[tilespmem:$0x1C400] =	vst v63  }
0x12b: {  	_ =	swait.ge [sflag:s21], $0x4000  }
0x12c: {  	[sflag:s21] =	ssyncset.done $0x0  }
0x12d: {  	[sflag:s21] =	ssyncadd.s32 $0xFFFFC000  }
0x12e: {  	[spmem:s2] =	stream.indirect.scatter.add.f32 [tilespmem:s19], [sflag:$0x4], $0x80, s31, s18, $0xb8;
	[tilespmem:$0x1C400] =	vst v63  }
0x12f: {  	_ =	swait.ge [sflag:s16], $0x4000  }
0x130: {  	[sflag:s16] =	ssyncset.done $0x0  }
0x131: {  	[sflag:s16] =	ssyncadd.s32 $0xFFFFC000  }
0x132: {  	[tilespmem:s19], [sflag:$0x2] =	stream.indirect.gather [hbm4b:s5+s18], $0x80, s0, s18, $0xb8;
	[tilespmem:$0x1C400] =	vst v63  }
0x133: {  	_ =	swait.ge [sflag:s23], $0x4000  }
0x134: {  	[sflag:s23] =	ssyncset.done $0x0  }
0x135: {  	[sflag:s23] =	ssyncadd.s32 $0xFFFFC000  }
0x136: {  	[spmem:s2] =	stream.indirect.scatter.add.f32 [tilespmem:s20], [sflag:$0x4], $0x80, s1, s18, $0xb8;
	[tilespmem:$0x1C400] =	vst v63  }
0x137: {  	_ =	swait.ge [sflag:s16], $0x4000  }
0x138: {  	[sflag:s16] =	ssyncset.done $0x0  }
0x139: {  	[sflag:s16] =	ssyncadd.s32 $0xFFFFC000  }
0x13a: {  	[tilespmem:s20], [sflag:$0x3] =	stream.indirect.gather [hbm4b:s5+s18], $0x80, s7, s18, $0xb8;
	[tilespmem:$0x1C400] =	vst v63  }
0x13b: {  	_ =	swait.ge [sflag:s21], $0x4000  }
0x13c: {  	[sflag:s21] =	ssyncset.done $0x0  }
0x13d: {  	[sflag:s21] =	ssyncadd.s32 $0xFFFFC000  }
0x13e: {  	[spmem:s2] =	stream.indirect.scatter.add.f32 [tilespmem:s19], [sflag:$0x4], $0x80, s8, s18, $0xb8;
	[tilespmem:$0x1C400] =	vst v63  }
0x13f: {  	_ =	swait.ge [sflag:s16], $0x4000  }
0x140: {  	[sflag:s16] =	ssyncset.done $0x0  }
0x141: {  	[sflag:s16] =	ssyncadd.s32 $0xFFFFC000  }
0x142: {  	_ =	swait.ge [sflag:s23], $0x4000  }
0x143: {  	[sflag:s23] =	ssyncset.done $0x0  }
.Ltmp5:
0x144: {  	s15 =	smin.u32 s15, $0x9;
	[sflag:s23] =	ssyncadd.s32 $0xFFFFC000;
	(pc) =	sbr.rel @!p1 .LBB2_3-.Ltmp5, $4  }
0x145: {  	[spmem:s2] =	stream.indirect.scatter.add.f32 [tilespmem:s20], [sflag:$0x4], $0x80, s11, s18, $0xb8;
	[tilespmem:$0x1C400] =	vst v63  }
0x146: {  	s15 =	sadd.s32 s10, s15;
	_ =	swait.ge [sflag:s16], $0x4000  }
0x147: {  	s15 =	sshll.u32 s15, $0x7;
	[sflag:s16] =	ssyncset.done $0x0  }
0x148: {  	s15 =	sadd.s32 s4, s15;
	[sflag:s16] =	ssyncadd.s32 $0xFFFFC000  }
.Ltmp6:
0x149: {  	(pc) =	sbr.rel .LBB2_8-.Ltmp6, $2  }
0x14a: {  	_ =	sdelay $0x2  }
0x14b: {  	[tilespmem:s3], [sflag:$0x1] =	stream.strided.gather [hbm4b:s15+s13], $0x800, s14, s13, $0x38;
	[tilespmem:$0x1C400] =	vst v63  }
.LBB2_9:
0x14c: {  	_ =	sfence.sel $0x180000  }
0x14d: {  	[bflag:$0x0] =	sbarrier.arrive $0xFFFF  }
0x14e: {  	_ =	strace $0x9000004D  }
0x14f: {  	s0 =	stileid.u32;
	[bflag:$0x2] =	sbarrier.arrive $0xFFFF  }
0x150: {  	p0 =	sne.s32 s0, $0x0;
	s0 =	rddreg [dreg:$0x2]  }
0x151: {  	s0 =	sadd.s32 @!p0 $0x100000, s0  }
0x152: {  	[sflag:s0] =	ssyncadd.tile.s32 @!p0 $0x1;
	_ =	shalt  }
.Lfunc_end2:
_tile_overlayer_lowered:
.L_overlay_start_2:
0x153: {  	(tag) =	ssettag $0x2  }
0x154: {  	s0 =	rddreg [dreg:$0x0];
	s2 =	stileid.u32  }
0x155: {  	s1 =	rddreg [dreg:$0x1];
	p0 =	sne.s32 s2, $0x0  }
0x156: {  	s3 =	rddreg [dreg:$0x2];
	[bflag:$0x3] =	sbarrier.arrive $0xFFFF;
	s2 =	simm.s32 @!p0 $0x1C04  }
0x157: {  	[timem:s3], [sflag:s2] =	dma.local @!p0 [hbm:s0], s1  }
0x158: {  	s0 =	simm.s32 @!p0 $0x4  }
0x159: {  	_ =	swait.ge @!p0 [sflag:s0], s1  }
0x15a: {  	s1 =	ssub.s32 @!p0 $0x0, s1;
	[sflag:s0] =	ssyncset.done @!p0 $0x0  }
0x15b: {  	[sflag:s0] =	ssyncadd.s32 @!p0 s1  }
0x15c: {  	[bflag:$0x3] =	sbarrier.arrive $0xFFFF  }
0x15d: {  	_ =	shalt  }

// kernel: kernel.20.cloned.1.call-start
scs
__scs_entry_jumppad:
0x0: {  	(pc) =	sbr.rel $0x88, $3  }
0x1: {  	(tag) =	ssettag $0x0;
	lr =	simm.s32 $0x1  }
0x2: {  	[smem:$0x3F96] =	sst lr;
	_ =	strace $0xD0000000  }
0x3: {  	_ = 	snop  }
0x4: {  	_ = 	snop  }
0x5: {  	_ = 	snop  }
0x6: {  	_ = 	snop  }
0x7: {  	_ = 	snop  }
__scs_overlays_trampoline_lowered:
0x8: {  	[smem:$0x3FA5] =	sst s0  }
0x9: {  	[smem:$0x3FA6] =	sst s1  }
0xa: {  	[smem:$0x3FA7] =	sst s2  }
0xb: {  	[smem:$0x3FA8] =	sst s3  }
0xc: {  	[smem:$0x3FA9] =	sst s4  }
0xd: {  	[smem:$0x3FAA] =	sst s5  }
0xe: {  	[smem:$0x3FAB] =	sst s6  }
0xf: {  	[smem:$0x3FAC] =	sst s7  }
0x10: {  	[smem:$0x3FAD] =	sst s8  }
0x11: {  	[smem:$0x3FAE] =	sst s9;
	s0 =	simm.s32 @!p0 $0x0  }
0x12: {  	s1 =	sld [smem:$0x3F94];
	s0 =	simm.s32 @p0 $0x1  }
0x13: {  	[smem:$0x3FAF] =	sst s0;
	s0 =	simm.s32 @!p1 $0x0  }
0x14: {  	s2 =	sld [smem:$0x3F93];
	s0 =	simm.s32 @p1 $0x1  }
0x15: {  	[smem:$0x3FB0] =	sst s0;
	s0 =	simm.s32 @!p2 $0x0  }
0x16: {  	s3 =	sld [smem:$0x3FDB];
	s0 =	simm.s32 @p2 $0x1  }
0x17: {  	s4 =	simm.s32 $0x1BF5;
	[smem:$0x3FB2] =	sst s0  }
0x18: {  	s0 =	sld [smem:$0x3F95];
	_ =	swait.ge [sflag:s4], $0x0  }
0x19: {  	s7 =	sld [smem:$0x3F96]  }
0x1a: {  	s8 =	sadd.s32 $0xFFFFE003, lr  }
0x1b: {  	s9 =	sadd.s32 $0xFFFFFEF7, lr;
	s5 =	simm.s32 $0xFFFFFFFF;
	p2 =	slt.u32 s8, $0xFFFFF086  }
0x1c: {  	p1 =	slt.u32 s9, $0xF7A;
	s5 =	simm.s32 @!p2 $0x0  }
0x1d: {  	s5 =	simm.s32 @p1 $0x1;
	p0 =	seq.s32 s7, s2  }
0x1e: {  	s7 =	smul.u32 @!p0 $0xF7A, s2;
	p2 =	seq.s32 @!p0 s5, $0x0  }
0x1f: {  	s9 =	smul.u32 $0xF7A, s1;
	s8 =	simm.s32 @!p0 $0x1BF5;
	p2 =	por !p2, p0  }
0x20: {  	[sflag:s8] =	ssyncset.s32 @!p0 $0xFFFFF086;
	s6 =	sadd.s32 @!p0 s3, s7;
	s7 =	simm.s32 @!p0 $0x108  }
0x21: {  	s3 =	sadd.s32 s3, s9;
	s6 =	sadd.s32 @!p0 $0x88, s6;
	s7 =	simm.s32 @p2 $0x1082  }
0x22: {  	[simem:s7], [sflag:s8] =	dma.local @!p0 [hbm:s6], $0xF7A  }
0x23: {  	s9 =	sor.u32 $0xD0000000, s2;
	s6 =	simm.s32 $0x108;
	_ =	swait.ge @!p0 [sflag:s8], $0x0  }
0x24: {  	s3 =	sadd.s32 $0x88, s3;
	s6 =	simm.s32 @!p1 $0x1082;
	[sflag:s4] =	ssyncset.s32 $0xFFFFF086  }
0x25: {  	[simem:s6], [sflag:s4] =	dma.local [hbm:s3], $0xF7A  }
0x26: {  	[smem:$0x3F96] =	sst s1;
	(tag) =	ssettag s2;
	_ =	strace s9  }
0x27: {  	s1 =	sld [smem:$0x3FA6]  }
0x28: {  	s2 =	sld [smem:$0x3FA7]  }
0x29: {  	s4 =	sld [smem:$0x3FA9]  }
0x2a: {  	p0 =	seq.s32 s5, $0x0;
	s5 =	sld [smem:$0x3FAA]  }
0x2b: {  	s6 =	sld [smem:$0x3FAB]  }
0x2c: {  	s7 =	sld [smem:$0x3FAC]  }
0x2d: {  	s3 =	simm.s32 $0x108;
	s8 =	sld [smem:$0x3FAD]  }
0x2e: {  	s3 =	simm.s32 @!p0 $0x1082;
	s9 =	sld [smem:$0x3FAE]  }
0x2f: {  	lr =	sadd.s32 s0, s3;
	s0 =	sld [smem:$0x3FA5]  }
0x30: {  	s3 =	sld [smem:$0x3FA8]  }
0x31: {  	[smem:$0x3FB1] =	sst s10  }
0x32: {  	s10 =	sld [smem:$0x3FAF];
	_ =	sdelay $0x3  }
0x33: {  	p0 =	seq.s32 s10, $0x1;
	s10 =	sld [smem:$0x3FB1];
	_ =	sdelay $0x3  }
0x34: {  	[smem:$0x3FB1] =	sst s10  }
0x35: {  	s10 =	sld [smem:$0x3FB0];
	_ =	sdelay $0x3  }
0x36: {  	p1 =	seq.s32 s10, $0x1;
	s10 =	sld [smem:$0x3FB1];
	_ =	sdelay $0x3  }
0x37: {  	[smem:$0x3FB1] =	sst s10  }
0x38: {  	s10 =	sld [smem:$0x3FB2]  }
0x39: {  	_ = 	snop;
	(pc) =	sbr.ind lr, $3  }
0x3a: {  	_ = 	snop  }
0x3b: {  	_ = 	snop  }
0x3c: {  	p2 =	seq.s32 s10, $0x1;
	s10 =	sld [smem:$0x3FB1]  }
0x3d: {  	_ =	shalt  }
0x3e: {  	_ =	shalt  }
0x3f: {  	_ =	shalt  }
0x40: {  	_ =	shalt  }
0x41: {  	_ =	shalt  }
0x42: {  	_ =	shalt  }
0x43: {  	_ =	shalt  }
0x44: {  	_ =	shalt  }
0x45: {  	_ =	shalt  }
0x46: {  	_ =	shalt  }
0x47: {  	_ =	shalt  }
0x48: {  	_ =	shalt  }
0x49: {  	_ =	shalt  }
0x4a: {  	_ =	shalt  }
0x4b: {  	_ =	shalt  }
0x4c: {  	_ =	shalt  }
0x4d: {  	_ =	shalt  }
0x4e: {  	_ =	shalt  }
0x4f: {  	_ =	shalt  }
0x50: {  	_ =	shalt  }
0x51: {  	_ =	shalt  }
0x52: {  	_ =	shalt  }
0x53: {  	_ =	shalt  }
0x54: {  	_ =	shalt  }
0x55: {  	_ =	shalt  }
0x56: {  	_ =	shalt  }
0x57: {  	_ =	shalt  }
0x58: {  	_ =	shalt  }
0x59: {  	_ =	shalt  }
0x5a: {  	_ =	shalt  }
0x5b: {  	_ =	shalt  }
0x5c: {  	_ =	shalt  }
0x5d: {  	_ =	shalt  }
0x5e: {  	_ =	shalt  }
0x5f: {  	_ =	shalt  }
0x60: {  	_ =	shalt  }
0x61: {  	_ =	shalt  }
0x62: {  	_ =	shalt  }
0x63: {  	_ =	shalt  }
0x64: {  	_ =	shalt  }
0x65: {  	_ =	shalt  }
0x66: {  	_ =	shalt  }
0x67: {  	_ =	shalt  }
0x68: {  	_ =	shalt  }
0x69: {  	_ =	shalt  }
0x6a: {  	_ =	shalt  }
0x6b: {  	_ =	shalt  }
0x6c: {  	_ =	shalt  }
0x6d: {  	_ =	shalt  }
0x6e: {  	_ =	shalt  }
0x6f: {  	_ =	shalt  }
0x70: {  	_ =	shalt  }
0x71: {  	_ =	shalt  }
0x72: {  	_ =	shalt  }
0x73: {  	_ =	shalt  }
0x74: {  	_ =	shalt  }
0x75: {  	_ =	shalt  }
0x76: {  	_ =	shalt  }
0x77: {  	_ =	shalt  }
0x78: {  	_ =	shalt  }
0x79: {  	_ =	shalt  }
0x7a: {  	_ =	shalt  }
0x7b: {  	_ =	shalt  }
0x7c: {  	_ =	shalt  }
0x7d: {  	_ =	shalt  }
0x7e: {  	_ =	shalt  }
0x7f: {  	_ =	shalt  }
0x80: {  	_ =	shalt  }
0x81: {  	_ =	shalt  }
0x82: {  	_ =	shalt  }
0x83: {  	_ =	shalt  }
0x84: {  	_ =	shalt  }
0x85: {  	_ =	shalt  }
0x86: {  	_ =	shalt  }
0x87: {  	_ =	shalt  }
.Lfunc_end0:
.L_simem_size_0:
called_computation.3_lowered:
.L_overlay_start_0:
0x88: {  	s2 =	sld [smem:$0x3FD9]  }
0x89: {  	s3 =	sld [smem:$0x3FFE];
	_ =	sdelay $0x1  }
0x8a: {  	s1 =	srdreg.scid  }
0x8b: {  	s0 =	sand.u32 $0x1, s1  }
0x8c: {  	s16 =	sshll.u32 s0, $0xA;
	s2 =	sadd.s32 s3, s2  }
0x8d: {  	s2 =	sadd.s32 s2, s16  }
0x8e: {  	[smem:$0x3FBD] =	sst s2  }
0x8f: {  	_ = 	snop  }
0x90: {  	(tm) =	ssettm $0x1  }
0x91: {  	s17 =	sld [smem:$0x3FFB];
	_ =	sdelay $0x3  }
0x92: {  	_ =	strace s17  }
0x93: {  	s2 =	sld [smem:$0x3FFC];
	_ =	sdelay $0x3  }
0x94: {  	_ =	strace s2  }
0x95: {  	s2 =	sld [smem:$0x3FFD];
	_ =	sdelay $0x3  }
0x96: {  	_ =	strace s2  }
0x97: {  	_ =	strace $0x8FFFFFFF  }
0x98: {  	s18 =	sld [smem:$0x3FDB];
	_ =	sdelay $0x1  }
0x99: {  	s19 =	simm.s32 $_scs_section_size  }
0x9a: {  	s4 =	simm.s32 $_size__tile_overlayer_lowered;
	s5 =	simm.s32 $_tile_overlayer_lowered  }
0x9b: {  	s22 =	simm.s32 $0x1BFF;
	s21 =	sshll.u32 s5, $0x1;
	s2 =	sadd.s32 s19, s18  }
0x9c: {  	s6 =	simm.s32 $0x0;
	s20 =	sshll.u32 s4, $0x1;
	s4 =	sadd.s32 s21, s2  }
0x9d: {  	[timem:s6], [sflag:s22] =	dma.local [hbm:s4], s20  }
0x9e: {  	_ =	swait.ge [sflag:s22], s20  }
0x9f: {  	s3 =	ssub.s32 $0x0, s20;
	[sflag:s22] =	ssyncset.done $0x0  }
0xa0: {  	[sflag:s22] =	ssyncadd.s32 s3;
	_ =	sdelay $0x1  }
0xa1: {  	s23 =	simm.s32 $0x1B8B  }
0xa2: {  	_ =	swait.ge [sflag:s23], $0x1  }
0xa3: {  	[sflag:s23] =	ssyncset.done $0x0  }
0xa4: {  	s25 =	simm.s32 $0x1B8E;
	s24 =	sld [smem:$0x3FFE];
	[sflag:s23] =	ssyncadd.s32 $0xFFFFFFFF  }
0xa5: {  	s26 =	simm.s32 $execute0_lowered;
	[smem:$0x3FD2] =	sst s25  }
0xa6: {  	s4 =	sshll.u32 s26, $0x1;
	_ =	strace $0x8000004F;
	[dreg:$0x1] =	wrdreg $0xFFFFFFFF  }
0xa7: {  	s28 =	simm.s32 $_size_execute0_lowered;
	s2 =	sadd.s32 s2, s4;
	[dreg:$0x0] =	wrdreg $0x0  }
0xa8: {  	s4 =	sshll.u32 s28, $0x1;
	[dreg:$0x2] =	wrdreg s2  }
0xa9: {  	[dreg:$0x3] =	wrdreg s4  }
0xaa: {  	[dreg:$0x4] =	wrdreg $0xC0  }
0xab: {  	_ =	task [dreg:s6], $0x5FFFF  }
0xac: {  	[dreg:$0x1] =	wrdreg $0xFFFFFFFF  }
0xad: {  	[dreg:$0x0] =	wrdreg $0x60  }
0xae: {  	[dreg:$0x2] =	wrdreg s24  }
0xaf: {  	[dreg:$0x3] =	wrdreg $0x88000  }
0xb0: {  	[dreg:$0x4] =	wrdreg $0x9  }
0xb1: {  	_ =	task.clear_ibuf [dreg:s6], $0x5FFFF;
	_ =	strace $0x9000004F  }
0xb2: {  	s29 =	simm.s32 $0x9;
	_ =	strace $0x80000051  }
0xb3: {  	_ =	swait.ge [sflag:s29], $0x1  }
0xb4: {  	[sflag:s29] =	ssyncadd.s32 $0xFFFFFFFF  }
0xb5: {  	_ =	strace $0x90000051  }
0xb6: {  	_ =	sfence  }
0xb7: {  	s30 =	sld [smem:$0x0];
	_ =	sdelay $0x2  }
0xb8: {  	s31 =	sshll.u32 s1, $0xD;
	s1 =	sshrl.u32 s1, $0x2  }
0xb9: {  	s3 =	sand.u32 $0x4000, s31;
	s1 =	sadd.s32 s1, s30  }
0xba: {  	s0 =	sor.u32 s3, s0;
	s1 =	sshll.u32 s1, $0x11  }
0xbb: {  	s0 =	sor.u32 s1, s0  }
0xbc: {  	s0 =	sadd.s32 $0x8F2B, s0  }
0xbd: {  	[sflag:s0] =	ssyncadd.remote.s32 $0x1  }
0xbe: {  	_ =	sfence.sel $0xFFFF  }
0xbf: {  	[dreg:$0x0] =	wrdreg $0xFFFFFFFF;
	(pc) =	sbr.abs _section_cstart, $3  }
0xc0: {  	[dreg:$0x1] =	wrdreg $0xFFFFFFFF  }
0xc1: {  	_ =	task.clear_ibuf [dreg:s6], $0x2FFFF;
	_ =	strace $0x9FFFFFFF  }
0xc2: {  	(tm) =	ssettm $0x7FFFFFFF  }
0xc3: {  	_ =	shalt  }
tec
execute0_lowered:
.L_overlay_start_1:
0x0: {  	(tag) =	ssettag $0x1  }
0x1: {  	s0 =	rddreg [dreg:$0x0]  }
0x2: {  	s2 =	rddreg [dreg:$0x1];
	s3 =	simm.s32 $0x0;
	s13 =	stileid.u32  }
0x3: {  	s4 =	srdreg.scid;
	s14 =	simm.s32 $0x28000;
	s16 =	simm.s32 $0x4  }
0x4: {  	s17 =	simm.s32 $0x1;
	s18 =	simm.s32 $0x80;
	s28 =	simm.s32 $0x200  }
0x5: {  	s29 =	simm.s32 $0x580;
	s30 =	simm.s32 $0x280;
	s31 =	simm.s32 $0x600  }
0x6: {  	s15 =	simm.s32 $0x0;
	[smem:$0x7FF] =	sst s3;
	s1 =	smul.u32 $0x13C00, s13  }
0x7: {  	s7 =	sand.u32 $0x1, s4;
	s4 =	sadd.s32 $0x4C00, s0;
	s10 =	smul.u32 $0x4F000, s13  }
0x8: {  	s5 =	sadd.s32 $0x36400, s0;
	s6 =	sadd.s32 $0x5D600, s0;
	s12 =	smul.u32 $0x500, s13  }
0x9: {  	s23 =	sshll.u32 s13, $0x6;
	_ =	strace $0x80000050;
	s9 =	smul.u32 $0x13C000, s7  }
0xa: {  	s19 =	ssub.s32 $0x2, s7;
	s24 =	sor.u32 $0x1C04, s23;
	p0 =	seq.s32 s7, $0x1  }
0xb: {  	s23 =	simm.s32 $0x3;
	s7 =	simm.s32 $0x380;
	s8 =	sshrl.u32 s1, $0x3  }
0xc: {  	s11 =	sshrl.u32 s19, $0x1;
	s21 =	sshrl.u32 s10, $0x2;
	s22 =	sadd.s32 s4, s12  }
0xd: {  	[dreg:$0x5] =	wrdreg s24;
	s10 =	smul.u32 $0xA, s13;
	s13 =	simm.s32 $0x400  }
0xe: {  	s24 =	simm.s32 $0x480;
	s8 =	sadd.s32 s8, s0;
	s1 =	sadd.s32 s1, s9  }
0xf: {  	s20 =	ssub.s32 s19, s11;
	[dreg:$0x3] =	wrdreg s22;
	s9 =	sadd.s32 s21, s2  }
0x10: {  	s19 =	simm.s32 $0x800;
	s21 =	simm.s32 $0x2;
	s22 =	simm.s32 $0x100  }
0x11: {  	s11 =	simm.s32 $0x780;
	s1 =	sshrl.u32 s1, $0x3;
	s8 =	sadd.s32 $0xEC00, s8  }
.Ltmp0:
0x12: {  	s25 =	smax.u32 s20, $0x1;
	[dreg:$0x4] =	wrdreg s8;
	(pc) =	sbr.rel .LBB2_1-.Ltmp0, $4  }
0x13: {  	s26 =	sshrl.u32 s9, $0x3;
	s20 =	simm.s32 $0x4800;
	[dreg:$0x7] =	wrdreg s25  }
0x14: {  	s0 =	sadd.s32 s1, s0;
	[dreg:$0x8] =	wrdreg s26;
	s25 =	simm.s32 $0x180  }
0x15: {  	s26 =	simm.s32 $0x500;
	s1 =	simm.s32 $0x680;
	s0 =	sadd.s32 $0xABA00, s0  }
0x16: {  	s8 =	simm.s32 $0x700;
	[dreg:$0x6] =	wrdreg s0;
	s0 =	simm.s32 $0x300  }
.LBB2_7:
0x17: {  	[tilespmem:s3], [sflag:$0x1] =	stream.strided.gather [hbm4b:s15+s13], $0x800, s14, s13, $0x38;
	[tilespmem:$0x1C400] =	vst v63  }
.LBB2_8:
0x18: {  	_ =	swait.ge [sflag:s17], $0x800  }
0x19: {  	[sflag:s17] =	ssyncset.done $0x0  }
0x1a: {  	[sflag:s17] =	ssyncadd.s32 $0xFFFFF800  }
0x1b: {  	[bflag:$0x0] =	sbarrier.arrive $0xFFFF  }
0x1c: {  	s9 =	rddreg [dreg:$0x6]  }
0x1d: {  	s15 =	rddreg [dreg:$0x5]  }
0x1e: {  	s12 =	rddreg [dreg:$0x8]  }
0x1f: {  	[hbm:s9], [sflag:s15] =	dma.local [spmem:s12], $0x2780  }
0x20: {  	_ =	swait.ge [sflag:s16], $0x2780  }
0x21: {  	s9 =	rddreg [dreg:$0x9]  }
0x22: {  	s12 =	rddreg [dreg:$0x7];
	s15 =	sadd.s32 $0x1, s9  }
0x23: {  	p1 =	sne.s32 s15, s12  }
.Ltmp1:
0x24: {  	_ = 	snop;
	(pc) =	sbr.rel @!p1 .LBB2_9-.Ltmp1, $3  }
0x25: {  	_ =	sdelay $0x1  }
0x26: {  	[sflag:s16] =	ssyncset.done $0x0  }
0x27: {  	[sflag:s16] =	ssyncadd.s32 $0xFFFFD880  }
.LBB2_1:
0x28: {  	[dreg:$0x9] =	wrdreg s15  }
0x29: {  	s9 =	rddreg [dreg:$0x3]  }
0x2a: {  	s15 =	rddreg [dreg:$0x5]  }
0x2b: {  	s12 =	rddreg [dreg:$0x8]  }
0x2c: {  	[tilespmem:s3], [sflag:$0x1] =	stream.strided.gather [hbm4b:s9+s13], $0x800, s14, s13, $0x38;
	[tilespmem:$0x1C400] =	vst v63  }
0x2d: {  	s9 =	rddreg [dreg:$0x4]  }
0x2e: {  	[spmem:s12], [sflag:s15] =	dma.local [hbm:s9], $0x2780  }
.Ltmp2:
0x2f: {  	_ =	swait.ge [sflag:s16], $0x2780;
	(pc) =	sbr.rel @!p0 .LBB2_2-.Ltmp2, $3  }
0x30: {  	[sflag:s16] =	ssyncset.done $0x0  }
0x31: {  	[sflag:s16] =	ssyncadd.s32 $0xFFFFD880  }
0x32: {  	[bflag:$0x0] =	sbarrier.arrive $0xFFFF;
	_ =	sdelay $0x1  }
0x33: {  	_ =	swait.ge [sflag:s17], $0x800  }
0x34: {  	[sflag:s17] =	ssyncset.done $0x0  }
0x35: {  	[sflag:s17] =	ssyncadd.s32 $0xFFFFF800  }
0x36: {  	[tilespmem:s19], [sflag:$0x2] =	stream.indirect.gather [hbm4b:s6+s18], $0x80, s3, s18, $0xb8;
	[tilespmem:$0x1C400] =	vst v63  }
0x37: {  	_ = 	snop  }
0x38: {  	[tilespmem:s20], [sflag:$0x3] =	stream.indirect.gather [hbm4b:s6+s18], $0x80, s18, s18, $0xb8;
	[tilespmem:$0x1C400] =	vst v63  }
0x39: {  	_ =	swait.ge [sflag:s21], $0x4000  }
0x3a: {  	[sflag:s21] =	ssyncset.done $0x0  }
0x3b: {  	[sflag:s21] =	ssyncadd.s32 $0xFFFFC000  }
0x3c: {  	[spmem:s2] =	stream.indirect.scatter.add.f32 [tilespmem:s19], [sflag:$0x4], $0x80, s13, s18, $0xb8;
	[tilespmem:$0x1C400] =	vst v63  }
0x3d: {  	_ =	swait.ge [sflag:s16], $0x4000  }
0x3e: {  	[sflag:s16] =	ssyncset.done $0x0  }
0x3f: {  	[sflag:s16] =	ssyncadd.s32 $0xFFFFC000  }
0x40: {  	[tilespmem:s19], [sflag:$0x2] =	stream.indirect.gather [hbm4b:s6+s18], $0x80, s22, s18, $0xb8;
	[tilespmem:$0x1C400] =	vst v63  }
0x41: {  	_ =	swait.ge [sflag:s23], $0x4000  }
0x42: {  	[sflag:s23] =	ssyncset.done $0x0  }
0x43: {  	[sflag:s23] =	ssyncadd.s32 $0xFFFFC000  }
0x44: {  	[spmem:s2] =	stream.indirect.scatter.add.f32 [tilespmem:s20], [sflag:$0x4], $0x80, s24, s18, $0xb8;
	[tilespmem:$0x1C400] =	vst v63  }
0x45: {  	_ =	swait.ge [sflag:s16], $0x4000  }
0x46: {  	[sflag:s16] =	ssyncset.done $0x0  }
0x47: {  	[sflag:s16] =	ssyncadd.s32 $0xFFFFC000  }
0x48: {  	[tilespmem:s20], [sflag:$0x3] =	stream.indirect.gather [hbm4b:s6+s18], $0x80, s25, s18, $0xb8;
	[tilespmem:$0x1C400] =	vst v63  }
0x49: {  	_ =	swait.ge [sflag:s21], $0x4000  }
0x4a: {  	[sflag:s21] =	ssyncset.done $0x0  }
0x4b: {  	[sflag:s21] =	ssyncadd.s32 $0xFFFFC000  }
0x4c: {  	[spmem:s2] =	stream.indirect.scatter.add.f32 [tilespmem:s19], [sflag:$0x4], $0x80, s26, s18, $0xb8;
	[tilespmem:$0x1C400] =	vst v63  }
0x4d: {  	_ =	swait.ge [sflag:s16], $0x4000  }
0x4e: {  	[sflag:s16] =	ssyncset.done $0x0  }
0x4f: {  	[sflag:s16] =	ssyncadd.s32 $0xFFFFC000  }
0x50: {  	[tilespmem:s19], [sflag:$0x2] =	stream.indirect.gather [hbm4b:s6+s18], $0x80, s28, s18, $0xb8;
	[tilespmem:$0x1C400] =	vst v63  }
0x51: {  	_ =	swait.ge [sflag:s23], $0x4000  }
0x52: {  	[sflag:s23] =	ssyncset.done $0x0  }
0x53: {  	[sflag:s23] =	ssyncadd.s32 $0xFFFFC000  }
0x54: {  	[spmem:s2] =	stream.indirect.scatter.add.f32 [tilespmem:s20], [sflag:$0x4], $0x80, s29, s18, $0xb8;
	[tilespmem:$0x1C400] =	vst v63  }
0x55: {  	_ =	swait.ge [sflag:s16], $0x4000  }
0x56: {  	[sflag:s16] =	ssyncset.done $0x0  }
0x57: {  	[sflag:s16] =	ssyncadd.s32 $0xFFFFC000  }
0x58: {  	[tilespmem:s20], [sflag:$0x3] =	stream.indirect.gather [hbm4b:s6+s18], $0x80, s30, s18, $0xb8;
	[tilespmem:$0x1C400] =	vst v63  }
0x59: {  	_ =	swait.ge [sflag:s21], $0x4000  }
0x5a: {  	[sflag:s21] =	ssyncset.done $0x0  }
0x5b: {  	[sflag:s21] =	ssyncadd.s32 $0xFFFFC000  }
0x5c: {  	[spmem:s2] =	stream.indirect.scatter.add.f32 [tilespmem:s19], [sflag:$0x4], $0x80, s31, s18, $0xb8;
	[tilespmem:$0x1C400] =	vst v63  }
0x5d: {  	_ =	swait.ge [sflag:s16], $0x4000  }
0x5e: {  	[sflag:s16] =	ssyncset.done $0x0  }
0x5f: {  	[sflag:s16] =	ssyncadd.s32 $0xFFFFC000  }
0x60: {  	[tilespmem:s19], [sflag:$0x2] =	stream.indirect.gather [hbm4b:s6+s18], $0x80, s0, s18, $0xb8;
	[tilespmem:$0x1C400] =	vst v63  }
0x61: {  	_ =	swait.ge [sflag:s23], $0x4000  }
0x62: {  	[sflag:s23] =	ssyncset.done $0x0  }
0x63: {  	[sflag:s23] =	ssyncadd.s32 $0xFFFFC000  }
0x64: {  	[spmem:s2] =	stream.indirect.scatter.add.f32 [tilespmem:s20], [sflag:$0x4], $0x80, s1, s18, $0xb8;
	[tilespmem:$0x1C400] =	vst v63  }
0x65: {  	_ =	swait.ge [sflag:s16], $0x4000  }
0x66: {  	[sflag:s16] =	ssyncset.done $0x0  }
0x67: {  	[sflag:s16] =	ssyncadd.s32 $0xFFFFC000  }
0x68: {  	[tilespmem:s20], [sflag:$0x3] =	stream.indirect.gather [hbm4b:s6+s18], $0x80, s7, s18, $0xb8;
	[tilespmem:$0x1C400] =	vst v63  }
0x69: {  	_ =	swait.ge [sflag:s21], $0x4000  }
0x6a: {  	[sflag:s21] =	ssyncset.done $0x0  }
0x6b: {  	[sflag:s21] =	ssyncadd.s32 $0xFFFFC000  }
0x6c: {  	[spmem:s2] =	stream.indirect.scatter.add.f32 [tilespmem:s19], [sflag:$0x4], $0x80, s8, s18, $0xb8;
	[tilespmem:$0x1C400] =	vst v63  }
0x6d: {  	_ =	swait.ge [sflag:s16], $0x4000  }
0x6e: {  	[sflag:s16] =	ssyncset.done $0x0  }
0x6f: {  	[sflag:s16] =	ssyncadd.s32 $0xFFFFC000  }
0x70: {  	_ =	swait.ge [sflag:s23], $0x4000  }
0x71: {  	[sflag:s23] =	ssyncset.done $0x0  }
0x72: {  	s9 =	smin.u32 s17, $0x9;
	[sflag:s23] =	ssyncadd.s32 $0xFFFFC000  }
0x73: {  	[spmem:s2] =	stream.indirect.scatter.add.f32 [tilespmem:s20], [sflag:$0x4], $0x80, s11, s18, $0xb8;
	[tilespmem:$0x1C400] =	vst v63  }
0x74: {  	s9 =	sadd.s32 s10, s9;
	_ =	swait.ge [sflag:s16], $0x4000  }
0x75: {  	s15 =	sshll.u32 s9, $0x7;
	[sflag:s16] =	ssyncset.done $0x0  }
0x76: {  	s9 =	simm.s32 $0x2;
	s15 =	sadd.s32 s4, s15;
	[sflag:s16] =	ssyncadd.s32 $0xFFFFC000  }
.LBB2_6:
0x77: {  	[tilespmem:s3], [sflag:$0x1] =	stream.strided.gather [hbm4b:s15+s13], $0x800, s14, s13, $0x38;
	[tilespmem:$0x1C400] =	vst v63  }
0x78: {  	s15 =	smov.u32 s9  }
0x79: {  	p1 =	sne.s32 s9, $0xA;
	s9 =	sadd.s32 $0x1, s9;
	_ =	swait.ge [sflag:s17], $0x800  }
0x7a: {  	[sflag:s17] =	ssyncset.done $0x0  }
0x7b: {  	[sflag:s17] =	ssyncadd.s32 $0xFFFFF800  }
0x7c: {  	[tilespmem:s19], [sflag:$0x2] =	stream.indirect.gather [hbm4b:s6+s18], $0x80, s3, s18, $0xb8;
	[tilespmem:$0x1C400] =	vst v63  }
0x7d: {  	_ = 	snop  }
0x7e: {  	[tilespmem:s20], [sflag:$0x3] =	stream.indirect.gather [hbm4b:s6+s18], $0x80, s18, s18, $0xb8;
	[tilespmem:$0x1C400] =	vst v63  }
0x7f: {  	_ =	swait.ge [sflag:s21], $0x4000  }
0x80: {  	[sflag:s21] =	ssyncset.done $0x0  }
0x81: {  	[sflag:s21] =	ssyncadd.s32 $0xFFFFC000  }
0x82: {  	[spmem:s2] =	stream.indirect.scatter.add.f32 [tilespmem:s19], [sflag:$0x4], $0x80, s13, s18, $0xb8;
	[tilespmem:$0x1C400] =	vst v63  }
0x83: {  	_ =	swait.ge [sflag:s16], $0x4000  }
0x84: {  	[sflag:s16] =	ssyncset.done $0x0  }
0x85: {  	[sflag:s16] =	ssyncadd.s32 $0xFFFFC000  }
0x86: {  	[tilespmem:s19], [sflag:$0x2] =	stream.indirect.gather [hbm4b:s6+s18], $0x80, s22, s18, $0xb8;
	[tilespmem:$0x1C400] =	vst v63  }
0x87: {  	_ =	swait.ge [sflag:s23], $0x4000  }
0x88: {  	[sflag:s23] =	ssyncset.done $0x0  }
0x89: {  	[sflag:s23] =	ssyncadd.s32 $0xFFFFC000  }
0x8a: {  	[spmem:s2] =	stream.indirect.scatter.add.f32 [tilespmem:s20], [sflag:$0x4], $0x80, s24, s18, $0xb8;
	[tilespmem:$0x1C400] =	vst v63  }
0x8b: {  	_ =	swait.ge [sflag:s16], $0x4000  }
0x8c: {  	[sflag:s16] =	ssyncset.done $0x0  }
0x8d: {  	[sflag:s16] =	ssyncadd.s32 $0xFFFFC000  }
0x8e: {  	[tilespmem:s20], [sflag:$0x3] =	stream.indirect.gather [hbm4b:s6+s18], $0x80, s25, s18, $0xb8;
	[tilespmem:$0x1C400] =	vst v63  }
0x8f: {  	_ =	swait.ge [sflag:s21], $0x4000  }
0x90: {  	[sflag:s21] =	ssyncset.done $0x0  }
0x91: {  	[sflag:s21] =	ssyncadd.s32 $0xFFFFC000  }
0x92: {  	[spmem:s2] =	stream.indirect.scatter.add.f32 [tilespmem:s19], [sflag:$0x4], $0x80, s26, s18, $0xb8;
	[tilespmem:$0x1C400] =	vst v63  }
0x93: {  	_ =	swait.ge [sflag:s16], $0x4000  }
0x94: {  	[sflag:s16] =	ssyncset.done $0x0  }
0x95: {  	[sflag:s16] =	ssyncadd.s32 $0xFFFFC000  }
0x96: {  	[tilespmem:s19], [sflag:$0x2] =	stream.indirect.gather [hbm4b:s6+s18], $0x80, s28, s18, $0xb8;
	[tilespmem:$0x1C400] =	vst v63  }
0x97: {  	_ =	swait.ge [sflag:s23], $0x4000  }
0x98: {  	[sflag:s23] =	ssyncset.done $0x0  }
0x99: {  	[sflag:s23] =	ssyncadd.s32 $0xFFFFC000  }
0x9a: {  	[spmem:s2] =	stream.indirect.scatter.add.f32 [tilespmem:s20], [sflag:$0x4], $0x80, s29, s18, $0xb8;
	[tilespmem:$0x1C400] =	vst v63  }
0x9b: {  	_ =	swait.ge [sflag:s16], $0x4000  }
0x9c: {  	[sflag:s16] =	ssyncset.done $0x0  }
0x9d: {  	[sflag:s16] =	ssyncadd.s32 $0xFFFFC000  }
0x9e: {  	[tilespmem:s20], [sflag:$0x3] =	stream.indirect.gather [hbm4b:s6+s18], $0x80, s30, s18, $0xb8;
	[tilespmem:$0x1C400] =	vst v63  }
0x9f: {  	_ =	swait.ge [sflag:s21], $0x4000  }
0xa0: {  	[sflag:s21] =	ssyncset.done $0x0  }
0xa1: {  	[sflag:s21] =	ssyncadd.s32 $0xFFFFC000  }
0xa2: {  	[spmem:s2] =	stream.indirect.scatter.add.f32 [tilespmem:s19], [sflag:$0x4], $0x80, s31, s18, $0xb8;
	[tilespmem:$0x1C400] =	vst v63  }
0xa3: {  	_ =	swait.ge [sflag:s16], $0x4000  }
0xa4: {  	[sflag:s16] =	ssyncset.done $0x0  }
0xa5: {  	[sflag:s16] =	ssyncadd.s32 $0xFFFFC000  }
0xa6: {  	[tilespmem:s19], [sflag:$0x2] =	stream.indirect.gather [hbm4b:s6+s18], $0x80, s0, s18, $0xb8;
	[tilespmem:$0x1C400] =	vst v63  }
0xa7: {  	_ =	swait.ge [sflag:s23], $0x4000  }
0xa8: {  	[sflag:s23] =	ssyncset.done $0x0  }
0xa9: {  	[sflag:s23] =	ssyncadd.s32 $0xFFFFC000  }
0xaa: {  	[spmem:s2] =	stream.indirect.scatter.add.f32 [tilespmem:s20], [sflag:$0x4], $0x80, s1, s18, $0xb8;
	[tilespmem:$0x1C400] =	vst v63  }
0xab: {  	_ =	swait.ge [sflag:s16], $0x4000  }
0xac: {  	[sflag:s16] =	ssyncset.done $0x0  }
0xad: {  	[sflag:s16] =	ssyncadd.s32 $0xFFFFC000  }
0xae: {  	[tilespmem:s20], [sflag:$0x3] =	stream.indirect.gather [hbm4b:s6+s18], $0x80, s7, s18, $0xb8;
	[tilespmem:$0x1C400] =	vst v63  }
0xaf: {  	_ =	swait.ge [sflag:s21], $0x4000  }
0xb0: {  	[sflag:s21] =	ssyncset.done $0x0  }
0xb1: {  	[sflag:s21] =	ssyncadd.s32 $0xFFFFC000  }
0xb2: {  	[spmem:s2] =	stream.indirect.scatter.add.f32 [tilespmem:s19], [sflag:$0x4], $0x80, s8, s18, $0xb8;
	[tilespmem:$0x1C400] =	vst v63  }
0xb3: {  	_ =	swait.ge [sflag:s16], $0x4000  }
0xb4: {  	[sflag:s16] =	ssyncset.done $0x0  }
0xb5: {  	[sflag:s16] =	ssyncadd.s32 $0xFFFFC000  }
0xb6: {  	_ =	swait.ge [sflag:s23], $0x4000  }
0xb7: {  	[sflag:s23] =	ssyncset.done $0x0  }
.Ltmp3:
0xb8: {  	s15 =	smin.u32 s15, $0x9;
	[sflag:s23] =	ssyncadd.s32 $0xFFFFC000;
	(pc) =	sbr.rel @p1 .LBB2_6-.Ltmp3, $4  }
0xb9: {  	[spmem:s2] =	stream.indirect.scatter.add.f32 [tilespmem:s20], [sflag:$0x4], $0x80, s11, s18, $0xb8;
	[tilespmem:$0x1C400] =	vst v63  }
0xba: {  	s15 =	sadd.s32 s10, s15;
	_ =	swait.ge [sflag:s16], $0x4000  }
0xbb: {  	s15 =	sshll.u32 s15, $0x7;
	[sflag:s16] =	ssyncset.done $0x0  }
0xbc: {  	s15 =	sadd.s32 s4, s15;
	[sflag:s16] =	ssyncadd.s32 $0xFFFFC000  }
.Ltmp4:
0xbd: {  	_ = 	snop;
	(pc) =	sbr.rel .LBB2_7-.Ltmp4, $1  }
0xbe: {  	_ =	sdelay $0x3  }
.LBB2_2:
0xbf: {  	_ =	swait.ge [sflag:s17], $0x800  }
0xc0: {  	[sflag:s17] =	ssyncset.done $0x0  }
0xc1: {  	[sflag:s17] =	ssyncadd.s32 $0xFFFFF800  }
0xc2: {  	[tilespmem:s19], [sflag:$0x2] =	stream.indirect.gather [hbm4b:s5+s18], $0x80, s3, s18, $0xb8;
	[tilespmem:$0x1C400] =	vst v63  }
0xc3: {  	_ = 	snop  }
0xc4: {  	[tilespmem:s20], [sflag:$0x3] =	stream.indirect.gather [hbm4b:s5+s18], $0x80, s18, s18, $0xb8;
	[tilespmem:$0x1C400] =	vst v63  }
0xc5: {  	_ =	swait.ge [sflag:s21], $0x4000  }
0xc6: {  	[sflag:s21] =	ssyncset.done $0x0  }
0xc7: {  	[sflag:s21] =	ssyncadd.s32 $0xFFFFC000  }
0xc8: {  	[spmem:s2] =	stream.indirect.scatter.add.f32 [tilespmem:s19], [sflag:$0x4], $0x80, s13, s18, $0xb8;
	[tilespmem:$0x1C400] =	vst v63  }
0xc9: {  	_ =	swait.ge [sflag:s16], $0x4000  }
0xca: {  	[sflag:s16] =	ssyncset.done $0x0  }
0xcb: {  	[sflag:s16] =	ssyncadd.s32 $0xFFFFC000  }
0xcc: {  	[tilespmem:s19], [sflag:$0x2] =	stream.indirect.gather [hbm4b:s5+s18], $0x80, s22, s18, $0xb8;
	[tilespmem:$0x1C400] =	vst v63  }
0xcd: {  	_ =	swait.ge [sflag:s23], $0x4000  }
0xce: {  	[sflag:s23] =	ssyncset.done $0x0  }
0xcf: {  	[sflag:s23] =	ssyncadd.s32 $0xFFFFC000  }
0xd0: {  	[spmem:s2] =	stream.indirect.scatter.add.f32 [tilespmem:s20], [sflag:$0x4], $0x80, s24, s18, $0xb8;
	[tilespmem:$0x1C400] =	vst v63  }
0xd1: {  	_ =	swait.ge [sflag:s16], $0x4000  }
0xd2: {  	[sflag:s16] =	ssyncset.done $0x0  }
0xd3: {  	[sflag:s16] =	ssyncadd.s32 $0xFFFFC000  }
0xd4: {  	[tilespmem:s20], [sflag:$0x3] =	stream.indirect.gather [hbm4b:s5+s18], $0x80, s25, s18, $0xb8;
	[tilespmem:$0x1C400] =	vst v63  }
0xd5: {  	_ =	swait.ge [sflag:s21], $0x4000  }
0xd6: {  	[sflag:s21] =	ssyncset.done $0x0  }
0xd7: {  	[sflag:s21] =	ssyncadd.s32 $0xFFFFC000  }
0xd8: {  	[spmem:s2] =	stream.indirect.scatter.add.f32 [tilespmem:s19], [sflag:$0x4], $0x80, s26, s18, $0xb8;
	[tilespmem:$0x1C400] =	vst v63  }
0xd9: {  	_ =	swait.ge [sflag:s16], $0x4000  }
0xda: {  	[sflag:s16] =	ssyncset.done $0x0  }
0xdb: {  	[sflag:s16] =	ssyncadd.s32 $0xFFFFC000  }
0xdc: {  	[tilespmem:s19], [sflag:$0x2] =	stream.indirect.gather [hbm4b:s5+s18], $0x80, s28, s18, $0xb8;
	[tilespmem:$0x1C400] =	vst v63  }
0xdd: {  	_ =	swait.ge [sflag:s23], $0x4000  }
0xde: {  	[sflag:s23] =	ssyncset.done $0x0  }
0xdf: {  	[sflag:s23] =	ssyncadd.s32 $0xFFFFC000  }
0xe0: {  	[spmem:s2] =	stream.indirect.scatter.add.f32 [tilespmem:s20], [sflag:$0x4], $0x80, s29, s18, $0xb8;
	[tilespmem:$0x1C400] =	vst v63  }
0xe1: {  	_ =	swait.ge [sflag:s16], $0x4000  }
0xe2: {  	[sflag:s16] =	ssyncset.done $0x0  }
0xe3: {  	[sflag:s16] =	ssyncadd.s32 $0xFFFFC000  }
0xe4: {  	[tilespmem:s20], [sflag:$0x3] =	stream.indirect.gather [hbm4b:s5+s18], $0x80, s30, s18, $0xb8;
	[tilespmem:$0x1C400] =	vst v63  }
0xe5: {  	_ =	swait.ge [sflag:s21], $0x4000  }
0xe6: {  	[sflag:s21] =	ssyncset.done $0x0  }
0xe7: {  	[sflag:s21] =	ssyncadd.s32 $0xFFFFC000  }
0xe8: {  	[spmem:s2] =	stream.indirect.scatter.add.f32 [tilespmem:s19], [sflag:$0x4], $0x80, s31, s18, $0xb8;
	[tilespmem:$0x1C400] =	vst v63  }
0xe9: {  	_ =	swait.ge [sflag:s16], $0x4000  }
0xea: {  	[sflag:s16] =	ssyncset.done $0x0  }
0xeb: {  	[sflag:s16] =	ssyncadd.s32 $0xFFFFC000  }
0xec: {  	[tilespmem:s19], [sflag:$0x2] =	stream.indirect.gather [hbm4b:s5+s18], $0x80, s0, s18, $0xb8;
	[tilespmem:$0x1C400] =	vst v63  }
0xed: {  	_ =	swait.ge [sflag:s23], $0x4000  }
0xee: {  	[sflag:s23] =	ssyncset.done $0x0  }
0xef: {  	[sflag:s23] =	ssyncadd.s32 $0xFFFFC000  }
0xf0: {  	[spmem:s2] =	stream.indirect.scatter.add.f32 [tilespmem:s20], [sflag:$0x4], $0x80, s1, s18, $0xb8;
	[tilespmem:$0x1C400] =	vst v63  }
0xf1: {  	_ =	swait.ge [sflag:s16], $0x4000  }
0xf2: {  	[sflag:s16] =	ssyncset.done $0x0  }
0xf3: {  	[sflag:s16] =	ssyncadd.s32 $0xFFFFC000  }
0xf4: {  	[tilespmem:s20], [sflag:$0x3] =	stream.indirect.gather [hbm4b:s5+s18], $0x80, s7, s18, $0xb8;
	[tilespmem:$0x1C400] =	vst v63  }
0xf5: {  	_ =	swait.ge [sflag:s21], $0x4000  }
0xf6: {  	[sflag:s21] =	ssyncset.done $0x0  }
0xf7: {  	[sflag:s21] =	ssyncadd.s32 $0xFFFFC000  }
0xf8: {  	[spmem:s2] =	stream.indirect.scatter.add.f32 [tilespmem:s19], [sflag:$0x4], $0x80, s8, s18, $0xb8;
	[tilespmem:$0x1C400] =	vst v63  }
0xf9: {  	_ =	swait.ge [sflag:s16], $0x4000  }
0xfa: {  	[sflag:s16] =	ssyncset.done $0x0  }
0xfb: {  	[sflag:s16] =	ssyncadd.s32 $0xFFFFC000  }
0xfc: {  	_ =	swait.ge [sflag:s23], $0x4000  }
0xfd: {  	[sflag:s23] =	ssyncset.done $0x0  }
0xfe: {  	s9 =	smin.u32 s17, $0x9;
	[sflag:s23] =	ssyncadd.s32 $0xFFFFC000  }
0xff: {  	[spmem:s2] =	stream.indirect.scatter.add.f32 [tilespmem:s20], [sflag:$0x4], $0x80, s11, s18, $0xb8;
	[tilespmem:$0x1C400] =	vst v63  }
0x100: {  	s9 =	sadd.s32 s10, s9;
	_ =	swait.ge [sflag:s16], $0x4000  }
0x101: {  	s15 =	sshll.u32 s9, $0x7;
	[sflag:s16] =	ssyncset.done $0x0  }
0x102: {  	s9 =	simm.s32 $0x2;
	s15 =	sadd.s32 s4, s15;
	[sflag:s16] =	ssyncadd.s32 $0xFFFFC000  }
.LBB2_3:
0x103: {  	[tilespmem:s3], [sflag:$0x1] =	stream.strided.gather [hbm4b:s15+s13], $0x800, s14, s13, $0x38;
	[tilespmem:$0x1C400] =	vst v63  }
0x104: {  	s15 =	smov.u32 s9  }
0x105: {  	p1 =	seq.s32 s9, $0xA;
	s9 =	sadd.s32 $0x1, s9;
	_ =	swait.ge [sflag:s17], $0x800  }
0x106: {  	[sflag:s17] =	ssyncset.done $0x0  }
0x107: {  	[sflag:s17] =	ssyncadd.s32 $0xFFFFF800  }
0x108: {  	[tilespmem:s19], [sflag:$0x2] =	stream.indirect.gather [hbm4b:s5+s18], $0x80, s3, s18, $0xb8;
	[tilespmem:$0x1C400] =	vst v63  }
0x109: {  	_ = 	snop  }
0x10a: {  	[tilespmem:s20], [sflag:$0x3] =	stream.indirect.gather [hbm4b:s5+s18], $0x80, s18, s18, $0xb8;
	[tilespmem:$0x1C400] =	vst v63  }
0x10b: {  	_ =	swait.ge [sflag:s21], $0x4000  }
0x10c: {  	[sflag:s21] =	ssyncset.done $0x0  }
0x10d: {  	[sflag:s21] =	ssyncadd.s32 $0xFFFFC000  }
0x10e: {  	[spmem:s2] =	stream.indirect.scatter.add.f32 [tilespmem:s19], [sflag:$0x4], $0x80, s13, s18, $0xb8;
	[tilespmem:$0x1C400] =	vst v63  }
0x10f: {  	_ =	swait.ge [sflag:s16], $0x4000  }
0x110: {  	[sflag:s16] =	ssyncset.done $0x0  }
0x111: {  	[sflag:s16] =	ssyncadd.s32 $0xFFFFC000  }
0x112: {  	[tilespmem:s19], [sflag:$0x2] =	stream.indirect.gather [hbm4b:s5+s18], $0x80, s22, s18, $0xb8;
	[tilespmem:$0x1C400] =	vst v63  }
0x113: {  	_ =	swait.ge [sflag:s23], $0x4000  }
0x114: {  	[sflag:s23] =	ssyncset.done $0x0  }
0x115: {  	[sflag:s23] =	ssyncadd.s32 $0xFFFFC000  }
0x116: {  	[spmem:s2] =	stream.indirect.scatter.add.f32 [tilespmem:s20], [sflag:$0x4], $0x80, s24, s18, $0xb8;
	[tilespmem:$0x1C400] =	vst v63  }
0x117: {  	_ =	swait.ge [sflag:s16], $0x4000  }
0x118: {  	[sflag:s16] =	ssyncset.done $0x0  }
0x119: {  	[sflag:s16] =	ssyncadd.s32 $0xFFFFC000  }
0x11a: {  	[tilespmem:s20], [sflag:$0x3] =	stream.indirect.gather [hbm4b:s5+s18], $0x80, s25, s18, $0xb8;
	[tilespmem:$0x1C400] =	vst v63  }
0x11b: {  	_ =	swait.ge [sflag:s21], $0x4000  }
0x11c: {  	[sflag:s21] =	ssyncset.done $0x0  }
0x11d: {  	[sflag:s21] =	ssyncadd.s32 $0xFFFFC000  }
0x11e: {  	[spmem:s2] =	stream.indirect.scatter.add.f32 [tilespmem:s19], [sflag:$0x4], $0x80, s26, s18, $0xb8;
	[tilespmem:$0x1C400] =	vst v63  }
0x11f: {  	_ =	swait.ge [sflag:s16], $0x4000  }
0x120: {  	[sflag:s16] =	ssyncset.done $0x0  }
0x121: {  	[sflag:s16] =	ssyncadd.s32 $0xFFFFC000  }
0x122: {  	[tilespmem:s19], [sflag:$0x2] =	stream.indirect.gather [hbm4b:s5+s18], $0x80, s28, s18, $0xb8;
	[tilespmem:$0x1C400] =	vst v63  }
0x123: {  	_ =	swait.ge [sflag:s23], $0x4000  }
0x124: {  	[sflag:s23] =	ssyncset.done $0x0  }
0x125: {  	[sflag:s23] =	ssyncadd.s32 $0xFFFFC000  }
0x126: {  	[spmem:s2] =	stream.indirect.scatter.add.f32 [tilespmem:s20], [sflag:$0x4], $0x80, s29, s18, $0xb8;
	[tilespmem:$0x1C400] =	vst v63  }
0x127: {  	_ =	swait.ge [sflag:s16], $0x4000  }
0x128: {  	[sflag:s16] =	ssyncset.done $0x0  }
0x129: {  	[sflag:s16] =	ssyncadd.s32 $0xFFFFC000  }
0x12a: {  	[tilespmem:s20], [sflag:$0x3] =	stream.indirect.gather [hbm4b:s5+s18], $0x80, s30, s18, $0xb8;
	[tilespmem:$0x1C400] =	vst v63  }
0x12b: {  	_ =	swait.ge [sflag:s21], $0x4000  }
0x12c: {  	[sflag:s21] =	ssyncset.done $0x0  }
0x12d: {  	[sflag:s21] =	ssyncadd.s32 $0xFFFFC000  }
0x12e: {  	[spmem:s2] =	stream.indirect.scatter.add.f32 [tilespmem:s19], [sflag:$0x4], $0x80, s31, s18, $0xb8;
	[tilespmem:$0x1C400] =	vst v63  }
0x12f: {  	_ =	swait.ge [sflag:s16], $0x4000  }
0x130: {  	[sflag:s16] =	ssyncset.done $0x0  }
0x131: {  	[sflag:s16] =	ssyncadd.s32 $0xFFFFC000  }
0x132: {  	[tilespmem:s19], [sflag:$0x2] =	stream.indirect.gather [hbm4b:s5+s18], $0x80, s0, s18, $0xb8;
	[tilespmem:$0x1C400] =	vst v63  }
0x133: {  	_ =	swait.ge [sflag:s23], $0x4000  }
0x134: {  	[sflag:s23] =	ssyncset.done $0x0  }
0x135: {  	[sflag:s23] =	ssyncadd.s32 $0xFFFFC000  }
0x136: {  	[spmem:s2] =	stream.indirect.scatter.add.f32 [tilespmem:s20], [sflag:$0x4], $0x80, s1, s18, $0xb8;
	[tilespmem:$0x1C400] =	vst v63  }
0x137: {  	_ =	swait.ge [sflag:s16], $0x4000  }
0x138: {  	[sflag:s16] =	ssyncset.done $0x0  }
0x139: {  	[sflag:s16] =	ssyncadd.s32 $0xFFFFC000  }
0x13a: {  	[tilespmem:s20], [sflag:$0x3] =	stream.indirect.gather [hbm4b:s5+s18], $0x80, s7, s18, $0xb8;
	[tilespmem:$0x1C400] =	vst v63  }
0x13b: {  	_ =	swait.ge [sflag:s21], $0x4000  }
0x13c: {  	[sflag:s21] =	ssyncset.done $0x0  }
0x13d: {  	[sflag:s21] =	ssyncadd.s32 $0xFFFFC000  }
0x13e: {  	[spmem:s2] =	stream.indirect.scatter.add.f32 [tilespmem:s19], [sflag:$0x4], $0x80, s8, s18, $0xb8;
	[tilespmem:$0x1C400] =	vst v63  }
0x13f: {  	_ =	swait.ge [sflag:s16], $0x4000  }
0x140: {  	[sflag:s16] =	ssyncset.done $0x0  }
0x141: {  	[sflag:s16] =	ssyncadd.s32 $0xFFFFC000  }
0x142: {  	_ =	swait.ge [sflag:s23], $0x4000  }
0x143: {  	[sflag:s23] =	ssyncset.done $0x0  }
.Ltmp5:
0x144: {  	s15 =	smin.u32 s15, $0x9;
	[sflag:s23] =	ssyncadd.s32 $0xFFFFC000;
	(pc) =	sbr.rel @!p1 .LBB2_3-.Ltmp5, $4  }
0x145: {  	[spmem:s2] =	stream.indirect.scatter.add.f32 [tilespmem:s20], [sflag:$0x4], $0x80, s11, s18, $0xb8;
	[tilespmem:$0x1C400] =	vst v63  }
0x146: {  	s15 =	sadd.s32 s10, s15;
	_ =	swait.ge [sflag:s16], $0x4000  }
0x147: {  	s15 =	sshll.u32 s15, $0x7;
	[sflag:s16] =	ssyncset.done $0x0  }
0x148: {  	s15 =	sadd.s32 s4, s15;
	[sflag:s16] =	ssyncadd.s32 $0xFFFFC000  }
.Ltmp6:
0x149: {  	(pc) =	sbr.rel .LBB2_8-.Ltmp6, $2  }
0x14a: {  	_ =	sdelay $0x2  }
0x14b: {  	[tilespmem:s3], [sflag:$0x1] =	stream.strided.gather [hbm4b:s15+s13], $0x800, s14, s13, $0x38;
	[tilespmem:$0x1C400] =	vst v63  }
.LBB2_9:
0x14c: {  	_ =	sfence.sel $0x180000  }
0x14d: {  	[bflag:$0x0] =	sbarrier.arrive $0xFFFF  }
0x14e: {  	_ =	strace $0x90000050  }
0x14f: {  	s0 =	stileid.u32;
	[bflag:$0x2] =	sbarrier.arrive $0xFFFF  }
0x150: {  	p0 =	sne.s32 s0, $0x0;
	s0 =	rddreg [dreg:$0x2]  }
0x151: {  	s0 =	sadd.s32 @!p0 $0x100000, s0  }
0x152: {  	[sflag:s0] =	ssyncadd.tile.s32 @!p0 $0x1;
	_ =	shalt  }
.Lfunc_end2:
_tile_overlayer_lowered:
.L_overlay_start_2:
0x153: {  	(tag) =	ssettag $0x2  }
0x154: {  	s0 =	rddreg [dreg:$0x0];
	s2 =	stileid.u32  }
0x155: {  	s1 =	rddreg [dreg:$0x1];
	p0 =	sne.s32 s2, $0x0  }
0x156: {  	s3 =	rddreg [dreg:$0x2];
	[bflag:$0x3] =	sbarrier.arrive $0xFFFF;
	s2 =	simm.s32 @!p0 $0x1C04  }
0x157: {  	[timem:s3], [sflag:s2] =	dma.local @!p0 [hbm:s0], s1  }
0x158: {  	s0 =	simm.s32 @!p0 $0x4  }
0x159: {  	_ =	swait.ge @!p0 [sflag:s0], s1  }
0x15a: {  	s1 =	ssub.s32 @!p0 $0x0, s1;
	[sflag:s0] =	ssyncset.done @!p0 $0x0  }
0x15b: {  	[sflag:s0] =	ssyncadd.s32 @!p0 s1  }
0x15c: {  	[bflag:$0x3] =	sbarrier.arrive $0xFFFF  }
0x15d: {  	_ =	shalt  }

// kernel: kernel.23.cloned.1.call-start
scs
__scs_entry_jumppad:
0x0: {  	(pc) =	sbr.rel $0x88, $3  }
0x1: {  	(tag) =	ssettag $0x0;
	lr =	simm.s32 $0x1  }
0x2: {  	[smem:$0x3F96] =	sst lr;
	_ =	strace $0xD0000000  }
0x3: {  	_ = 	snop  }
0x4: {  	_ = 	snop  }
0x5: {  	_ = 	snop  }
0x6: {  	_ = 	snop  }
0x7: {  	_ = 	snop  }
__scs_overlays_trampoline_lowered:
0x8: {  	[smem:$0x3FA5] =	sst s0  }
0x9: {  	[smem:$0x3FA6] =	sst s1  }
0xa: {  	[smem:$0x3FA7] =	sst s2  }
0xb: {  	[smem:$0x3FA8] =	sst s3  }
0xc: {  	[smem:$0x3FA9] =	sst s4  }
0xd: {  	[smem:$0x3FAA] =	sst s5  }
0xe: {  	[smem:$0x3FAB] =	sst s6  }
0xf: {  	[smem:$0x3FAC] =	sst s7  }
0x10: {  	[smem:$0x3FAD] =	sst s8  }
0x11: {  	[smem:$0x3FAE] =	sst s9;
	s0 =	simm.s32 @!p0 $0x0  }
0x12: {  	s1 =	sld [smem:$0x3F94];
	s0 =	simm.s32 @p0 $0x1  }
0x13: {  	[smem:$0x3FAF] =	sst s0;
	s0 =	simm.s32 @!p1 $0x0  }
0x14: {  	s2 =	sld [smem:$0x3F93];
	s0 =	simm.s32 @p1 $0x1  }
0x15: {  	[smem:$0x3FB0] =	sst s0;
	s0 =	simm.s32 @!p2 $0x0  }
0x16: {  	s3 =	sld [smem:$0x3FDB];
	s0 =	simm.s32 @p2 $0x1  }
0x17: {  	s4 =	simm.s32 $0x1BF5;
	[smem:$0x3FB2] =	sst s0  }
0x18: {  	s0 =	sld [smem:$0x3F95];
	_ =	swait.ge [sflag:s4], $0x0  }
0x19: {  	s7 =	sld [smem:$0x3F96]  }
0x1a: {  	s8 =	sadd.s32 $0xFFFFE003, lr  }
0x1b: {  	s9 =	sadd.s32 $0xFFFFFEF7, lr;
	s5 =	simm.s32 $0xFFFFFFFF;
	p2 =	slt.u32 s8, $0xFFFFF086  }
0x1c: {  	p1 =	slt.u32 s9, $0xF7A;
	s5 =	simm.s32 @!p2 $0x0  }
0x1d: {  	s5 =	simm.s32 @p1 $0x1;
	p0 =	seq.s32 s7, s2  }
0x1e: {  	s7 =	smul.u32 @!p0 $0xF7A, s2;
	p2 =	seq.s32 @!p0 s5, $0x0  }
0x1f: {  	s9 =	smul.u32 $0xF7A, s1;
	s8 =	simm.s32 @!p0 $0x1BF5;
	p2 =	por !p2, p0  }
0x20: {  	[sflag:s8] =	ssyncset.s32 @!p0 $0xFFFFF086;
	s6 =	sadd.s32 @!p0 s3, s7;
	s7 =	simm.s32 @!p0 $0x108  }
0x21: {  	s3 =	sadd.s32 s3, s9;
	s6 =	sadd.s32 @!p0 $0x88, s6;
	s7 =	simm.s32 @p2 $0x1082  }
0x22: {  	[simem:s7], [sflag:s8] =	dma.local @!p0 [hbm:s6], $0xF7A  }
0x23: {  	s9 =	sor.u32 $0xD0000000, s2;
	s6 =	simm.s32 $0x108;
	_ =	swait.ge @!p0 [sflag:s8], $0x0  }
0x24: {  	s3 =	sadd.s32 $0x88, s3;
	s6 =	simm.s32 @!p1 $0x1082;
	[sflag:s4] =	ssyncset.s32 $0xFFFFF086  }
0x25: {  	[simem:s6], [sflag:s4] =	dma.local [hbm:s3], $0xF7A  }
0x26: {  	[smem:$0x3F96] =	sst s1;
	(tag) =	ssettag s2;
	_ =	strace s9  }
0x27: {  	s1 =	sld [smem:$0x3FA6]  }
0x28: {  	s2 =	sld [smem:$0x3FA7]  }
0x29: {  	s4 =	sld [smem:$0x3FA9]  }
0x2a: {  	p0 =	seq.s32 s5, $0x0;
	s5 =	sld [smem:$0x3FAA]  }
0x2b: {  	s6 =	sld [smem:$0x3FAB]  }
0x2c: {  	s7 =	sld [smem:$0x3FAC]  }
0x2d: {  	s3 =	simm.s32 $0x108;
	s8 =	sld [smem:$0x3FAD]  }
0x2e: {  	s3 =	simm.s32 @!p0 $0x1082;
	s9 =	sld [smem:$0x3FAE]  }
0x2f: {  	lr =	sadd.s32 s0, s3;
	s0 =	sld [smem:$0x3FA5]  }
0x30: {  	s3 =	sld [smem:$0x3FA8]  }
0x31: {  	[smem:$0x3FB1] =	sst s10  }
0x32: {  	s10 =	sld [smem:$0x3FAF];
	_ =	sdelay $0x3  }
0x33: {  	p0 =	seq.s32 s10, $0x1;
	s10 =	sld [smem:$0x3FB1];
	_ =	sdelay $0x3  }
0x34: {  	[smem:$0x3FB1] =	sst s10  }
0x35: {  	s10 =	sld [smem:$0x3FB0];
	_ =	sdelay $0x3  }
0x36: {  	p1 =	seq.s32 s10, $0x1;
	s10 =	sld [smem:$0x3FB1];
	_ =	sdelay $0x3  }
0x37: {  	[smem:$0x3FB1] =	sst s10  }
0x38: {  	s10 =	sld [smem:$0x3FB2]  }
0x39: {  	_ = 	snop;
	(pc) =	sbr.ind lr, $3  }
0x3a: {  	_ = 	snop  }
0x3b: {  	_ = 	snop  }
0x3c: {  	p2 =	seq.s32 s10, $0x1;
	s10 =	sld [smem:$0x3FB1]  }
0x3d: {  	_ =	shalt  }
0x3e: {  	_ =	shalt  }
0x3f: {  	_ =	shalt  }
0x40: {  	_ =	shalt  }
0x41: {  	_ =	shalt  }
0x42: {  	_ =	shalt  }
0x43: {  	_ =	shalt  }
0x44: {  	_ =	shalt  }
0x45: {  	_ =	shalt  }
0x46: {  	_ =	shalt  }
0x47: {  	_ =	shalt  }
0x48: {  	_ =	shalt  }
0x49: {  	_ =	shalt  }
0x4a: {  	_ =	shalt  }
0x4b: {  	_ =	shalt  }
0x4c: {  	_ =	shalt  }
0x4d: {  	_ =	shalt  }
0x4e: {  	_ =	shalt  }
0x4f: {  	_ =	shalt  }
0x50: {  	_ =	shalt  }
0x51: {  	_ =	shalt  }
0x52: {  	_ =	shalt  }
0x53: {  	_ =	shalt  }
0x54: {  	_ =	shalt  }
0x55: {  	_ =	shalt  }
0x56: {  	_ =	shalt  }
0x57: {  	_ =	shalt  }
0x58: {  	_ =	shalt  }
0x59: {  	_ =	shalt  }
0x5a: {  	_ =	shalt  }
0x5b: {  	_ =	shalt  }
0x5c: {  	_ =	shalt  }
0x5d: {  	_ =	shalt  }
0x5e: {  	_ =	shalt  }
0x5f: {  	_ =	shalt  }
0x60: {  	_ =	shalt  }
0x61: {  	_ =	shalt  }
0x62: {  	_ =	shalt  }
0x63: {  	_ =	shalt  }
0x64: {  	_ =	shalt  }
0x65: {  	_ =	shalt  }
0x66: {  	_ =	shalt  }
0x67: {  	_ =	shalt  }
0x68: {  	_ =	shalt  }
0x69: {  	_ =	shalt  }
0x6a: {  	_ =	shalt  }
0x6b: {  	_ =	shalt  }
0x6c: {  	_ =	shalt  }
0x6d: {  	_ =	shalt  }
0x6e: {  	_ =	shalt  }
0x6f: {  	_ =	shalt  }
0x70: {  	_ =	shalt  }
0x71: {  	_ =	shalt  }
0x72: {  	_ =	shalt  }
0x73: {  	_ =	shalt  }
0x74: {  	_ =	shalt  }
0x75: {  	_ =	shalt  }
0x76: {  	_ =	shalt  }
0x77: {  	_ =	shalt  }
0x78: {  	_ =	shalt  }
0x79: {  	_ =	shalt  }
0x7a: {  	_ =	shalt  }
0x7b: {  	_ =	shalt  }
0x7c: {  	_ =	shalt  }
0x7d: {  	_ =	shalt  }
0x7e: {  	_ =	shalt  }
0x7f: {  	_ =	shalt  }
0x80: {  	_ =	shalt  }
0x81: {  	_ =	shalt  }
0x82: {  	_ =	shalt  }
0x83: {  	_ =	shalt  }
0x84: {  	_ =	shalt  }
0x85: {  	_ =	shalt  }
0x86: {  	_ =	shalt  }
0x87: {  	_ =	shalt  }
.Lfunc_end0:
.L_simem_size_0:
called_computation.4_lowered:
.L_overlay_start_0:
0x88: {  	s2 =	sld [smem:$0x3FD9]  }
0x89: {  	s3 =	sld [smem:$0x3FFE];
	_ =	sdelay $0x1  }
0x8a: {  	s1 =	srdreg.scid  }
0x8b: {  	s0 =	sand.u32 $0x1, s1  }
0x8c: {  	s16 =	sshll.u32 s0, $0xA;
	s2 =	sadd.s32 s3, s2  }
0x8d: {  	s2 =	sadd.s32 s2, s16  }
0x8e: {  	[smem:$0x3FBD] =	sst s2  }
0x8f: {  	_ = 	snop  }
0x90: {  	(tm) =	ssettm $0x1  }
0x91: {  	s17 =	sld [smem:$0x3FFB];
	_ =	sdelay $0x3  }
0x92: {  	_ =	strace s17  }
0x93: {  	s2 =	sld [smem:$0x3FFC];
	_ =	sdelay $0x3  }
0x94: {  	_ =	strace s2  }
0x95: {  	s2 =	sld [smem:$0x3FFD];
	_ =	sdelay $0x3  }
0x96: {  	_ =	strace s2  }
0x97: {  	_ =	strace $0x8FFFFFFF  }
0x98: {  	s18 =	sld [smem:$0x3FDB];
	_ =	sdelay $0x1  }
0x99: {  	s19 =	simm.s32 $_scs_section_size  }
0x9a: {  	s4 =	simm.s32 $_size__tile_overlayer_lowered;
	s5 =	simm.s32 $_tile_overlayer_lowered  }
0x9b: {  	s22 =	simm.s32 $0x1BFF;
	s21 =	sshll.u32 s5, $0x1;
	s2 =	sadd.s32 s19, s18  }
0x9c: {  	s6 =	simm.s32 $0x0;
	s20 =	sshll.u32 s4, $0x1;
	s4 =	sadd.s32 s21, s2  }
0x9d: {  	[timem:s6], [sflag:s22] =	dma.local [hbm:s4], s20  }
0x9e: {  	_ =	swait.ge [sflag:s22], s20  }
0x9f: {  	s3 =	ssub.s32 $0x0, s20;
	[sflag:s22] =	ssyncset.done $0x0  }
0xa0: {  	[sflag:s22] =	ssyncadd.s32 s3;
	_ =	sdelay $0x1  }
0xa1: {  	s23 =	simm.s32 $0x1B8B  }
0xa2: {  	_ =	swait.ge [sflag:s23], $0x1  }
0xa3: {  	[sflag:s23] =	ssyncset.done $0x0  }
0xa4: {  	s25 =	simm.s32 $0x1B8E;
	s24 =	sld [smem:$0x3FFE];
	[sflag:s23] =	ssyncadd.s32 $0xFFFFFFFF  }
0xa5: {  	s26 =	simm.s32 $execute0_lowered;
	[smem:$0x3FD2] =	sst s25  }
0xa6: {  	s4 =	sshll.u32 s26, $0x1;
	_ =	strace $0x80000052;
	[dreg:$0x1] =	wrdreg $0xFFFFFFFF  }
0xa7: {  	s28 =	simm.s32 $_size_execute0_lowered;
	s2 =	sadd.s32 s2, s4;
	[dreg:$0x0] =	wrdreg $0x0  }
0xa8: {  	s4 =	sshll.u32 s28, $0x1;
	[dreg:$0x2] =	wrdreg s2  }
0xa9: {  	[dreg:$0x3] =	wrdreg s4  }
0xaa: {  	[dreg:$0x4] =	wrdreg $0xC0  }
0xab: {  	_ =	task [dreg:s6], $0x5FFFF  }
0xac: {  	[dreg:$0x1] =	wrdreg $0xFFFFFFFF  }
0xad: {  	[dreg:$0x0] =	wrdreg $0x60  }
0xae: {  	[dreg:$0x2] =	wrdreg s24  }
0xaf: {  	[dreg:$0x3] =	wrdreg $0x88000  }
0xb0: {  	[dreg:$0x4] =	wrdreg $0x9  }
0xb1: {  	_ =	task.clear_ibuf [dreg:s6], $0x5FFFF;
	_ =	strace $0x90000052  }
0xb2: {  	s29 =	simm.s32 $0x9;
	_ =	strace $0x80000054  }
0xb3: {  	_ =	swait.ge [sflag:s29], $0x1  }
0xb4: {  	[sflag:s29] =	ssyncadd.s32 $0xFFFFFFFF  }
0xb5: {  	_ =	strace $0x90000054  }
0xb6: {  	_ =	sfence  }
0xb7: {  	s30 =	sld [smem:$0x0];
	_ =	sdelay $0x2  }
0xb8: {  	s31 =	sshll.u32 s1, $0xD;
	s1 =	sshrl.u32 s1, $0x2  }
0xb9: {  	s3 =	sand.u32 $0x4000, s31;
	s1 =	sadd.s32 s1, s30  }
0xba: {  	s0 =	sor.u32 s3, s0;
	s1 =	sshll.u32 s1, $0x11  }
0xbb: {  	s0 =	sor.u32 s1, s0  }
0xbc: {  	s0 =	sadd.s32 $0x8F2B, s0  }
0xbd: {  	[sflag:s0] =	ssyncadd.remote.s32 $0x1  }
0xbe: {  	_ =	sfence.sel $0xFFFF  }
0xbf: {  	[dreg:$0x0] =	wrdreg $0xFFFFFFFF;
	(pc) =	sbr.abs _section_cstart, $3  }
0xc0: {  	[dreg:$0x1] =	wrdreg $0xFFFFFFFF  }
0xc1: {  	_ =	task.clear_ibuf [dreg:s6], $0x2FFFF;
	_ =	strace $0x9FFFFFFF  }
0xc2: {  	(tm) =	ssettm $0x7FFFFFFF  }
0xc3: {  	_ =	shalt  }
tec
execute0_lowered:
.L_overlay_start_1:
0x0: {  	(tag) =	ssettag $0x1  }
0x1: {  	s0 =	rddreg [dreg:$0x0]  }
0x2: {  	s2 =	rddreg [dreg:$0x1];
	s3 =	simm.s32 $0x0;
	s13 =	stileid.u32  }
0x3: {  	s4 =	srdreg.scid;
	s14 =	simm.s32 $0x28000;
	s16 =	simm.s32 $0x4  }
0x4: {  	s17 =	simm.s32 $0x1;
	s18 =	simm.s32 $0x80;
	s28 =	simm.s32 $0x200  }
0x5: {  	s29 =	simm.s32 $0x580;
	s30 =	simm.s32 $0x280;
	s31 =	simm.s32 $0x600  }
0x6: {  	s15 =	simm.s32 $0x0;
	[smem:$0x7FF] =	sst s3;
	s1 =	smul.u32 $0x13C00, s13  }
0x7: {  	s7 =	sand.u32 $0x1, s4;
	s4 =	sadd.s32 $0x4C00, s0;
	s10 =	smul.u32 $0x4F000, s13  }
0x8: {  	s5 =	sadd.s32 $0x36400, s0;
	s6 =	sadd.s32 $0x5D600, s0;
	s12 =	smul.u32 $0x500, s13  }
0x9: {  	s23 =	sshll.u32 s13, $0x6;
	_ =	strace $0x80000053;
	s9 =	smul.u32 $0x13C000, s7  }
0xa: {  	s19 =	ssub.s32 $0x2, s7;
	s24 =	sor.u32 $0x1C04, s23;
	p0 =	seq.s32 s7, $0x1  }
0xb: {  	s23 =	simm.s32 $0x3;
	s7 =	simm.s32 $0x380;
	s8 =	sshrl.u32 s1, $0x3  }
0xc: {  	s11 =	sshrl.u32 s19, $0x1;
	s21 =	sshrl.u32 s10, $0x2;
	s22 =	sadd.s32 s4, s12  }
0xd: {  	[dreg:$0x5] =	wrdreg s24;
	s10 =	smul.u32 $0xA, s13;
	s13 =	simm.s32 $0x400  }
0xe: {  	s24 =	simm.s32 $0x480;
	s8 =	sadd.s32 s8, s0;
	s1 =	sadd.s32 s1, s9  }
0xf: {  	s20 =	ssub.s32 s19, s11;
	[dreg:$0x3] =	wrdreg s22;
	s9 =	sadd.s32 s21, s2  }
0x10: {  	s19 =	simm.s32 $0x800;
	s21 =	simm.s32 $0x2;
	s22 =	simm.s32 $0x100  }
0x11: {  	s11 =	simm.s32 $0x780;
	s1 =	sshrl.u32 s1, $0x3;
	s8 =	sadd.s32 $0xEC00, s8  }
.Ltmp0:
0x12: {  	s25 =	smax.u32 s20, $0x1;
	[dreg:$0x4] =	wrdreg s8;
	(pc) =	sbr.rel .LBB2_1-.Ltmp0, $4  }
0x13: {  	s26 =	sshrl.u32 s9, $0x3;
	s20 =	simm.s32 $0x4800;
	[dreg:$0x7] =	wrdreg s25  }
0x14: {  	s0 =	sadd.s32 s1, s0;
	[dreg:$0x8] =	wrdreg s26;
	s25 =	simm.s32 $0x180  }
0x15: {  	s26 =	simm.s32 $0x500;
	s1 =	simm.s32 $0x680;
	s0 =	sadd.s32 $0xABA00, s0  }
0x16: {  	s8 =	simm.s32 $0x700;
	[dreg:$0x6] =	wrdreg s0;
	s0 =	simm.s32 $0x300  }
.LBB2_7:
0x17: {  	[tilespmem:s3], [sflag:$0x1] =	stream.strided.gather [hbm4b:s15+s13], $0x800, s14, s13, $0x38;
	[tilespmem:$0x1C400] =	vst v63  }
.LBB2_8:
0x18: {  	_ =	swait.ge [sflag:s17], $0x800  }
0x19: {  	[sflag:s17] =	ssyncset.done $0x0  }
0x1a: {  	[sflag:s17] =	ssyncadd.s32 $0xFFFFF800  }
0x1b: {  	[bflag:$0x0] =	sbarrier.arrive $0xFFFF  }
0x1c: {  	s9 =	rddreg [dreg:$0x6]  }
0x1d: {  	s15 =	rddreg [dreg:$0x5]  }
0x1e: {  	s12 =	rddreg [dreg:$0x8]  }
0x1f: {  	[hbm:s9], [sflag:s15] =	dma.local [spmem:s12], $0x2780  }
0x20: {  	_ =	swait.ge [sflag:s16], $0x2780  }
0x21: {  	s9 =	rddreg [dreg:$0x9]  }
0x22: {  	s12 =	rddreg [dreg:$0x7];
	s15 =	sadd.s32 $0x1, s9  }
0x23: {  	p1 =	sne.s32 s15, s12  }
.Ltmp1:
0x24: {  	_ = 	snop;
	(pc) =	sbr.rel @!p1 .LBB2_9-.Ltmp1, $3  }
0x25: {  	_ =	sdelay $0x1  }
0x26: {  	[sflag:s16] =	ssyncset.done $0x0  }
0x27: {  	[sflag:s16] =	ssyncadd.s32 $0xFFFFD880  }
.LBB2_1:
0x28: {  	[dreg:$0x9] =	wrdreg s15  }
0x29: {  	s9 =	rddreg [dreg:$0x3]  }
0x2a: {  	s15 =	rddreg [dreg:$0x5]  }
0x2b: {  	s12 =	rddreg [dreg:$0x8]  }
0x2c: {  	[tilespmem:s3], [sflag:$0x1] =	stream.strided.gather [hbm4b:s9+s13], $0x800, s14, s13, $0x38;
	[tilespmem:$0x1C400] =	vst v63  }
0x2d: {  	s9 =	rddreg [dreg:$0x4]  }
0x2e: {  	[spmem:s12], [sflag:s15] =	dma.local [hbm:s9], $0x2780  }
.Ltmp2:
0x2f: {  	_ =	swait.ge [sflag:s16], $0x2780;
	(pc) =	sbr.rel @!p0 .LBB2_2-.Ltmp2, $3  }
0x30: {  	[sflag:s16] =	ssyncset.done $0x0  }
0x31: {  	[sflag:s16] =	ssyncadd.s32 $0xFFFFD880  }
0x32: {  	[bflag:$0x0] =	sbarrier.arrive $0xFFFF;
	_ =	sdelay $0x1  }
0x33: {  	_ =	swait.ge [sflag:s17], $0x800  }
0x34: {  	[sflag:s17] =	ssyncset.done $0x0  }
0x35: {  	[sflag:s17] =	ssyncadd.s32 $0xFFFFF800  }
0x36: {  	[tilespmem:s19], [sflag:$0x2] =	stream.indirect.gather [hbm4b:s6+s18], $0x80, s3, s18, $0xb8;
	[tilespmem:$0x1C400] =	vst v63  }
0x37: {  	_ = 	snop  }
0x38: {  	[tilespmem:s20], [sflag:$0x3] =	stream.indirect.gather [hbm4b:s6+s18], $0x80, s18, s18, $0xb8;
	[tilespmem:$0x1C400] =	vst v63  }
0x39: {  	_ =	swait.ge [sflag:s21], $0x4000  }
0x3a: {  	[sflag:s21] =	ssyncset.done $0x0  }
0x3b: {  	[sflag:s21] =	ssyncadd.s32 $0xFFFFC000  }
0x3c: {  	[spmem:s2] =	stream.indirect.scatter.add.f32 [tilespmem:s19], [sflag:$0x4], $0x80, s13, s18, $0xb8;
	[tilespmem:$0x1C400] =	vst v63  }
0x3d: {  	_ =	swait.ge [sflag:s16], $0x4000  }
0x3e: {  	[sflag:s16] =	ssyncset.done $0x0  }
0x3f: {  	[sflag:s16] =	ssyncadd.s32 $0xFFFFC000  }
0x40: {  	[tilespmem:s19], [sflag:$0x2] =	stream.indirect.gather [hbm4b:s6+s18], $0x80, s22, s18, $0xb8;
	[tilespmem:$0x1C400] =	vst v63  }
0x41: {  	_ =	swait.ge [sflag:s23], $0x4000  }
0x42: {  	[sflag:s23] =	ssyncset.done $0x0  }
0x43: {  	[sflag:s23] =	ssyncadd.s32 $0xFFFFC000  }
0x44: {  	[spmem:s2] =	stream.indirect.scatter.add.f32 [tilespmem:s20], [sflag:$0x4], $0x80, s24, s18, $0xb8;
	[tilespmem:$0x1C400] =	vst v63  }
0x45: {  	_ =	swait.ge [sflag:s16], $0x4000  }
0x46: {  	[sflag:s16] =	ssyncset.done $0x0  }
0x47: {  	[sflag:s16] =	ssyncadd.s32 $0xFFFFC000  }
0x48: {  	[tilespmem:s20], [sflag:$0x3] =	stream.indirect.gather [hbm4b:s6+s18], $0x80, s25, s18, $0xb8;
	[tilespmem:$0x1C400] =	vst v63  }
0x49: {  	_ =	swait.ge [sflag:s21], $0x4000  }
0x4a: {  	[sflag:s21] =	ssyncset.done $0x0  }
0x4b: {  	[sflag:s21] =	ssyncadd.s32 $0xFFFFC000  }
0x4c: {  	[spmem:s2] =	stream.indirect.scatter.add.f32 [tilespmem:s19], [sflag:$0x4], $0x80, s26, s18, $0xb8;
	[tilespmem:$0x1C400] =	vst v63  }
0x4d: {  	_ =	swait.ge [sflag:s16], $0x4000  }
0x4e: {  	[sflag:s16] =	ssyncset.done $0x0  }
0x4f: {  	[sflag:s16] =	ssyncadd.s32 $0xFFFFC000  }
0x50: {  	[tilespmem:s19], [sflag:$0x2] =	stream.indirect.gather [hbm4b:s6+s18], $0x80, s28, s18, $0xb8;
	[tilespmem:$0x1C400] =	vst v63  }
0x51: {  	_ =	swait.ge [sflag:s23], $0x4000  }
0x52: {  	[sflag:s23] =	ssyncset.done $0x0  }
0x53: {  	[sflag:s23] =	ssyncadd.s32 $0xFFFFC000  }
0x54: {  	[spmem:s2] =	stream.indirect.scatter.add.f32 [tilespmem:s20], [sflag:$0x4], $0x80, s29, s18, $0xb8;
	[tilespmem:$0x1C400] =	vst v63  }
0x55: {  	_ =	swait.ge [sflag:s16], $0x4000  }
0x56: {  	[sflag:s16] =	ssyncset.done $0x0  }
0x57: {  	[sflag:s16] =	ssyncadd.s32 $0xFFFFC000  }
0x58: {  	[tilespmem:s20], [sflag:$0x3] =	stream.indirect.gather [hbm4b:s6+s18], $0x80, s30, s18, $0xb8;
	[tilespmem:$0x1C400] =	vst v63  }
0x59: {  	_ =	swait.ge [sflag:s21], $0x4000  }
0x5a: {  	[sflag:s21] =	ssyncset.done $0x0  }
0x5b: {  	[sflag:s21] =	ssyncadd.s32 $0xFFFFC000  }
0x5c: {  	[spmem:s2] =	stream.indirect.scatter.add.f32 [tilespmem:s19], [sflag:$0x4], $0x80, s31, s18, $0xb8;
	[tilespmem:$0x1C400] =	vst v63  }
0x5d: {  	_ =	swait.ge [sflag:s16], $0x4000  }
0x5e: {  	[sflag:s16] =	ssyncset.done $0x0  }
0x5f: {  	[sflag:s16] =	ssyncadd.s32 $0xFFFFC000  }
0x60: {  	[tilespmem:s19], [sflag:$0x2] =	stream.indirect.gather [hbm4b:s6+s18], $0x80, s0, s18, $0xb8;
	[tilespmem:$0x1C400] =	vst v63  }
0x61: {  	_ =	swait.ge [sflag:s23], $0x4000  }
0x62: {  	[sflag:s23] =	ssyncset.done $0x0  }
0x63: {  	[sflag:s23] =	ssyncadd.s32 $0xFFFFC000  }
0x64: {  	[spmem:s2] =	stream.indirect.scatter.add.f32 [tilespmem:s20], [sflag:$0x4], $0x80, s1, s18, $0xb8;
	[tilespmem:$0x1C400] =	vst v63  }
0x65: {  	_ =	swait.ge [sflag:s16], $0x4000  }
0x66: {  	[sflag:s16] =	ssyncset.done $0x0  }
0x67: {  	[sflag:s16] =	ssyncadd.s32 $0xFFFFC000  }
0x68: {  	[tilespmem:s20], [sflag:$0x3] =	stream.indirect.gather [hbm4b:s6+s18], $0x80, s7, s18, $0xb8;
	[tilespmem:$0x1C400] =	vst v63  }
0x69: {  	_ =	swait.ge [sflag:s21], $0x4000  }
0x6a: {  	[sflag:s21] =	ssyncset.done $0x0  }
0x6b: {  	[sflag:s21] =	ssyncadd.s32 $0xFFFFC000  }
0x6c: {  	[spmem:s2] =	stream.indirect.scatter.add.f32 [tilespmem:s19], [sflag:$0x4], $0x80, s8, s18, $0xb8;
	[tilespmem:$0x1C400] =	vst v63  }
0x6d: {  	_ =	swait.ge [sflag:s16], $0x4000  }
0x6e: {  	[sflag:s16] =	ssyncset.done $0x0  }
0x6f: {  	[sflag:s16] =	ssyncadd.s32 $0xFFFFC000  }
0x70: {  	_ =	swait.ge [sflag:s23], $0x4000  }
0x71: {  	[sflag:s23] =	ssyncset.done $0x0  }
0x72: {  	s9 =	smin.u32 s17, $0x9;
	[sflag:s23] =	ssyncadd.s32 $0xFFFFC000  }
0x73: {  	[spmem:s2] =	stream.indirect.scatter.add.f32 [tilespmem:s20], [sflag:$0x4], $0x80, s11, s18, $0xb8;
	[tilespmem:$0x1C400] =	vst v63  }
0x74: {  	s9 =	sadd.s32 s10, s9;
	_ =	swait.ge [sflag:s16], $0x4000  }
0x75: {  	s15 =	sshll.u32 s9, $0x7;
	[sflag:s16] =	ssyncset.done $0x0  }
0x76: {  	s9 =	simm.s32 $0x2;
	s15 =	sadd.s32 s4, s15;
	[sflag:s16] =	ssyncadd.s32 $0xFFFFC000  }
.LBB2_6:
0x77: {  	[tilespmem:s3], [sflag:$0x1] =	stream.strided.gather [hbm4b:s15+s13], $0x800, s14, s13, $0x38;
	[tilespmem:$0x1C400] =	vst v63  }
0x78: {  	s15 =	smov.u32 s9  }
0x79: {  	p1 =	sne.s32 s9, $0xA;
	s9 =	sadd.s32 $0x1, s9;
	_ =	swait.ge [sflag:s17], $0x800  }
0x7a: {  	[sflag:s17] =	ssyncset.done $0x0  }
0x7b: {  	[sflag:s17] =	ssyncadd.s32 $0xFFFFF800  }
0x7c: {  	[tilespmem:s19], [sflag:$0x2] =	stream.indirect.gather [hbm4b:s6+s18], $0x80, s3, s18, $0xb8;
	[tilespmem:$0x1C400] =	vst v63  }
0x7d: {  	_ = 	snop  }
0x7e: {  	[tilespmem:s20], [sflag:$0x3] =	stream.indirect.gather [hbm4b:s6+s18], $0x80, s18, s18, $0xb8;
	[tilespmem:$0x1C400] =	vst v63  }
0x7f: {  	_ =	swait.ge [sflag:s21], $0x4000  }
0x80: {  	[sflag:s21] =	ssyncset.done $0x0  }
0x81: {  	[sflag:s21] =	ssyncadd.s32 $0xFFFFC000  }
0x82: {  	[spmem:s2] =	stream.indirect.scatter.add.f32 [tilespmem:s19], [sflag:$0x4], $0x80, s13, s18, $0xb8;
	[tilespmem:$0x1C400] =	vst v63  }
0x83: {  	_ =	swait.ge [sflag:s16], $0x4000  }
0x84: {  	[sflag:s16] =	ssyncset.done $0x0  }
0x85: {  	[sflag:s16] =	ssyncadd.s32 $0xFFFFC000  }
0x86: {  	[tilespmem:s19], [sflag:$0x2] =	stream.indirect.gather [hbm4b:s6+s18], $0x80, s22, s18, $0xb8;
	[tilespmem:$0x1C400] =	vst v63  }
0x87: {  	_ =	swait.ge [sflag:s23], $0x4000  }
0x88: {  	[sflag:s23] =	ssyncset.done $0x0  }
0x89: {  	[sflag:s23] =	ssyncadd.s32 $0xFFFFC000  }
0x8a: {  	[spmem:s2] =	stream.indirect.scatter.add.f32 [tilespmem:s20], [sflag:$0x4], $0x80, s24, s18, $0xb8;
	[tilespmem:$0x1C400] =	vst v63  }
0x8b: {  	_ =	swait.ge [sflag:s16], $0x4000  }
0x8c: {  	[sflag:s16] =	ssyncset.done $0x0  }
0x8d: {  	[sflag:s16] =	ssyncadd.s32 $0xFFFFC000  }
0x8e: {  	[tilespmem:s20], [sflag:$0x3] =	stream.indirect.gather [hbm4b:s6+s18], $0x80, s25, s18, $0xb8;
	[tilespmem:$0x1C400] =	vst v63  }
0x8f: {  	_ =	swait.ge [sflag:s21], $0x4000  }
0x90: {  	[sflag:s21] =	ssyncset.done $0x0  }
0x91: {  	[sflag:s21] =	ssyncadd.s32 $0xFFFFC000  }
0x92: {  	[spmem:s2] =	stream.indirect.scatter.add.f32 [tilespmem:s19], [sflag:$0x4], $0x80, s26, s18, $0xb8;
	[tilespmem:$0x1C400] =	vst v63  }
0x93: {  	_ =	swait.ge [sflag:s16], $0x4000  }
0x94: {  	[sflag:s16] =	ssyncset.done $0x0  }
0x95: {  	[sflag:s16] =	ssyncadd.s32 $0xFFFFC000  }
0x96: {  	[tilespmem:s19], [sflag:$0x2] =	stream.indirect.gather [hbm4b:s6+s18], $0x80, s28, s18, $0xb8;
	[tilespmem:$0x1C400] =	vst v63  }
0x97: {  	_ =	swait.ge [sflag:s23], $0x4000  }
0x98: {  	[sflag:s23] =	ssyncset.done $0x0  }
0x99: {  	[sflag:s23] =	ssyncadd.s32 $0xFFFFC000  }
0x9a: {  	[spmem:s2] =	stream.indirect.scatter.add.f32 [tilespmem:s20], [sflag:$0x4], $0x80, s29, s18, $0xb8;
	[tilespmem:$0x1C400] =	vst v63  }
0x9b: {  	_ =	swait.ge [sflag:s16], $0x4000  }
0x9c: {  	[sflag:s16] =	ssyncset.done $0x0  }
0x9d: {  	[sflag:s16] =	ssyncadd.s32 $0xFFFFC000  }
0x9e: {  	[tilespmem:s20], [sflag:$0x3] =	stream.indirect.gather [hbm4b:s6+s18], $0x80, s30, s18, $0xb8;
	[tilespmem:$0x1C400] =	vst v63  }
0x9f: {  	_ =	swait.ge [sflag:s21], $0x4000  }
0xa0: {  	[sflag:s21] =	ssyncset.done $0x0  }
0xa1: {  	[sflag:s21] =	ssyncadd.s32 $0xFFFFC000  }
0xa2: {  	[spmem:s2] =	stream.indirect.scatter.add.f32 [tilespmem:s19], [sflag:$0x4], $0x80, s31, s18, $0xb8;
	[tilespmem:$0x1C400] =	vst v63  }
0xa3: {  	_ =	swait.ge [sflag:s16], $0x4000  }
0xa4: {  	[sflag:s16] =	ssyncset.done $0x0  }
0xa5: {  	[sflag:s16] =	ssyncadd.s32 $0xFFFFC000  }
0xa6: {  	[tilespmem:s19], [sflag:$0x2] =	stream.indirect.gather [hbm4b:s6+s18], $0x80, s0, s18, $0xb8;
	[tilespmem:$0x1C400] =	vst v63  }
0xa7: {  	_ =	swait.ge [sflag:s23], $0x4000  }
0xa8: {  	[sflag:s23] =	ssyncset.done $0x0  }
0xa9: {  	[sflag:s23] =	ssyncadd.s32 $0xFFFFC000  }
0xaa: {  	[spmem:s2] =	stream.indirect.scatter.add.f32 [tilespmem:s20], [sflag:$0x4], $0x80, s1, s18, $0xb8;
	[tilespmem:$0x1C400] =	vst v63  }
0xab: {  	_ =	swait.ge [sflag:s16], $0x4000  }
0xac: {  	[sflag:s16] =	ssyncset.done $0x0  }
0xad: {  	[sflag:s16] =	ssyncadd.s32 $0xFFFFC000  }
0xae: {  	[tilespmem:s20], [sflag:$0x3] =	stream.indirect.gather [hbm4b:s6+s18], $0x80, s7, s18, $0xb8;
	[tilespmem:$0x1C400] =	vst v63  }
0xaf: {  	_ =	swait.ge [sflag:s21], $0x4000  }
0xb0: {  	[sflag:s21] =	ssyncset.done $0x0  }
0xb1: {  	[sflag:s21] =	ssyncadd.s32 $0xFFFFC000  }
0xb2: {  	[spmem:s2] =	stream.indirect.scatter.add.f32 [tilespmem:s19], [sflag:$0x4], $0x80, s8, s18, $0xb8;
	[tilespmem:$0x1C400] =	vst v63  }
0xb3: {  	_ =	swait.ge [sflag:s16], $0x4000  }
0xb4: {  	[sflag:s16] =	ssyncset.done $0x0  }
0xb5: {  	[sflag:s16] =	ssyncadd.s32 $0xFFFFC000  }
0xb6: {  	_ =	swait.ge [sflag:s23], $0x4000  }
0xb7: {  	[sflag:s23] =	ssyncset.done $0x0  }
.Ltmp3:
0xb8: {  	s15 =	smin.u32 s15, $0x9;
	[sflag:s23] =	ssyncadd.s32 $0xFFFFC000;
	(pc) =	sbr.rel @p1 .LBB2_6-.Ltmp3, $4  }
0xb9: {  	[spmem:s2] =	stream.indirect.scatter.add.f32 [tilespmem:s20], [sflag:$0x4], $0x80, s11, s18, $0xb8;
	[tilespmem:$0x1C400] =	vst v63  }
0xba: {  	s15 =	sadd.s32 s10, s15;
	_ =	swait.ge [sflag:s16], $0x4000  }
0xbb: {  	s15 =	sshll.u32 s15, $0x7;
	[sflag:s16] =	ssyncset.done $0x0  }
0xbc: {  	s15 =	sadd.s32 s4, s15;
	[sflag:s16] =	ssyncadd.s32 $0xFFFFC000  }
.Ltmp4:
0xbd: {  	_ = 	snop;
	(pc) =	sbr.rel .LBB2_7-.Ltmp4, $1  }
0xbe: {  	_ =	sdelay $0x3  }
.LBB2_2:
0xbf: {  	_ =	swait.ge [sflag:s17], $0x800  }
0xc0: {  	[sflag:s17] =	ssyncset.done $0x0  }
0xc1: {  	[sflag:s17] =	ssyncadd.s32 $0xFFFFF800  }
0xc2: {  	[tilespmem:s19], [sflag:$0x2] =	stream.indirect.gather [hbm4b:s5+s18], $0x80, s3, s18, $0xb8;
	[tilespmem:$0x1C400] =	vst v63  }
0xc3: {  	_ = 	snop  }
0xc4: {  	[tilespmem:s20], [sflag:$0x3] =	stream.indirect.gather [hbm4b:s5+s18], $0x80, s18, s18, $0xb8;
	[tilespmem:$0x1C400] =	vst v63  }
0xc5: {  	_ =	swait.ge [sflag:s21], $0x4000  }
0xc6: {  	[sflag:s21] =	ssyncset.done $0x0  }
0xc7: {  	[sflag:s21] =	ssyncadd.s32 $0xFFFFC000  }
0xc8: {  	[spmem:s2] =	stream.indirect.scatter.add.f32 [tilespmem:s19], [sflag:$0x4], $0x80, s13, s18, $0xb8;
	[tilespmem:$0x1C400] =	vst v63  }
0xc9: {  	_ =	swait.ge [sflag:s16], $0x4000  }
0xca: {  	[sflag:s16] =	ssyncset.done $0x0  }
0xcb: {  	[sflag:s16] =	ssyncadd.s32 $0xFFFFC000  }
0xcc: {  	[tilespmem:s19], [sflag:$0x2] =	stream.indirect.gather [hbm4b:s5+s18], $0x80, s22, s18, $0xb8;
	[tilespmem:$0x1C400] =	vst v63  }
0xcd: {  	_ =	swait.ge [sflag:s23], $0x4000  }
0xce: {  	[sflag:s23] =	ssyncset.done $0x0  }
0xcf: {  	[sflag:s23] =	ssyncadd.s32 $0xFFFFC000  }
0xd0: {  	[spmem:s2] =	stream.indirect.scatter.add.f32 [tilespmem:s20], [sflag:$0x4], $0x80, s24, s18, $0xb8;
	[tilespmem:$0x1C400] =	vst v63  }
0xd1: {  	_ =	swait.ge [sflag:s16], $0x4000  }
0xd2: {  	[sflag:s16] =	ssyncset.done $0x0  }
0xd3: {  	[sflag:s16] =	ssyncadd.s32 $0xFFFFC000  }
0xd4: {  	[tilespmem:s20], [sflag:$0x3] =	stream.indirect.gather [hbm4b:s5+s18], $0x80, s25, s18, $0xb8;
	[tilespmem:$0x1C400] =	vst v63  }
0xd5: {  	_ =	swait.ge [sflag:s21], $0x4000  }
0xd6: {  	[sflag:s21] =	ssyncset.done $0x0  }
0xd7: {  	[sflag:s21] =	ssyncadd.s32 $0xFFFFC000  }
0xd8: {  	[spmem:s2] =	stream.indirect.scatter.add.f32 [tilespmem:s19], [sflag:$0x4], $0x80, s26, s18, $0xb8;
	[tilespmem:$0x1C400] =	vst v63  }
0xd9: {  	_ =	swait.ge [sflag:s16], $0x4000  }
0xda: {  	[sflag:s16] =	ssyncset.done $0x0  }
0xdb: {  	[sflag:s16] =	ssyncadd.s32 $0xFFFFC000  }
0xdc: {  	[tilespmem:s19], [sflag:$0x2] =	stream.indirect.gather [hbm4b:s5+s18], $0x80, s28, s18, $0xb8;
	[tilespmem:$0x1C400] =	vst v63  }
0xdd: {  	_ =	swait.ge [sflag:s23], $0x4000  }
0xde: {  	[sflag:s23] =	ssyncset.done $0x0  }
0xdf: {  	[sflag:s23] =	ssyncadd.s32 $0xFFFFC000  }
0xe0: {  	[spmem:s2] =	stream.indirect.scatter.add.f32 [tilespmem:s20], [sflag:$0x4], $0x80, s29, s18, $0xb8;
	[tilespmem:$0x1C400] =	vst v63  }
0xe1: {  	_ =	swait.ge [sflag:s16], $0x4000  }
0xe2: {  	[sflag:s16] =	ssyncset.done $0x0  }
0xe3: {  	[sflag:s16] =	ssyncadd.s32 $0xFFFFC000  }
0xe4: {  	[tilespmem:s20], [sflag:$0x3] =	stream.indirect.gather [hbm4b:s5+s18], $0x80, s30, s18, $0xb8;
	[tilespmem:$0x1C400] =	vst v63  }
0xe5: {  	_ =	swait.ge [sflag:s21], $0x4000  }
0xe6: {  	[sflag:s21] =	ssyncset.done $0x0  }
0xe7: {  	[sflag:s21] =	ssyncadd.s32 $0xFFFFC000  }
0xe8: {  	[spmem:s2] =	stream.indirect.scatter.add.f32 [tilespmem:s19], [sflag:$0x4], $0x80, s31, s18, $0xb8;
	[tilespmem:$0x1C400] =	vst v63  }
0xe9: {  	_ =	swait.ge [sflag:s16], $0x4000  }
0xea: {  	[sflag:s16] =	ssyncset.done $0x0  }
0xeb: {  	[sflag:s16] =	ssyncadd.s32 $0xFFFFC000  }
0xec: {  	[tilespmem:s19], [sflag:$0x2] =	stream.indirect.gather [hbm4b:s5+s18], $0x80, s0, s18, $0xb8;
	[tilespmem:$0x1C400] =	vst v63  }
0xed: {  	_ =	swait.ge [sflag:s23], $0x4000  }
0xee: {  	[sflag:s23] =	ssyncset.done $0x0  }
0xef: {  	[sflag:s23] =	ssyncadd.s32 $0xFFFFC000  }
0xf0: {  	[spmem:s2] =	stream.indirect.scatter.add.f32 [tilespmem:s20], [sflag:$0x4], $0x80, s1, s18, $0xb8;
	[tilespmem:$0x1C400] =	vst v63  }
0xf1: {  	_ =	swait.ge [sflag:s16], $0x4000  }
0xf2: {  	[sflag:s16] =	ssyncset.done $0x0  }
0xf3: {  	[sflag:s16] =	ssyncadd.s32 $0xFFFFC000  }
0xf4: {  	[tilespmem:s20], [sflag:$0x3] =	stream.indirect.gather [hbm4b:s5+s18], $0x80, s7, s18, $0xb8;
	[tilespmem:$0x1C400] =	vst v63  }
0xf5: {  	_ =	swait.ge [sflag:s21], $0x4000  }
0xf6: {  	[sflag:s21] =	ssyncset.done $0x0  }
0xf7: {  	[sflag:s21] =	ssyncadd.s32 $0xFFFFC000  }
0xf8: {  	[spmem:s2] =	stream.indirect.scatter.add.f32 [tilespmem:s19], [sflag:$0x4], $0x80, s8, s18, $0xb8;
	[tilespmem:$0x1C400] =	vst v63  }
0xf9: {  	_ =	swait.ge [sflag:s16], $0x4000  }
0xfa: {  	[sflag:s16] =	ssyncset.done $0x0  }
0xfb: {  	[sflag:s16] =	ssyncadd.s32 $0xFFFFC000  }
0xfc: {  	_ =	swait.ge [sflag:s23], $0x4000  }
0xfd: {  	[sflag:s23] =	ssyncset.done $0x0  }
0xfe: {  	s9 =	smin.u32 s17, $0x9;
	[sflag:s23] =	ssyncadd.s32 $0xFFFFC000  }
0xff: {  	[spmem:s2] =	stream.indirect.scatter.add.f32 [tilespmem:s20], [sflag:$0x4], $0x80, s11, s18, $0xb8;
	[tilespmem:$0x1C400] =	vst v63  }
0x100: {  	s9 =	sadd.s32 s10, s9;
	_ =	swait.ge [sflag:s16], $0x4000  }
0x101: {  	s15 =	sshll.u32 s9, $0x7;
	[sflag:s16] =	ssyncset.done $0x0  }
0x102: {  	s9 =	simm.s32 $0x2;
	s15 =	sadd.s32 s4, s15;
	[sflag:s16] =	ssyncadd.s32 $0xFFFFC000  }
.LBB2_3:
0x103: {  	[tilespmem:s3], [sflag:$0x1] =	stream.strided.gather [hbm4b:s15+s13], $0x800, s14, s13, $0x38;
	[tilespmem:$0x1C400] =	vst v63  }
0x104: {  	s15 =	smov.u32 s9  }
0x105: {  	p1 =	seq.s32 s9, $0xA;
	s9 =	sadd.s32 $0x1, s9;
	_ =	swait.ge [sflag:s17], $0x800  }
0x106: {  	[sflag:s17] =	ssyncset.done $0x0  }
0x107: {  	[sflag:s17] =	ssyncadd.s32 $0xFFFFF800  }
0x108: {  	[tilespmem:s19], [sflag:$0x2] =	stream.indirect.gather [hbm4b:s5+s18], $0x80, s3, s18, $0xb8;
	[tilespmem:$0x1C400] =	vst v63  }
0x109: {  	_ = 	snop  }
0x10a: {  	[tilespmem:s20], [sflag:$0x3] =	stream.indirect.gather [hbm4b:s5+s18], $0x80, s18, s18, $0xb8;
	[tilespmem:$0x1C400] =	vst v63  }
0x10b: {  	_ =	swait.ge [sflag:s21], $0x4000  }
0x10c: {  	[sflag:s21] =	ssyncset.done $0x0  }
0x10d: {  	[sflag:s21] =	ssyncadd.s32 $0xFFFFC000  }
0x10e: {  	[spmem:s2] =	stream.indirect.scatter.add.f32 [tilespmem:s19], [sflag:$0x4], $0x80, s13, s18, $0xb8;
	[tilespmem:$0x1C400] =	vst v63  }
0x10f: {  	_ =	swait.ge [sflag:s16], $0x4000  }
0x110: {  	[sflag:s16] =	ssyncset.done $0x0  }
0x111: {  	[sflag:s16] =	ssyncadd.s32 $0xFFFFC000  }
0x112: {  	[tilespmem:s19], [sflag:$0x2] =	stream.indirect.gather [hbm4b:s5+s18], $0x80, s22, s18, $0xb8;
	[tilespmem:$0x1C400] =	vst v63  }
0x113: {  	_ =	swait.ge [sflag:s23], $0x4000  }
0x114: {  	[sflag:s23] =	ssyncset.done $0x0  }
0x115: {  	[sflag:s23] =	ssyncadd.s32 $0xFFFFC000  }
0x116: {  	[spmem:s2] =	stream.indirect.scatter.add.f32 [tilespmem:s20], [sflag:$0x4], $0x80, s24, s18, $0xb8;
	[tilespmem:$0x1C400] =	vst v63  }
0x117: {  	_ =	swait.ge [sflag:s16], $0x4000  }
0x118: {  	[sflag:s16] =	ssyncset.done $0x0  }
0x119: {  	[sflag:s16] =	ssyncadd.s32 $0xFFFFC000  }
0x11a: {  	[tilespmem:s20], [sflag:$0x3] =	stream.indirect.gather [hbm4b:s5+s18], $0x80, s25, s18, $0xb8;
	[tilespmem:$0x1C400] =	vst v63  }
0x11b: {  	_ =	swait.ge [sflag:s21], $0x4000  }
0x11c: {  	[sflag:s21] =	ssyncset.done $0x0  }
0x11d: {  	[sflag:s21] =	ssyncadd.s32 $0xFFFFC000  }
0x11e: {  	[spmem:s2] =	stream.indirect.scatter.add.f32 [tilespmem:s19], [sflag:$0x4], $0x80, s26, s18, $0xb8;
	[tilespmem:$0x1C400] =	vst v63  }
0x11f: {  	_ =	swait.ge [sflag:s16], $0x4000  }
0x120: {  	[sflag:s16] =	ssyncset.done $0x0  }
0x121: {  	[sflag:s16] =	ssyncadd.s32 $0xFFFFC000  }
0x122: {  	[tilespmem:s19], [sflag:$0x2] =	stream.indirect.gather [hbm4b:s5+s18], $0x80, s28, s18, $0xb8;
	[tilespmem:$0x1C400] =	vst v63  }
0x123: {  	_ =	swait.ge [sflag:s23], $0x4000  }
0x124: {  	[sflag:s23] =	ssyncset.done $0x0  }
0x125: {  	[sflag:s23] =	ssyncadd.s32 $0xFFFFC000  }
0x126: {  	[spmem:s2] =	stream.indirect.scatter.add.f32 [tilespmem:s20], [sflag:$0x4], $0x80, s29, s18, $0xb8;
	[tilespmem:$0x1C400] =	vst v63  }
0x127: {  	_ =	swait.ge [sflag:s16], $0x4000  }
0x128: {  	[sflag:s16] =	ssyncset.done $0x0  }
0x129: {  	[sflag:s16] =	ssyncadd.s32 $0xFFFFC000  }
0x12a: {  	[tilespmem:s20], [sflag:$0x3] =	stream.indirect.gather [hbm4b:s5+s18], $0x80, s30, s18, $0xb8;
	[tilespmem:$0x1C400] =	vst v63  }
0x12b: {  	_ =	swait.ge [sflag:s21], $0x4000  }
0x12c: {  	[sflag:s21] =	ssyncset.done $0x0  }
0x12d: {  	[sflag:s21] =	ssyncadd.s32 $0xFFFFC000  }
0x12e: {  	[spmem:s2] =	stream.indirect.scatter.add.f32 [tilespmem:s19], [sflag:$0x4], $0x80, s31, s18, $0xb8;
	[tilespmem:$0x1C400] =	vst v63  }
0x12f: {  	_ =	swait.ge [sflag:s16], $0x4000  }
0x130: {  	[sflag:s16] =	ssyncset.done $0x0  }
0x131: {  	[sflag:s16] =	ssyncadd.s32 $0xFFFFC000  }
0x132: {  	[tilespmem:s19], [sflag:$0x2] =	stream.indirect.gather [hbm4b:s5+s18], $0x80, s0, s18, $0xb8;
	[tilespmem:$0x1C400] =	vst v63  }
0x133: {  	_ =	swait.ge [sflag:s23], $0x4000  }
0x134: {  	[sflag:s23] =	ssyncset.done $0x0  }
0x135: {  	[sflag:s23] =	ssyncadd.s32 $0xFFFFC000  }
0x136: {  	[spmem:s2] =	stream.indirect.scatter.add.f32 [tilespmem:s20], [sflag:$0x4], $0x80, s1, s18, $0xb8;
	[tilespmem:$0x1C400] =	vst v63  }
0x137: {  	_ =	swait.ge [sflag:s16], $0x4000  }
0x138: {  	[sflag:s16] =	ssyncset.done $0x0  }
0x139: {  	[sflag:s16] =	ssyncadd.s32 $0xFFFFC000  }
0x13a: {  	[tilespmem:s20], [sflag:$0x3] =	stream.indirect.gather [hbm4b:s5+s18], $0x80, s7, s18, $0xb8;
	[tilespmem:$0x1C400] =	vst v63  }
0x13b: {  	_ =	swait.ge [sflag:s21], $0x4000  }
0x13c: {  	[sflag:s21] =	ssyncset.done $0x0  }
0x13d: {  	[sflag:s21] =	ssyncadd.s32 $0xFFFFC000  }
0x13e: {  	[spmem:s2] =	stream.indirect.scatter.add.f32 [tilespmem:s19], [sflag:$0x4], $0x80, s8, s18, $0xb8;
	[tilespmem:$0x1C400] =	vst v63  }
0x13f: {  	_ =	swait.ge [sflag:s16], $0x4000  }
0x140: {  	[sflag:s16] =	ssyncset.done $0x0  }
0x141: {  	[sflag:s16] =	ssyncadd.s32 $0xFFFFC000  }
0x142: {  	_ =	swait.ge [sflag:s23], $0x4000  }
0x143: {  	[sflag:s23] =	ssyncset.done $0x0  }
.Ltmp5:
0x144: {  	s15 =	smin.u32 s15, $0x9;
	[sflag:s23] =	ssyncadd.s32 $0xFFFFC000;
	(pc) =	sbr.rel @!p1 .LBB2_3-.Ltmp5, $4  }
0x145: {  	[spmem:s2] =	stream.indirect.scatter.add.f32 [tilespmem:s20], [sflag:$0x4], $0x80, s11, s18, $0xb8;
	[tilespmem:$0x1C400] =	vst v63  }
0x146: {  	s15 =	sadd.s32 s10, s15;
	_ =	swait.ge [sflag:s16], $0x4000  }
0x147: {  	s15 =	sshll.u32 s15, $0x7;
	[sflag:s16] =	ssyncset.done $0x0  }
0x148: {  	s15 =	sadd.s32 s4, s15;
	[sflag:s16] =	ssyncadd.s32 $0xFFFFC000  }
.Ltmp6:
0x149: {  	(pc) =	sbr.rel .LBB2_8-.Ltmp6, $2  }
0x14a: {  	_ =	sdelay $0x2  }
0x14b: {  	[tilespmem:s3], [sflag:$0x1] =	stream.strided.gather [hbm4b:s15+s13], $0x800, s14, s13, $0x38;
	[tilespmem:$0x1C400] =	vst v63  }
.LBB2_9:
0x14c: {  	_ =	sfence.sel $0x180000  }
0x14d: {  	[bflag:$0x0] =	sbarrier.arrive $0xFFFF  }
0x14e: {  	_ =	strace $0x90000053  }
0x14f: {  	s0 =	stileid.u32;
	[bflag:$0x2] =	sbarrier.arrive $0xFFFF  }
0x150: {  	p0 =	sne.s32 s0, $0x0;
	s0 =	rddreg [dreg:$0x2]  }
0x151: {  	s0 =	sadd.s32 @!p0 $0x100000, s0  }
0x152: {  	[sflag:s0] =	ssyncadd.tile.s32 @!p0 $0x1;
	_ =	shalt  }
.Lfunc_end2:
_tile_overlayer_lowered:
.L_overlay_start_2:
0x153: {  	(tag) =	ssettag $0x2  }
0x154: {  	s0 =	rddreg [dreg:$0x0];
	s2 =	stileid.u32  }
0x155: {  	s1 =	rddreg [dreg:$0x1];
	p0 =	sne.s32 s2, $0x0  }
0x156: {  	s3 =	rddreg [dreg:$0x2];
	[bflag:$0x3] =	sbarrier.arrive $0xFFFF;
	s2 =	simm.s32 @!p0 $0x1C04  }
0x157: {  	[timem:s3], [sflag:s2] =	dma.local @!p0 [hbm:s0], s1  }
0x158: {  	s0 =	simm.s32 @!p0 $0x4  }
0x159: {  	_ =	swait.ge @!p0 [sflag:s0], s1  }
0x15a: {  	s1 =	ssub.s32 @!p0 $0x0, s1;
	[sflag:s0] =	ssyncset.done @!p0 $0x0  }
0x15b: {  	[sflag:s0] =	ssyncadd.s32 @!p0 s1  }
0x15c: {  	[bflag:$0x3] =	sbarrier.arrive $0xFFFF  }
0x15d: {  	_ =	shalt  }

</sc_bundles>
